<compile_context>
chip_gen: v7x
topology: tpu7x:2x2x1
jax: 0.10.2.dev20260603
libtpu: 0.0.44.dev20260713+nightly
codegen_flags: <defaults>
</compile_context>

<pallas_src>
import functools

import jax
import jax.numpy as jnp
from jax import lax
from jax.experimental import pallas as pl
from jax.experimental.pallas import tpu as pltpu
from jax.experimental.pallas import tpu_sc as plsc

N = 10000
D = 128
DE = 16
NC, NS = 2, 16
NW = NC * NS
CH = 128
RPW = 640
R = NS * RPW
LANES = 16


def _lin_body(x_ref, w_ref, b_ref, o_ref):
    o_ref[...] = (
        jnp.dot(x_ref[...], w_ref[...], preferred_element_type=jnp.float32)
        + b_ref[...]
    )


def _node_linear(x, w, b):
    blk = 2000
    return pl.pallas_call(
        _lin_body,
        grid=(N // blk,),
        in_specs=[
            pl.BlockSpec((blk, D), lambda i: (i, 0)),
            pl.BlockSpec((D, D), lambda i: (0, 0)),
            pl.BlockSpec((D,), lambda i: (0,)),
        ],
        out_specs=pl.BlockSpec((blk, D), lambda i: (i, 0)),
        out_shape=jax.ShapeDtypeStruct((N, D), jnp.float32),
    )(x, w, b)


CH2 = 2048


def _sc_fused_body(xl_hbm, src_hbm, eat_hbm, dst_hbm, z_big,
                   agg_hbm, sat_hbm,
                   src0, src1, dst_v, rows0, rows1, dstc_v, valc_v, acc2_v,
                   sem0, sem1, acc, n0, n1):
    c = lax.axis_index("c")
    s = lax.axis_index("s")
    row0 = s * RPW
    n_sub = RPW // CH
    nc = jnp.where(c == 0, n0, n1)
    eb = c * (16 * n0) * CH

    pltpu.sync_copy(z_big, rows0)
    for r in range(n_sub):
        pltpu.sync_copy(rows0, acc.at[pl.ds(row0 + r * CH, CH)])

    def zero(i, carry):
        acc2_v[pl.ds(i * LANES, LANES)] = jnp.zeros((LANES,), jnp.float32)
        return carry

    lax.fori_loop(0, R // LANES, zero, 0)
    plsc.subcore_barrier()

    base = eb + s * nc * CH
    ibufs = (src0, src1)
    bufs = (rows0, rows1)
    sems = (sem0, sem1)

    def gather(j, ibuf, buf, sem):
        pltpu.sync_copy(src_hbm.at[pl.ds(base + j * CH, CH)], ibuf)
        pltpu.async_copy(xl_hbm.at[ibuf], buf, sem)

    def ea_step(j, carry):
        off = eb + j * CH2
        pltpu.sync_copy(dst_hbm.at[pl.ds(off, CH2)], dstc_v)
        pltpu.sync_copy(eat_hbm.at[s, pl.ds(off, CH2)], valc_v)
        for i in range(CH2 // LANES):
            idx = dstc_v[pl.ds(i * LANES, LANES)]
            val = valc_v[pl.ds(i * LANES, LANES)]
            plsc.addupdate_scatter(acc2_v, [idx], val)
        return carry

    gather(0, src0, rows0, sem0)

    def outer(g, carry):
        for b in range(2):
            j = g * 2 + b

            @pl.when(j + 1 < nc)
            def _():
                gather(j + 1, ibufs[1 - b], bufs[1 - b], sems[1 - b])

            ea_step(j, 0)
            pltpu.make_async_copy(xl_hbm.at[ibufs[b]], bufs[b], sems[b]).wait()
            pltpu.sync_copy(dst_hbm.at[pl.ds(base + j * CH, CH)], dst_v)
            pltpu.sync_copy(bufs[b], acc.at[dst_v], add=True)
        return carry

    lax.fori_loop(0, nc // 2, outer, 0)
    plsc.subcore_barrier()

    out0 = c * R + row0
    for r in range(n_sub):
        pltpu.sync_copy(acc.at[pl.ds(row0 + r * CH, CH)], rows0)
        pltpu.sync_copy(rows0, agg_hbm.at[pl.ds(out0 + r * CH, CH)])
    pltpu.sync_copy(acc2_v, sat_hbm.at[pl.ds((c * DE + s) * R, R)])


def _sc_fused(xl, src_p, dst_p, ea_t, n0, n1):
    mesh = plsc.VectorSubcoreMesh(core_axis_name="c", subcore_axis_name="s")
    kfn = functools.partial(
        pl.kernel,
        out_type=[
            jax.ShapeDtypeStruct((NC * R, D), jnp.float32),
            jax.ShapeDtypeStruct((NC * DE * R,), jnp.float32),
        ],
        mesh=mesh,
        compiler_params=pltpu.CompilerParams(needs_layout_passes=False),
        scratch_types=[
            pltpu.VMEM((CH,), jnp.int32),
            pltpu.VMEM((CH,), jnp.int32),
            pltpu.VMEM((CH,), jnp.int32),
            pltpu.VMEM((CH, D), jnp.float32),
            pltpu.VMEM((CH, D), jnp.float32),
            pltpu.VMEM((CH2,), jnp.int32),
            pltpu.VMEM((CH2,), jnp.float32),
            pltpu.VMEM((R,), jnp.float32),
            pltpu.SemaphoreType.DMA,
            pltpu.SemaphoreType.DMA,
            pltpu.VMEM_SHARED((R, D), jnp.float32),
        ],
    )(functools.partial(_sc_fused_body, n0=n0, n1=n1))
    return kfn(xl, src_p, ea_t, dst_p, jnp.zeros((CH, D), jnp.float32))


def _comb_body(p_ref, t_ref, xl_ref, w_ref, o_ref):
    svec = t_ref[0] + t_ref[1]
    o_ref[...] = (
        p_ref[0]
        + p_ref[1]
        + xl_ref[...]
        + jnp.dot(svec, w_ref[...], preferred_element_type=jnp.float32)
        + jnp.sum(w_ref[...], axis=0)[None, :]
    )


def _combine(agg, sat, xl, w_ext):
    blk = 2000
    return pl.pallas_call(
        _comb_body,
        grid=(N // blk,),
        in_specs=[
            pl.BlockSpec((NC, blk, D), lambda i: (0, i, 0)),
            pl.BlockSpec((NC, blk, DE), lambda i: (0, i, 0)),
            pl.BlockSpec((blk, D), lambda i: (i, 0)),
            pl.BlockSpec((DE, D), lambda i: (0, 0)),
        ],
        out_specs=pl.BlockSpec((blk, D), lambda i: (i, 0)),
        out_shape=jax.ShapeDtypeStruct((N, D), jnp.float32),
    )(agg, sat, xl, w_ext)


def kernel(x, edge_index, edge_attr, W_lin, b_lin, W_edge, b_edge):
    E = edge_index.shape[1]
    n_chunks = -(-E // (NW * CH))
    n_chunks += n_chunks % 2
    EP = NW * CH * n_chunks
    tot16 = EP // (CH * 16)
    n1 = max(2, (int(tot16 * 0.375) // 2) * 2)
    n0 = tot16 - n1
    src = edge_index[0].astype(jnp.int32)
    dst = edge_index[1].astype(jnp.int32)
    pad = EP - E
    src_p = jnp.concatenate([src, jnp.zeros((pad,), jnp.int32)])
    dst_p = jnp.concatenate([dst, jnp.full((pad,), N, jnp.int32)])
    ea_ext = jnp.concatenate(
        [edge_attr,
         jnp.ones((E, 1), jnp.float32),
         jnp.zeros((E, DE - edge_attr.shape[1] - 1), jnp.float32)], axis=1)
    ea_t = jnp.concatenate(
        [ea_ext, jnp.zeros((pad, DE), jnp.float32)], axis=0).T
    w_ext = jnp.concatenate(
        [W_edge, b_edge[None, :],
         jnp.zeros((DE - W_edge.shape[0] - 1, D), jnp.float32)], axis=0)

    xl = _node_linear(x, W_lin, b_lin)
    agg, sat = _sc_fused(xl, src_p, dst_p, ea_t, n0, n1)
    agg = agg.reshape(NC, R, D)[:, :N, :]
    sat = sat.reshape(NC, DE, R)[:, :, :N].transpose(0, 2, 1)
    return _combine(agg, sat, xl, w_ext)

# --- scband reference (transcript-rebuilt; emitter-appended) ---
"""Pipeline reference for scband-cypmap-gnn-35931696398592 (READ-ONLY COPY).

The authoritative reference and input builder live on the scoring server;
editing this copy changes nothing except your own understanding.
"""

import jax, jax.numpy as jnp
import numpy as np

N_NODES = 10000
N_EDGES = 320000
D_FEAT = 128
D_OUT = 128
D_EDGE = 13

def setup_inputs(seed: int = 0) -> dict:
    key = jax.random.key(seed)
    k_x = jax.random.fold_in(key, 0)
    k_ei = jax.random.fold_in(key, 1)
    k_ea = jax.random.fold_in(key, 2)
    k_wl = jax.random.fold_in(key, 3)
    k_bl = jax.random.fold_in(key, 4)
    k_we = jax.random.fold_in(key, 5)
    k_be = jax.random.fold_in(key, 6)
    x = jax.random.normal(k_x, (N_NODES, D_FEAT), dtype=jnp.float32)
    edge_index = jax.random.randint(k_ei, (2, N_EDGES), 0, N_NODES, dtype=jnp.int64)
    edge_attr = jax.random.normal(k_ea, (N_EDGES, D_EDGE), dtype=jnp.float32)
    # learned params (torch.nn.Linear style): y = x @ W.T + b; store W as (in, out) for jnp
    s_lin = 1.0 / np.sqrt(D_FEAT)
    W_lin = jax.random.uniform(k_wl, (D_FEAT, D_OUT), minval=-s_lin, maxval=s_lin, dtype=jnp.float32)
    b_lin = jax.random.uniform(k_bl, (D_OUT,), minval=-s_lin, maxval=s_lin, dtype=jnp.float32)
    s_e = 1.0 / np.sqrt(D_EDGE)
    W_edge = jax.random.uniform(k_we, (D_EDGE, D_OUT), minval=-s_e, maxval=s_e, dtype=jnp.float32)
    b_edge = jax.random.uniform(k_be, (D_OUT,), minval=-s_e, maxval=s_e, dtype=jnp.float32)
    return {"x": x, "edge_index": edge_index, "edge_attr": edge_attr,
            "W_lin": W_lin, "b_lin": b_lin, "W_edge": W_edge, "b_edge": b_edge}

def reference(x, edge_index, edge_attr, W_lin, b_lin, W_edge, b_edge):
    N = x.shape[0]
    # add_self_loops: append (i, i) edges; PyG fills self-loop edge_attr with 1.0
    loop = jnp.arange(N, dtype=edge_index.dtype)
    ei = jnp.concatenate([edge_index, jnp.stack([loop, loop], axis=0)], axis=1)
    ea = jnp.concatenate([edge_attr, jnp.ones((N, edge_attr.shape[1]), dtype=edge_attr.dtype)], axis=0)
    # x = self.lin(x)
    xl = x @ W_lin + b_lin
    # message: x_j + edge_lin(edge_attr); x_j gathered from source nodes (ei[0])
    msg = jnp.take(xl, ei[0], axis=0) + (ea @ W_edge + b_edge)
    # aggr='add' scatter-add into destination nodes (ei[1])
    out = jax.ops.segment_sum(msg, ei[1], num_segments=N)
    return out

if __name__ == "__main__":
    import jax
    _d = setup_inputs()
    print(jax.jit(kernel)(*tuple(_d.values())))

</pallas_src>

<mosaic_0001>
#map = affine_map<(d0, d1) -> (0, 0)>
#map1 = affine_map<(d0, d1) -> (0)>
module attributes {stable_mosaic.version = 14 : i64} {
  func.func @_sc_fused_body(%arg0: i32, %arg1: i32, %arg2: memref<10000x128xf32, #tpu.memory_space<hbm>>, %arg3: memref<327680xi32, #tpu.memory_space<hbm>>, %arg4: memref<16x327680xf32, #tpu.memory_space<hbm>>, %arg5: memref<327680xi32, #tpu.memory_space<hbm>>, %arg6: memref<128x128xf32, #tpu.memory_space<hbm>>, %arg7: memref<20480x128xf32, #tpu.memory_space<hbm>>, %arg8: memref<327680xf32, #tpu.memory_space<hbm>>, %arg9: memref<128xi32, #tpu.memory_space<vmem>>, %arg10: memref<128xi32, #tpu.memory_space<vmem>>, %arg11: memref<128xi32, #tpu.memory_space<vmem>>, %arg12: memref<128x128xf32, #tpu.memory_space<vmem>>, %arg13: memref<128x128xf32, #tpu.memory_space<vmem>>, %arg14: memref<2048xi32, #tpu.memory_space<vmem>>, %arg15: memref<2048xf32, #tpu.memory_space<vmem>>, %arg16: memref<10240xf32, #tpu.memory_space<vmem>>, %arg17: memref<!tpu.dma_semaphore, #tpu.memory_space<semaphore_mem>>, %arg18: memref<!tpu.dma_semaphore, #tpu.memory_space<semaphore_mem>>, %arg19: memref<10240x128xf32, #tpu.memory_space<vmem_shared>>) attributes {dimension_semantics = [#tpu.dimension_semantics<core_parallel>, #tpu.dimension_semantics<subcore_parallel>], iteration_bounds = array<i64: 2, 16>, scalar_prefetch = 0 : i64, scratch_operands = 11 : i64, tpu.core_type = #tpu.core_type<sc_vector_subcore>, window_params = [{transform_indices = #map}, {transform_indices = #map1}, {transform_indices = #map}, {transform_indices = #map1}, {transform_indices = #map}, {transform_indices = #map}, {transform_indices = #map1}]} {
    %mul3A = arith.constant 640 : i32
    %mul3A_0 = arith.muli %arg1, %mul3A : i32
    %eq3A = arith.constant 0 : i32
    %eq3A_1 = arith.cmpi eq, %arg0, %eq3A : i32
    %jit3A = arith.constant 100 : i32
    %jit3A_2 = arith.constant 60 : i32
    %select_n3A = arith.select %eq3A_1, %jit3A, %jit3A_2 : i32
    %mul3A_3 = arith.constant 1600 : i32
    %mul3A_4 = arith.muli %arg0, %mul3A_3 : i32
    %mul3A_5 = arith.constant 128 : i32
    %mul3A_6 = arith.muli %mul3A_4, %mul3A_5 : i32
    "tpu.region"() ({
      %run_scoped3A = tpu.sem_alloc : memref<!tpu.dma_semaphore, #tpu.memory_space<semaphore_mem>>
      tpu.enqueue_dma source(%arg6 : memref<128x128xf32, #tpu.memory_space<hbm>>) target(%arg12 : memref<128x128xf32, #tpu.memory_space<vmem>>) target_semaphore(%run_scoped3A : memref<!tpu.dma_semaphore, #tpu.memory_space<semaphore_mem>>)
      tpu.wait_dma2 semaphore(%run_scoped3A : memref<!tpu.dma_semaphore, #tpu.memory_space<semaphore_mem>>) src(%arg6 : memref<128x128xf32, #tpu.memory_space<hbm>>) dst(%arg12 : memref<128x128xf32, #tpu.memory_space<vmem>>)
      tpu.yield
    }) : () -> ()
    %add3A = arith.constant 0 : i32
    %add3A_7 = arith.addi %mul3A_0, %add3A : i32
    "tpu.region"() ({
      %run_scoped3A = tpu.sem_alloc : memref<!tpu.dma_semaphore, #tpu.memory_space<semaphore_mem>>
      %dma_start3A_85 = arith.constant 0 : i32
      %dma_start3A_86 = tpu.memref_slice %arg19[%add3A_7, %dma_start3A_85] : memref<10240x128xf32, #tpu.memory_space<vmem_shared>> -> memref<128x128xf32, #tpu.memory_space<vmem_shared>>
      %dma_start3A_87 = arith.constant 0 : i32
      %dma_start3A_88 = tpu.memref_slice %arg19[%add3A_7, %dma_start3A_87] : memref<10240x128xf32, #tpu.memory_space<vmem_shared>> -> memref<128x128xf32, #tpu.memory_space<vmem_shared>>
      tpu.enqueue_dma source(%arg12 : memref<128x128xf32, #tpu.memory_space<vmem>>) target(%dma_start3A_88 : memref<128x128xf32, #tpu.memory_space<vmem_shared>>) target_semaphore(%run_scoped3A : memref<!tpu.dma_semaphore, #tpu.memory_space<semaphore_mem>>)
      %dma_wait3A = arith.constant 0 : i32
      %dma_wait3A_89 = tpu.memref_slice %arg19[%add3A_7, %dma_wait3A] : memref<10240x128xf32, #tpu.memory_space<vmem_shared>> -> memref<128x128xf32, #tpu.memory_space<vmem_shared>>
      %dma_wait3A_90 = arith.constant 0 : i32
      %dma_wait3A_91 = tpu.memref_slice %arg19[%add3A_7, %dma_wait3A_90] : memref<10240x128xf32, #tpu.memory_space<vmem_shared>> -> memref<128x128xf32, #tpu.memory_space<vmem_shared>>
      tpu.wait_dma2 semaphore(%run_scoped3A : memref<!tpu.dma_semaphore, #tpu.memory_space<semaphore_mem>>) src(%arg12 : memref<128x128xf32, #tpu.memory_space<vmem>>) dst(%dma_wait3A_91 : memref<128x128xf32, #tpu.memory_space<vmem_shared>>)
      tpu.yield
    }) : () -> ()
    %add3A_8 = arith.constant 128 : i32
    %add3A_9 = arith.addi %mul3A_0, %add3A_8 : i32
    "tpu.region"() ({
      %run_scoped3A = tpu.sem_alloc : memref<!tpu.dma_semaphore, #tpu.memory_space<semaphore_mem>>
      %dma_start3A_85 = arith.constant 0 : i32
      %dma_start3A_86 = tpu.memref_slice %arg19[%add3A_9, %dma_start3A_85] : memref<10240x128xf32, #tpu.memory_space<vmem_shared>> -> memref<128x128xf32, #tpu.memory_space<vmem_shared>>
      %dma_start3A_87 = arith.constant 0 : i32
      %dma_start3A_88 = tpu.memref_slice %arg19[%add3A_9, %dma_start3A_87] : memref<10240x128xf32, #tpu.memory_space<vmem_shared>> -> memref<128x128xf32, #tpu.memory_space<vmem_shared>>
      tpu.enqueue_dma source(%arg12 : memref<128x128xf32, #tpu.memory_space<vmem>>) target(%dma_start3A_88 : memref<128x128xf32, #tpu.memory_space<vmem_shared>>) target_semaphore(%run_scoped3A : memref<!tpu.dma_semaphore, #tpu.memory_space<semaphore_mem>>)
      %dma_wait3A = arith.constant 0 : i32
      %dma_wait3A_89 = tpu.memref_slice %arg19[%add3A_9, %dma_wait3A] : memref<10240x128xf32, #tpu.memory_space<vmem_shared>> -> memref<128x128xf32, #tpu.memory_space<vmem_shared>>
      %dma_wait3A_90 = arith.constant 0 : i32
      %dma_wait3A_91 = tpu.memref_slice %arg19[%add3A_9, %dma_wait3A_90] : memref<10240x128xf32, #tpu.memory_space<vmem_shared>> -> memref<128x128xf32, #tpu.memory_space<vmem_shared>>
      tpu.wait_dma2 semaphore(%run_scoped3A : memref<!tpu.dma_semaphore, #tpu.memory_space<semaphore_mem>>) src(%arg12 : memref<128x128xf32, #tpu.memory_space<vmem>>) dst(%dma_wait3A_91 : memref<128x128xf32, #tpu.memory_space<vmem_shared>>)
      tpu.yield
    }) : () -> ()
    %add3A_10 = arith.constant 256 : i32
    %add3A_11 = arith.addi %mul3A_0, %add3A_10 : i32
    "tpu.region"() ({
      %run_scoped3A = tpu.sem_alloc : memref<!tpu.dma_semaphore, #tpu.memory_space<semaphore_mem>>
      %dma_start3A_85 = arith.constant 0 : i32
      %dma_start3A_86 = tpu.memref_slice %arg19[%add3A_11, %dma_start3A_85] : memref<10240x128xf32, #tpu.memory_space<vmem_shared>> -> memref<128x128xf32, #tpu.memory_space<vmem_shared>>
      %dma_start3A_87 = arith.constant 0 : i32
      %dma_start3A_88 = tpu.memref_slice %arg19[%add3A_11, %dma_start3A_87] : memref<10240x128xf32, #tpu.memory_space<vmem_shared>> -> memref<128x128xf32, #tpu.memory_space<vmem_shared>>
      tpu.enqueue_dma source(%arg12 : memref<128x128xf32, #tpu.memory_space<vmem>>) target(%dma_start3A_88 : memref<128x128xf32, #tpu.memory_space<vmem_shared>>) target_semaphore(%run_scoped3A : memref<!tpu.dma_semaphore, #tpu.memory_space<semaphore_mem>>)
      %dma_wait3A = arith.constant 0 : i32
      %dma_wait3A_89 = tpu.memref_slice %arg19[%add3A_11, %dma_wait3A] : memref<10240x128xf32, #tpu.memory_space<vmem_shared>> -> memref<128x128xf32, #tpu.memory_space<vmem_shared>>
      %dma_wait3A_90 = arith.constant 0 : i32
      %dma_wait3A_91 = tpu.memref_slice %arg19[%add3A_11, %dma_wait3A_90] : memref<10240x128xf32, #tpu.memory_space<vmem_shared>> -> memref<128x128xf32, #tpu.memory_space<vmem_shared>>
      tpu.wait_dma2 semaphore(%run_scoped3A : memref<!tpu.dma_semaphore, #tpu.memory_space<semaphore_mem>>) src(%arg12 : memref<128x128xf32, #tpu.memory_space<vmem>>) dst(%dma_wait3A_91 : memref<128x128xf32, #tpu.memory_space<vmem_shared>>)
      tpu.yield
    }) : () -> ()
    %add3A_12 = arith.constant 384 : i32
    %add3A_13 = arith.addi %mul3A_0, %add3A_12 : i32
    "tpu.region"() ({
      %run_scoped3A = tpu.sem_alloc : memref<!tpu.dma_semaphore, #tpu.memory_space<semaphore_mem>>
      %dma_start3A_85 = arith.constant 0 : i32
      %dma_start3A_86 = tpu.memref_slice %arg19[%add3A_13, %dma_start3A_85] : memref<10240x128xf32, #tpu.memory_space<vmem_shared>> -> memref<128x128xf32, #tpu.memory_space<vmem_shared>>
      %dma_start3A_87 = arith.constant 0 : i32
      %dma_start3A_88 = tpu.memref_slice %arg19[%add3A_13, %dma_start3A_87] : memref<10240x128xf32, #tpu.memory_space<vmem_shared>> -> memref<128x128xf32, #tpu.memory_space<vmem_shared>>
      tpu.enqueue_dma source(%arg12 : memref<128x128xf32, #tpu.memory_space<vmem>>) target(%dma_start3A_88 : memref<128x128xf32, #tpu.memory_space<vmem_shared>>) target_semaphore(%run_scoped3A : memref<!tpu.dma_semaphore, #tpu.memory_space<semaphore_mem>>)
      %dma_wait3A = arith.constant 0 : i32
      %dma_wait3A_89 = tpu.memref_slice %arg19[%add3A_13, %dma_wait3A] : memref<10240x128xf32, #tpu.memory_space<vmem_shared>> -> memref<128x128xf32, #tpu.memory_space<vmem_shared>>
      %dma_wait3A_90 = arith.constant 0 : i32
      %dma_wait3A_91 = tpu.memref_slice %arg19[%add3A_13, %dma_wait3A_90] : memref<10240x128xf32, #tpu.memory_space<vmem_shared>> -> memref<128x128xf32, #tpu.memory_space<vmem_shared>>
      tpu.wait_dma2 semaphore(%run_scoped3A : memref<!tpu.dma_semaphore, #tpu.memory_space<semaphore_mem>>) src(%arg12 : memref<128x128xf32, #tpu.memory_space<vmem>>) dst(%dma_wait3A_91 : memref<128x128xf32, #tpu.memory_space<vmem_shared>>)
      tpu.yield
    }) : () -> ()
    %add3A_14 = arith.constant 512 : i32
    %add3A_15 = arith.addi %mul3A_0, %add3A_14 : i32
    "tpu.region"() ({
      %run_scoped3A = tpu.sem_alloc : memref<!tpu.dma_semaphore, #tpu.memory_space<semaphore_mem>>
      %dma_start3A_85 = arith.constant 0 : i32
      %dma_start3A_86 = tpu.memref_slice %arg19[%add3A_15, %dma_start3A_85] : memref<10240x128xf32, #tpu.memory_space<vmem_shared>> -> memref<128x128xf32, #tpu.memory_space<vmem_shared>>
      %dma_start3A_87 = arith.constant 0 : i32
      %dma_start3A_88 = tpu.memref_slice %arg19[%add3A_15, %dma_start3A_87] : memref<10240x128xf32, #tpu.memory_space<vmem_shared>> -> memref<128x128xf32, #tpu.memory_space<vmem_shared>>
      tpu.enqueue_dma source(%arg12 : memref<128x128xf32, #tpu.memory_space<vmem>>) target(%dma_start3A_88 : memref<128x128xf32, #tpu.memory_space<vmem_shared>>) target_semaphore(%run_scoped3A : memref<!tpu.dma_semaphore, #tpu.memory_space<semaphore_mem>>)
      %dma_wait3A = arith.constant 0 : i32
      %dma_wait3A_89 = tpu.memref_slice %arg19[%add3A_15, %dma_wait3A] : memref<10240x128xf32, #tpu.memory_space<vmem_shared>> -> memref<128x128xf32, #tpu.memory_space<vmem_shared>>
      %dma_wait3A_90 = arith.constant 0 : i32
      %dma_wait3A_91 = tpu.memref_slice %arg19[%add3A_15, %dma_wait3A_90] : memref<10240x128xf32, #tpu.memory_space<vmem_shared>> -> memref<128x128xf32, #tpu.memory_space<vmem_shared>>
      tpu.wait_dma2 semaphore(%run_scoped3A : memref<!tpu.dma_semaphore, #tpu.memory_space<semaphore_mem>>) src(%arg12 : memref<128x128xf32, #tpu.memory_space<vmem>>) dst(%dma_wait3A_91 : memref<128x128xf32, #tpu.memory_space<vmem_shared>>)
      tpu.yield
    }) : () -> ()
    %scan3A = arith.constant 0 : i32
    %scan3A_16 = arith.constant 0 : i32
    %scan3A_17 = arith.constant 640 : i32
    %scan3A_18 = arith.addi %scan3A_16, %scan3A_17 : i32
    %scan3A_19 = arith.constant 1 : i32
    scf.for %scan3A_85 = %scan3A_16 to %scan3A_18 step %scan3A_19  : i32 {
      %broadcast_in_dim3A = arith.constant 0.000000e+00 : f32
      %broadcast_in_dim3A_86 = vector.broadcast %broadcast_in_dim3A : f32 to vector<16xf32>
      %mul3A_87 = arith.constant 16 : i32
      %mul3A_88 = arith.muli %scan3A_85, %mul3A_87 : i32
      %swap3A = arith.index_cast %mul3A_88 : i32 to index
      %swap3A_89 = tpu.vector_load %arg16[%swap3A] {strides = array<i32>} : memref<10240xf32, #tpu.memory_space<vmem>>, vector<16xf32>,
      tpu.vector_store %arg16[%swap3A], %broadcast_in_dim3A_86 {strides = array<i32>} : memref<10240xf32, #tpu.memory_space<vmem>>, vector<16xf32>,
    }
    %scan3A_20 = arith.constant 640 : i32
    %barrier3A = arith.constant 0 : index
    tpu.barrier barrier_id(%barrier3A)
    %mul3A_21 = arith.muli %arg1, %select_n3A : i32
    %mul3A_22 = arith.constant 128 : i32
    %mul3A_23 = arith.muli %mul3A_21, %mul3A_22 : i32
    %add3A_24 = arith.addi %mul3A_6, %mul3A_23 : i32
    %add3A_25 = arith.constant 0 : i32
    %add3A_26 = arith.addi %add3A_24, %add3A_25 : i32
    "tpu.region"() ({
      %run_scoped3A = tpu.sem_alloc : memref<!tpu.dma_semaphore, #tpu.memory_space<semaphore_mem>>
      %dma_start3A_85 = tpu.memref_slice %arg3[%add3A_26] : memref<327680xi32, #tpu.memory_space<hbm>> -> memref<128xi32, #tpu.memory_space<hbm>>
      %dma_start3A_86 = tpu.memref_slice %arg3[%add3A_26] : memref<327680xi32, #tpu.memory_space<hbm>> -> memref<128xi32, #tpu.memory_space<hbm>>
      tpu.enqueue_dma source(%dma_start3A_86 : memref<128xi32, #tpu.memory_space<hbm>>) target(%arg9 : memref<128xi32, #tpu.memory_space<vmem>>) target_semaphore(%run_scoped3A : memref<!tpu.dma_semaphore, #tpu.memory_space<semaphore_mem>>)
      %dma_wait3A = tpu.memref_slice %arg3[%add3A_26] : memref<327680xi32, #tpu.memory_space<hbm>> -> memref<128xi32, #tpu.memory_space<hbm>>
      %dma_wait3A_87 = tpu.memref_slice %arg3[%add3A_26] : memref<327680xi32, #tpu.memory_space<hbm>> -> memref<128xi32, #tpu.memory_space<hbm>>
      tpu.wait_dma2 semaphore(%run_scoped3A : memref<!tpu.dma_semaphore, #tpu.memory_space<semaphore_mem>>) src(%dma_wait3A_87 : memref<128xi32, #tpu.memory_space<hbm>>) dst(%arg9 : memref<128xi32, #tpu.memory_space<vmem>>)
      tpu.yield
    }) : () -> ()
    %dma_start3A = arith.constant 0 : i32
    %dma_start3A_27 = arith.constant 0 : i32
    %dma_start3A_28 = tpu.memref_slice %arg2[%dma_start3A, %dma_start3A_27] : memref<10000x128xf32, #tpu.memory_space<hbm>> -> memref<10000x128xf32, #tpu.memory_space<hbm>>
    tpu.enqueue_indirect_dma source(%dma_start3A_28 : memref<10000x128xf32, #tpu.memory_space<hbm>>) target(%arg12 : memref<128x128xf32, #tpu.memory_space<vmem>>) offsets(%arg9 : memref<128xi32, #tpu.memory_space<vmem>>) semaphore(%arg17 : memref<!tpu.dma_semaphore, #tpu.memory_space<semaphore_mem>>)
    %jit3A_29 = arith.constant 2 : i32
    %div3A = arith.divsi %select_n3A, %jit3A_29 : i32
    %sign3A = arith.constant 0 : i32
    %sign3A_30 = arith.cmpi sgt, %select_n3A, %sign3A : i32
    %sign3A_31 = arith.extui %sign3A_30 : i1 to i32
    %sign3A_32 = arith.constant 0 : i32
    %sign3A_33 = arith.cmpi slt, %select_n3A, %sign3A_32 : i32
    %sign3A_34 = arith.extui %sign3A_33 : i1 to i32
    %sign3A_35 = arith.subi %sign3A_31, %sign3A_34 : i32
    %sign3A_36 = arith.constant 0 : i32
    %sign3A_37 = arith.cmpi sgt, %jit3A_29, %sign3A_36 : i32
    %sign3A_38 = arith.extui %sign3A_37 : i1 to i32
    %sign3A_39 = arith.constant 0 : i32
    %sign3A_40 = arith.cmpi slt, %jit3A_29, %sign3A_39 : i32
    %sign3A_41 = arith.extui %sign3A_40 : i1 to i32
    %sign3A_42 = arith.subi %sign3A_38, %sign3A_41 : i32
    %ne3A = arith.cmpi ne, %sign3A_35, %sign3A_42 : i32
    %rem3A = arith.remsi %select_n3A, %jit3A_29 : i32
    %ne3A_43 = arith.constant 0 : i32
    %ne3A_44 = arith.cmpi ne, %rem3A, %ne3A_43 : i32
    %and3A = arith.andi %ne3A, %ne3A_44 : i1
    %sub3A = arith.constant 1 : i32
    %sub3A_45 = arith.subi %div3A, %sub3A : i32
    %select_n3A_46 = arith.select %and3A, %sub3A_45, %div3A : i32
    %while3A = arith.constant 0 : i32
    %while3A_47 = arith.constant 0 : i32
    %while3A_48 = arith.subi %select_n3A_46, %while3A_47 : i32
    %while3A_49 = arith.addi %while3A_47, %while3A_48 : i32
    %while3A_50 = arith.constant 1 : i32
    %while3A_51 = arith.divsi %while3A_48, %while3A_50 : i32
    %while3A_52 = arith.muli %while3A_51, %while3A_50 : i32
    %while3A_53 = arith.addi %while3A_47, %while3A_52 : i32
    %while3A_54 = arith.constant 1 : i32
    scf.for %while3A_85 = %while3A_47 to %while3A_53 step %while3A_54  : i32 {
      %mul3A_86 = arith.constant 2 : i32
      %mul3A_87 = arith.muli %while3A_85, %mul3A_86 : i32
      %add3A_88 = arith.constant 0 : i32
      %add3A_89 = arith.addi %mul3A_87, %add3A_88 : i32
      %add3A_90 = arith.constant 1 : i32
      %add3A_91 = arith.addi %add3A_89, %add3A_90 : i32
      %lt3A = arith.cmpi slt, %add3A_91, %select_n3A : i32
      %convert_element_type3A = arith.extui %lt3A : i1 to i32
      %cond3A = arith.constant 0 : i32
      %cond3A_92 = arith.cmpi ne, %convert_element_type3A, %cond3A : i32
      scf.if %cond3A_92 {
        %add3A_1143 = arith.constant 1 : i32
        %add3A_1144 = arith.addi %add3A_89, %add3A_1143 : i32
        %mul3A_1145 = arith.constant 128 : i32
        %mul3A_1146 = arith.muli %add3A_1144, %mul3A_1145 : i32
        %add3A_1147 = arith.addi %add3A_24, %mul3A_1146 : i32
        "tpu.region"() ({
          %run_scoped3A = tpu.sem_alloc : memref<!tpu.dma_semaphore, #tpu.memory_space<semaphore_mem>>
          %dma_start3A_1151 = tpu.memref_slice %arg3[%add3A_1147] : memref<327680xi32, #tpu.memory_space<hbm>> -> memref<128xi32, #tpu.memory_space<hbm>>
          %dma_start3A_1152 = tpu.memref_slice %arg3[%add3A_1147] : memref<327680xi32, #tpu.memory_space<hbm>> -> memref<128xi32, #tpu.memory_space<hbm>>
          tpu.enqueue_dma source(%dma_start3A_1152 : memref<128xi32, #tpu.memory_space<hbm>>) target(%arg10 : memref<128xi32, #tpu.memory_space<vmem>>) target_semaphore(%run_scoped3A : memref<!tpu.dma_semaphore, #tpu.memory_space<semaphore_mem>>)
          %dma_wait3A_1153 = tpu.memref_slice %arg3[%add3A_1147] : memref<327680xi32, #tpu.memory_space<hbm>> -> memref<128xi32, #tpu.memory_space<hbm>>
          %dma_wait3A_1154 = tpu.memref_slice %arg3[%add3A_1147] : memref<327680xi32, #tpu.memory_space<hbm>> -> memref<128xi32, #tpu.memory_space<hbm>>
          tpu.wait_dma2 semaphore(%run_scoped3A : memref<!tpu.dma_semaphore, #tpu.memory_space<semaphore_mem>>) src(%dma_wait3A_1154 : memref<128xi32, #tpu.memory_space<hbm>>) dst(%arg10 : memref<128xi32, #tpu.memory_space<vmem>>)
          tpu.yield
        }) : () -> ()
        %dma_start3A_1148 = arith.constant 0 : i32
        %dma_start3A_1149 = arith.constant 0 : i32
        %dma_start3A_1150 = tpu.memref_slice %arg2[%dma_start3A_1148, %dma_start3A_1149] : memref<10000x128xf32, #tpu.memory_space<hbm>> -> memref<10000x128xf32, #tpu.memory_space<hbm>>
        tpu.enqueue_indirect_dma source(%dma_start3A_1150 : memref<10000x128xf32, #tpu.memory_space<hbm>>) target(%arg13 : memref<128x128xf32, #tpu.memory_space<vmem>>) offsets(%arg10 : memref<128xi32, #tpu.memory_space<vmem>>) semaphore(%arg18 : memref<!tpu.dma_semaphore, #tpu.memory_space<semaphore_mem>>)
      } else {
      }
      %mul3A_93 = arith.constant 2048 : i32
      %mul3A_94 = arith.muli %add3A_89, %mul3A_93 : i32
      %add3A_95 = arith.addi %mul3A_6, %mul3A_94 : i32
      "tpu.region"() ({
        %run_scoped3A = tpu.sem_alloc : memref<!tpu.dma_semaphore, #tpu.memory_space<semaphore_mem>>
        %dma_start3A_1143 = tpu.memref_slice %arg5[%add3A_95] : memref<327680xi32, #tpu.memory_space<hbm>> -> memref<2048xi32, #tpu.memory_space<hbm>>
        %dma_start3A_1144 = tpu.memref_slice %arg5[%add3A_95] : memref<327680xi32, #tpu.memory_space<hbm>> -> memref<2048xi32, #tpu.memory_space<hbm>>
        tpu.enqueue_dma source(%dma_start3A_1144 : memref<2048xi32, #tpu.memory_space<hbm>>) target(%arg14 : memref<2048xi32, #tpu.memory_space<vmem>>) target_semaphore(%run_scoped3A : memref<!tpu.dma_semaphore, #tpu.memory_space<semaphore_mem>>)
        %dma_wait3A_1145 = tpu.memref_slice %arg5[%add3A_95] : memref<327680xi32, #tpu.memory_space<hbm>> -> memref<2048xi32, #tpu.memory_space<hbm>>
        %dma_wait3A_1146 = tpu.memref_slice %arg5[%add3A_95] : memref<327680xi32, #tpu.memory_space<hbm>> -> memref<2048xi32, #tpu.memory_space<hbm>>
        tpu.wait_dma2 semaphore(%run_scoped3A : memref<!tpu.dma_semaphore, #tpu.memory_space<semaphore_mem>>) src(%dma_wait3A_1146 : memref<2048xi32, #tpu.memory_space<hbm>>) dst(%arg14 : memref<2048xi32, #tpu.memory_space<vmem>>)
        tpu.yield
      }) : () -> ()
      "tpu.region"() ({
        %run_scoped3A = tpu.sem_alloc : memref<!tpu.dma_semaphore, #tpu.memory_space<semaphore_mem>>
        %dma_start3A_1143 = tpu.memref_slice %arg4[%arg1, %add3A_95] : memref<16x327680xf32, #tpu.memory_space<hbm>> -> memref<1x2048xf32, #tpu.memory_space<hbm>>
        %dma_start3A_1144 = tpu.memref_squeeze %dma_start3A_1143 : memref<1x2048xf32, #tpu.memory_space<hbm>> -> memref<2048xf32, #tpu.memory_space<hbm>>
        %dma_start3A_1145 = tpu.memref_slice %arg4[%arg1, %add3A_95] : memref<16x327680xf32, #tpu.memory_space<hbm>> -> memref<1x2048xf32, #tpu.memory_space<hbm>>
        %dma_start3A_1146 = tpu.memref_squeeze %dma_start3A_1145 : memref<1x2048xf32, #tpu.memory_space<hbm>> -> memref<2048xf32, #tpu.memory_space<hbm>>
        tpu.enqueue_dma source(%dma_start3A_1146 : memref<2048xf32, #tpu.memory_space<hbm>>) target(%arg15 : memref<2048xf32, #tpu.memory_space<vmem>>) target_semaphore(%run_scoped3A : memref<!tpu.dma_semaphore, #tpu.memory_space<semaphore_mem>>)
        %dma_wait3A_1147 = tpu.memref_slice %arg4[%arg1, %add3A_95] : memref<16x327680xf32, #tpu.memory_space<hbm>> -> memref<1x2048xf32, #tpu.memory_space<hbm>>
        %dma_wait3A_1148 = tpu.memref_squeeze %dma_wait3A_1147 : memref<1x2048xf32, #tpu.memory_space<hbm>> -> memref<2048xf32, #tpu.memory_space<hbm>>
        %dma_wait3A_1149 = tpu.memref_slice %arg4[%arg1, %add3A_95] : memref<16x327680xf32, #tpu.memory_space<hbm>> -> memref<1x2048xf32, #tpu.memory_space<hbm>>
        %dma_wait3A_1150 = tpu.memref_squeeze %dma_wait3A_1149 : memref<1x2048xf32, #tpu.memory_space<hbm>> -> memref<2048xf32, #tpu.memory_space<hbm>>
        tpu.wait_dma2 semaphore(%run_scoped3A : memref<!tpu.dma_semaphore, #tpu.memory_space<semaphore_mem>>) src(%dma_wait3A_1150 : memref<2048xf32, #tpu.memory_space<hbm>>) dst(%arg15 : memref<2048xf32, #tpu.memory_space<vmem>>)
        tpu.yield
      }) : () -> ()
      %get3A = arith.constant 0 : index
      %get3A_96 = tpu.vector_load %arg14[%get3A] {strides = array<i32>} : memref<2048xi32, #tpu.memory_space<vmem>>, vector<16xi32>,
      %get3A_97 = arith.constant 0 : index
      %get3A_98 = tpu.vector_load %arg15[%get3A_97] {strides = array<i32>} : memref<2048xf32, #tpu.memory_space<vmem>>, vector<16xf32>,
      tpu.vector_store_idx %arg16[%get3A_96], %get3A_98 {add = true} : memref<10240xf32, #tpu.memory_space<vmem>>[vector<16xi32>], vector<16xf32>,
      %get3A_99 = arith.constant 16 : index
      %get3A_100 = tpu.vector_load %arg14[%get3A_99] {strides = array<i32>} : memref<2048xi32, #tpu.memory_space<vmem>>, vector<16xi32>,
      %get3A_101 = arith.constant 16 : index
      %get3A_102 = tpu.vector_load %arg15[%get3A_101] {strides = array<i32>} : memref<2048xf32, #tpu.memory_space<vmem>>, vector<16xf32>,
      tpu.vector_store_idx %arg16[%get3A_100], %get3A_102 {add = true} : memref<10240xf32, #tpu.memory_space<vmem>>[vector<16xi32>], vector<16xf32>,
      %get3A_103 = arith.constant 32 : index
      %get3A_104 = tpu.vector_load %arg14[%get3A_103] {strides = array<i32>} : memref<2048xi32, #tpu.memory_space<vmem>>, vector<16xi32>,
      %get3A_105 = arith.constant 32 : index
      %get3A_106 = tpu.vector_load %arg15[%get3A_105] {strides = array<i32>} : memref<2048xf32, #tpu.memory_space<vmem>>, vector<16xf32>,
      tpu.vector_store_idx %arg16[%get3A_104], %get3A_106 {add = true} : memref<10240xf32, #tpu.memory_space<vmem>>[vector<16xi32>], vector<16xf32>,
      %get3A_107 = arith.constant 48 : index
      %get3A_108 = tpu.vector_load %arg14[%get3A_107] {strides = array<i32>} : memref<2048xi32, #tpu.memory_space<vmem>>, vector<16xi32>,
      %get3A_109 = arith.constant 48 : index
      %get3A_110 = tpu.vector_load %arg15[%get3A_109] {strides = array<i32>} : memref<2048xf32, #tpu.memory_space<vmem>>, vector<16xf32>,
      tpu.vector_store_idx %arg16[%get3A_108], %get3A_110 {add = true} : memref<10240xf32, #tpu.memory_space<vmem>>[vector<16xi32>], vector<16xf32>,
      %get3A_111 = arith.constant 64 : index
      %get3A_112 = tpu.vector_load %arg14[%get3A_111] {strides = array<i32>} : memref<2048xi32, #tpu.memory_space<vmem>>, vector<16xi32>,
      %get3A_113 = arith.constant 64 : index
      %get3A_114 = tpu.vector_load %arg15[%get3A_113] {strides = array<i32>} : memref<2048xf32, #tpu.memory_space<vmem>>, vector<16xf32>,
      tpu.vector_store_idx %arg16[%get3A_112], %get3A_114 {add = true} : memref<10240xf32, #tpu.memory_space<vmem>>[vector<16xi32>], vector<16xf32>,
      %get3A_115 = arith.constant 80 : index
      %get3A_116 = tpu.vector_load %arg14[%get3A_115] {strides = array<i32>} : memref<2048xi32, #tpu.memory_space<vmem>>, vector<16xi32>,
      %get3A_117 = arith.constant 80 : index
      %get3A_118 = tpu.vector_load %arg15[%get3A_117] {strides = array<i32>} : memref<2048xf32, #tpu.memory_space<vmem>>, vector<16xf32>,
      tpu.vector_store_idx %arg16[%get3A_116], %get3A_118 {add = true} : memref<10240xf32, #tpu.memory_space<vmem>>[vector<16xi32>], vector<16xf32>,
      %get3A_119 = arith.constant 96 : index
      %get3A_120 = tpu.vector_load %arg14[%get3A_119] {strides = array<i32>} : memref<2048xi32, #tpu.memory_space<vmem>>, vector<16xi32>,
      %get3A_121 = arith.constant 96 : index
      %get3A_122 = tpu.vector_load %arg15[%get3A_121] {strides = array<i32>} : memref<2048xf32, #tpu.memory_space<vmem>>, vector<16xf32>,
      tpu.vector_store_idx %arg16[%get3A_120], %get3A_122 {add = true} : memref<10240xf32, #tpu.memory_space<vmem>>[vector<16xi32>], vector<16xf32>,
      %get3A_123 = arith.constant 112 : index
      %get3A_124 = tpu.vector_load %arg14[%get3A_123] {strides = array<i32>} : memref<2048xi32, #tpu.memory_space<vmem>>, vector<16xi32>,
      %get3A_125 = arith.constant 112 : index
      %get3A_126 = tpu.vector_load %arg15[%get3A_125] {strides = array<i32>} : memref<2048xf32, #tpu.memory_space<vmem>>, vector<16xf32>,
      tpu.vector_store_idx %arg16[%get3A_124], %get3A_126 {add = true} : memref<10240xf32, #tpu.memory_space<vmem>>[vector<16xi32>], vector<16xf32>,
      %get3A_127 = arith.constant 128 : index
      %get3A_128 = tpu.vector_load %arg14[%get3A_127] {strides = array<i32>} : memref<2048xi32, #tpu.memory_space<vmem>>, vector<16xi32>,
      %get3A_129 = arith.constant 128 : index
      %get3A_130 = tpu.vector_load %arg15[%get3A_129] {strides = array<i32>} : memref<2048xf32, #tpu.memory_space<vmem>>, vector<16xf32>,
      tpu.vector_store_idx %arg16[%get3A_128], %get3A_130 {add = true} : memref<10240xf32, #tpu.memory_space<vmem>>[vector<16xi32>], vector<16xf32>,
      %get3A_131 = arith.constant 144 : index
      %get3A_132 = tpu.vector_load %arg14[%get3A_131] {strides = array<i32>} : memref<2048xi32, #tpu.memory_space<vmem>>, vector<16xi32>,
      %get3A_133 = arith.constant 144 : index
      %get3A_134 = tpu.vector_load %arg15[%get3A_133] {strides = array<i32>} : memref<2048xf32, #tpu.memory_space<vmem>>, vector<16xf32>,
      tpu.vector_store_idx %arg16[%get3A_132], %get3A_134 {add = true} : memref<10240xf32, #tpu.memory_space<vmem>>[vector<16xi32>], vector<16xf32>,
      %get3A_135 = arith.constant 160 : index
      %get3A_136 = tpu.vector_load %arg14[%get3A_135] {strides = array<i32>} : memref<2048xi32, #tpu.memory_space<vmem>>, vector<16xi32>,
      %get3A_137 = arith.constant 160 : index
      %get3A_138 = tpu.vector_load %arg15[%get3A_137] {strides = array<i32>} : memref<2048xf32, #tpu.memory_space<vmem>>, vector<16xf32>,
      tpu.vector_store_idx %arg16[%get3A_136], %get3A_138 {add = true} : memref<10240xf32, #tpu.memory_space<vmem>>[vector<16xi32>], vector<16xf32>,
      %get3A_139 = arith.constant 176 : index
      %get3A_140 = tpu.vector_load %arg14[%get3A_139] {strides = array<i32>} : memref<2048xi32, #tpu.memory_space<vmem>>, vector<16xi32>,
      %get3A_141 = arith.constant 176 : index
      %get3A_142 = tpu.vector_load %arg15[%get3A_141] {strides = array<i32>} : memref<2048xf32, #tpu.memory_space<vmem>>, vector<16xf32>,
      tpu.vector_store_idx %arg16[%get3A_140], %get3A_142 {add = true} : memref<10240xf32, #tpu.memory_space<vmem>>[vector<16xi32>], vector<16xf32>,
      %get3A_143 = arith.constant 192 : index
      %get3A_144 = tpu.vector_load %arg14[%get3A_143] {strides = array<i32>} : memref<2048xi32, #tpu.memory_space<vmem>>, vector<16xi32>,
      %get3A_145 = arith.constant 192 : index
      %get3A_146 = tpu.vector_load %arg15[%get3A_145] {strides = array<i32>} : memref<2048xf32, #tpu.memory_space<vmem>>, vector<16xf32>,
      tpu.vector_store_idx %arg16[%get3A_144], %get3A_146 {add = true} : memref<10240xf32, #tpu.memory_space<vmem>>[vector<16xi32>], vector<16xf32>,
      %get3A_147 = arith.constant 208 : index
      %get3A_148 = tpu.vector_load %arg14[%get3A_147] {strides = array<i32>} : memref<2048xi32, #tpu.memory_space<vmem>>, vector<16xi32>,
      %get3A_149 = arith.constant 208 : index
      %get3A_150 = tpu.vector_load %arg15[%get3A_149] {strides = array<i32>} : memref<2048xf32, #tpu.memory_space<vmem>>, vector<16xf32>,
      tpu.vector_store_idx %arg16[%get3A_148], %get3A_150 {add = true} : memref<10240xf32, #tpu.memory_space<vmem>>[vector<16xi32>], vector<16xf32>,
      %get3A_151 = arith.constant 224 : index
      %get3A_152 = tpu.vector_load %arg14[%get3A_151] {strides = array<i32>} : memref<2048xi32, #tpu.memory_space<vmem>>, vector<16xi32>,
      %get3A_153 = arith.constant 224 : index
      %get3A_154 = tpu.vector_load %arg15[%get3A_153] {strides = array<i32>} : memref<2048xf32, #tpu.memory_space<vmem>>, vector<16xf32>,
      tpu.vector_store_idx %arg16[%get3A_152], %get3A_154 {add = true} : memref<10240xf32, #tpu.memory_space<vmem>>[vector<16xi32>], vector<16xf32>,
      %get3A_155 = arith.constant 240 : index
      %get3A_156 = tpu.vector_load %arg14[%get3A_155] {strides = array<i32>} : memref<2048xi32, #tpu.memory_space<vmem>>, vector<16xi32>,
      %get3A_157 = arith.constant 240 : index
      %get3A_158 = tpu.vector_load %arg15[%get3A_157] {strides = array<i32>} : memref<2048xf32, #tpu.memory_space<vmem>>, vector<16xf32>,
      tpu.vector_store_idx %arg16[%get3A_156], %get3A_158 {add = true} : memref<10240xf32, #tpu.memory_space<vmem>>[vector<16xi32>], vector<16xf32>,
      %get3A_159 = arith.constant 256 : index
      %get3A_160 = tpu.vector_load %arg14[%get3A_159] {strides = array<i32>} : memref<2048xi32, #tpu.memory_space<vmem>>, vector<16xi32>,
      %get3A_161 = arith.constant 256 : index
      %get3A_162 = tpu.vector_load %arg15[%get3A_161] {strides = array<i32>} : memref<2048xf32, #tpu.memory_space<vmem>>, vector<16xf32>,
      tpu.vector_store_idx %arg16[%get3A_160], %get3A_162 {add = true} : memref<10240xf32, #tpu.memory_space<vmem>>[vector<16xi32>], vector<16xf32>,
      %get3A_163 = arith.constant 272 : index
      %get3A_164 = tpu.vector_load %arg14[%get3A_163] {strides = array<i32>} : memref<2048xi32, #tpu.memory_space<vmem>>, vector<16xi32>,
      %get3A_165 = arith.constant 272 : index
      %get3A_166 = tpu.vector_load %arg15[%get3A_165] {strides = array<i32>} : memref<2048xf32, #tpu.memory_space<vmem>>, vector<16xf32>,
      tpu.vector_store_idx %arg16[%get3A_164], %get3A_166 {add = true} : memref<10240xf32, #tpu.memory_space<vmem>>[vector<16xi32>], vector<16xf32>,
      %get3A_167 = arith.constant 288 : index
      %get3A_168 = tpu.vector_load %arg14[%get3A_167] {strides = array<i32>} : memref<2048xi32, #tpu.memory_space<vmem>>, vector<16xi32>,
      %get3A_169 = arith.constant 288 : index
      %get3A_170 = tpu.vector_load %arg15[%get3A_169] {strides = array<i32>} : memref<2048xf32, #tpu.memory_space<vmem>>, vector<16xf32>,
      tpu.vector_store_idx %arg16[%get3A_168], %get3A_170 {add = true} : memref<10240xf32, #tpu.memory_space<vmem>>[vector<16xi32>], vector<16xf32>,
      %get3A_171 = arith.constant 304 : index
      %get3A_172 = tpu.vector_load %arg14[%get3A_171] {strides = array<i32>} : memref<2048xi32, #tpu.memory_space<vmem>>, vector<16xi32>,
      %get3A_173 = arith.constant 304 : index
      %get3A_174 = tpu.vector_load %arg15[%get3A_173] {strides = array<i32>} : memref<2048xf32, #tpu.memory_space<vmem>>, vector<16xf32>,
      tpu.vector_store_idx %arg16[%get3A_172], %get3A_174 {add = true} : memref<10240xf32, #tpu.memory_space<vmem>>[vector<16xi32>], vector<16xf32>,
      %get3A_175 = arith.constant 320 : index
      %get3A_176 = tpu.vector_load %arg14[%get3A_175] {strides = array<i32>} : memref<2048xi32, #tpu.memory_space<vmem>>, vector<16xi32>,
      %get3A_177 = arith.constant 320 : index
      %get3A_178 = tpu.vector_load %arg15[%get3A_177] {strides = array<i32>} : memref<2048xf32, #tpu.memory_space<vmem>>, vector<16xf32>,
      tpu.vector_store_idx %arg16[%get3A_176], %get3A_178 {add = true} : memref<10240xf32, #tpu.memory_space<vmem>>[vector<16xi32>], vector<16xf32>,
      %get3A_179 = arith.constant 336 : index
      %get3A_180 = tpu.vector_load %arg14[%get3A_179] {strides = array<i32>} : memref<2048xi32, #tpu.memory_space<vmem>>, vector<16xi32>,
      %get3A_181 = arith.constant 336 : index
      %get3A_182 = tpu.vector_load %arg15[%get3A_181] {strides = array<i32>} : memref<2048xf32, #tpu.memory_space<vmem>>, vector<16xf32>,
      tpu.vector_store_idx %arg16[%get3A_180], %get3A_182 {add = true} : memref<10240xf32, #tpu.memory_space<vmem>>[vector<16xi32>], vector<16xf32>,
      %get3A_183 = arith.constant 352 : index
      %get3A_184 = tpu.vector_load %arg14[%get3A_183] {strides = array<i32>} : memref<2048xi32, #tpu.memory_space<vmem>>, vector<16xi32>,
      %get3A_185 = arith.constant 352 : index
      %get3A_186 = tpu.vector_load %arg15[%get3A_185] {strides = array<i32>} : memref<2048xf32, #tpu.memory_space<vmem>>, vector<16xf32>,
      tpu.vector_store_idx %arg16[%get3A_184], %get3A_186 {add = true} : memref<10240xf32, #tpu.memory_space<vmem>>[vector<16xi32>], vector<16xf32>,
      %get3A_187 = arith.constant 368 : index
      %get3A_188 = tpu.vector_load %arg14[%get3A_187] {strides = array<i32>} : memref<2048xi32, #tpu.memory_space<vmem>>, vector<16xi32>,
      %get3A_189 = arith.constant 368 : index
      %get3A_190 = tpu.vector_load %arg15[%get3A_189] {strides = array<i32>} : memref<2048xf32, #tpu.memory_space<vmem>>, vector<16xf32>,
      tpu.vector_store_idx %arg16[%get3A_188], %get3A_190 {add = true} : memref<10240xf32, #tpu.memory_space<vmem>>[vector<16xi32>], vector<16xf32>,
      %get3A_191 = arith.constant 384 : index
      %get3A_192 = tpu.vector_load %arg14[%get3A_191] {strides = array<i32>} : memref<2048xi32, #tpu.memory_space<vmem>>, vector<16xi32>,
      %get3A_193 = arith.constant 384 : index
      %get3A_194 = tpu.vector_load %arg15[%get3A_193] {strides = array<i32>} : memref<2048xf32, #tpu.memory_space<vmem>>, vector<16xf32>,
      tpu.vector_store_idx %arg16[%get3A_192], %get3A_194 {add = true} : memref<10240xf32, #tpu.memory_space<vmem>>[vector<16xi32>], vector<16xf32>,
      %get3A_195 = arith.constant 400 : index
      %get3A_196 = tpu.vector_load %arg14[%get3A_195] {strides = array<i32>} : memref<2048xi32, #tpu.memory_space<vmem>>, vector<16xi32>,
      %get3A_197 = arith.constant 400 : index
      %get3A_198 = tpu.vector_load %arg15[%get3A_197] {strides = array<i32>} : memref<2048xf32, #tpu.memory_space<vmem>>, vector<16xf32>,
      tpu.vector_store_idx %arg16[%get3A_196], %get3A_198 {add = true} : memref<10240xf32, #tpu.memory_space<vmem>>[vector<16xi32>], vector<16xf32>,
      %get3A_199 = arith.constant 416 : index
      %get3A_200 = tpu.vector_load %arg14[%get3A_199] {strides = array<i32>} : memref<2048xi32, #tpu.memory_space<vmem>>, vector<16xi32>,
      %get3A_201 = arith.constant 416 : index
      %get3A_202 = tpu.vector_load %arg15[%get3A_201] {strides = array<i32>} : memref<2048xf32, #tpu.memory_space<vmem>>, vector<16xf32>,
      tpu.vector_store_idx %arg16[%get3A_200], %get3A_202 {add = true} : memref<10240xf32, #tpu.memory_space<vmem>>[vector<16xi32>], vector<16xf32>,
      %get3A_203 = arith.constant 432 : index
      %get3A_204 = tpu.vector_load %arg14[%get3A_203] {strides = array<i32>} : memref<2048xi32, #tpu.memory_space<vmem>>, vector<16xi32>,
      %get3A_205 = arith.constant 432 : index
      %get3A_206 = tpu.vector_load %arg15[%get3A_205] {strides = array<i32>} : memref<2048xf32, #tpu.memory_space<vmem>>, vector<16xf32>,
      tpu.vector_store_idx %arg16[%get3A_204], %get3A_206 {add = true} : memref<10240xf32, #tpu.memory_space<vmem>>[vector<16xi32>], vector<16xf32>,
      %get3A_207 = arith.constant 448 : index
      %get3A_208 = tpu.vector_load %arg14[%get3A_207] {strides = array<i32>} : memref<2048xi32, #tpu.memory_space<vmem>>, vector<16xi32>,
      %get3A_209 = arith.constant 448 : index
      %get3A_210 = tpu.vector_load %arg15[%get3A_209] {strides = array<i32>} : memref<2048xf32, #tpu.memory_space<vmem>>, vector<16xf32>,
      tpu.vector_store_idx %arg16[%get3A_208], %get3A_210 {add = true} : memref<10240xf32, #tpu.memory_space<vmem>>[vector<16xi32>], vector<16xf32>,
      %get3A_211 = arith.constant 464 : index
      %get3A_212 = tpu.vector_load %arg14[%get3A_211] {strides = array<i32>} : memref<2048xi32, #tpu.memory_space<vmem>>, vector<16xi32>,
      %get3A_213 = arith.constant 464 : index
      %get3A_214 = tpu.vector_load %arg15[%get3A_213] {strides = array<i32>} : memref<2048xf32, #tpu.memory_space<vmem>>, vector<16xf32>,
      tpu.vector_store_idx %arg16[%get3A_212], %get3A_214 {add = true} : memref<10240xf32, #tpu.memory_space<vmem>>[vector<16xi32>], vector<16xf32>,
      %get3A_215 = arith.constant 480 : index
      %get3A_216 = tpu.vector_load %arg14[%get3A_215] {strides = array<i32>} : memref<2048xi32, #tpu.memory_space<vmem>>, vector<16xi32>,
      %get3A_217 = arith.constant 480 : index
      %get3A_218 = tpu.vector_load %arg15[%get3A_217] {strides = array<i32>} : memref<2048xf32, #tpu.memory_space<vmem>>, vector<16xf32>,
      tpu.vector_store_idx %arg16[%get3A_216], %get3A_218 {add = true} : memref<10240xf32, #tpu.memory_space<vmem>>[vector<16xi32>], vector<16xf32>,
      %get3A_219 = arith.constant 496 : index
      %get3A_220 = tpu.vector_load %arg14[%get3A_219] {strides = array<i32>} : memref<2048xi32, #tpu.memory_space<vmem>>, vector<16xi32>,
      %get3A_221 = arith.constant 496 : index
      %get3A_222 = tpu.vector_load %arg15[%get3A_221] {strides = array<i32>} : memref<2048xf32, #tpu.memory_space<vmem>>, vector<16xf32>,
      tpu.vector_store_idx %arg16[%get3A_220], %get3A_222 {add = true} : memref<10240xf32, #tpu.memory_space<vmem>>[vector<16xi32>], vector<16xf32>,
      %get3A_223 = arith.constant 512 : index
      %get3A_224 = tpu.vector_load %arg14[%get3A_223] {strides = array<i32>} : memref<2048xi32, #tpu.memory_space<vmem>>, vector<16xi32>,
      %get3A_225 = arith.constant 512 : index
      %get3A_226 = tpu.vector_load %arg15[%get3A_225] {strides = array<i32>} : memref<2048xf32, #tpu.memory_space<vmem>>, vector<16xf32>,
      tpu.vector_store_idx %arg16[%get3A_224], %get3A_226 {add = true} : memref<10240xf32, #tpu.memory_space<vmem>>[vector<16xi32>], vector<16xf32>,
      %get3A_227 = arith.constant 528 : index
      %get3A_228 = tpu.vector_load %arg14[%get3A_227] {strides = array<i32>} : memref<2048xi32, #tpu.memory_space<vmem>>, vector<16xi32>,
      %get3A_229 = arith.constant 528 : index
      %get3A_230 = tpu.vector_load %arg15[%get3A_229] {strides = array<i32>} : memref<2048xf32, #tpu.memory_space<vmem>>, vector<16xf32>,
      tpu.vector_store_idx %arg16[%get3A_228], %get3A_230 {add = true} : memref<10240xf32, #tpu.memory_space<vmem>>[vector<16xi32>], vector<16xf32>,
      %get3A_231 = arith.constant 544 : index
      %get3A_232 = tpu.vector_load %arg14[%get3A_231] {strides = array<i32>} : memref<2048xi32, #tpu.memory_space<vmem>>, vector<16xi32>,
      %get3A_233 = arith.constant 544 : index
      %get3A_234 = tpu.vector_load %arg15[%get3A_233] {strides = array<i32>} : memref<2048xf32, #tpu.memory_space<vmem>>, vector<16xf32>,
      tpu.vector_store_idx %arg16[%get3A_232], %get3A_234 {add = true} : memref<10240xf32, #tpu.memory_space<vmem>>[vector<16xi32>], vector<16xf32>,
      %get3A_235 = arith.constant 560 : index
      %get3A_236 = tpu.vector_load %arg14[%get3A_235] {strides = array<i32>} : memref<2048xi32, #tpu.memory_space<vmem>>, vector<16xi32>,
      %get3A_237 = arith.constant 560 : index
      %get3A_238 = tpu.vector_load %arg15[%get3A_237] {strides = array<i32>} : memref<2048xf32, #tpu.memory_space<vmem>>, vector<16xf32>,
      tpu.vector_store_idx %arg16[%get3A_236], %get3A_238 {add = true} : memref<10240xf32, #tpu.memory_space<vmem>>[vector<16xi32>], vector<16xf32>,
      %get3A_239 = arith.constant 576 : index
      %get3A_240 = tpu.vector_load %arg14[%get3A_239] {strides = array<i32>} : memref<2048xi32, #tpu.memory_space<vmem>>, vector<16xi32>,
      %get3A_241 = arith.constant 576 : index
      %get3A_242 = tpu.vector_load %arg15[%get3A_241] {strides = array<i32>} : memref<2048xf32, #tpu.memory_space<vmem>>, vector<16xf32>,
      tpu.vector_store_idx %arg16[%get3A_240], %get3A_242 {add = true} : memref<10240xf32, #tpu.memory_space<vmem>>[vector<16xi32>], vector<16xf32>,
      %get3A_243 = arith.constant 592 : index
      %get3A_244 = tpu.vector_load %arg14[%get3A_243] {strides = array<i32>} : memref<2048xi32, #tpu.memory_space<vmem>>, vector<16xi32>,
      %get3A_245 = arith.constant 592 : index
      %get3A_246 = tpu.vector_load %arg15[%get3A_245] {strides = array<i32>} : memref<2048xf32, #tpu.memory_space<vmem>>, vector<16xf32>,
      tpu.vector_store_idx %arg16[%get3A_244], %get3A_246 {add = true} : memref<10240xf32, #tpu.memory_space<vmem>>[vector<16xi32>], vector<16xf32>,
      %get3A_247 = arith.constant 608 : index
      %get3A_248 = tpu.vector_load %arg14[%get3A_247] {strides = array<i32>} : memref<2048xi32, #tpu.memory_space<vmem>>, vector<16xi32>,
      %get3A_249 = arith.constant 608 : index
      %get3A_250 = tpu.vector_load %arg15[%get3A_249] {strides = array<i32>} : memref<2048xf32, #tpu.memory_space<vmem>>, vector<16xf32>,
      tpu.vector_store_idx %arg16[%get3A_248], %get3A_250 {add = true} : memref<10240xf32, #tpu.memory_space<vmem>>[vector<16xi32>], vector<16xf32>,
      %get3A_251 = arith.constant 624 : index
      %get3A_252 = tpu.vector_load %arg14[%get3A_251] {strides = array<i32>} : memref<2048xi32, #tpu.memory_space<vmem>>, vector<16xi32>,
      %get3A_253 = arith.constant 624 : index
      %get3A_254 = tpu.vector_load %arg15[%get3A_253] {strides = array<i32>} : memref<2048xf32, #tpu.memory_space<vmem>>, vector<16xf32>,
      tpu.vector_store_idx %arg16[%get3A_252], %get3A_254 {add = true} : memref<10240xf32, #tpu.memory_space<vmem>>[vector<16xi32>], vector<16xf32>,
      %get3A_255 = arith.constant 640 : index
      %get3A_256 = tpu.vector_load %arg14[%get3A_255] {strides = array<i32>} : memref<2048xi32, #tpu.memory_space<vmem>>, vector<16xi32>,
      %get3A_257 = arith.constant 640 : index
      %get3A_258 = tpu.vector_load %arg15[%get3A_257] {strides = array<i32>} : memref<2048xf32, #tpu.memory_space<vmem>>, vector<16xf32>,
      tpu.vector_store_idx %arg16[%get3A_256], %get3A_258 {add = true} : memref<10240xf32, #tpu.memory_space<vmem>>[vector<16xi32>], vector<16xf32>,
      %get3A_259 = arith.constant 656 : index
      %get3A_260 = tpu.vector_load %arg14[%get3A_259] {strides = array<i32>} : memref<2048xi32, #tpu.memory_space<vmem>>, vector<16xi32>,
      %get3A_261 = arith.constant 656 : index
      %get3A_262 = tpu.vector_load %arg15[%get3A_261] {strides = array<i32>} : memref<2048xf32, #tpu.memory_space<vmem>>, vector<16xf32>,
      tpu.vector_store_idx %arg16[%get3A_260], %get3A_262 {add = true} : memref<10240xf32, #tpu.memory_space<vmem>>[vector<16xi32>], vector<16xf32>,
      %get3A_263 = arith.constant 672 : index
      %get3A_264 = tpu.vector_load %arg14[%get3A_263] {strides = array<i32>} : memref<2048xi32, #tpu.memory_space<vmem>>, vector<16xi32>,
      %get3A_265 = arith.constant 672 : index
      %get3A_266 = tpu.vector_load %arg15[%get3A_265] {strides = array<i32>} : memref<2048xf32, #tpu.memory_space<vmem>>, vector<16xf32>,
      tpu.vector_store_idx %arg16[%get3A_264], %get3A_266 {add = true} : memref<10240xf32, #tpu.memory_space<vmem>>[vector<16xi32>], vector<16xf32>,
      %get3A_267 = arith.constant 688 : index
      %get3A_268 = tpu.vector_load %arg14[%get3A_267] {strides = array<i32>} : memref<2048xi32, #tpu.memory_space<vmem>>, vector<16xi32>,
      %get3A_269 = arith.constant 688 : index
      %get3A_270 = tpu.vector_load %arg15[%get3A_269] {strides = array<i32>} : memref<2048xf32, #tpu.memory_space<vmem>>, vector<16xf32>,
      tpu.vector_store_idx %arg16[%get3A_268], %get3A_270 {add = true} : memref<10240xf32, #tpu.memory_space<vmem>>[vector<16xi32>], vector<16xf32>,
      %get3A_271 = arith.constant 704 : index
      %get3A_272 = tpu.vector_load %arg14[%get3A_271] {strides = array<i32>} : memref<2048xi32, #tpu.memory_space<vmem>>, vector<16xi32>,
      %get3A_273 = arith.constant 704 : index
      %get3A_274 = tpu.vector_load %arg15[%get3A_273] {strides = array<i32>} : memref<2048xf32, #tpu.memory_space<vmem>>, vector<16xf32>,
      tpu.vector_store_idx %arg16[%get3A_272], %get3A_274 {add = true} : memref<10240xf32, #tpu.memory_space<vmem>>[vector<16xi32>], vector<16xf32>,
      %get3A_275 = arith.constant 720 : index
      %get3A_276 = tpu.vector_load %arg14[%get3A_275] {strides = array<i32>} : memref<2048xi32, #tpu.memory_space<vmem>>, vector<16xi32>,
      %get3A_277 = arith.constant 720 : index
      %get3A_278 = tpu.vector_load %arg15[%get3A_277] {strides = array<i32>} : memref<2048xf32, #tpu.memory_space<vmem>>, vector<16xf32>,
      tpu.vector_store_idx %arg16[%get3A_276], %get3A_278 {add = true} : memref<10240xf32, #tpu.memory_space<vmem>>[vector<16xi32>], vector<16xf32>,
      %get3A_279 = arith.constant 736 : index
      %get3A_280 = tpu.vector_load %arg14[%get3A_279] {strides = array<i32>} : memref<2048xi32, #tpu.memory_space<vmem>>, vector<16xi32>,
      %get3A_281 = arith.constant 736 : index
      %get3A_282 = tpu.vector_load %arg15[%get3A_281] {strides = array<i32>} : memref<2048xf32, #tpu.memory_space<vmem>>, vector<16xf32>,
      tpu.vector_store_idx %arg16[%get3A_280], %get3A_282 {add = true} : memref<10240xf32, #tpu.memory_space<vmem>>[vector<16xi32>], vector<16xf32>,
      %get3A_283 = arith.constant 752 : index
      %get3A_284 = tpu.vector_load %arg14[%get3A_283] {strides = array<i32>} : memref<2048xi32, #tpu.memory_space<vmem>>, vector<16xi32>,
      %get3A_285 = arith.constant 752 : index
      %get3A_286 = tpu.vector_load %arg15[%get3A_285] {strides = array<i32>} : memref<2048xf32, #tpu.memory_space<vmem>>, vector<16xf32>,
      tpu.vector_store_idx %arg16[%get3A_284], %get3A_286 {add = true} : memref<10240xf32, #tpu.memory_space<vmem>>[vector<16xi32>], vector<16xf32>,
      %get3A_287 = arith.constant 768 : index
      %get3A_288 = tpu.vector_load %arg14[%get3A_287] {strides = array<i32>} : memref<2048xi32, #tpu.memory_space<vmem>>, vector<16xi32>,
      %get3A_289 = arith.constant 768 : index
      %get3A_290 = tpu.vector_load %arg15[%get3A_289] {strides = array<i32>} : memref<2048xf32, #tpu.memory_space<vmem>>, vector<16xf32>,
      tpu.vector_store_idx %arg16[%get3A_288], %get3A_290 {add = true} : memref<10240xf32, #tpu.memory_space<vmem>>[vector<16xi32>], vector<16xf32>,
      %get3A_291 = arith.constant 784 : index
      %get3A_292 = tpu.vector_load %arg14[%get3A_291] {strides = array<i32>} : memref<2048xi32, #tpu.memory_space<vmem>>, vector<16xi32>,
      %get3A_293 = arith.constant 784 : index
      %get3A_294 = tpu.vector_load %arg15[%get3A_293] {strides = array<i32>} : memref<2048xf32, #tpu.memory_space<vmem>>, vector<16xf32>,
      tpu.vector_store_idx %arg16[%get3A_292], %get3A_294 {add = true} : memref<10240xf32, #tpu.memory_space<vmem>>[vector<16xi32>], vector<16xf32>,
      %get3A_295 = arith.constant 800 : index
      %get3A_296 = tpu.vector_load %arg14[%get3A_295] {strides = array<i32>} : memref<2048xi32, #tpu.memory_space<vmem>>, vector<16xi32>,
      %get3A_297 = arith.constant 800 : index
      %get3A_298 = tpu.vector_load %arg15[%get3A_297] {strides = array<i32>} : memref<2048xf32, #tpu.memory_space<vmem>>, vector<16xf32>,
      tpu.vector_store_idx %arg16[%get3A_296], %get3A_298 {add = true} : memref<10240xf32, #tpu.memory_space<vmem>>[vector<16xi32>], vector<16xf32>,
      %get3A_299 = arith.constant 816 : index
      %get3A_300 = tpu.vector_load %arg14[%get3A_299] {strides = array<i32>} : memref<2048xi32, #tpu.memory_space<vmem>>, vector<16xi32>,
      %get3A_301 = arith.constant 816 : index
      %get3A_302 = tpu.vector_load %arg15[%get3A_301] {strides = array<i32>} : memref<2048xf32, #tpu.memory_space<vmem>>, vector<16xf32>,
      tpu.vector_store_idx %arg16[%get3A_300], %get3A_302 {add = true} : memref<10240xf32, #tpu.memory_space<vmem>>[vector<16xi32>], vector<16xf32>,
      %get3A_303 = arith.constant 832 : index
      %get3A_304 = tpu.vector_load %arg14[%get3A_303] {strides = array<i32>} : memref<2048xi32, #tpu.memory_space<vmem>>, vector<16xi32>,
      %get3A_305 = arith.constant 832 : index
      %get3A_306 = tpu.vector_load %arg15[%get3A_305] {strides = array<i32>} : memref<2048xf32, #tpu.memory_space<vmem>>, vector<16xf32>,
      tpu.vector_store_idx %arg16[%get3A_304], %get3A_306 {add = true} : memref<10240xf32, #tpu.memory_space<vmem>>[vector<16xi32>], vector<16xf32>,
      %get3A_307 = arith.constant 848 : index
      %get3A_308 = tpu.vector_load %arg14[%get3A_307] {strides = array<i32>} : memref<2048xi32, #tpu.memory_space<vmem>>, vector<16xi32>,
      %get3A_309 = arith.constant 848 : index
      %get3A_310 = tpu.vector_load %arg15[%get3A_309] {strides = array<i32>} : memref<2048xf32, #tpu.memory_space<vmem>>, vector<16xf32>,
      tpu.vector_store_idx %arg16[%get3A_308], %get3A_310 {add = true} : memref<10240xf32, #tpu.memory_space<vmem>>[vector<16xi32>], vector<16xf32>,
      %get3A_311 = arith.constant 864 : index
      %get3A_312 = tpu.vector_load %arg14[%get3A_311] {strides = array<i32>} : memref<2048xi32, #tpu.memory_space<vmem>>, vector<16xi32>,
      %get3A_313 = arith.constant 864 : index
      %get3A_314 = tpu.vector_load %arg15[%get3A_313] {strides = array<i32>} : memref<2048xf32, #tpu.memory_space<vmem>>, vector<16xf32>,
      tpu.vector_store_idx %arg16[%get3A_312], %get3A_314 {add = true} : memref<10240xf32, #tpu.memory_space<vmem>>[vector<16xi32>], vector<16xf32>,
      %get3A_315 = arith.constant 880 : index
      %get3A_316 = tpu.vector_load %arg14[%get3A_315] {strides = array<i32>} : memref<2048xi32, #tpu.memory_space<vmem>>, vector<16xi32>,
      %get3A_317 = arith.constant 880 : index
      %get3A_318 = tpu.vector_load %arg15[%get3A_317] {strides = array<i32>} : memref<2048xf32, #tpu.memory_space<vmem>>, vector<16xf32>,
      tpu.vector_store_idx %arg16[%get3A_316], %get3A_318 {add = true} : memref<10240xf32, #tpu.memory_space<vmem>>[vector<16xi32>], vector<16xf32>,
      %get3A_319 = arith.constant 896 : index
      %get3A_320 = tpu.vector_load %arg14[%get3A_319] {strides = array<i32>} : memref<2048xi32, #tpu.memory_space<vmem>>, vector<16xi32>,
      %get3A_321 = arith.constant 896 : index
      %get3A_322 = tpu.vector_load %arg15[%get3A_321] {strides = array<i32>} : memref<2048xf32, #tpu.memory_space<vmem>>, vector<16xf32>,
      tpu.vector_store_idx %arg16[%get3A_320], %get3A_322 {add = true} : memref<10240xf32, #tpu.memory_space<vmem>>[vector<16xi32>], vector<16xf32>,
      %get3A_323 = arith.constant 912 : index
      %get3A_324 = tpu.vector_load %arg14[%get3A_323] {strides = array<i32>} : memref<2048xi32, #tpu.memory_space<vmem>>, vector<16xi32>,
      %get3A_325 = arith.constant 912 : index
      %get3A_326 = tpu.vector_load %arg15[%get3A_325] {strides = array<i32>} : memref<2048xf32, #tpu.memory_space<vmem>>, vector<16xf32>,
      tpu.vector_store_idx %arg16[%get3A_324], %get3A_326 {add = true} : memref<10240xf32, #tpu.memory_space<vmem>>[vector<16xi32>], vector<16xf32>,
      %get3A_327 = arith.constant 928 : index
      %get3A_328 = tpu.vector_load %arg14[%get3A_327] {strides = array<i32>} : memref<2048xi32, #tpu.memory_space<vmem>>, vector<16xi32>,
      %get3A_329 = arith.constant 928 : index
      %get3A_330 = tpu.vector_load %arg15[%get3A_329] {strides = array<i32>} : memref<2048xf32, #tpu.memory_space<vmem>>, vector<16xf32>,
      tpu.vector_store_idx %arg16[%get3A_328], %get3A_330 {add = true} : memref<10240xf32, #tpu.memory_space<vmem>>[vector<16xi32>], vector<16xf32>,
      %get3A_331 = arith.constant 944 : index
      %get3A_332 = tpu.vector_load %arg14[%get3A_331] {strides = array<i32>} : memref<2048xi32, #tpu.memory_space<vmem>>, vector<16xi32>,
      %get3A_333 = arith.constant 944 : index
      %get3A_334 = tpu.vector_load %arg15[%get3A_333] {strides = array<i32>} : memref<2048xf32, #tpu.memory_space<vmem>>, vector<16xf32>,
      tpu.vector_store_idx %arg16[%get3A_332], %get3A_334 {add = true} : memref<10240xf32, #tpu.memory_space<vmem>>[vector<16xi32>], vector<16xf32>,
      %get3A_335 = arith.constant 960 : index
      %get3A_336 = tpu.vector_load %arg14[%get3A_335] {strides = array<i32>} : memref<2048xi32, #tpu.memory_space<vmem>>, vector<16xi32>,
      %get3A_337 = arith.constant 960 : index
      %get3A_338 = tpu.vector_load %arg15[%get3A_337] {strides = array<i32>} : memref<2048xf32, #tpu.memory_space<vmem>>, vector<16xf32>,
      tpu.vector_store_idx %arg16[%get3A_336], %get3A_338 {add = true} : memref<10240xf32, #tpu.memory_space<vmem>>[vector<16xi32>], vector<16xf32>,
      %get3A_339 = arith.constant 976 : index
      %get3A_340 = tpu.vector_load %arg14[%get3A_339] {strides = array<i32>} : memref<2048xi32, #tpu.memory_space<vmem>>, vector<16xi32>,
      %get3A_341 = arith.constant 976 : index
      %get3A_342 = tpu.vector_load %arg15[%get3A_341] {strides = array<i32>} : memref<2048xf32, #tpu.memory_space<vmem>>, vector<16xf32>,
      tpu.vector_store_idx %arg16[%get3A_340], %get3A_342 {add = true} : memref<10240xf32, #tpu.memory_space<vmem>>[vector<16xi32>], vector<16xf32>,
      %get3A_343 = arith.constant 992 : index
      %get3A_344 = tpu.vector_load %arg14[%get3A_343] {strides = array<i32>} : memref<2048xi32, #tpu.memory_space<vmem>>, vector<16xi32>,
      %get3A_345 = arith.constant 992 : index
      %get3A_346 = tpu.vector_load %arg15[%get3A_345] {strides = array<i32>} : memref<2048xf32, #tpu.memory_space<vmem>>, vector<16xf32>,
      tpu.vector_store_idx %arg16[%get3A_344], %get3A_346 {add = true} : memref<10240xf32, #tpu.memory_space<vmem>>[vector<16xi32>], vector<16xf32>,
      %get3A_347 = arith.constant 1008 : index
      %get3A_348 = tpu.vector_load %arg14[%get3A_347] {strides = array<i32>} : memref<2048xi32, #tpu.memory_space<vmem>>, vector<16xi32>,
      %get3A_349 = arith.constant 1008 : index
      %get3A_350 = tpu.vector_load %arg15[%get3A_349] {strides = array<i32>} : memref<2048xf32, #tpu.memory_space<vmem>>, vector<16xf32>,
      tpu.vector_store_idx %arg16[%get3A_348], %get3A_350 {add = true} : memref<10240xf32, #tpu.memory_space<vmem>>[vector<16xi32>], vector<16xf32>,
      %get3A_351 = arith.constant 1024 : index
      %get3A_352 = tpu.vector_load %arg14[%get3A_351] {strides = array<i32>} : memref<2048xi32, #tpu.memory_space<vmem>>, vector<16xi32>,
      %get3A_353 = arith.constant 1024 : index
      %get3A_354 = tpu.vector_load %arg15[%get3A_353] {strides = array<i32>} : memref<2048xf32, #tpu.memory_space<vmem>>, vector<16xf32>,
      tpu.vector_store_idx %arg16[%get3A_352], %get3A_354 {add = true} : memref<10240xf32, #tpu.memory_space<vmem>>[vector<16xi32>], vector<16xf32>,
      %get3A_355 = arith.constant 1040 : index
      %get3A_356 = tpu.vector_load %arg14[%get3A_355] {strides = array<i32>} : memref<2048xi32, #tpu.memory_space<vmem>>, vector<16xi32>,
      %get3A_357 = arith.constant 1040 : index
      %get3A_358 = tpu.vector_load %arg15[%get3A_357] {strides = array<i32>} : memref<2048xf32, #tpu.memory_space<vmem>>, vector<16xf32>,
      tpu.vector_store_idx %arg16[%get3A_356], %get3A_358 {add = true} : memref<10240xf32, #tpu.memory_space<vmem>>[vector<16xi32>], vector<16xf32>,
      %get3A_359 = arith.constant 1056 : index
      %get3A_360 = tpu.vector_load %arg14[%get3A_359] {strides = array<i32>} : memref<2048xi32, #tpu.memory_space<vmem>>, vector<16xi32>,
      %get3A_361 = arith.constant 1056 : index
      %get3A_362 = tpu.vector_load %arg15[%get3A_361] {strides = array<i32>} : memref<2048xf32, #tpu.memory_space<vmem>>, vector<16xf32>,
      tpu.vector_store_idx %arg16[%get3A_360], %get3A_362 {add = true} : memref<10240xf32, #tpu.memory_space<vmem>>[vector<16xi32>], vector<16xf32>,
      %get3A_363 = arith.constant 1072 : index
      %get3A_364 = tpu.vector_load %arg14[%get3A_363] {strides = array<i32>} : memref<2048xi32, #tpu.memory_space<vmem>>, vector<16xi32>,
      %get3A_365 = arith.constant 1072 : index
      %get3A_366 = tpu.vector_load %arg15[%get3A_365] {strides = array<i32>} : memref<2048xf32, #tpu.memory_space<vmem>>, vector<16xf32>,
      tpu.vector_store_idx %arg16[%get3A_364], %get3A_366 {add = true} : memref<10240xf32, #tpu.memory_space<vmem>>[vector<16xi32>], vector<16xf32>,
      %get3A_367 = arith.constant 1088 : index
      %get3A_368 = tpu.vector_load %arg14[%get3A_367] {strides = array<i32>} : memref<2048xi32, #tpu.memory_space<vmem>>, vector<16xi32>,
      %get3A_369 = arith.constant 1088 : index
      %get3A_370 = tpu.vector_load %arg15[%get3A_369] {strides = array<i32>} : memref<2048xf32, #tpu.memory_space<vmem>>, vector<16xf32>,
      tpu.vector_store_idx %arg16[%get3A_368], %get3A_370 {add = true} : memref<10240xf32, #tpu.memory_space<vmem>>[vector<16xi32>], vector<16xf32>,
      %get3A_371 = arith.constant 1104 : index
      %get3A_372 = tpu.vector_load %arg14[%get3A_371] {strides = array<i32>} : memref<2048xi32, #tpu.memory_space<vmem>>, vector<16xi32>,
      %get3A_373 = arith.constant 1104 : index
      %get3A_374 = tpu.vector_load %arg15[%get3A_373] {strides = array<i32>} : memref<2048xf32, #tpu.memory_space<vmem>>, vector<16xf32>,
      tpu.vector_store_idx %arg16[%get3A_372], %get3A_374 {add = true} : memref<10240xf32, #tpu.memory_space<vmem>>[vector<16xi32>], vector<16xf32>,
      %get3A_375 = arith.constant 1120 : index
      %get3A_376 = tpu.vector_load %arg14[%get3A_375] {strides = array<i32>} : memref<2048xi32, #tpu.memory_space<vmem>>, vector<16xi32>,
      %get3A_377 = arith.constant 1120 : index
      %get3A_378 = tpu.vector_load %arg15[%get3A_377] {strides = array<i32>} : memref<2048xf32, #tpu.memory_space<vmem>>, vector<16xf32>,
      tpu.vector_store_idx %arg16[%get3A_376], %get3A_378 {add = true} : memref<10240xf32, #tpu.memory_space<vmem>>[vector<16xi32>], vector<16xf32>,
      %get3A_379 = arith.constant 1136 : index
      %get3A_380 = tpu.vector_load %arg14[%get3A_379] {strides = array<i32>} : memref<2048xi32, #tpu.memory_space<vmem>>, vector<16xi32>,
      %get3A_381 = arith.constant 1136 : index
      %get3A_382 = tpu.vector_load %arg15[%get3A_381] {strides = array<i32>} : memref<2048xf32, #tpu.memory_space<vmem>>, vector<16xf32>,
      tpu.vector_store_idx %arg16[%get3A_380], %get3A_382 {add = true} : memref<10240xf32, #tpu.memory_space<vmem>>[vector<16xi32>], vector<16xf32>,
      %get3A_383 = arith.constant 1152 : index
      %get3A_384 = tpu.vector_load %arg14[%get3A_383] {strides = array<i32>} : memref<2048xi32, #tpu.memory_space<vmem>>, vector<16xi32>,
      %get3A_385 = arith.constant 1152 : index
      %get3A_386 = tpu.vector_load %arg15[%get3A_385] {strides = array<i32>} : memref<2048xf32, #tpu.memory_space<vmem>>, vector<16xf32>,
      tpu.vector_store_idx %arg16[%get3A_384], %get3A_386 {add = true} : memref<10240xf32, #tpu.memory_space<vmem>>[vector<16xi32>], vector<16xf32>,
      %get3A_387 = arith.constant 1168 : index
      %get3A_388 = tpu.vector_load %arg14[%get3A_387] {strides = array<i32>} : memref<2048xi32, #tpu.memory_space<vmem>>, vector<16xi32>,
      %get3A_389 = arith.constant 1168 : index
      %get3A_390 = tpu.vector_load %arg15[%get3A_389] {strides = array<i32>} : memref<2048xf32, #tpu.memory_space<vmem>>, vector<16xf32>,
      tpu.vector_store_idx %arg16[%get3A_388], %get3A_390 {add = true} : memref<10240xf32, #tpu.memory_space<vmem>>[vector<16xi32>], vector<16xf32>,
      %get3A_391 = arith.constant 1184 : index
      %get3A_392 = tpu.vector_load %arg14[%get3A_391] {strides = array<i32>} : memref<2048xi32, #tpu.memory_space<vmem>>, vector<16xi32>,
      %get3A_393 = arith.constant 1184 : index
      %get3A_394 = tpu.vector_load %arg15[%get3A_393] {strides = array<i32>} : memref<2048xf32, #tpu.memory_space<vmem>>, vector<16xf32>,
      tpu.vector_store_idx %arg16[%get3A_392], %get3A_394 {add = true} : memref<10240xf32, #tpu.memory_space<vmem>>[vector<16xi32>], vector<16xf32>,
      %get3A_395 = arith.constant 1200 : index
      %get3A_396 = tpu.vector_load %arg14[%get3A_395] {strides = array<i32>} : memref<2048xi32, #tpu.memory_space<vmem>>, vector<16xi32>,
      %get3A_397 = arith.constant 1200 : index
      %get3A_398 = tpu.vector_load %arg15[%get3A_397] {strides = array<i32>} : memref<2048xf32, #tpu.memory_space<vmem>>, vector<16xf32>,
      tpu.vector_store_idx %arg16[%get3A_396], %get3A_398 {add = true} : memref<10240xf32, #tpu.memory_space<vmem>>[vector<16xi32>], vector<16xf32>,
      %get3A_399 = arith.constant 1216 : index
      %get3A_400 = tpu.vector_load %arg14[%get3A_399] {strides = array<i32>} : memref<2048xi32, #tpu.memory_space<vmem>>, vector<16xi32>,
      %get3A_401 = arith.constant 1216 : index
      %get3A_402 = tpu.vector_load %arg15[%get3A_401] {strides = array<i32>} : memref<2048xf32, #tpu.memory_space<vmem>>, vector<16xf32>,
      tpu.vector_store_idx %arg16[%get3A_400], %get3A_402 {add = true} : memref<10240xf32, #tpu.memory_space<vmem>>[vector<16xi32>], vector<16xf32>,
      %get3A_403 = arith.constant 1232 : index
      %get3A_404 = tpu.vector_load %arg14[%get3A_403] {strides = array<i32>} : memref<2048xi32, #tpu.memory_space<vmem>>, vector<16xi32>,
      %get3A_405 = arith.constant 1232 : index
      %get3A_406 = tpu.vector_load %arg15[%get3A_405] {strides = array<i32>} : memref<2048xf32, #tpu.memory_space<vmem>>, vector<16xf32>,
      tpu.vector_store_idx %arg16[%get3A_404], %get3A_406 {add = true} : memref<10240xf32, #tpu.memory_space<vmem>>[vector<16xi32>], vector<16xf32>,
      %get3A_407 = arith.constant 1248 : index
      %get3A_408 = tpu.vector_load %arg14[%get3A_407] {strides = array<i32>} : memref<2048xi32, #tpu.memory_space<vmem>>, vector<16xi32>,
      %get3A_409 = arith.constant 1248 : index
      %get3A_410 = tpu.vector_load %arg15[%get3A_409] {strides = array<i32>} : memref<2048xf32, #tpu.memory_space<vmem>>, vector<16xf32>,
      tpu.vector_store_idx %arg16[%get3A_408], %get3A_410 {add = true} : memref<10240xf32, #tpu.memory_space<vmem>>[vector<16xi32>], vector<16xf32>,
      %get3A_411 = arith.constant 1264 : index
      %get3A_412 = tpu.vector_load %arg14[%get3A_411] {strides = array<i32>} : memref<2048xi32, #tpu.memory_space<vmem>>, vector<16xi32>,
      %get3A_413 = arith.constant 1264 : index
      %get3A_414 = tpu.vector_load %arg15[%get3A_413] {strides = array<i32>} : memref<2048xf32, #tpu.memory_space<vmem>>, vector<16xf32>,
      tpu.vector_store_idx %arg16[%get3A_412], %get3A_414 {add = true} : memref<10240xf32, #tpu.memory_space<vmem>>[vector<16xi32>], vector<16xf32>,
      %get3A_415 = arith.constant 1280 : index
      %get3A_416 = tpu.vector_load %arg14[%get3A_415] {strides = array<i32>} : memref<2048xi32, #tpu.memory_space<vmem>>, vector<16xi32>,
      %get3A_417 = arith.constant 1280 : index
      %get3A_418 = tpu.vector_load %arg15[%get3A_417] {strides = array<i32>} : memref<2048xf32, #tpu.memory_space<vmem>>, vector<16xf32>,
      tpu.vector_store_idx %arg16[%get3A_416], %get3A_418 {add = true} : memref<10240xf32, #tpu.memory_space<vmem>>[vector<16xi32>], vector<16xf32>,
      %get3A_419 = arith.constant 1296 : index
      %get3A_420 = tpu.vector_load %arg14[%get3A_419] {strides = array<i32>} : memref<2048xi32, #tpu.memory_space<vmem>>, vector<16xi32>,
      %get3A_421 = arith.constant 1296 : index
      %get3A_422 = tpu.vector_load %arg15[%get3A_421] {strides = array<i32>} : memref<2048xf32, #tpu.memory_space<vmem>>, vector<16xf32>,
      tpu.vector_store_idx %arg16[%get3A_420], %get3A_422 {add = true} : memref<10240xf32, #tpu.memory_space<vmem>>[vector<16xi32>], vector<16xf32>,
      %get3A_423 = arith.constant 1312 : index
      %get3A_424 = tpu.vector_load %arg14[%get3A_423] {strides = array<i32>} : memref<2048xi32, #tpu.memory_space<vmem>>, vector<16xi32>,
      %get3A_425 = arith.constant 1312 : index
      %get3A_426 = tpu.vector_load %arg15[%get3A_425] {strides = array<i32>} : memref<2048xf32, #tpu.memory_space<vmem>>, vector<16xf32>,
      tpu.vector_store_idx %arg16[%get3A_424], %get3A_426 {add = true} : memref<10240xf32, #tpu.memory_space<vmem>>[vector<16xi32>], vector<16xf32>,
      %get3A_427 = arith.constant 1328 : index
      %get3A_428 = tpu.vector_load %arg14[%get3A_427] {strides = array<i32>} : memref<2048xi32, #tpu.memory_space<vmem>>, vector<16xi32>,
      %get3A_429 = arith.constant 1328 : index
      %get3A_430 = tpu.vector_load %arg15[%get3A_429] {strides = array<i32>} : memref<2048xf32, #tpu.memory_space<vmem>>, vector<16xf32>,
      tpu.vector_store_idx %arg16[%get3A_428], %get3A_430 {add = true} : memref<10240xf32, #tpu.memory_space<vmem>>[vector<16xi32>], vector<16xf32>,
      %get3A_431 = arith.constant 1344 : index
      %get3A_432 = tpu.vector_load %arg14[%get3A_431] {strides = array<i32>} : memref<2048xi32, #tpu.memory_space<vmem>>, vector<16xi32>,
      %get3A_433 = arith.constant 1344 : index
      %get3A_434 = tpu.vector_load %arg15[%get3A_433] {strides = array<i32>} : memref<2048xf32, #tpu.memory_space<vmem>>, vector<16xf32>,
      tpu.vector_store_idx %arg16[%get3A_432], %get3A_434 {add = true} : memref<10240xf32, #tpu.memory_space<vmem>>[vector<16xi32>], vector<16xf32>,
      %get3A_435 = arith.constant 1360 : index
      %get3A_436 = tpu.vector_load %arg14[%get3A_435] {strides = array<i32>} : memref<2048xi32, #tpu.memory_space<vmem>>, vector<16xi32>,
      %get3A_437 = arith.constant 1360 : index
      %get3A_438 = tpu.vector_load %arg15[%get3A_437] {strides = array<i32>} : memref<2048xf32, #tpu.memory_space<vmem>>, vector<16xf32>,
      tpu.vector_store_idx %arg16[%get3A_436], %get3A_438 {add = true} : memref<10240xf32, #tpu.memory_space<vmem>>[vector<16xi32>], vector<16xf32>,
      %get3A_439 = arith.constant 1376 : index
      %get3A_440 = tpu.vector_load %arg14[%get3A_439] {strides = array<i32>} : memref<2048xi32, #tpu.memory_space<vmem>>, vector<16xi32>,
      %get3A_441 = arith.constant 1376 : index
      %get3A_442 = tpu.vector_load %arg15[%get3A_441] {strides = array<i32>} : memref<2048xf32, #tpu.memory_space<vmem>>, vector<16xf32>,
      tpu.vector_store_idx %arg16[%get3A_440], %get3A_442 {add = true} : memref<10240xf32, #tpu.memory_space<vmem>>[vector<16xi32>], vector<16xf32>,
      %get3A_443 = arith.constant 1392 : index
      %get3A_444 = tpu.vector_load %arg14[%get3A_443] {strides = array<i32>} : memref<2048xi32, #tpu.memory_space<vmem>>, vector<16xi32>,
      %get3A_445 = arith.constant 1392 : index
      %get3A_446 = tpu.vector_load %arg15[%get3A_445] {strides = array<i32>} : memref<2048xf32, #tpu.memory_space<vmem>>, vector<16xf32>,
      tpu.vector_store_idx %arg16[%get3A_444], %get3A_446 {add = true} : memref<10240xf32, #tpu.memory_space<vmem>>[vector<16xi32>], vector<16xf32>,
      %get3A_447 = arith.constant 1408 : index
      %get3A_448 = tpu.vector_load %arg14[%get3A_447] {strides = array<i32>} : memref<2048xi32, #tpu.memory_space<vmem>>, vector<16xi32>,
      %get3A_449 = arith.constant 1408 : index
      %get3A_450 = tpu.vector_load %arg15[%get3A_449] {strides = array<i32>} : memref<2048xf32, #tpu.memory_space<vmem>>, vector<16xf32>,
      tpu.vector_store_idx %arg16[%get3A_448], %get3A_450 {add = true} : memref<10240xf32, #tpu.memory_space<vmem>>[vector<16xi32>], vector<16xf32>,
      %get3A_451 = arith.constant 1424 : index
      %get3A_452 = tpu.vector_load %arg14[%get3A_451] {strides = array<i32>} : memref<2048xi32, #tpu.memory_space<vmem>>, vector<16xi32>,
      %get3A_453 = arith.constant 1424 : index
      %get3A_454 = tpu.vector_load %arg15[%get3A_453] {strides = array<i32>} : memref<2048xf32, #tpu.memory_space<vmem>>, vector<16xf32>,
      tpu.vector_store_idx %arg16[%get3A_452], %get3A_454 {add = true} : memref<10240xf32, #tpu.memory_space<vmem>>[vector<16xi32>], vector<16xf32>,
      %get3A_455 = arith.constant 1440 : index
      %get3A_456 = tpu.vector_load %arg14[%get3A_455] {strides = array<i32>} : memref<2048xi32, #tpu.memory_space<vmem>>, vector<16xi32>,
      %get3A_457 = arith.constant 1440 : index
      %get3A_458 = tpu.vector_load %arg15[%get3A_457] {strides = array<i32>} : memref<2048xf32, #tpu.memory_space<vmem>>, vector<16xf32>,
      tpu.vector_store_idx %arg16[%get3A_456], %get3A_458 {add = true} : memref<10240xf32, #tpu.memory_space<vmem>>[vector<16xi32>], vector<16xf32>,
      %get3A_459 = arith.constant 1456 : index
      %get3A_460 = tpu.vector_load %arg14[%get3A_459] {strides = array<i32>} : memref<2048xi32, #tpu.memory_space<vmem>>, vector<16xi32>,
      %get3A_461 = arith.constant 1456 : index
      %get3A_462 = tpu.vector_load %arg15[%get3A_461] {strides = array<i32>} : memref<2048xf32, #tpu.memory_space<vmem>>, vector<16xf32>,
      tpu.vector_store_idx %arg16[%get3A_460], %get3A_462 {add = true} : memref<10240xf32, #tpu.memory_space<vmem>>[vector<16xi32>], vector<16xf32>,
      %get3A_463 = arith.constant 1472 : index
      %get3A_464 = tpu.vector_load %arg14[%get3A_463] {strides = array<i32>} : memref<2048xi32, #tpu.memory_space<vmem>>, vector<16xi32>,
      %get3A_465 = arith.constant 1472 : index
      %get3A_466 = tpu.vector_load %arg15[%get3A_465] {strides = array<i32>} : memref<2048xf32, #tpu.memory_space<vmem>>, vector<16xf32>,
      tpu.vector_store_idx %arg16[%get3A_464], %get3A_466 {add = true} : memref<10240xf32, #tpu.memory_space<vmem>>[vector<16xi32>], vector<16xf32>,
      %get3A_467 = arith.constant 1488 : index
      %get3A_468 = tpu.vector_load %arg14[%get3A_467] {strides = array<i32>} : memref<2048xi32, #tpu.memory_space<vmem>>, vector<16xi32>,
      %get3A_469 = arith.constant 1488 : index
      %get3A_470 = tpu.vector_load %arg15[%get3A_469] {strides = array<i32>} : memref<2048xf32, #tpu.memory_space<vmem>>, vector<16xf32>,
      tpu.vector_store_idx %arg16[%get3A_468], %get3A_470 {add = true} : memref<10240xf32, #tpu.memory_space<vmem>>[vector<16xi32>], vector<16xf32>,
      %get3A_471 = arith.constant 1504 : index
      %get3A_472 = tpu.vector_load %arg14[%get3A_471] {strides = array<i32>} : memref<2048xi32, #tpu.memory_space<vmem>>, vector<16xi32>,
      %get3A_473 = arith.constant 1504 : index
      %get3A_474 = tpu.vector_load %arg15[%get3A_473] {strides = array<i32>} : memref<2048xf32, #tpu.memory_space<vmem>>, vector<16xf32>,
      tpu.vector_store_idx %arg16[%get3A_472], %get3A_474 {add = true} : memref<10240xf32, #tpu.memory_space<vmem>>[vector<16xi32>], vector<16xf32>,
      %get3A_475 = arith.constant 1520 : index
      %get3A_476 = tpu.vector_load %arg14[%get3A_475] {strides = array<i32>} : memref<2048xi32, #tpu.memory_space<vmem>>, vector<16xi32>,
      %get3A_477 = arith.constant 1520 : index
      %get3A_478 = tpu.vector_load %arg15[%get3A_477] {strides = array<i32>} : memref<2048xf32, #tpu.memory_space<vmem>>, vector<16xf32>,
      tpu.vector_store_idx %arg16[%get3A_476], %get3A_478 {add = true} : memref<10240xf32, #tpu.memory_space<vmem>>[vector<16xi32>], vector<16xf32>,
      %get3A_479 = arith.constant 1536 : index
      %get3A_480 = tpu.vector_load %arg14[%get3A_479] {strides = array<i32>} : memref<2048xi32, #tpu.memory_space<vmem>>, vector<16xi32>,
      %get3A_481 = arith.constant 1536 : index
      %get3A_482 = tpu.vector_load %arg15[%get3A_481] {strides = array<i32>} : memref<2048xf32, #tpu.memory_space<vmem>>, vector<16xf32>,
      tpu.vector_store_idx %arg16[%get3A_480], %get3A_482 {add = true} : memref<10240xf32, #tpu.memory_space<vmem>>[vector<16xi32>], vector<16xf32>,
      %get3A_483 = arith.constant 1552 : index
      %get3A_484 = tpu.vector_load %arg14[%get3A_483] {strides = array<i32>} : memref<2048xi32, #tpu.memory_space<vmem>>, vector<16xi32>,
      %get3A_485 = arith.constant 1552 : index
      %get3A_486 = tpu.vector_load %arg15[%get3A_485] {strides = array<i32>} : memref<2048xf32, #tpu.memory_space<vmem>>, vector<16xf32>,
      tpu.vector_store_idx %arg16[%get3A_484], %get3A_486 {add = true} : memref<10240xf32, #tpu.memory_space<vmem>>[vector<16xi32>], vector<16xf32>,
      %get3A_487 = arith.constant 1568 : index
      %get3A_488 = tpu.vector_load %arg14[%get3A_487] {strides = array<i32>} : memref<2048xi32, #tpu.memory_space<vmem>>, vector<16xi32>,
      %get3A_489 = arith.constant 1568 : index
      %get3A_490 = tpu.vector_load %arg15[%get3A_489] {strides = array<i32>} : memref<2048xf32, #tpu.memory_space<vmem>>, vector<16xf32>,
      tpu.vector_store_idx %arg16[%get3A_488], %get3A_490 {add = true} : memref<10240xf32, #tpu.memory_space<vmem>>[vector<16xi32>], vector<16xf32>,
      %get3A_491 = arith.constant 1584 : index
      %get3A_492 = tpu.vector_load %arg14[%get3A_491] {strides = array<i32>} : memref<2048xi32, #tpu.memory_space<vmem>>, vector<16xi32>,
      %get3A_493 = arith.constant 1584 : index
      %get3A_494 = tpu.vector_load %arg15[%get3A_493] {strides = array<i32>} : memref<2048xf32, #tpu.memory_space<vmem>>, vector<16xf32>,
      tpu.vector_store_idx %arg16[%get3A_492], %get3A_494 {add = true} : memref<10240xf32, #tpu.memory_space<vmem>>[vector<16xi32>], vector<16xf32>,
      %get3A_495 = arith.constant 1600 : index
      %get3A_496 = tpu.vector_load %arg14[%get3A_495] {strides = array<i32>} : memref<2048xi32, #tpu.memory_space<vmem>>, vector<16xi32>,
      %get3A_497 = arith.constant 1600 : index
      %get3A_498 = tpu.vector_load %arg15[%get3A_497] {strides = array<i32>} : memref<2048xf32, #tpu.memory_space<vmem>>, vector<16xf32>,
      tpu.vector_store_idx %arg16[%get3A_496], %get3A_498 {add = true} : memref<10240xf32, #tpu.memory_space<vmem>>[vector<16xi32>], vector<16xf32>,
      %get3A_499 = arith.constant 1616 : index
      %get3A_500 = tpu.vector_load %arg14[%get3A_499] {strides = array<i32>} : memref<2048xi32, #tpu.memory_space<vmem>>, vector<16xi32>,
      %get3A_501 = arith.constant 1616 : index
      %get3A_502 = tpu.vector_load %arg15[%get3A_501] {strides = array<i32>} : memref<2048xf32, #tpu.memory_space<vmem>>, vector<16xf32>,
      tpu.vector_store_idx %arg16[%get3A_500], %get3A_502 {add = true} : memref<10240xf32, #tpu.memory_space<vmem>>[vector<16xi32>], vector<16xf32>,
      %get3A_503 = arith.constant 1632 : index
      %get3A_504 = tpu.vector_load %arg14[%get3A_503] {strides = array<i32>} : memref<2048xi32, #tpu.memory_space<vmem>>, vector<16xi32>,
      %get3A_505 = arith.constant 1632 : index
      %get3A_506 = tpu.vector_load %arg15[%get3A_505] {strides = array<i32>} : memref<2048xf32, #tpu.memory_space<vmem>>, vector<16xf32>,
      tpu.vector_store_idx %arg16[%get3A_504], %get3A_506 {add = true} : memref<10240xf32, #tpu.memory_space<vmem>>[vector<16xi32>], vector<16xf32>,
      %get3A_507 = arith.constant 1648 : index
      %get3A_508 = tpu.vector_load %arg14[%get3A_507] {strides = array<i32>} : memref<2048xi32, #tpu.memory_space<vmem>>, vector<16xi32>,
      %get3A_509 = arith.constant 1648 : index
      %get3A_510 = tpu.vector_load %arg15[%get3A_509] {strides = array<i32>} : memref<2048xf32, #tpu.memory_space<vmem>>, vector<16xf32>,
      tpu.vector_store_idx %arg16[%get3A_508], %get3A_510 {add = true} : memref<10240xf32, #tpu.memory_space<vmem>>[vector<16xi32>], vector<16xf32>,
      %get3A_511 = arith.constant 1664 : index
      %get3A_512 = tpu.vector_load %arg14[%get3A_511] {strides = array<i32>} : memref<2048xi32, #tpu.memory_space<vmem>>, vector<16xi32>,
      %get3A_513 = arith.constant 1664 : index
      %get3A_514 = tpu.vector_load %arg15[%get3A_513] {strides = array<i32>} : memref<2048xf32, #tpu.memory_space<vmem>>, vector<16xf32>,
      tpu.vector_store_idx %arg16[%get3A_512], %get3A_514 {add = true} : memref<10240xf32, #tpu.memory_space<vmem>>[vector<16xi32>], vector<16xf32>,
      %get3A_515 = arith.constant 1680 : index
      %get3A_516 = tpu.vector_load %arg14[%get3A_515] {strides = array<i32>} : memref<2048xi32, #tpu.memory_space<vmem>>, vector<16xi32>,
      %get3A_517 = arith.constant 1680 : index
      %get3A_518 = tpu.vector_load %arg15[%get3A_517] {strides = array<i32>} : memref<2048xf32, #tpu.memory_space<vmem>>, vector<16xf32>,
      tpu.vector_store_idx %arg16[%get3A_516], %get3A_518 {add = true} : memref<10240xf32, #tpu.memory_space<vmem>>[vector<16xi32>], vector<16xf32>,
      %get3A_519 = arith.constant 1696 : index
      %get3A_520 = tpu.vector_load %arg14[%get3A_519] {strides = array<i32>} : memref<2048xi32, #tpu.memory_space<vmem>>, vector<16xi32>,
      %get3A_521 = arith.constant 1696 : index
      %get3A_522 = tpu.vector_load %arg15[%get3A_521] {strides = array<i32>} : memref<2048xf32, #tpu.memory_space<vmem>>, vector<16xf32>,
      tpu.vector_store_idx %arg16[%get3A_520], %get3A_522 {add = true} : memref<10240xf32, #tpu.memory_space<vmem>>[vector<16xi32>], vector<16xf32>,
      %get3A_523 = arith.constant 1712 : index
      %get3A_524 = tpu.vector_load %arg14[%get3A_523] {strides = array<i32>} : memref<2048xi32, #tpu.memory_space<vmem>>, vector<16xi32>,
      %get3A_525 = arith.constant 1712 : index
      %get3A_526 = tpu.vector_load %arg15[%get3A_525] {strides = array<i32>} : memref<2048xf32, #tpu.memory_space<vmem>>, vector<16xf32>,
      tpu.vector_store_idx %arg16[%get3A_524], %get3A_526 {add = true} : memref<10240xf32, #tpu.memory_space<vmem>>[vector<16xi32>], vector<16xf32>,
      %get3A_527 = arith.constant 1728 : index
      %get3A_528 = tpu.vector_load %arg14[%get3A_527] {strides = array<i32>} : memref<2048xi32, #tpu.memory_space<vmem>>, vector<16xi32>,
      %get3A_529 = arith.constant 1728 : index
      %get3A_530 = tpu.vector_load %arg15[%get3A_529] {strides = array<i32>} : memref<2048xf32, #tpu.memory_space<vmem>>, vector<16xf32>,
      tpu.vector_store_idx %arg16[%get3A_528], %get3A_530 {add = true} : memref<10240xf32, #tpu.memory_space<vmem>>[vector<16xi32>], vector<16xf32>,
      %get3A_531 = arith.constant 1744 : index
      %get3A_532 = tpu.vector_load %arg14[%get3A_531] {strides = array<i32>} : memref<2048xi32, #tpu.memory_space<vmem>>, vector<16xi32>,
      %get3A_533 = arith.constant 1744 : index
      %get3A_534 = tpu.vector_load %arg15[%get3A_533] {strides = array<i32>} : memref<2048xf32, #tpu.memory_space<vmem>>, vector<16xf32>,
      tpu.vector_store_idx %arg16[%get3A_532], %get3A_534 {add = true} : memref<10240xf32, #tpu.memory_space<vmem>>[vector<16xi32>], vector<16xf32>,
      %get3A_535 = arith.constant 1760 : index
      %get3A_536 = tpu.vector_load %arg14[%get3A_535] {strides = array<i32>} : memref<2048xi32, #tpu.memory_space<vmem>>, vector<16xi32>,
      %get3A_537 = arith.constant 1760 : index
      %get3A_538 = tpu.vector_load %arg15[%get3A_537] {strides = array<i32>} : memref<2048xf32, #tpu.memory_space<vmem>>, vector<16xf32>,
      tpu.vector_store_idx %arg16[%get3A_536], %get3A_538 {add = true} : memref<10240xf32, #tpu.memory_space<vmem>>[vector<16xi32>], vector<16xf32>,
      %get3A_539 = arith.constant 1776 : index
      %get3A_540 = tpu.vector_load %arg14[%get3A_539] {strides = array<i32>} : memref<2048xi32, #tpu.memory_space<vmem>>, vector<16xi32>,
      %get3A_541 = arith.constant 1776 : index
      %get3A_542 = tpu.vector_load %arg15[%get3A_541] {strides = array<i32>} : memref<2048xf32, #tpu.memory_space<vmem>>, vector<16xf32>,
      tpu.vector_store_idx %arg16[%get3A_540], %get3A_542 {add = true} : memref<10240xf32, #tpu.memory_space<vmem>>[vector<16xi32>], vector<16xf32>,
      %get3A_543 = arith.constant 1792 : index
      %get3A_544 = tpu.vector_load %arg14[%get3A_543] {strides = array<i32>} : memref<2048xi32, #tpu.memory_space<vmem>>, vector<16xi32>,
      %get3A_545 = arith.constant 1792 : index
      %get3A_546 = tpu.vector_load %arg15[%get3A_545] {strides = array<i32>} : memref<2048xf32, #tpu.memory_space<vmem>>, vector<16xf32>,
      tpu.vector_store_idx %arg16[%get3A_544], %get3A_546 {add = true} : memref<10240xf32, #tpu.memory_space<vmem>>[vector<16xi32>], vector<16xf32>,
      %get3A_547 = arith.constant 1808 : index
      %get3A_548 = tpu.vector_load %arg14[%get3A_547] {strides = array<i32>} : memref<2048xi32, #tpu.memory_space<vmem>>, vector<16xi32>,
      %get3A_549 = arith.constant 1808 : index
      %get3A_550 = tpu.vector_load %arg15[%get3A_549] {strides = array<i32>} : memref<2048xf32, #tpu.memory_space<vmem>>, vector<16xf32>,
      tpu.vector_store_idx %arg16[%get3A_548], %get3A_550 {add = true} : memref<10240xf32, #tpu.memory_space<vmem>>[vector<16xi32>], vector<16xf32>,
      %get3A_551 = arith.constant 1824 : index
      %get3A_552 = tpu.vector_load %arg14[%get3A_551] {strides = array<i32>} : memref<2048xi32, #tpu.memory_space<vmem>>, vector<16xi32>,
      %get3A_553 = arith.constant 1824 : index
      %get3A_554 = tpu.vector_load %arg15[%get3A_553] {strides = array<i32>} : memref<2048xf32, #tpu.memory_space<vmem>>, vector<16xf32>,
      tpu.vector_store_idx %arg16[%get3A_552], %get3A_554 {add = true} : memref<10240xf32, #tpu.memory_space<vmem>>[vector<16xi32>], vector<16xf32>,
      %get3A_555 = arith.constant 1840 : index
      %get3A_556 = tpu.vector_load %arg14[%get3A_555] {strides = array<i32>} : memref<2048xi32, #tpu.memory_space<vmem>>, vector<16xi32>,
      %get3A_557 = arith.constant 1840 : index
      %get3A_558 = tpu.vector_load %arg15[%get3A_557] {strides = array<i32>} : memref<2048xf32, #tpu.memory_space<vmem>>, vector<16xf32>,
      tpu.vector_store_idx %arg16[%get3A_556], %get3A_558 {add = true} : memref<10240xf32, #tpu.memory_space<vmem>>[vector<16xi32>], vector<16xf32>,
      %get3A_559 = arith.constant 1856 : index
      %get3A_560 = tpu.vector_load %arg14[%get3A_559] {strides = array<i32>} : memref<2048xi32, #tpu.memory_space<vmem>>, vector<16xi32>,
      %get3A_561 = arith.constant 1856 : index
      %get3A_562 = tpu.vector_load %arg15[%get3A_561] {strides = array<i32>} : memref<2048xf32, #tpu.memory_space<vmem>>, vector<16xf32>,
      tpu.vector_store_idx %arg16[%get3A_560], %get3A_562 {add = true} : memref<10240xf32, #tpu.memory_space<vmem>>[vector<16xi32>], vector<16xf32>,
      %get3A_563 = arith.constant 1872 : index
      %get3A_564 = tpu.vector_load %arg14[%get3A_563] {strides = array<i32>} : memref<2048xi32, #tpu.memory_space<vmem>>, vector<16xi32>,
      %get3A_565 = arith.constant 1872 : index
      %get3A_566 = tpu.vector_load %arg15[%get3A_565] {strides = array<i32>} : memref<2048xf32, #tpu.memory_space<vmem>>, vector<16xf32>,
      tpu.vector_store_idx %arg16[%get3A_564], %get3A_566 {add = true} : memref<10240xf32, #tpu.memory_space<vmem>>[vector<16xi32>], vector<16xf32>,
      %get3A_567 = arith.constant 1888 : index
      %get3A_568 = tpu.vector_load %arg14[%get3A_567] {strides = array<i32>} : memref<2048xi32, #tpu.memory_space<vmem>>, vector<16xi32>,
      %get3A_569 = arith.constant 1888 : index
      %get3A_570 = tpu.vector_load %arg15[%get3A_569] {strides = array<i32>} : memref<2048xf32, #tpu.memory_space<vmem>>, vector<16xf32>,
      tpu.vector_store_idx %arg16[%get3A_568], %get3A_570 {add = true} : memref<10240xf32, #tpu.memory_space<vmem>>[vector<16xi32>], vector<16xf32>,
      %get3A_571 = arith.constant 1904 : index
      %get3A_572 = tpu.vector_load %arg14[%get3A_571] {strides = array<i32>} : memref<2048xi32, #tpu.memory_space<vmem>>, vector<16xi32>,
      %get3A_573 = arith.constant 1904 : index
      %get3A_574 = tpu.vector_load %arg15[%get3A_573] {strides = array<i32>} : memref<2048xf32, #tpu.memory_space<vmem>>, vector<16xf32>,
      tpu.vector_store_idx %arg16[%get3A_572], %get3A_574 {add = true} : memref<10240xf32, #tpu.memory_space<vmem>>[vector<16xi32>], vector<16xf32>,
      %get3A_575 = arith.constant 1920 : index
      %get3A_576 = tpu.vector_load %arg14[%get3A_575] {strides = array<i32>} : memref<2048xi32, #tpu.memory_space<vmem>>, vector<16xi32>,
      %get3A_577 = arith.constant 1920 : index
      %get3A_578 = tpu.vector_load %arg15[%get3A_577] {strides = array<i32>} : memref<2048xf32, #tpu.memory_space<vmem>>, vector<16xf32>,
      tpu.vector_store_idx %arg16[%get3A_576], %get3A_578 {add = true} : memref<10240xf32, #tpu.memory_space<vmem>>[vector<16xi32>], vector<16xf32>,
      %get3A_579 = arith.constant 1936 : index
      %get3A_580 = tpu.vector_load %arg14[%get3A_579] {strides = array<i32>} : memref<2048xi32, #tpu.memory_space<vmem>>, vector<16xi32>,
      %get3A_581 = arith.constant 1936 : index
      %get3A_582 = tpu.vector_load %arg15[%get3A_581] {strides = array<i32>} : memref<2048xf32, #tpu.memory_space<vmem>>, vector<16xf32>,
      tpu.vector_store_idx %arg16[%get3A_580], %get3A_582 {add = true} : memref<10240xf32, #tpu.memory_space<vmem>>[vector<16xi32>], vector<16xf32>,
      %get3A_583 = arith.constant 1952 : index
      %get3A_584 = tpu.vector_load %arg14[%get3A_583] {strides = array<i32>} : memref<2048xi32, #tpu.memory_space<vmem>>, vector<16xi32>,
      %get3A_585 = arith.constant 1952 : index
      %get3A_586 = tpu.vector_load %arg15[%get3A_585] {strides = array<i32>} : memref<2048xf32, #tpu.memory_space<vmem>>, vector<16xf32>,
      tpu.vector_store_idx %arg16[%get3A_584], %get3A_586 {add = true} : memref<10240xf32, #tpu.memory_space<vmem>>[vector<16xi32>], vector<16xf32>,
      %get3A_587 = arith.constant 1968 : index
      %get3A_588 = tpu.vector_load %arg14[%get3A_587] {strides = array<i32>} : memref<2048xi32, #tpu.memory_space<vmem>>, vector<16xi32>,
      %get3A_589 = arith.constant 1968 : index
      %get3A_590 = tpu.vector_load %arg15[%get3A_589] {strides = array<i32>} : memref<2048xf32, #tpu.memory_space<vmem>>, vector<16xf32>,
      tpu.vector_store_idx %arg16[%get3A_588], %get3A_590 {add = true} : memref<10240xf32, #tpu.memory_space<vmem>>[vector<16xi32>], vector<16xf32>,
      %get3A_591 = arith.constant 1984 : index
      %get3A_592 = tpu.vector_load %arg14[%get3A_591] {strides = array<i32>} : memref<2048xi32, #tpu.memory_space<vmem>>, vector<16xi32>,
      %get3A_593 = arith.constant 1984 : index
      %get3A_594 = tpu.vector_load %arg15[%get3A_593] {strides = array<i32>} : memref<2048xf32, #tpu.memory_space<vmem>>, vector<16xf32>,
      tpu.vector_store_idx %arg16[%get3A_592], %get3A_594 {add = true} : memref<10240xf32, #tpu.memory_space<vmem>>[vector<16xi32>], vector<16xf32>,
      %get3A_595 = arith.constant 2000 : index
      %get3A_596 = tpu.vector_load %arg14[%get3A_595] {strides = array<i32>} : memref<2048xi32, #tpu.memory_space<vmem>>, vector<16xi32>,
      %get3A_597 = arith.constant 2000 : index
      %get3A_598 = tpu.vector_load %arg15[%get3A_597] {strides = array<i32>} : memref<2048xf32, #tpu.memory_space<vmem>>, vector<16xf32>,
      tpu.vector_store_idx %arg16[%get3A_596], %get3A_598 {add = true} : memref<10240xf32, #tpu.memory_space<vmem>>[vector<16xi32>], vector<16xf32>,
      %get3A_599 = arith.constant 2016 : index
      %get3A_600 = tpu.vector_load %arg14[%get3A_599] {strides = array<i32>} : memref<2048xi32, #tpu.memory_space<vmem>>, vector<16xi32>,
      %get3A_601 = arith.constant 2016 : index
      %get3A_602 = tpu.vector_load %arg15[%get3A_601] {strides = array<i32>} : memref<2048xf32, #tpu.memory_space<vmem>>, vector<16xf32>,
      tpu.vector_store_idx %arg16[%get3A_600], %get3A_602 {add = true} : memref<10240xf32, #tpu.memory_space<vmem>>[vector<16xi32>], vector<16xf32>,
      %get3A_603 = arith.constant 2032 : index
      %get3A_604 = tpu.vector_load %arg14[%get3A_603] {strides = array<i32>} : memref<2048xi32, #tpu.memory_space<vmem>>, vector<16xi32>,
      %get3A_605 = arith.constant 2032 : index
      %get3A_606 = tpu.vector_load %arg15[%get3A_605] {strides = array<i32>} : memref<2048xf32, #tpu.memory_space<vmem>>, vector<16xf32>,
      tpu.vector_store_idx %arg16[%get3A_604], %get3A_606 {add = true} : memref<10240xf32, #tpu.memory_space<vmem>>[vector<16xi32>], vector<16xf32>,
      %dma_wait3A = arith.constant 0 : i32
      %dma_wait3A_607 = arith.constant 0 : i32
      %dma_wait3A_608 = tpu.memref_slice %arg2[%dma_wait3A, %dma_wait3A_607] : memref<10000x128xf32, #tpu.memory_space<hbm>> -> memref<10000x128xf32, #tpu.memory_space<hbm>>
      tpu.wait_indirect_dma semaphore(%arg17 : memref<!tpu.dma_semaphore, #tpu.memory_space<semaphore_mem>>) src(%dma_wait3A_608 : memref<10000x128xf32, #tpu.memory_space<hbm>>) dst(%arg12 : memref<128x128xf32, #tpu.memory_space<vmem>>)
      %mul3A_609 = arith.constant 128 : i32
      %mul3A_610 = arith.muli %add3A_89, %mul3A_609 : i32
      %add3A_611 = arith.addi %add3A_24, %mul3A_610 : i32
      "tpu.region"() ({
        %run_scoped3A = tpu.sem_alloc : memref<!tpu.dma_semaphore, #tpu.memory_space<semaphore_mem>>
        %dma_start3A_1143 = tpu.memref_slice %arg5[%add3A_611] : memref<327680xi32, #tpu.memory_space<hbm>> -> memref<128xi32, #tpu.memory_space<hbm>>
        %dma_start3A_1144 = tpu.memref_slice %arg5[%add3A_611] : memref<327680xi32, #tpu.memory_space<hbm>> -> memref<128xi32, #tpu.memory_space<hbm>>
        tpu.enqueue_dma source(%dma_start3A_1144 : memref<128xi32, #tpu.memory_space<hbm>>) target(%arg11 : memref<128xi32, #tpu.memory_space<vmem>>) target_semaphore(%run_scoped3A : memref<!tpu.dma_semaphore, #tpu.memory_space<semaphore_mem>>)
        %dma_wait3A_1145 = tpu.memref_slice %arg5[%add3A_611] : memref<327680xi32, #tpu.memory_space<hbm>> -> memref<128xi32, #tpu.memory_space<hbm>>
        %dma_wait3A_1146 = tpu.memref_slice %arg5[%add3A_611] : memref<327680xi32, #tpu.memory_space<hbm>> -> memref<128xi32, #tpu.memory_space<hbm>>
        tpu.wait_dma2 semaphore(%run_scoped3A : memref<!tpu.dma_semaphore, #tpu.memory_space<semaphore_mem>>) src(%dma_wait3A_1146 : memref<128xi32, #tpu.memory_space<hbm>>) dst(%arg11 : memref<128xi32, #tpu.memory_space<vmem>>)
        tpu.yield
      }) : () -> ()
      "tpu.region"() ({
        %run_scoped3A = tpu.sem_alloc : memref<!tpu.dma_semaphore, #tpu.memory_space<semaphore_mem>>
        %dma_start3A_1143 = arith.constant 0 : i32
        %dma_start3A_1144 = arith.constant 0 : i32
        %dma_start3A_1145 = tpu.memref_slice %arg19[%dma_start3A_1143, %dma_start3A_1144] : memref<10240x128xf32, #tpu.memory_space<vmem_shared>> -> memref<10240x128xf32, #tpu.memory_space<vmem_shared>>
        tpu.enqueue_indirect_dma source(%arg12 : memref<128x128xf32, #tpu.memory_space<vmem>>) target(%dma_start3A_1145 : memref<10240x128xf32, #tpu.memory_space<vmem_shared>>) offsets(%arg11 : memref<128xi32, #tpu.memory_space<vmem>>) semaphore(%run_scoped3A : memref<!tpu.dma_semaphore, #tpu.memory_space<semaphore_mem>>) {add = true}
        %dma_wait3A_1146 = arith.constant 0 : i32
        %dma_wait3A_1147 = arith.constant 0 : i32
        %dma_wait3A_1148 = tpu.memref_slice %arg19[%dma_wait3A_1146, %dma_wait3A_1147] : memref<10240x128xf32, #tpu.memory_space<vmem_shared>> -> memref<10240x128xf32, #tpu.memory_space<vmem_shared>>
        tpu.wait_indirect_dma semaphore(%run_scoped3A : memref<!tpu.dma_semaphore, #tpu.memory_space<semaphore_mem>>) src(%arg12 : memref<128x128xf32, #tpu.memory_space<vmem>>) dst(%dma_wait3A_1148 : memref<10240x128xf32, #tpu.memory_space<vmem_shared>>)
        tpu.yield
      }) : () -> ()
      %mul3A_612 = arith.constant 2 : i32
      %mul3A_613 = arith.muli %while3A_85, %mul3A_612 : i32
      %add3A_614 = arith.constant 1 : i32
      %add3A_615 = arith.addi %mul3A_613, %add3A_614 : i32
      %add3A_616 = arith.constant 1 : i32
      %add3A_617 = arith.addi %add3A_615, %add3A_616 : i32
      %lt3A_618 = arith.cmpi slt, %add3A_617, %select_n3A : i32
      %convert_element_type3A_619 = arith.extui %lt3A_618 : i1 to i32
      %cond3A_620 = arith.constant 0 : i32
      %cond3A_621 = arith.cmpi ne, %convert_element_type3A_619, %cond3A_620 : i32
      scf.if %cond3A_621 {
        %add3A_1143 = arith.constant 1 : i32
        %add3A_1144 = arith.addi %add3A_615, %add3A_1143 : i32
        %mul3A_1145 = arith.constant 128 : i32
        %mul3A_1146 = arith.muli %add3A_1144, %mul3A_1145 : i32
        %add3A_1147 = arith.addi %add3A_24, %mul3A_1146 : i32
        "tpu.region"() ({
          %run_scoped3A = tpu.sem_alloc : memref<!tpu.dma_semaphore, #tpu.memory_space<semaphore_mem>>
          %dma_start3A_1151 = tpu.memref_slice %arg3[%add3A_1147] : memref<327680xi32, #tpu.memory_space<hbm>> -> memref<128xi32, #tpu.memory_space<hbm>>
          %dma_start3A_1152 = tpu.memref_slice %arg3[%add3A_1147] : memref<327680xi32, #tpu.memory_space<hbm>> -> memref<128xi32, #tpu.memory_space<hbm>>
          tpu.enqueue_dma source(%dma_start3A_1152 : memref<128xi32, #tpu.memory_space<hbm>>) target(%arg9 : memref<128xi32, #tpu.memory_space<vmem>>) target_semaphore(%run_scoped3A : memref<!tpu.dma_semaphore, #tpu.memory_space<semaphore_mem>>)
          %dma_wait3A_1153 = tpu.memref_slice %arg3[%add3A_1147] : memref<327680xi32, #tpu.memory_space<hbm>> -> memref<128xi32, #tpu.memory_space<hbm>>
          %dma_wait3A_1154 = tpu.memref_slice %arg3[%add3A_1147] : memref<327680xi32, #tpu.memory_space<hbm>> -> memref<128xi32, #tpu.memory_space<hbm>>
          tpu.wait_dma2 semaphore(%run_scoped3A : memref<!tpu.dma_semaphore, #tpu.memory_space<semaphore_mem>>) src(%dma_wait3A_1154 : memref<128xi32, #tpu.memory_space<hbm>>) dst(%arg9 : memref<128xi32, #tpu.memory_space<vmem>>)
          tpu.yield
        }) : () -> ()
        %dma_start3A_1148 = arith.constant 0 : i32
        %dma_start3A_1149 = arith.constant 0 : i32
        %dma_start3A_1150 = tpu.memref_slice %arg2[%dma_start3A_1148, %dma_start3A_1149] : memref<10000x128xf32, #tpu.memory_space<hbm>> -> memref<10000x128xf32, #tpu.memory_space<hbm>>
        tpu.enqueue_indirect_dma source(%dma_start3A_1150 : memref<10000x128xf32, #tpu.memory_space<hbm>>) target(%arg12 : memref<128x128xf32, #tpu.memory_space<vmem>>) offsets(%arg9 : memref<128xi32, #tpu.memory_space<vmem>>) semaphore(%arg17 : memref<!tpu.dma_semaphore, #tpu.memory_space<semaphore_mem>>)
      } else {
      }
      %mul3A_622 = arith.constant 2048 : i32
      %mul3A_623 = arith.muli %add3A_615, %mul3A_622 : i32
      %add3A_624 = arith.addi %mul3A_6, %mul3A_623 : i32
      "tpu.region"() ({
        %run_scoped3A = tpu.sem_alloc : memref<!tpu.dma_semaphore, #tpu.memory_space<semaphore_mem>>
        %dma_start3A_1143 = tpu.memref_slice %arg5[%add3A_624] : memref<327680xi32, #tpu.memory_space<hbm>> -> memref<2048xi32, #tpu.memory_space<hbm>>
        %dma_start3A_1144 = tpu.memref_slice %arg5[%add3A_624] : memref<327680xi32, #tpu.memory_space<hbm>> -> memref<2048xi32, #tpu.memory_space<hbm>>
        tpu.enqueue_dma source(%dma_start3A_1144 : memref<2048xi32, #tpu.memory_space<hbm>>) target(%arg14 : memref<2048xi32, #tpu.memory_space<vmem>>) target_semaphore(%run_scoped3A : memref<!tpu.dma_semaphore, #tpu.memory_space<semaphore_mem>>)
        %dma_wait3A_1145 = tpu.memref_slice %arg5[%add3A_624] : memref<327680xi32, #tpu.memory_space<hbm>> -> memref<2048xi32, #tpu.memory_space<hbm>>
        %dma_wait3A_1146 = tpu.memref_slice %arg5[%add3A_624] : memref<327680xi32, #tpu.memory_space<hbm>> -> memref<2048xi32, #tpu.memory_space<hbm>>
        tpu.wait_dma2 semaphore(%run_scoped3A : memref<!tpu.dma_semaphore, #tpu.memory_space<semaphore_mem>>) src(%dma_wait3A_1146 : memref<2048xi32, #tpu.memory_space<hbm>>) dst(%arg14 : memref<2048xi32, #tpu.memory_space<vmem>>)
        tpu.yield
      }) : () -> ()
      "tpu.region"() ({
        %run_scoped3A = tpu.sem_alloc : memref<!tpu.dma_semaphore, #tpu.memory_space<semaphore_mem>>
        %dma_start3A_1143 = tpu.memref_slice %arg4[%arg1, %add3A_624] : memref<16x327680xf32, #tpu.memory_space<hbm>> -> memref<1x2048xf32, #tpu.memory_space<hbm>>
        %dma_start3A_1144 = tpu.memref_squeeze %dma_start3A_1143 : memref<1x2048xf32, #tpu.memory_space<hbm>> -> memref<2048xf32, #tpu.memory_space<hbm>>
        %dma_start3A_1145 = tpu.memref_slice %arg4[%arg1, %add3A_624] : memref<16x327680xf32, #tpu.memory_space<hbm>> -> memref<1x2048xf32, #tpu.memory_space<hbm>>
        %dma_start3A_1146 = tpu.memref_squeeze %dma_start3A_1145 : memref<1x2048xf32, #tpu.memory_space<hbm>> -> memref<2048xf32, #tpu.memory_space<hbm>>
        tpu.enqueue_dma source(%dma_start3A_1146 : memref<2048xf32, #tpu.memory_space<hbm>>) target(%arg15 : memref<2048xf32, #tpu.memory_space<vmem>>) target_semaphore(%run_scoped3A : memref<!tpu.dma_semaphore, #tpu.memory_space<semaphore_mem>>)
        %dma_wait3A_1147 = tpu.memref_slice %arg4[%arg1, %add3A_624] : memref<16x327680xf32, #tpu.memory_space<hbm>> -> memref<1x2048xf32, #tpu.memory_space<hbm>>
        %dma_wait3A_1148 = tpu.memref_squeeze %dma_wait3A_1147 : memref<1x2048xf32, #tpu.memory_space<hbm>> -> memref<2048xf32, #tpu.memory_space<hbm>>
        %dma_wait3A_1149 = tpu.memref_slice %arg4[%arg1, %add3A_624] : memref<16x327680xf32, #tpu.memory_space<hbm>> -> memref<1x2048xf32, #tpu.memory_space<hbm>>
        %dma_wait3A_1150 = tpu.memref_squeeze %dma_wait3A_1149 : memref<1x2048xf32, #tpu.memory_space<hbm>> -> memref<2048xf32, #tpu.memory_space<hbm>>
        tpu.wait_dma2 semaphore(%run_scoped3A : memref<!tpu.dma_semaphore, #tpu.memory_space<semaphore_mem>>) src(%dma_wait3A_1150 : memref<2048xf32, #tpu.memory_space<hbm>>) dst(%arg15 : memref<2048xf32, #tpu.memory_space<vmem>>)
        tpu.yield
      }) : () -> ()
      %get3A_625 = arith.constant 0 : index
      %get3A_626 = tpu.vector_load %arg14[%get3A_625] {strides = array<i32>} : memref<2048xi32, #tpu.memory_space<vmem>>, vector<16xi32>,
      %get3A_627 = arith.constant 0 : index
      %get3A_628 = tpu.vector_load %arg15[%get3A_627] {strides = array<i32>} : memref<2048xf32, #tpu.memory_space<vmem>>, vector<16xf32>,
      tpu.vector_store_idx %arg16[%get3A_626], %get3A_628 {add = true} : memref<10240xf32, #tpu.memory_space<vmem>>[vector<16xi32>], vector<16xf32>,
      %get3A_629 = arith.constant 16 : index
      %get3A_630 = tpu.vector_load %arg14[%get3A_629] {strides = array<i32>} : memref<2048xi32, #tpu.memory_space<vmem>>, vector<16xi32>,
      %get3A_631 = arith.constant 16 : index
      %get3A_632 = tpu.vector_load %arg15[%get3A_631] {strides = array<i32>} : memref<2048xf32, #tpu.memory_space<vmem>>, vector<16xf32>,
      tpu.vector_store_idx %arg16[%get3A_630], %get3A_632 {add = true} : memref<10240xf32, #tpu.memory_space<vmem>>[vector<16xi32>], vector<16xf32>,
      %get3A_633 = arith.constant 32 : index
      %get3A_634 = tpu.vector_load %arg14[%get3A_633] {strides = array<i32>} : memref<2048xi32, #tpu.memory_space<vmem>>, vector<16xi32>,
      %get3A_635 = arith.constant 32 : index
      %get3A_636 = tpu.vector_load %arg15[%get3A_635] {strides = array<i32>} : memref<2048xf32, #tpu.memory_space<vmem>>, vector<16xf32>,
      tpu.vector_store_idx %arg16[%get3A_634], %get3A_636 {add = true} : memref<10240xf32, #tpu.memory_space<vmem>>[vector<16xi32>], vector<16xf32>,
      %get3A_637 = arith.constant 48 : index
      %get3A_638 = tpu.vector_load %arg14[%get3A_637] {strides = array<i32>} : memref<2048xi32, #tpu.memory_space<vmem>>, vector<16xi32>,
      %get3A_639 = arith.constant 48 : index
      %get3A_640 = tpu.vector_load %arg15[%get3A_639] {strides = array<i32>} : memref<2048xf32, #tpu.memory_space<vmem>>, vector<16xf32>,
      tpu.vector_store_idx %arg16[%get3A_638], %get3A_640 {add = true} : memref<10240xf32, #tpu.memory_space<vmem>>[vector<16xi32>], vector<16xf32>,
      %get3A_641 = arith.constant 64 : index
      %get3A_642 = tpu.vector_load %arg14[%get3A_641] {strides = array<i32>} : memref<2048xi32, #tpu.memory_space<vmem>>, vector<16xi32>,
      %get3A_643 = arith.constant 64 : index
      %get3A_644 = tpu.vector_load %arg15[%get3A_643] {strides = array<i32>} : memref<2048xf32, #tpu.memory_space<vmem>>, vector<16xf32>,
      tpu.vector_store_idx %arg16[%get3A_642], %get3A_644 {add = true} : memref<10240xf32, #tpu.memory_space<vmem>>[vector<16xi32>], vector<16xf32>,
      %get3A_645 = arith.constant 80 : index
      %get3A_646 = tpu.vector_load %arg14[%get3A_645] {strides = array<i32>} : memref<2048xi32, #tpu.memory_space<vmem>>, vector<16xi32>,
      %get3A_647 = arith.constant 80 : index
      %get3A_648 = tpu.vector_load %arg15[%get3A_647] {strides = array<i32>} : memref<2048xf32, #tpu.memory_space<vmem>>, vector<16xf32>,
      tpu.vector_store_idx %arg16[%get3A_646], %get3A_648 {add = true} : memref<10240xf32, #tpu.memory_space<vmem>>[vector<16xi32>], vector<16xf32>,
      %get3A_649 = arith.constant 96 : index
      %get3A_650 = tpu.vector_load %arg14[%get3A_649] {strides = array<i32>} : memref<2048xi32, #tpu.memory_space<vmem>>, vector<16xi32>,
      %get3A_651 = arith.constant 96 : index
      %get3A_652 = tpu.vector_load %arg15[%get3A_651] {strides = array<i32>} : memref<2048xf32, #tpu.memory_space<vmem>>, vector<16xf32>,
      tpu.vector_store_idx %arg16[%get3A_650], %get3A_652 {add = true} : memref<10240xf32, #tpu.memory_space<vmem>>[vector<16xi32>], vector<16xf32>,
      %get3A_653 = arith.constant 112 : index
      %get3A_654 = tpu.vector_load %arg14[%get3A_653] {strides = array<i32>} : memref<2048xi32, #tpu.memory_space<vmem>>, vector<16xi32>,
      %get3A_655 = arith.constant 112 : index
      %get3A_656 = tpu.vector_load %arg15[%get3A_655] {strides = array<i32>} : memref<2048xf32, #tpu.memory_space<vmem>>, vector<16xf32>,
      tpu.vector_store_idx %arg16[%get3A_654], %get3A_656 {add = true} : memref<10240xf32, #tpu.memory_space<vmem>>[vector<16xi32>], vector<16xf32>,
      %get3A_657 = arith.constant 128 : index
      %get3A_658 = tpu.vector_load %arg14[%get3A_657] {strides = array<i32>} : memref<2048xi32, #tpu.memory_space<vmem>>, vector<16xi32>,
      %get3A_659 = arith.constant 128 : index
      %get3A_660 = tpu.vector_load %arg15[%get3A_659] {strides = array<i32>} : memref<2048xf32, #tpu.memory_space<vmem>>, vector<16xf32>,
      tpu.vector_store_idx %arg16[%get3A_658], %get3A_660 {add = true} : memref<10240xf32, #tpu.memory_space<vmem>>[vector<16xi32>], vector<16xf32>,
      %get3A_661 = arith.constant 144 : index
      %get3A_662 = tpu.vector_load %arg14[%get3A_661] {strides = array<i32>} : memref<2048xi32, #tpu.memory_space<vmem>>, vector<16xi32>,
      %get3A_663 = arith.constant 144 : index
      %get3A_664 = tpu.vector_load %arg15[%get3A_663] {strides = array<i32>} : memref<2048xf32, #tpu.memory_space<vmem>>, vector<16xf32>,
      tpu.vector_store_idx %arg16[%get3A_662], %get3A_664 {add = true} : memref<10240xf32, #tpu.memory_space<vmem>>[vector<16xi32>], vector<16xf32>,
      %get3A_665 = arith.constant 160 : index
      %get3A_666 = tpu.vector_load %arg14[%get3A_665] {strides = array<i32>} : memref<2048xi32, #tpu.memory_space<vmem>>, vector<16xi32>,
      %get3A_667 = arith.constant 160 : index
      %get3A_668 = tpu.vector_load %arg15[%get3A_667] {strides = array<i32>} : memref<2048xf32, #tpu.memory_space<vmem>>, vector<16xf32>,
      tpu.vector_store_idx %arg16[%get3A_666], %get3A_668 {add = true} : memref<10240xf32, #tpu.memory_space<vmem>>[vector<16xi32>], vector<16xf32>,
      %get3A_669 = arith.constant 176 : index
      %get3A_670 = tpu.vector_load %arg14[%get3A_669] {strides = array<i32>} : memref<2048xi32, #tpu.memory_space<vmem>>, vector<16xi32>,
      %get3A_671 = arith.constant 176 : index
      %get3A_672 = tpu.vector_load %arg15[%get3A_671] {strides = array<i32>} : memref<2048xf32, #tpu.memory_space<vmem>>, vector<16xf32>,
      tpu.vector_store_idx %arg16[%get3A_670], %get3A_672 {add = true} : memref<10240xf32, #tpu.memory_space<vmem>>[vector<16xi32>], vector<16xf32>,
      %get3A_673 = arith.constant 192 : index
      %get3A_674 = tpu.vector_load %arg14[%get3A_673] {strides = array<i32>} : memref<2048xi32, #tpu.memory_space<vmem>>, vector<16xi32>,
      %get3A_675 = arith.constant 192 : index
      %get3A_676 = tpu.vector_load %arg15[%get3A_675] {strides = array<i32>} : memref<2048xf32, #tpu.memory_space<vmem>>, vector<16xf32>,
      tpu.vector_store_idx %arg16[%get3A_674], %get3A_676 {add = true} : memref<10240xf32, #tpu.memory_space<vmem>>[vector<16xi32>], vector<16xf32>,
      %get3A_677 = arith.constant 208 : index
      %get3A_678 = tpu.vector_load %arg14[%get3A_677] {strides = array<i32>} : memref<2048xi32, #tpu.memory_space<vmem>>, vector<16xi32>,
      %get3A_679 = arith.constant 208 : index
      %get3A_680 = tpu.vector_load %arg15[%get3A_679] {strides = array<i32>} : memref<2048xf32, #tpu.memory_space<vmem>>, vector<16xf32>,
      tpu.vector_store_idx %arg16[%get3A_678], %get3A_680 {add = true} : memref<10240xf32, #tpu.memory_space<vmem>>[vector<16xi32>], vector<16xf32>,
      %get3A_681 = arith.constant 224 : index
      %get3A_682 = tpu.vector_load %arg14[%get3A_681] {strides = array<i32>} : memref<2048xi32, #tpu.memory_space<vmem>>, vector<16xi32>,
      %get3A_683 = arith.constant 224 : index
      %get3A_684 = tpu.vector_load %arg15[%get3A_683] {strides = array<i32>} : memref<2048xf32, #tpu.memory_space<vmem>>, vector<16xf32>,
      tpu.vector_store_idx %arg16[%get3A_682], %get3A_684 {add = true} : memref<10240xf32, #tpu.memory_space<vmem>>[vector<16xi32>], vector<16xf32>,
      %get3A_685 = arith.constant 240 : index
      %get3A_686 = tpu.vector_load %arg14[%get3A_685] {strides = array<i32>} : memref<2048xi32, #tpu.memory_space<vmem>>, vector<16xi32>,
      %get3A_687 = arith.constant 240 : index
      %get3A_688 = tpu.vector_load %arg15[%get3A_687] {strides = array<i32>} : memref<2048xf32, #tpu.memory_space<vmem>>, vector<16xf32>,
      tpu.vector_store_idx %arg16[%get3A_686], %get3A_688 {add = true} : memref<10240xf32, #tpu.memory_space<vmem>>[vector<16xi32>], vector<16xf32>,
      %get3A_689 = arith.constant 256 : index
      %get3A_690 = tpu.vector_load %arg14[%get3A_689] {strides = array<i32>} : memref<2048xi32, #tpu.memory_space<vmem>>, vector<16xi32>,
      %get3A_691 = arith.constant 256 : index
      %get3A_692 = tpu.vector_load %arg15[%get3A_691] {strides = array<i32>} : memref<2048xf32, #tpu.memory_space<vmem>>, vector<16xf32>,
      tpu.vector_store_idx %arg16[%get3A_690], %get3A_692 {add = true} : memref<10240xf32, #tpu.memory_space<vmem>>[vector<16xi32>], vector<16xf32>,
      %get3A_693 = arith.constant 272 : index
      %get3A_694 = tpu.vector_load %arg14[%get3A_693] {strides = array<i32>} : memref<2048xi32, #tpu.memory_space<vmem>>, vector<16xi32>,
      %get3A_695 = arith.constant 272 : index
      %get3A_696 = tpu.vector_load %arg15[%get3A_695] {strides = array<i32>} : memref<2048xf32, #tpu.memory_space<vmem>>, vector<16xf32>,
      tpu.vector_store_idx %arg16[%get3A_694], %get3A_696 {add = true} : memref<10240xf32, #tpu.memory_space<vmem>>[vector<16xi32>], vector<16xf32>,
      %get3A_697 = arith.constant 288 : index
      %get3A_698 = tpu.vector_load %arg14[%get3A_697] {strides = array<i32>} : memref<2048xi32, #tpu.memory_space<vmem>>, vector<16xi32>,
      %get3A_699 = arith.constant 288 : index
      %get3A_700 = tpu.vector_load %arg15[%get3A_699] {strides = array<i32>} : memref<2048xf32, #tpu.memory_space<vmem>>, vector<16xf32>,
      tpu.vector_store_idx %arg16[%get3A_698], %get3A_700 {add = true} : memref<10240xf32, #tpu.memory_space<vmem>>[vector<16xi32>], vector<16xf32>,
      %get3A_701 = arith.constant 304 : index
      %get3A_702 = tpu.vector_load %arg14[%get3A_701] {strides = array<i32>} : memref<2048xi32, #tpu.memory_space<vmem>>, vector<16xi32>,
      %get3A_703 = arith.constant 304 : index
      %get3A_704 = tpu.vector_load %arg15[%get3A_703] {strides = array<i32>} : memref<2048xf32, #tpu.memory_space<vmem>>, vector<16xf32>,
      tpu.vector_store_idx %arg16[%get3A_702], %get3A_704 {add = true} : memref<10240xf32, #tpu.memory_space<vmem>>[vector<16xi32>], vector<16xf32>,
      %get3A_705 = arith.constant 320 : index
      %get3A_706 = tpu.vector_load %arg14[%get3A_705] {strides = array<i32>} : memref<2048xi32, #tpu.memory_space<vmem>>, vector<16xi32>,
      %get3A_707 = arith.constant 320 : index
      %get3A_708 = tpu.vector_load %arg15[%get3A_707] {strides = array<i32>} : memref<2048xf32, #tpu.memory_space<vmem>>, vector<16xf32>,
      tpu.vector_store_idx %arg16[%get3A_706], %get3A_708 {add = true} : memref<10240xf32, #tpu.memory_space<vmem>>[vector<16xi32>], vector<16xf32>,
      %get3A_709 = arith.constant 336 : index
      %get3A_710 = tpu.vector_load %arg14[%get3A_709] {strides = array<i32>} : memref<2048xi32, #tpu.memory_space<vmem>>, vector<16xi32>,
      %get3A_711 = arith.constant 336 : index
      %get3A_712 = tpu.vector_load %arg15[%get3A_711] {strides = array<i32>} : memref<2048xf32, #tpu.memory_space<vmem>>, vector<16xf32>,
      tpu.vector_store_idx %arg16[%get3A_710], %get3A_712 {add = true} : memref<10240xf32, #tpu.memory_space<vmem>>[vector<16xi32>], vector<16xf32>,
      %get3A_713 = arith.constant 352 : index
      %get3A_714 = tpu.vector_load %arg14[%get3A_713] {strides = array<i32>} : memref<2048xi32, #tpu.memory_space<vmem>>, vector<16xi32>,
      %get3A_715 = arith.constant 352 : index
      %get3A_716 = tpu.vector_load %arg15[%get3A_715] {strides = array<i32>} : memref<2048xf32, #tpu.memory_space<vmem>>, vector<16xf32>,
      tpu.vector_store_idx %arg16[%get3A_714], %get3A_716 {add = true} : memref<10240xf32, #tpu.memory_space<vmem>>[vector<16xi32>], vector<16xf32>,
      %get3A_717 = arith.constant 368 : index
      %get3A_718 = tpu.vector_load %arg14[%get3A_717] {strides = array<i32>} : memref<2048xi32, #tpu.memory_space<vmem>>, vector<16xi32>,
      %get3A_719 = arith.constant 368 : index
      %get3A_720 = tpu.vector_load %arg15[%get3A_719] {strides = array<i32>} : memref<2048xf32, #tpu.memory_space<vmem>>, vector<16xf32>,
      tpu.vector_store_idx %arg16[%get3A_718], %get3A_720 {add = true} : memref<10240xf32, #tpu.memory_space<vmem>>[vector<16xi32>], vector<16xf32>,
      %get3A_721 = arith.constant 384 : index
      %get3A_722 = tpu.vector_load %arg14[%get3A_721] {strides = array<i32>} : memref<2048xi32, #tpu.memory_space<vmem>>, vector<16xi32>,
      %get3A_723 = arith.constant 384 : index
      %get3A_724 = tpu.vector_load %arg15[%get3A_723] {strides = array<i32>} : memref<2048xf32, #tpu.memory_space<vmem>>, vector<16xf32>,
      tpu.vector_store_idx %arg16[%get3A_722], %get3A_724 {add = true} : memref<10240xf32, #tpu.memory_space<vmem>>[vector<16xi32>], vector<16xf32>,
      %get3A_725 = arith.constant 400 : index
      %get3A_726 = tpu.vector_load %arg14[%get3A_725] {strides = array<i32>} : memref<2048xi32, #tpu.memory_space<vmem>>, vector<16xi32>,
      %get3A_727 = arith.constant 400 : index
      %get3A_728 = tpu.vector_load %arg15[%get3A_727] {strides = array<i32>} : memref<2048xf32, #tpu.memory_space<vmem>>, vector<16xf32>,
      tpu.vector_store_idx %arg16[%get3A_726], %get3A_728 {add = true} : memref<10240xf32, #tpu.memory_space<vmem>>[vector<16xi32>], vector<16xf32>,
      %get3A_729 = arith.constant 416 : index
      %get3A_730 = tpu.vector_load %arg14[%get3A_729] {strides = array<i32>} : memref<2048xi32, #tpu.memory_space<vmem>>, vector<16xi32>,
      %get3A_731 = arith.constant 416 : index
      %get3A_732 = tpu.vector_load %arg15[%get3A_731] {strides = array<i32>} : memref<2048xf32, #tpu.memory_space<vmem>>, vector<16xf32>,
      tpu.vector_store_idx %arg16[%get3A_730], %get3A_732 {add = true} : memref<10240xf32, #tpu.memory_space<vmem>>[vector<16xi32>], vector<16xf32>,
      %get3A_733 = arith.constant 432 : index
      %get3A_734 = tpu.vector_load %arg14[%get3A_733] {strides = array<i32>} : memref<2048xi32, #tpu.memory_space<vmem>>, vector<16xi32>,
      %get3A_735 = arith.constant 432 : index
      %get3A_736 = tpu.vector_load %arg15[%get3A_735] {strides = array<i32>} : memref<2048xf32, #tpu.memory_space<vmem>>, vector<16xf32>,
      tpu.vector_store_idx %arg16[%get3A_734], %get3A_736 {add = true} : memref<10240xf32, #tpu.memory_space<vmem>>[vector<16xi32>], vector<16xf32>,
      %get3A_737 = arith.constant 448 : index
      %get3A_738 = tpu.vector_load %arg14[%get3A_737] {strides = array<i32>} : memref<2048xi32, #tpu.memory_space<vmem>>, vector<16xi32>,
      %get3A_739 = arith.constant 448 : index
      %get3A_740 = tpu.vector_load %arg15[%get3A_739] {strides = array<i32>} : memref<2048xf32, #tpu.memory_space<vmem>>, vector<16xf32>,
      tpu.vector_store_idx %arg16[%get3A_738], %get3A_740 {add = true} : memref<10240xf32, #tpu.memory_space<vmem>>[vector<16xi32>], vector<16xf32>,
      %get3A_741 = arith.constant 464 : index
      %get3A_742 = tpu.vector_load %arg14[%get3A_741] {strides = array<i32>} : memref<2048xi32, #tpu.memory_space<vmem>>, vector<16xi32>,
      %get3A_743 = arith.constant 464 : index
      %get3A_744 = tpu.vector_load %arg15[%get3A_743] {strides = array<i32>} : memref<2048xf32, #tpu.memory_space<vmem>>, vector<16xf32>,
      tpu.vector_store_idx %arg16[%get3A_742], %get3A_744 {add = true} : memref<10240xf32, #tpu.memory_space<vmem>>[vector<16xi32>], vector<16xf32>,
      %get3A_745 = arith.constant 480 : index
      %get3A_746 = tpu.vector_load %arg14[%get3A_745] {strides = array<i32>} : memref<2048xi32, #tpu.memory_space<vmem>>, vector<16xi32>,
      %get3A_747 = arith.constant 480 : index
      %get3A_748 = tpu.vector_load %arg15[%get3A_747] {strides = array<i32>} : memref<2048xf32, #tpu.memory_space<vmem>>, vector<16xf32>,
      tpu.vector_store_idx %arg16[%get3A_746], %get3A_748 {add = true} : memref<10240xf32, #tpu.memory_space<vmem>>[vector<16xi32>], vector<16xf32>,
      %get3A_749 = arith.constant 496 : index
      %get3A_750 = tpu.vector_load %arg14[%get3A_749] {strides = array<i32>} : memref<2048xi32, #tpu.memory_space<vmem>>, vector<16xi32>,
      %get3A_751 = arith.constant 496 : index
      %get3A_752 = tpu.vector_load %arg15[%get3A_751] {strides = array<i32>} : memref<2048xf32, #tpu.memory_space<vmem>>, vector<16xf32>,
      tpu.vector_store_idx %arg16[%get3A_750], %get3A_752 {add = true} : memref<10240xf32, #tpu.memory_space<vmem>>[vector<16xi32>], vector<16xf32>,
      %get3A_753 = arith.constant 512 : index
      %get3A_754 = tpu.vector_load %arg14[%get3A_753] {strides = array<i32>} : memref<2048xi32, #tpu.memory_space<vmem>>, vector<16xi32>,
      %get3A_755 = arith.constant 512 : index
      %get3A_756 = tpu.vector_load %arg15[%get3A_755] {strides = array<i32>} : memref<2048xf32, #tpu.memory_space<vmem>>, vector<16xf32>,
      tpu.vector_store_idx %arg16[%get3A_754], %get3A_756 {add = true} : memref<10240xf32, #tpu.memory_space<vmem>>[vector<16xi32>], vector<16xf32>,
      %get3A_757 = arith.constant 528 : index
      %get3A_758 = tpu.vector_load %arg14[%get3A_757] {strides = array<i32>} : memref<2048xi32, #tpu.memory_space<vmem>>, vector<16xi32>,
      %get3A_759 = arith.constant 528 : index
      %get3A_760 = tpu.vector_load %arg15[%get3A_759] {strides = array<i32>} : memref<2048xf32, #tpu.memory_space<vmem>>, vector<16xf32>,
      tpu.vector_store_idx %arg16[%get3A_758], %get3A_760 {add = true} : memref<10240xf32, #tpu.memory_space<vmem>>[vector<16xi32>], vector<16xf32>,
      %get3A_761 = arith.constant 544 : index
      %get3A_762 = tpu.vector_load %arg14[%get3A_761] {strides = array<i32>} : memref<2048xi32, #tpu.memory_space<vmem>>, vector<16xi32>,
      %get3A_763 = arith.constant 544 : index
      %get3A_764 = tpu.vector_load %arg15[%get3A_763] {strides = array<i32>} : memref<2048xf32, #tpu.memory_space<vmem>>, vector<16xf32>,
      tpu.vector_store_idx %arg16[%get3A_762], %get3A_764 {add = true} : memref<10240xf32, #tpu.memory_space<vmem>>[vector<16xi32>], vector<16xf32>,
      %get3A_765 = arith.constant 560 : index
      %get3A_766 = tpu.vector_load %arg14[%get3A_765] {strides = array<i32>} : memref<2048xi32, #tpu.memory_space<vmem>>, vector<16xi32>,
      %get3A_767 = arith.constant 560 : index
      %get3A_768 = tpu.vector_load %arg15[%get3A_767] {strides = array<i32>} : memref<2048xf32, #tpu.memory_space<vmem>>, vector<16xf32>,
      tpu.vector_store_idx %arg16[%get3A_766], %get3A_768 {add = true} : memref<10240xf32, #tpu.memory_space<vmem>>[vector<16xi32>], vector<16xf32>,
      %get3A_769 = arith.constant 576 : index
      %get3A_770 = tpu.vector_load %arg14[%get3A_769] {strides = array<i32>} : memref<2048xi32, #tpu.memory_space<vmem>>, vector<16xi32>,
      %get3A_771 = arith.constant 576 : index
      %get3A_772 = tpu.vector_load %arg15[%get3A_771] {strides = array<i32>} : memref<2048xf32, #tpu.memory_space<vmem>>, vector<16xf32>,
      tpu.vector_store_idx %arg16[%get3A_770], %get3A_772 {add = true} : memref<10240xf32, #tpu.memory_space<vmem>>[vector<16xi32>], vector<16xf32>,
      %get3A_773 = arith.constant 592 : index
      %get3A_774 = tpu.vector_load %arg14[%get3A_773] {strides = array<i32>} : memref<2048xi32, #tpu.memory_space<vmem>>, vector<16xi32>,
      %get3A_775 = arith.constant 592 : index
      %get3A_776 = tpu.vector_load %arg15[%get3A_775] {strides = array<i32>} : memref<2048xf32, #tpu.memory_space<vmem>>, vector<16xf32>,
      tpu.vector_store_idx %arg16[%get3A_774], %get3A_776 {add = true} : memref<10240xf32, #tpu.memory_space<vmem>>[vector<16xi32>], vector<16xf32>,
      %get3A_777 = arith.constant 608 : index
      %get3A_778 = tpu.vector_load %arg14[%get3A_777] {strides = array<i32>} : memref<2048xi32, #tpu.memory_space<vmem>>, vector<16xi32>,
      %get3A_779 = arith.constant 608 : index
      %get3A_780 = tpu.vector_load %arg15[%get3A_779] {strides = array<i32>} : memref<2048xf32, #tpu.memory_space<vmem>>, vector<16xf32>,
      tpu.vector_store_idx %arg16[%get3A_778], %get3A_780 {add = true} : memref<10240xf32, #tpu.memory_space<vmem>>[vector<16xi32>], vector<16xf32>,
      %get3A_781 = arith.constant 624 : index
      %get3A_782 = tpu.vector_load %arg14[%get3A_781] {strides = array<i32>} : memref<2048xi32, #tpu.memory_space<vmem>>, vector<16xi32>,
      %get3A_783 = arith.constant 624 : index
      %get3A_784 = tpu.vector_load %arg15[%get3A_783] {strides = array<i32>} : memref<2048xf32, #tpu.memory_space<vmem>>, vector<16xf32>,
      tpu.vector_store_idx %arg16[%get3A_782], %get3A_784 {add = true} : memref<10240xf32, #tpu.memory_space<vmem>>[vector<16xi32>], vector<16xf32>,
      %get3A_785 = arith.constant 640 : index
      %get3A_786 = tpu.vector_load %arg14[%get3A_785] {strides = array<i32>} : memref<2048xi32, #tpu.memory_space<vmem>>, vector<16xi32>,
      %get3A_787 = arith.constant 640 : index
      %get3A_788 = tpu.vector_load %arg15[%get3A_787] {strides = array<i32>} : memref<2048xf32, #tpu.memory_space<vmem>>, vector<16xf32>,
      tpu.vector_store_idx %arg16[%get3A_786], %get3A_788 {add = true} : memref<10240xf32, #tpu.memory_space<vmem>>[vector<16xi32>], vector<16xf32>,
      %get3A_789 = arith.constant 656 : index
      %get3A_790 = tpu.vector_load %arg14[%get3A_789] {strides = array<i32>} : memref<2048xi32, #tpu.memory_space<vmem>>, vector<16xi32>,
      %get3A_791 = arith.constant 656 : index
      %get3A_792 = tpu.vector_load %arg15[%get3A_791] {strides = array<i32>} : memref<2048xf32, #tpu.memory_space<vmem>>, vector<16xf32>,
      tpu.vector_store_idx %arg16[%get3A_790], %get3A_792 {add = true} : memref<10240xf32, #tpu.memory_space<vmem>>[vector<16xi32>], vector<16xf32>,
      %get3A_793 = arith.constant 672 : index
      %get3A_794 = tpu.vector_load %arg14[%get3A_793] {strides = array<i32>} : memref<2048xi32, #tpu.memory_space<vmem>>, vector<16xi32>,
      %get3A_795 = arith.constant 672 : index
      %get3A_796 = tpu.vector_load %arg15[%get3A_795] {strides = array<i32>} : memref<2048xf32, #tpu.memory_space<vmem>>, vector<16xf32>,
      tpu.vector_store_idx %arg16[%get3A_794], %get3A_796 {add = true} : memref<10240xf32, #tpu.memory_space<vmem>>[vector<16xi32>], vector<16xf32>,
      %get3A_797 = arith.constant 688 : index
      %get3A_798 = tpu.vector_load %arg14[%get3A_797] {strides = array<i32>} : memref<2048xi32, #tpu.memory_space<vmem>>, vector<16xi32>,
      %get3A_799 = arith.constant 688 : index
      %get3A_800 = tpu.vector_load %arg15[%get3A_799] {strides = array<i32>} : memref<2048xf32, #tpu.memory_space<vmem>>, vector<16xf32>,
      tpu.vector_store_idx %arg16[%get3A_798], %get3A_800 {add = true} : memref<10240xf32, #tpu.memory_space<vmem>>[vector<16xi32>], vector<16xf32>,
      %get3A_801 = arith.constant 704 : index
      %get3A_802 = tpu.vector_load %arg14[%get3A_801] {strides = array<i32>} : memref<2048xi32, #tpu.memory_space<vmem>>, vector<16xi32>,
      %get3A_803 = arith.constant 704 : index
      %get3A_804 = tpu.vector_load %arg15[%get3A_803] {strides = array<i32>} : memref<2048xf32, #tpu.memory_space<vmem>>, vector<16xf32>,
      tpu.vector_store_idx %arg16[%get3A_802], %get3A_804 {add = true} : memref<10240xf32, #tpu.memory_space<vmem>>[vector<16xi32>], vector<16xf32>,
      %get3A_805 = arith.constant 720 : index
      %get3A_806 = tpu.vector_load %arg14[%get3A_805] {strides = array<i32>} : memref<2048xi32, #tpu.memory_space<vmem>>, vector<16xi32>,
      %get3A_807 = arith.constant 720 : index
      %get3A_808 = tpu.vector_load %arg15[%get3A_807] {strides = array<i32>} : memref<2048xf32, #tpu.memory_space<vmem>>, vector<16xf32>,
      tpu.vector_store_idx %arg16[%get3A_806], %get3A_808 {add = true} : memref<10240xf32, #tpu.memory_space<vmem>>[vector<16xi32>], vector<16xf32>,
      %get3A_809 = arith.constant 736 : index
      %get3A_810 = tpu.vector_load %arg14[%get3A_809] {strides = array<i32>} : memref<2048xi32, #tpu.memory_space<vmem>>, vector<16xi32>,
      %get3A_811 = arith.constant 736 : index
      %get3A_812 = tpu.vector_load %arg15[%get3A_811] {strides = array<i32>} : memref<2048xf32, #tpu.memory_space<vmem>>, vector<16xf32>,
      tpu.vector_store_idx %arg16[%get3A_810], %get3A_812 {add = true} : memref<10240xf32, #tpu.memory_space<vmem>>[vector<16xi32>], vector<16xf32>,
      %get3A_813 = arith.constant 752 : index
      %get3A_814 = tpu.vector_load %arg14[%get3A_813] {strides = array<i32>} : memref<2048xi32, #tpu.memory_space<vmem>>, vector<16xi32>,
      %get3A_815 = arith.constant 752 : index
      %get3A_816 = tpu.vector_load %arg15[%get3A_815] {strides = array<i32>} : memref<2048xf32, #tpu.memory_space<vmem>>, vector<16xf32>,
      tpu.vector_store_idx %arg16[%get3A_814], %get3A_816 {add = true} : memref<10240xf32, #tpu.memory_space<vmem>>[vector<16xi32>], vector<16xf32>,
      %get3A_817 = arith.constant 768 : index
      %get3A_818 = tpu.vector_load %arg14[%get3A_817] {strides = array<i32>} : memref<2048xi32, #tpu.memory_space<vmem>>, vector<16xi32>,
      %get3A_819 = arith.constant 768 : index
      %get3A_820 = tpu.vector_load %arg15[%get3A_819] {strides = array<i32>} : memref<2048xf32, #tpu.memory_space<vmem>>, vector<16xf32>,
      tpu.vector_store_idx %arg16[%get3A_818], %get3A_820 {add = true} : memref<10240xf32, #tpu.memory_space<vmem>>[vector<16xi32>], vector<16xf32>,
      %get3A_821 = arith.constant 784 : index
      %get3A_822 = tpu.vector_load %arg14[%get3A_821] {strides = array<i32>} : memref<2048xi32, #tpu.memory_space<vmem>>, vector<16xi32>,
      %get3A_823 = arith.constant 784 : index
      %get3A_824 = tpu.vector_load %arg15[%get3A_823] {strides = array<i32>} : memref<2048xf32, #tpu.memory_space<vmem>>, vector<16xf32>,
      tpu.vector_store_idx %arg16[%get3A_822], %get3A_824 {add = true} : memref<10240xf32, #tpu.memory_space<vmem>>[vector<16xi32>], vector<16xf32>,
      %get3A_825 = arith.constant 800 : index
      %get3A_826 = tpu.vector_load %arg14[%get3A_825] {strides = array<i32>} : memref<2048xi32, #tpu.memory_space<vmem>>, vector<16xi32>,
      %get3A_827 = arith.constant 800 : index
      %get3A_828 = tpu.vector_load %arg15[%get3A_827] {strides = array<i32>} : memref<2048xf32, #tpu.memory_space<vmem>>, vector<16xf32>,
      tpu.vector_store_idx %arg16[%get3A_826], %get3A_828 {add = true} : memref<10240xf32, #tpu.memory_space<vmem>>[vector<16xi32>], vector<16xf32>,
      %get3A_829 = arith.constant 816 : index
      %get3A_830 = tpu.vector_load %arg14[%get3A_829] {strides = array<i32>} : memref<2048xi32, #tpu.memory_space<vmem>>, vector<16xi32>,
      %get3A_831 = arith.constant 816 : index
      %get3A_832 = tpu.vector_load %arg15[%get3A_831] {strides = array<i32>} : memref<2048xf32, #tpu.memory_space<vmem>>, vector<16xf32>,
      tpu.vector_store_idx %arg16[%get3A_830], %get3A_832 {add = true} : memref<10240xf32, #tpu.memory_space<vmem>>[vector<16xi32>], vector<16xf32>,
      %get3A_833 = arith.constant 832 : index
      %get3A_834 = tpu.vector_load %arg14[%get3A_833] {strides = array<i32>} : memref<2048xi32, #tpu.memory_space<vmem>>, vector<16xi32>,
      %get3A_835 = arith.constant 832 : index
      %get3A_836 = tpu.vector_load %arg15[%get3A_835] {strides = array<i32>} : memref<2048xf32, #tpu.memory_space<vmem>>, vector<16xf32>,
      tpu.vector_store_idx %arg16[%get3A_834], %get3A_836 {add = true} : memref<10240xf32, #tpu.memory_space<vmem>>[vector<16xi32>], vector<16xf32>,
      %get3A_837 = arith.constant 848 : index
      %get3A_838 = tpu.vector_load %arg14[%get3A_837] {strides = array<i32>} : memref<2048xi32, #tpu.memory_space<vmem>>, vector<16xi32>,
      %get3A_839 = arith.constant 848 : index
      %get3A_840 = tpu.vector_load %arg15[%get3A_839] {strides = array<i32>} : memref<2048xf32, #tpu.memory_space<vmem>>, vector<16xf32>,
      tpu.vector_store_idx %arg16[%get3A_838], %get3A_840 {add = true} : memref<10240xf32, #tpu.memory_space<vmem>>[vector<16xi32>], vector<16xf32>,
      %get3A_841 = arith.constant 864 : index
      %get3A_842 = tpu.vector_load %arg14[%get3A_841] {strides = array<i32>} : memref<2048xi32, #tpu.memory_space<vmem>>, vector<16xi32>,
      %get3A_843 = arith.constant 864 : index
      %get3A_844 = tpu.vector_load %arg15[%get3A_843] {strides = array<i32>} : memref<2048xf32, #tpu.memory_space<vmem>>, vector<16xf32>,
      tpu.vector_store_idx %arg16[%get3A_842], %get3A_844 {add = true} : memref<10240xf32, #tpu.memory_space<vmem>>[vector<16xi32>], vector<16xf32>,
      %get3A_845 = arith.constant 880 : index
      %get3A_846 = tpu.vector_load %arg14[%get3A_845] {strides = array<i32>} : memref<2048xi32, #tpu.memory_space<vmem>>, vector<16xi32>,
      %get3A_847 = arith.constant 880 : index
      %get3A_848 = tpu.vector_load %arg15[%get3A_847] {strides = array<i32>} : memref<2048xf32, #tpu.memory_space<vmem>>, vector<16xf32>,
      tpu.vector_store_idx %arg16[%get3A_846], %get3A_848 {add = true} : memref<10240xf32, #tpu.memory_space<vmem>>[vector<16xi32>], vector<16xf32>,
      %get3A_849 = arith.constant 896 : index
      %get3A_850 = tpu.vector_load %arg14[%get3A_849] {strides = array<i32>} : memref<2048xi32, #tpu.memory_space<vmem>>, vector<16xi32>,
      %get3A_851 = arith.constant 896 : index
      %get3A_852 = tpu.vector_load %arg15[%get3A_851] {strides = array<i32>} : memref<2048xf32, #tpu.memory_space<vmem>>, vector<16xf32>,
      tpu.vector_store_idx %arg16[%get3A_850], %get3A_852 {add = true} : memref<10240xf32, #tpu.memory_space<vmem>>[vector<16xi32>], vector<16xf32>,
      %get3A_853 = arith.constant 912 : index
      %get3A_854 = tpu.vector_load %arg14[%get3A_853] {strides = array<i32>} : memref<2048xi32, #tpu.memory_space<vmem>>, vector<16xi32>,
      %get3A_855 = arith.constant 912 : index
      %get3A_856 = tpu.vector_load %arg15[%get3A_855] {strides = array<i32>} : memref<2048xf32, #tpu.memory_space<vmem>>, vector<16xf32>,
      tpu.vector_store_idx %arg16[%get3A_854], %get3A_856 {add = true} : memref<10240xf32, #tpu.memory_space<vmem>>[vector<16xi32>], vector<16xf32>,
      %get3A_857 = arith.constant 928 : index
      %get3A_858 = tpu.vector_load %arg14[%get3A_857] {strides = array<i32>} : memref<2048xi32, #tpu.memory_space<vmem>>, vector<16xi32>,
      %get3A_859 = arith.constant 928 : index
      %get3A_860 = tpu.vector_load %arg15[%get3A_859] {strides = array<i32>} : memref<2048xf32, #tpu.memory_space<vmem>>, vector<16xf32>,
      tpu.vector_store_idx %arg16[%get3A_858], %get3A_860 {add = true} : memref<10240xf32, #tpu.memory_space<vmem>>[vector<16xi32>], vector<16xf32>,
      %get3A_861 = arith.constant 944 : index
      %get3A_862 = tpu.vector_load %arg14[%get3A_861] {strides = array<i32>} : memref<2048xi32, #tpu.memory_space<vmem>>, vector<16xi32>,
      %get3A_863 = arith.constant 944 : index
      %get3A_864 = tpu.vector_load %arg15[%get3A_863] {strides = array<i32>} : memref<2048xf32, #tpu.memory_space<vmem>>, vector<16xf32>,
      tpu.vector_store_idx %arg16[%get3A_862], %get3A_864 {add = true} : memref<10240xf32, #tpu.memory_space<vmem>>[vector<16xi32>], vector<16xf32>,
      %get3A_865 = arith.constant 960 : index
      %get3A_866 = tpu.vector_load %arg14[%get3A_865] {strides = array<i32>} : memref<2048xi32, #tpu.memory_space<vmem>>, vector<16xi32>,
      %get3A_867 = arith.constant 960 : index
      %get3A_868 = tpu.vector_load %arg15[%get3A_867] {strides = array<i32>} : memref<2048xf32, #tpu.memory_space<vmem>>, vector<16xf32>,
      tpu.vector_store_idx %arg16[%get3A_866], %get3A_868 {add = true} : memref<10240xf32, #tpu.memory_space<vmem>>[vector<16xi32>], vector<16xf32>,
      %get3A_869 = arith.constant 976 : index
      %get3A_870 = tpu.vector_load %arg14[%get3A_869] {strides = array<i32>} : memref<2048xi32, #tpu.memory_space<vmem>>, vector<16xi32>,
      %get3A_871 = arith.constant 976 : index
      %get3A_872 = tpu.vector_load %arg15[%get3A_871] {strides = array<i32>} : memref<2048xf32, #tpu.memory_space<vmem>>, vector<16xf32>,
      tpu.vector_store_idx %arg16[%get3A_870], %get3A_872 {add = true} : memref<10240xf32, #tpu.memory_space<vmem>>[vector<16xi32>], vector<16xf32>,
      %get3A_873 = arith.constant 992 : index
      %get3A_874 = tpu.vector_load %arg14[%get3A_873] {strides = array<i32>} : memref<2048xi32, #tpu.memory_space<vmem>>, vector<16xi32>,
      %get3A_875 = arith.constant 992 : index
      %get3A_876 = tpu.vector_load %arg15[%get3A_875] {strides = array<i32>} : memref<2048xf32, #tpu.memory_space<vmem>>, vector<16xf32>,
      tpu.vector_store_idx %arg16[%get3A_874], %get3A_876 {add = true} : memref<10240xf32, #tpu.memory_space<vmem>>[vector<16xi32>], vector<16xf32>,
      %get3A_877 = arith.constant 1008 : index
      %get3A_878 = tpu.vector_load %arg14[%get3A_877] {strides = array<i32>} : memref<2048xi32, #tpu.memory_space<vmem>>, vector<16xi32>,
      %get3A_879 = arith.constant 1008 : index
      %get3A_880 = tpu.vector_load %arg15[%get3A_879] {strides = array<i32>} : memref<2048xf32, #tpu.memory_space<vmem>>, vector<16xf32>,
      tpu.vector_store_idx %arg16[%get3A_878], %get3A_880 {add = true} : memref<10240xf32, #tpu.memory_space<vmem>>[vector<16xi32>], vector<16xf32>,
      %get3A_881 = arith.constant 1024 : index
      %get3A_882 = tpu.vector_load %arg14[%get3A_881] {strides = array<i32>} : memref<2048xi32, #tpu.memory_space<vmem>>, vector<16xi32>,
      %get3A_883 = arith.constant 1024 : index
      %get3A_884 = tpu.vector_load %arg15[%get3A_883] {strides = array<i32>} : memref<2048xf32, #tpu.memory_space<vmem>>, vector<16xf32>,
      tpu.vector_store_idx %arg16[%get3A_882], %get3A_884 {add = true} : memref<10240xf32, #tpu.memory_space<vmem>>[vector<16xi32>], vector<16xf32>,
      %get3A_885 = arith.constant 1040 : index
      %get3A_886 = tpu.vector_load %arg14[%get3A_885] {strides = array<i32>} : memref<2048xi32, #tpu.memory_space<vmem>>, vector<16xi32>,
      %get3A_887 = arith.constant 1040 : index
      %get3A_888 = tpu.vector_load %arg15[%get3A_887] {strides = array<i32>} : memref<2048xf32, #tpu.memory_space<vmem>>, vector<16xf32>,
      tpu.vector_store_idx %arg16[%get3A_886], %get3A_888 {add = true} : memref<10240xf32, #tpu.memory_space<vmem>>[vector<16xi32>], vector<16xf32>,
      %get3A_889 = arith.constant 1056 : index
      %get3A_890 = tpu.vector_load %arg14[%get3A_889] {strides = array<i32>} : memref<2048xi32, #tpu.memory_space<vmem>>, vector<16xi32>,
      %get3A_891 = arith.constant 1056 : index
      %get3A_892 = tpu.vector_load %arg15[%get3A_891] {strides = array<i32>} : memref<2048xf32, #tpu.memory_space<vmem>>, vector<16xf32>,
      tpu.vector_store_idx %arg16[%get3A_890], %get3A_892 {add = true} : memref<10240xf32, #tpu.memory_space<vmem>>[vector<16xi32>], vector<16xf32>,
      %get3A_893 = arith.constant 1072 : index
      %get3A_894 = tpu.vector_load %arg14[%get3A_893] {strides = array<i32>} : memref<2048xi32, #tpu.memory_space<vmem>>, vector<16xi32>,
      %get3A_895 = arith.constant 1072 : index
      %get3A_896 = tpu.vector_load %arg15[%get3A_895] {strides = array<i32>} : memref<2048xf32, #tpu.memory_space<vmem>>, vector<16xf32>,
      tpu.vector_store_idx %arg16[%get3A_894], %get3A_896 {add = true} : memref<10240xf32, #tpu.memory_space<vmem>>[vector<16xi32>], vector<16xf32>,
      %get3A_897 = arith.constant 1088 : index
      %get3A_898 = tpu.vector_load %arg14[%get3A_897] {strides = array<i32>} : memref<2048xi32, #tpu.memory_space<vmem>>, vector<16xi32>,
      %get3A_899 = arith.constant 1088 : index
      %get3A_900 = tpu.vector_load %arg15[%get3A_899] {strides = array<i32>} : memref<2048xf32, #tpu.memory_space<vmem>>, vector<16xf32>,
      tpu.vector_store_idx %arg16[%get3A_898], %get3A_900 {add = true} : memref<10240xf32, #tpu.memory_space<vmem>>[vector<16xi32>], vector<16xf32>,
      %get3A_901 = arith.constant 1104 : index
      %get3A_902 = tpu.vector_load %arg14[%get3A_901] {strides = array<i32>} : memref<2048xi32, #tpu.memory_space<vmem>>, vector<16xi32>,
      %get3A_903 = arith.constant 1104 : index
      %get3A_904 = tpu.vector_load %arg15[%get3A_903] {strides = array<i32>} : memref<2048xf32, #tpu.memory_space<vmem>>, vector<16xf32>,
      tpu.vector_store_idx %arg16[%get3A_902], %get3A_904 {add = true} : memref<10240xf32, #tpu.memory_space<vmem>>[vector<16xi32>], vector<16xf32>,
      %get3A_905 = arith.constant 1120 : index
      %get3A_906 = tpu.vector_load %arg14[%get3A_905] {strides = array<i32>} : memref<2048xi32, #tpu.memory_space<vmem>>, vector<16xi32>,
      %get3A_907 = arith.constant 1120 : index
      %get3A_908 = tpu.vector_load %arg15[%get3A_907] {strides = array<i32>} : memref<2048xf32, #tpu.memory_space<vmem>>, vector<16xf32>,
      tpu.vector_store_idx %arg16[%get3A_906], %get3A_908 {add = true} : memref<10240xf32, #tpu.memory_space<vmem>>[vector<16xi32>], vector<16xf32>,
      %get3A_909 = arith.constant 1136 : index
      %get3A_910 = tpu.vector_load %arg14[%get3A_909] {strides = array<i32>} : memref<2048xi32, #tpu.memory_space<vmem>>, vector<16xi32>,
      %get3A_911 = arith.constant 1136 : index
      %get3A_912 = tpu.vector_load %arg15[%get3A_911] {strides = array<i32>} : memref<2048xf32, #tpu.memory_space<vmem>>, vector<16xf32>,
      tpu.vector_store_idx %arg16[%get3A_910], %get3A_912 {add = true} : memref<10240xf32, #tpu.memory_space<vmem>>[vector<16xi32>], vector<16xf32>,
      %get3A_913 = arith.constant 1152 : index
      %get3A_914 = tpu.vector_load %arg14[%get3A_913] {strides = array<i32>} : memref<2048xi32, #tpu.memory_space<vmem>>, vector<16xi32>,
      %get3A_915 = arith.constant 1152 : index
      %get3A_916 = tpu.vector_load %arg15[%get3A_915] {strides = array<i32>} : memref<2048xf32, #tpu.memory_space<vmem>>, vector<16xf32>,
      tpu.vector_store_idx %arg16[%get3A_914], %get3A_916 {add = true} : memref<10240xf32, #tpu.memory_space<vmem>>[vector<16xi32>], vector<16xf32>,
      %get3A_917 = arith.constant 1168 : index
      %get3A_918 = tpu.vector_load %arg14[%get3A_917] {strides = array<i32>} : memref<2048xi32, #tpu.memory_space<vmem>>, vector<16xi32>,
      %get3A_919 = arith.constant 1168 : index
      %get3A_920 = tpu.vector_load %arg15[%get3A_919] {strides = array<i32>} : memref<2048xf32, #tpu.memory_space<vmem>>, vector<16xf32>,
      tpu.vector_store_idx %arg16[%get3A_918], %get3A_920 {add = true} : memref<10240xf32, #tpu.memory_space<vmem>>[vector<16xi32>], vector<16xf32>,
      %get3A_921 = arith.constant 1184 : index
      %get3A_922 = tpu.vector_load %arg14[%get3A_921] {strides = array<i32>} : memref<2048xi32, #tpu.memory_space<vmem>>, vector<16xi32>,
      %get3A_923 = arith.constant 1184 : index
      %get3A_924 = tpu.vector_load %arg15[%get3A_923] {strides = array<i32>} : memref<2048xf32, #tpu.memory_space<vmem>>, vector<16xf32>,
      tpu.vector_store_idx %arg16[%get3A_922], %get3A_924 {add = true} : memref<10240xf32, #tpu.memory_space<vmem>>[vector<16xi32>], vector<16xf32>,
      %get3A_925 = arith.constant 1200 : index
      %get3A_926 = tpu.vector_load %arg14[%get3A_925] {strides = array<i32>} : memref<2048xi32, #tpu.memory_space<vmem>>, vector<16xi32>,
      %get3A_927 = arith.constant 1200 : index
      %get3A_928 = tpu.vector_load %arg15[%get3A_927] {strides = array<i32>} : memref<2048xf32, #tpu.memory_space<vmem>>, vector<16xf32>,
      tpu.vector_store_idx %arg16[%get3A_926], %get3A_928 {add = true} : memref<10240xf32, #tpu.memory_space<vmem>>[vector<16xi32>], vector<16xf32>,
      %get3A_929 = arith.constant 1216 : index
      %get3A_930 = tpu.vector_load %arg14[%get3A_929] {strides = array<i32>} : memref<2048xi32, #tpu.memory_space<vmem>>, vector<16xi32>,
      %get3A_931 = arith.constant 1216 : index
      %get3A_932 = tpu.vector_load %arg15[%get3A_931] {strides = array<i32>} : memref<2048xf32, #tpu.memory_space<vmem>>, vector<16xf32>,
      tpu.vector_store_idx %arg16[%get3A_930], %get3A_932 {add = true} : memref<10240xf32, #tpu.memory_space<vmem>>[vector<16xi32>], vector<16xf32>,
      %get3A_933 = arith.constant 1232 : index
      %get3A_934 = tpu.vector_load %arg14[%get3A_933] {strides = array<i32>} : memref<2048xi32, #tpu.memory_space<vmem>>, vector<16xi32>,
      %get3A_935 = arith.constant 1232 : index
      %get3A_936 = tpu.vector_load %arg15[%get3A_935] {strides = array<i32>} : memref<2048xf32, #tpu.memory_space<vmem>>, vector<16xf32>,
      tpu.vector_store_idx %arg16[%get3A_934], %get3A_936 {add = true} : memref<10240xf32, #tpu.memory_space<vmem>>[vector<16xi32>], vector<16xf32>,
      %get3A_937 = arith.constant 1248 : index
      %get3A_938 = tpu.vector_load %arg14[%get3A_937] {strides = array<i32>} : memref<2048xi32, #tpu.memory_space<vmem>>, vector<16xi32>,
      %get3A_939 = arith.constant 1248 : index
      %get3A_940 = tpu.vector_load %arg15[%get3A_939] {strides = array<i32>} : memref<2048xf32, #tpu.memory_space<vmem>>, vector<16xf32>,
      tpu.vector_store_idx %arg16[%get3A_938], %get3A_940 {add = true} : memref<10240xf32, #tpu.memory_space<vmem>>[vector<16xi32>], vector<16xf32>,
      %get3A_941 = arith.constant 1264 : index
      %get3A_942 = tpu.vector_load %arg14[%get3A_941] {strides = array<i32>} : memref<2048xi32, #tpu.memory_space<vmem>>, vector<16xi32>,
      %get3A_943 = arith.constant 1264 : index
      %get3A_944 = tpu.vector_load %arg15[%get3A_943] {strides = array<i32>} : memref<2048xf32, #tpu.memory_space<vmem>>, vector<16xf32>,
      tpu.vector_store_idx %arg16[%get3A_942], %get3A_944 {add = true} : memref<10240xf32, #tpu.memory_space<vmem>>[vector<16xi32>], vector<16xf32>,
      %get3A_945 = arith.constant 1280 : index
      %get3A_946 = tpu.vector_load %arg14[%get3A_945] {strides = array<i32>} : memref<2048xi32, #tpu.memory_space<vmem>>, vector<16xi32>,
      %get3A_947 = arith.constant 1280 : index
      %get3A_948 = tpu.vector_load %arg15[%get3A_947] {strides = array<i32>} : memref<2048xf32, #tpu.memory_space<vmem>>, vector<16xf32>,
      tpu.vector_store_idx %arg16[%get3A_946], %get3A_948 {add = true} : memref<10240xf32, #tpu.memory_space<vmem>>[vector<16xi32>], vector<16xf32>,
      %get3A_949 = arith.constant 1296 : index
      %get3A_950 = tpu.vector_load %arg14[%get3A_949] {strides = array<i32>} : memref<2048xi32, #tpu.memory_space<vmem>>, vector<16xi32>,
      %get3A_951 = arith.constant 1296 : index
      %get3A_952 = tpu.vector_load %arg15[%get3A_951] {strides = array<i32>} : memref<2048xf32, #tpu.memory_space<vmem>>, vector<16xf32>,
      tpu.vector_store_idx %arg16[%get3A_950], %get3A_952 {add = true} : memref<10240xf32, #tpu.memory_space<vmem>>[vector<16xi32>], vector<16xf32>,
      %get3A_953 = arith.constant 1312 : index
      %get3A_954 = tpu.vector_load %arg14[%get3A_953] {strides = array<i32>} : memref<2048xi32, #tpu.memory_space<vmem>>, vector<16xi32>,
      %get3A_955 = arith.constant 1312 : index
      %get3A_956 = tpu.vector_load %arg15[%get3A_955] {strides = array<i32>} : memref<2048xf32, #tpu.memory_space<vmem>>, vector<16xf32>,
      tpu.vector_store_idx %arg16[%get3A_954], %get3A_956 {add = true} : memref<10240xf32, #tpu.memory_space<vmem>>[vector<16xi32>], vector<16xf32>,
      %get3A_957 = arith.constant 1328 : index
      %get3A_958 = tpu.vector_load %arg14[%get3A_957] {strides = array<i32>} : memref<2048xi32, #tpu.memory_space<vmem>>, vector<16xi32>,
      %get3A_959 = arith.constant 1328 : index
      %get3A_960 = tpu.vector_load %arg15[%get3A_959] {strides = array<i32>} : memref<2048xf32, #tpu.memory_space<vmem>>, vector<16xf32>,
      tpu.vector_store_idx %arg16[%get3A_958], %get3A_960 {add = true} : memref<10240xf32, #tpu.memory_space<vmem>>[vector<16xi32>], vector<16xf32>,
      %get3A_961 = arith.constant 1344 : index
      %get3A_962 = tpu.vector_load %arg14[%get3A_961] {strides = array<i32>} : memref<2048xi32, #tpu.memory_space<vmem>>, vector<16xi32>,
      %get3A_963 = arith.constant 1344 : index
      %get3A_964 = tpu.vector_load %arg15[%get3A_963] {strides = array<i32>} : memref<2048xf32, #tpu.memory_space<vmem>>, vector<16xf32>,
      tpu.vector_store_idx %arg16[%get3A_962], %get3A_964 {add = true} : memref<10240xf32, #tpu.memory_space<vmem>>[vector<16xi32>], vector<16xf32>,
      %get3A_965 = arith.constant 1360 : index
      %get3A_966 = tpu.vector_load %arg14[%get3A_965] {strides = array<i32>} : memref<2048xi32, #tpu.memory_space<vmem>>, vector<16xi32>,
      %get3A_967 = arith.constant 1360 : index
      %get3A_968 = tpu.vector_load %arg15[%get3A_967] {strides = array<i32>} : memref<2048xf32, #tpu.memory_space<vmem>>, vector<16xf32>,
      tpu.vector_store_idx %arg16[%get3A_966], %get3A_968 {add = true} : memref<10240xf32, #tpu.memory_space<vmem>>[vector<16xi32>], vector<16xf32>,
      %get3A_969 = arith.constant 1376 : index
      %get3A_970 = tpu.vector_load %arg14[%get3A_969] {strides = array<i32>} : memref<2048xi32, #tpu.memory_space<vmem>>, vector<16xi32>,
      %get3A_971 = arith.constant 1376 : index
      %get3A_972 = tpu.vector_load %arg15[%get3A_971] {strides = array<i32>} : memref<2048xf32, #tpu.memory_space<vmem>>, vector<16xf32>,
      tpu.vector_store_idx %arg16[%get3A_970], %get3A_972 {add = true} : memref<10240xf32, #tpu.memory_space<vmem>>[vector<16xi32>], vector<16xf32>,
      %get3A_973 = arith.constant 1392 : index
      %get3A_974 = tpu.vector_load %arg14[%get3A_973] {strides = array<i32>} : memref<2048xi32, #tpu.memory_space<vmem>>, vector<16xi32>,
      %get3A_975 = arith.constant 1392 : index
      %get3A_976 = tpu.vector_load %arg15[%get3A_975] {strides = array<i32>} : memref<2048xf32, #tpu.memory_space<vmem>>, vector<16xf32>,
      tpu.vector_store_idx %arg16[%get3A_974], %get3A_976 {add = true} : memref<10240xf32, #tpu.memory_space<vmem>>[vector<16xi32>], vector<16xf32>,
      %get3A_977 = arith.constant 1408 : index
      %get3A_978 = tpu.vector_load %arg14[%get3A_977] {strides = array<i32>} : memref<2048xi32, #tpu.memory_space<vmem>>, vector<16xi32>,
      %get3A_979 = arith.constant 1408 : index
      %get3A_980 = tpu.vector_load %arg15[%get3A_979] {strides = array<i32>} : memref<2048xf32, #tpu.memory_space<vmem>>, vector<16xf32>,
      tpu.vector_store_idx %arg16[%get3A_978], %get3A_980 {add = true} : memref<10240xf32, #tpu.memory_space<vmem>>[vector<16xi32>], vector<16xf32>,
      %get3A_981 = arith.constant 1424 : index
      %get3A_982 = tpu.vector_load %arg14[%get3A_981] {strides = array<i32>} : memref<2048xi32, #tpu.memory_space<vmem>>, vector<16xi32>,
      %get3A_983 = arith.constant 1424 : index
      %get3A_984 = tpu.vector_load %arg15[%get3A_983] {strides = array<i32>} : memref<2048xf32, #tpu.memory_space<vmem>>, vector<16xf32>,
      tpu.vector_store_idx %arg16[%get3A_982], %get3A_984 {add = true} : memref<10240xf32, #tpu.memory_space<vmem>>[vector<16xi32>], vector<16xf32>,
      %get3A_985 = arith.constant 1440 : index
      %get3A_986 = tpu.vector_load %arg14[%get3A_985] {strides = array<i32>} : memref<2048xi32, #tpu.memory_space<vmem>>, vector<16xi32>,
      %get3A_987 = arith.constant 1440 : index
      %get3A_988 = tpu.vector_load %arg15[%get3A_987] {strides = array<i32>} : memref<2048xf32, #tpu.memory_space<vmem>>, vector<16xf32>,
      tpu.vector_store_idx %arg16[%get3A_986], %get3A_988 {add = true} : memref<10240xf32, #tpu.memory_space<vmem>>[vector<16xi32>], vector<16xf32>,
      %get3A_989 = arith.constant 1456 : index
      %get3A_990 = tpu.vector_load %arg14[%get3A_989] {strides = array<i32>} : memref<2048xi32, #tpu.memory_space<vmem>>, vector<16xi32>,
      %get3A_991 = arith.constant 1456 : index
      %get3A_992 = tpu.vector_load %arg15[%get3A_991] {strides = array<i32>} : memref<2048xf32, #tpu.memory_space<vmem>>, vector<16xf32>,
      tpu.vector_store_idx %arg16[%get3A_990], %get3A_992 {add = true} : memref<10240xf32, #tpu.memory_space<vmem>>[vector<16xi32>], vector<16xf32>,
      %get3A_993 = arith.constant 1472 : index
      %get3A_994 = tpu.vector_load %arg14[%get3A_993] {strides = array<i32>} : memref<2048xi32, #tpu.memory_space<vmem>>, vector<16xi32>,
      %get3A_995 = arith.constant 1472 : index
      %get3A_996 = tpu.vector_load %arg15[%get3A_995] {strides = array<i32>} : memref<2048xf32, #tpu.memory_space<vmem>>, vector<16xf32>,
      tpu.vector_store_idx %arg16[%get3A_994], %get3A_996 {add = true} : memref<10240xf32, #tpu.memory_space<vmem>>[vector<16xi32>], vector<16xf32>,
      %get3A_997 = arith.constant 1488 : index
      %get3A_998 = tpu.vector_load %arg14[%get3A_997] {strides = array<i32>} : memref<2048xi32, #tpu.memory_space<vmem>>, vector<16xi32>,
      %get3A_999 = arith.constant 1488 : index
      %get3A_1000 = tpu.vector_load %arg15[%get3A_999] {strides = array<i32>} : memref<2048xf32, #tpu.memory_space<vmem>>, vector<16xf32>,
      tpu.vector_store_idx %arg16[%get3A_998], %get3A_1000 {add = true} : memref<10240xf32, #tpu.memory_space<vmem>>[vector<16xi32>], vector<16xf32>,
      %get3A_1001 = arith.constant 1504 : index
      %get3A_1002 = tpu.vector_load %arg14[%get3A_1001] {strides = array<i32>} : memref<2048xi32, #tpu.memory_space<vmem>>, vector<16xi32>,
      %get3A_1003 = arith.constant 1504 : index
      %get3A_1004 = tpu.vector_load %arg15[%get3A_1003] {strides = array<i32>} : memref<2048xf32, #tpu.memory_space<vmem>>, vector<16xf32>,
      tpu.vector_store_idx %arg16[%get3A_1002], %get3A_1004 {add = true} : memref<10240xf32, #tpu.memory_space<vmem>>[vector<16xi32>], vector<16xf32>,
      %get3A_1005 = arith.constant 1520 : index
      %get3A_1006 = tpu.vector_load %arg14[%get3A_1005] {strides = array<i32>} : memref<2048xi32, #tpu.memory_space<vmem>>, vector<16xi32>,
      %get3A_1007 = arith.constant 1520 : index
      %get3A_1008 = tpu.vector_load %arg15[%get3A_1007] {strides = array<i32>} : memref<2048xf32, #tpu.memory_space<vmem>>, vector<16xf32>,
      tpu.vector_store_idx %arg16[%get3A_1006], %get3A_1008 {add = true} : memref<10240xf32, #tpu.memory_space<vmem>>[vector<16xi32>], vector<16xf32>,
      %get3A_1009 = arith.constant 1536 : index
      %get3A_1010 = tpu.vector_load %arg14[%get3A_1009] {strides = array<i32>} : memref<2048xi32, #tpu.memory_space<vmem>>, vector<16xi32>,
      %get3A_1011 = arith.constant 1536 : index
      %get3A_1012 = tpu.vector_load %arg15[%get3A_1011] {strides = array<i32>} : memref<2048xf32, #tpu.memory_space<vmem>>, vector<16xf32>,
      tpu.vector_store_idx %arg16[%get3A_1010], %get3A_1012 {add = true} : memref<10240xf32, #tpu.memory_space<vmem>>[vector<16xi32>], vector<16xf32>,
      %get3A_1013 = arith.constant 1552 : index
      %get3A_1014 = tpu.vector_load %arg14[%get3A_1013] {strides = array<i32>} : memref<2048xi32, #tpu.memory_space<vmem>>, vector<16xi32>,
      %get3A_1015 = arith.constant 1552 : index
      %get3A_1016 = tpu.vector_load %arg15[%get3A_1015] {strides = array<i32>} : memref<2048xf32, #tpu.memory_space<vmem>>, vector<16xf32>,
      tpu.vector_store_idx %arg16[%get3A_1014], %get3A_1016 {add = true} : memref<10240xf32, #tpu.memory_space<vmem>>[vector<16xi32>], vector<16xf32>,
      %get3A_1017 = arith.constant 1568 : index
      %get3A_1018 = tpu.vector_load %arg14[%get3A_1017] {strides = array<i32>} : memref<2048xi32, #tpu.memory_space<vmem>>, vector<16xi32>,
      %get3A_1019 = arith.constant 1568 : index
      %get3A_1020 = tpu.vector_load %arg15[%get3A_1019] {strides = array<i32>} : memref<2048xf32, #tpu.memory_space<vmem>>, vector<16xf32>,
      tpu.vector_store_idx %arg16[%get3A_1018], %get3A_1020 {add = true} : memref<10240xf32, #tpu.memory_space<vmem>>[vector<16xi32>], vector<16xf32>,
      %get3A_1021 = arith.constant 1584 : index
      %get3A_1022 = tpu.vector_load %arg14[%get3A_1021] {strides = array<i32>} : memref<2048xi32, #tpu.memory_space<vmem>>, vector<16xi32>,
      %get3A_1023 = arith.constant 1584 : index
      %get3A_1024 = tpu.vector_load %arg15[%get3A_1023] {strides = array<i32>} : memref<2048xf32, #tpu.memory_space<vmem>>, vector<16xf32>,
      tpu.vector_store_idx %arg16[%get3A_1022], %get3A_1024 {add = true} : memref<10240xf32, #tpu.memory_space<vmem>>[vector<16xi32>], vector<16xf32>,
      %get3A_1025 = arith.constant 1600 : index
      %get3A_1026 = tpu.vector_load %arg14[%get3A_1025] {strides = array<i32>} : memref<2048xi32, #tpu.memory_space<vmem>>, vector<16xi32>,
      %get3A_1027 = arith.constant 1600 : index
      %get3A_1028 = tpu.vector_load %arg15[%get3A_1027] {strides = array<i32>} : memref<2048xf32, #tpu.memory_space<vmem>>, vector<16xf32>,
      tpu.vector_store_idx %arg16[%get3A_1026], %get3A_1028 {add = true} : memref<10240xf32, #tpu.memory_space<vmem>>[vector<16xi32>], vector<16xf32>,
      %get3A_1029 = arith.constant 1616 : index
      %get3A_1030 = tpu.vector_load %arg14[%get3A_1029] {strides = array<i32>} : memref<2048xi32, #tpu.memory_space<vmem>>, vector<16xi32>,
      %get3A_1031 = arith.constant 1616 : index
      %get3A_1032 = tpu.vector_load %arg15[%get3A_1031] {strides = array<i32>} : memref<2048xf32, #tpu.memory_space<vmem>>, vector<16xf32>,
      tpu.vector_store_idx %arg16[%get3A_1030], %get3A_1032 {add = true} : memref<10240xf32, #tpu.memory_space<vmem>>[vector<16xi32>], vector<16xf32>,
      %get3A_1033 = arith.constant 1632 : index
      %get3A_1034 = tpu.vector_load %arg14[%get3A_1033] {strides = array<i32>} : memref<2048xi32, #tpu.memory_space<vmem>>, vector<16xi32>,
      %get3A_1035 = arith.constant 1632 : index
      %get3A_1036 = tpu.vector_load %arg15[%get3A_1035] {strides = array<i32>} : memref<2048xf32, #tpu.memory_space<vmem>>, vector<16xf32>,
      tpu.vector_store_idx %arg16[%get3A_1034], %get3A_1036 {add = true} : memref<10240xf32, #tpu.memory_space<vmem>>[vector<16xi32>], vector<16xf32>,
      %get3A_1037 = arith.constant 1648 : index
      %get3A_1038 = tpu.vector_load %arg14[%get3A_1037] {strides = array<i32>} : memref<2048xi32, #tpu.memory_space<vmem>>, vector<16xi32>,
      %get3A_1039 = arith.constant 1648 : index
      %get3A_1040 = tpu.vector_load %arg15[%get3A_1039] {strides = array<i32>} : memref<2048xf32, #tpu.memory_space<vmem>>, vector<16xf32>,
      tpu.vector_store_idx %arg16[%get3A_1038], %get3A_1040 {add = true} : memref<10240xf32, #tpu.memory_space<vmem>>[vector<16xi32>], vector<16xf32>,
      %get3A_1041 = arith.constant 1664 : index
      %get3A_1042 = tpu.vector_load %arg14[%get3A_1041] {strides = array<i32>} : memref<2048xi32, #tpu.memory_space<vmem>>, vector<16xi32>,
      %get3A_1043 = arith.constant 1664 : index
      %get3A_1044 = tpu.vector_load %arg15[%get3A_1043] {strides = array<i32>} : memref<2048xf32, #tpu.memory_space<vmem>>, vector<16xf32>,
      tpu.vector_store_idx %arg16[%get3A_1042], %get3A_1044 {add = true} : memref<10240xf32, #tpu.memory_space<vmem>>[vector<16xi32>], vector<16xf32>,
      %get3A_1045 = arith.constant 1680 : index
      %get3A_1046 = tpu.vector_load %arg14[%get3A_1045] {strides = array<i32>} : memref<2048xi32, #tpu.memory_space<vmem>>, vector<16xi32>,
      %get3A_1047 = arith.constant 1680 : index
      %get3A_1048 = tpu.vector_load %arg15[%get3A_1047] {strides = array<i32>} : memref<2048xf32, #tpu.memory_space<vmem>>, vector<16xf32>,
      tpu.vector_store_idx %arg16[%get3A_1046], %get3A_1048 {add = true} : memref<10240xf32, #tpu.memory_space<vmem>>[vector<16xi32>], vector<16xf32>,
      %get3A_1049 = arith.constant 1696 : index
      %get3A_1050 = tpu.vector_load %arg14[%get3A_1049] {strides = array<i32>} : memref<2048xi32, #tpu.memory_space<vmem>>, vector<16xi32>,
      %get3A_1051 = arith.constant 1696 : index
      %get3A_1052 = tpu.vector_load %arg15[%get3A_1051] {strides = array<i32>} : memref<2048xf32, #tpu.memory_space<vmem>>, vector<16xf32>,
      tpu.vector_store_idx %arg16[%get3A_1050], %get3A_1052 {add = true} : memref<10240xf32, #tpu.memory_space<vmem>>[vector<16xi32>], vector<16xf32>,
      %get3A_1053 = arith.constant 1712 : index
      %get3A_1054 = tpu.vector_load %arg14[%get3A_1053] {strides = array<i32>} : memref<2048xi32, #tpu.memory_space<vmem>>, vector<16xi32>,
      %get3A_1055 = arith.constant 1712 : index
      %get3A_1056 = tpu.vector_load %arg15[%get3A_1055] {strides = array<i32>} : memref<2048xf32, #tpu.memory_space<vmem>>, vector<16xf32>,
      tpu.vector_store_idx %arg16[%get3A_1054], %get3A_1056 {add = true} : memref<10240xf32, #tpu.memory_space<vmem>>[vector<16xi32>], vector<16xf32>,
      %get3A_1057 = arith.constant 1728 : index
      %get3A_1058 = tpu.vector_load %arg14[%get3A_1057] {strides = array<i32>} : memref<2048xi32, #tpu.memory_space<vmem>>, vector<16xi32>,
      %get3A_1059 = arith.constant 1728 : index
      %get3A_1060 = tpu.vector_load %arg15[%get3A_1059] {strides = array<i32>} : memref<2048xf32, #tpu.memory_space<vmem>>, vector<16xf32>,
      tpu.vector_store_idx %arg16[%get3A_1058], %get3A_1060 {add = true} : memref<10240xf32, #tpu.memory_space<vmem>>[vector<16xi32>], vector<16xf32>,
      %get3A_1061 = arith.constant 1744 : index
      %get3A_1062 = tpu.vector_load %arg14[%get3A_1061] {strides = array<i32>} : memref<2048xi32, #tpu.memory_space<vmem>>, vector<16xi32>,
      %get3A_1063 = arith.constant 1744 : index
      %get3A_1064 = tpu.vector_load %arg15[%get3A_1063] {strides = array<i32>} : memref<2048xf32, #tpu.memory_space<vmem>>, vector<16xf32>,
      tpu.vector_store_idx %arg16[%get3A_1062], %get3A_1064 {add = true} : memref<10240xf32, #tpu.memory_space<vmem>>[vector<16xi32>], vector<16xf32>,
      %get3A_1065 = arith.constant 1760 : index
      %get3A_1066 = tpu.vector_load %arg14[%get3A_1065] {strides = array<i32>} : memref<2048xi32, #tpu.memory_space<vmem>>, vector<16xi32>,
      %get3A_1067 = arith.constant 1760 : index
      %get3A_1068 = tpu.vector_load %arg15[%get3A_1067] {strides = array<i32>} : memref<2048xf32, #tpu.memory_space<vmem>>, vector<16xf32>,
      tpu.vector_store_idx %arg16[%get3A_1066], %get3A_1068 {add = true} : memref<10240xf32, #tpu.memory_space<vmem>>[vector<16xi32>], vector<16xf32>,
      %get3A_1069 = arith.constant 1776 : index
      %get3A_1070 = tpu.vector_load %arg14[%get3A_1069] {strides = array<i32>} : memref<2048xi32, #tpu.memory_space<vmem>>, vector<16xi32>,
      %get3A_1071 = arith.constant 1776 : index
      %get3A_1072 = tpu.vector_load %arg15[%get3A_1071] {strides = array<i32>} : memref<2048xf32, #tpu.memory_space<vmem>>, vector<16xf32>,
      tpu.vector_store_idx %arg16[%get3A_1070], %get3A_1072 {add = true} : memref<10240xf32, #tpu.memory_space<vmem>>[vector<16xi32>], vector<16xf32>,
      %get3A_1073 = arith.constant 1792 : index
      %get3A_1074 = tpu.vector_load %arg14[%get3A_1073] {strides = array<i32>} : memref<2048xi32, #tpu.memory_space<vmem>>, vector<16xi32>,
      %get3A_1075 = arith.constant 1792 : index
      %get3A_1076 = tpu.vector_load %arg15[%get3A_1075] {strides = array<i32>} : memref<2048xf32, #tpu.memory_space<vmem>>, vector<16xf32>,
      tpu.vector_store_idx %arg16[%get3A_1074], %get3A_1076 {add = true} : memref<10240xf32, #tpu.memory_space<vmem>>[vector<16xi32>], vector<16xf32>,
      %get3A_1077 = arith.constant 1808 : index
      %get3A_1078 = tpu.vector_load %arg14[%get3A_1077] {strides = array<i32>} : memref<2048xi32, #tpu.memory_space<vmem>>, vector<16xi32>,
      %get3A_1079 = arith.constant 1808 : index
      %get3A_1080 = tpu.vector_load %arg15[%get3A_1079] {strides = array<i32>} : memref<2048xf32, #tpu.memory_space<vmem>>, vector<16xf32>,
      tpu.vector_store_idx %arg16[%get3A_1078], %get3A_1080 {add = true} : memref<10240xf32, #tpu.memory_space<vmem>>[vector<16xi32>], vector<16xf32>,
      %get3A_1081 = arith.constant 1824 : index
      %get3A_1082 = tpu.vector_load %arg14[%get3A_1081] {strides = array<i32>} : memref<2048xi32, #tpu.memory_space<vmem>>, vector<16xi32>,
      %get3A_1083 = arith.constant 1824 : index
      %get3A_1084 = tpu.vector_load %arg15[%get3A_1083] {strides = array<i32>} : memref<2048xf32, #tpu.memory_space<vmem>>, vector<16xf32>,
      tpu.vector_store_idx %arg16[%get3A_1082], %get3A_1084 {add = true} : memref<10240xf32, #tpu.memory_space<vmem>>[vector<16xi32>], vector<16xf32>,
      %get3A_1085 = arith.constant 1840 : index
      %get3A_1086 = tpu.vector_load %arg14[%get3A_1085] {strides = array<i32>} : memref<2048xi32, #tpu.memory_space<vmem>>, vector<16xi32>,
      %get3A_1087 = arith.constant 1840 : index
      %get3A_1088 = tpu.vector_load %arg15[%get3A_1087] {strides = array<i32>} : memref<2048xf32, #tpu.memory_space<vmem>>, vector<16xf32>,
      tpu.vector_store_idx %arg16[%get3A_1086], %get3A_1088 {add = true} : memref<10240xf32, #tpu.memory_space<vmem>>[vector<16xi32>], vector<16xf32>,
      %get3A_1089 = arith.constant 1856 : index
      %get3A_1090 = tpu.vector_load %arg14[%get3A_1089] {strides = array<i32>} : memref<2048xi32, #tpu.memory_space<vmem>>, vector<16xi32>,
      %get3A_1091 = arith.constant 1856 : index
      %get3A_1092 = tpu.vector_load %arg15[%get3A_1091] {strides = array<i32>} : memref<2048xf32, #tpu.memory_space<vmem>>, vector<16xf32>,
      tpu.vector_store_idx %arg16[%get3A_1090], %get3A_1092 {add = true} : memref<10240xf32, #tpu.memory_space<vmem>>[vector<16xi32>], vector<16xf32>,
      %get3A_1093 = arith.constant 1872 : index
      %get3A_1094 = tpu.vector_load %arg14[%get3A_1093] {strides = array<i32>} : memref<2048xi32, #tpu.memory_space<vmem>>, vector<16xi32>,
      %get3A_1095 = arith.constant 1872 : index
      %get3A_1096 = tpu.vector_load %arg15[%get3A_1095] {strides = array<i32>} : memref<2048xf32, #tpu.memory_space<vmem>>, vector<16xf32>,
      tpu.vector_store_idx %arg16[%get3A_1094], %get3A_1096 {add = true} : memref<10240xf32, #tpu.memory_space<vmem>>[vector<16xi32>], vector<16xf32>,
      %get3A_1097 = arith.constant 1888 : index
      %get3A_1098 = tpu.vector_load %arg14[%get3A_1097] {strides = array<i32>} : memref<2048xi32, #tpu.memory_space<vmem>>, vector<16xi32>,
      %get3A_1099 = arith.constant 1888 : index
      %get3A_1100 = tpu.vector_load %arg15[%get3A_1099] {strides = array<i32>} : memref<2048xf32, #tpu.memory_space<vmem>>, vector<16xf32>,
      tpu.vector_store_idx %arg16[%get3A_1098], %get3A_1100 {add = true} : memref<10240xf32, #tpu.memory_space<vmem>>[vector<16xi32>], vector<16xf32>,
      %get3A_1101 = arith.constant 1904 : index
      %get3A_1102 = tpu.vector_load %arg14[%get3A_1101] {strides = array<i32>} : memref<2048xi32, #tpu.memory_space<vmem>>, vector<16xi32>,
      %get3A_1103 = arith.constant 1904 : index
      %get3A_1104 = tpu.vector_load %arg15[%get3A_1103] {strides = array<i32>} : memref<2048xf32, #tpu.memory_space<vmem>>, vector<16xf32>,
      tpu.vector_store_idx %arg16[%get3A_1102], %get3A_1104 {add = true} : memref<10240xf32, #tpu.memory_space<vmem>>[vector<16xi32>], vector<16xf32>,
      %get3A_1105 = arith.constant 1920 : index
      %get3A_1106 = tpu.vector_load %arg14[%get3A_1105] {strides = array<i32>} : memref<2048xi32, #tpu.memory_space<vmem>>, vector<16xi32>,
      %get3A_1107 = arith.constant 1920 : index
      %get3A_1108 = tpu.vector_load %arg15[%get3A_1107] {strides = array<i32>} : memref<2048xf32, #tpu.memory_space<vmem>>, vector<16xf32>,
      tpu.vector_store_idx %arg16[%get3A_1106], %get3A_1108 {add = true} : memref<10240xf32, #tpu.memory_space<vmem>>[vector<16xi32>], vector<16xf32>,
      %get3A_1109 = arith.constant 1936 : index
      %get3A_1110 = tpu.vector_load %arg14[%get3A_1109] {strides = array<i32>} : memref<2048xi32, #tpu.memory_space<vmem>>, vector<16xi32>,
      %get3A_1111 = arith.constant 1936 : index
      %get3A_1112 = tpu.vector_load %arg15[%get3A_1111] {strides = array<i32>} : memref<2048xf32, #tpu.memory_space<vmem>>, vector<16xf32>,
      tpu.vector_store_idx %arg16[%get3A_1110], %get3A_1112 {add = true} : memref<10240xf32, #tpu.memory_space<vmem>>[vector<16xi32>], vector<16xf32>,
      %get3A_1113 = arith.constant 1952 : index
      %get3A_1114 = tpu.vector_load %arg14[%get3A_1113] {strides = array<i32>} : memref<2048xi32, #tpu.memory_space<vmem>>, vector<16xi32>,
      %get3A_1115 = arith.constant 1952 : index
      %get3A_1116 = tpu.vector_load %arg15[%get3A_1115] {strides = array<i32>} : memref<2048xf32, #tpu.memory_space<vmem>>, vector<16xf32>,
      tpu.vector_store_idx %arg16[%get3A_1114], %get3A_1116 {add = true} : memref<10240xf32, #tpu.memory_space<vmem>>[vector<16xi32>], vector<16xf32>,
      %get3A_1117 = arith.constant 1968 : index
      %get3A_1118 = tpu.vector_load %arg14[%get3A_1117] {strides = array<i32>} : memref<2048xi32, #tpu.memory_space<vmem>>, vector<16xi32>,
      %get3A_1119 = arith.constant 1968 : index
      %get3A_1120 = tpu.vector_load %arg15[%get3A_1119] {strides = array<i32>} : memref<2048xf32, #tpu.memory_space<vmem>>, vector<16xf32>,
      tpu.vector_store_idx %arg16[%get3A_1118], %get3A_1120 {add = true} : memref<10240xf32, #tpu.memory_space<vmem>>[vector<16xi32>], vector<16xf32>,
      %get3A_1121 = arith.constant 1984 : index
      %get3A_1122 = tpu.vector_load %arg14[%get3A_1121] {strides = array<i32>} : memref<2048xi32, #tpu.memory_space<vmem>>, vector<16xi32>,
      %get3A_1123 = arith.constant 1984 : index
      %get3A_1124 = tpu.vector_load %arg15[%get3A_1123] {strides = array<i32>} : memref<2048xf32, #tpu.memory_space<vmem>>, vector<16xf32>,
      tpu.vector_store_idx %arg16[%get3A_1122], %get3A_1124 {add = true} : memref<10240xf32, #tpu.memory_space<vmem>>[vector<16xi32>], vector<16xf32>,
      %get3A_1125 = arith.constant 2000 : index
      %get3A_1126 = tpu.vector_load %arg14[%get3A_1125] {strides = array<i32>} : memref<2048xi32, #tpu.memory_space<vmem>>, vector<16xi32>,
      %get3A_1127 = arith.constant 2000 : index
      %get3A_1128 = tpu.vector_load %arg15[%get3A_1127] {strides = array<i32>} : memref<2048xf32, #tpu.memory_space<vmem>>, vector<16xf32>,
      tpu.vector_store_idx %arg16[%get3A_1126], %get3A_1128 {add = true} : memref<10240xf32, #tpu.memory_space<vmem>>[vector<16xi32>], vector<16xf32>,
      %get3A_1129 = arith.constant 2016 : index
      %get3A_1130 = tpu.vector_load %arg14[%get3A_1129] {strides = array<i32>} : memref<2048xi32, #tpu.memory_space<vmem>>, vector<16xi32>,
      %get3A_1131 = arith.constant 2016 : index
      %get3A_1132 = tpu.vector_load %arg15[%get3A_1131] {strides = array<i32>} : memref<2048xf32, #tpu.memory_space<vmem>>, vector<16xf32>,
      tpu.vector_store_idx %arg16[%get3A_1130], %get3A_1132 {add = true} : memref<10240xf32, #tpu.memory_space<vmem>>[vector<16xi32>], vector<16xf32>,
      %get3A_1133 = arith.constant 2032 : index
      %get3A_1134 = tpu.vector_load %arg14[%get3A_1133] {strides = array<i32>} : memref<2048xi32, #tpu.memory_space<vmem>>, vector<16xi32>,
      %get3A_1135 = arith.constant 2032 : index
      %get3A_1136 = tpu.vector_load %arg15[%get3A_1135] {strides = array<i32>} : memref<2048xf32, #tpu.memory_space<vmem>>, vector<16xf32>,
      tpu.vector_store_idx %arg16[%get3A_1134], %get3A_1136 {add = true} : memref<10240xf32, #tpu.memory_space<vmem>>[vector<16xi32>], vector<16xf32>,
      %dma_wait3A_1137 = arith.constant 0 : i32
      %dma_wait3A_1138 = arith.constant 0 : i32
      %dma_wait3A_1139 = tpu.memref_slice %arg2[%dma_wait3A_1137, %dma_wait3A_1138] : memref<10000x128xf32, #tpu.memory_space<hbm>> -> memref<10000x128xf32, #tpu.memory_space<hbm>>
      tpu.wait_indirect_dma semaphore(%arg18 : memref<!tpu.dma_semaphore, #tpu.memory_space<semaphore_mem>>) src(%dma_wait3A_1139 : memref<10000x128xf32, #tpu.memory_space<hbm>>) dst(%arg13 : memref<128x128xf32, #tpu.memory_space<vmem>>)
      %mul3A_1140 = arith.constant 128 : i32
      %mul3A_1141 = arith.muli %add3A_615, %mul3A_1140 : i32
      %add3A_1142 = arith.addi %add3A_24, %mul3A_1141 : i32
      "tpu.region"() ({
        %run_scoped3A = tpu.sem_alloc : memref<!tpu.dma_semaphore, #tpu.memory_space<semaphore_mem>>
        %dma_start3A_1143 = tpu.memref_slice %arg5[%add3A_1142] : memref<327680xi32, #tpu.memory_space<hbm>> -> memref<128xi32, #tpu.memory_space<hbm>>
        %dma_start3A_1144 = tpu.memref_slice %arg5[%add3A_1142] : memref<327680xi32, #tpu.memory_space<hbm>> -> memref<128xi32, #tpu.memory_space<hbm>>
        tpu.enqueue_dma source(%dma_start3A_1144 : memref<128xi32, #tpu.memory_space<hbm>>) target(%arg11 : memref<128xi32, #tpu.memory_space<vmem>>) target_semaphore(%run_scoped3A : memref<!tpu.dma_semaphore, #tpu.memory_space<semaphore_mem>>)
        %dma_wait3A_1145 = tpu.memref_slice %arg5[%add3A_1142] : memref<327680xi32, #tpu.memory_space<hbm>> -> memref<128xi32, #tpu.memory_space<hbm>>
        %dma_wait3A_1146 = tpu.memref_slice %arg5[%add3A_1142] : memref<327680xi32, #tpu.memory_space<hbm>> -> memref<128xi32, #tpu.memory_space<hbm>>
        tpu.wait_dma2 semaphore(%run_scoped3A : memref<!tpu.dma_semaphore, #tpu.memory_space<semaphore_mem>>) src(%dma_wait3A_1146 : memref<128xi32, #tpu.memory_space<hbm>>) dst(%arg11 : memref<128xi32, #tpu.memory_space<vmem>>)
        tpu.yield
      }) : () -> ()
      "tpu.region"() ({
        %run_scoped3A = tpu.sem_alloc : memref<!tpu.dma_semaphore, #tpu.memory_space<semaphore_mem>>
        %dma_start3A_1143 = arith.constant 0 : i32
        %dma_start3A_1144 = arith.constant 0 : i32
        %dma_start3A_1145 = tpu.memref_slice %arg19[%dma_start3A_1143, %dma_start3A_1144] : memref<10240x128xf32, #tpu.memory_space<vmem_shared>> -> memref<10240x128xf32, #tpu.memory_space<vmem_shared>>
        tpu.enqueue_indirect_dma source(%arg13 : memref<128x128xf32, #tpu.memory_space<vmem>>) target(%dma_start3A_1145 : memref<10240x128xf32, #tpu.memory_space<vmem_shared>>) offsets(%arg11 : memref<128xi32, #tpu.memory_space<vmem>>) semaphore(%run_scoped3A : memref<!tpu.dma_semaphore, #tpu.memory_space<semaphore_mem>>) {add = true}
        %dma_wait3A_1146 = arith.constant 0 : i32
        %dma_wait3A_1147 = arith.constant 0 : i32
        %dma_wait3A_1148 = tpu.memref_slice %arg19[%dma_wait3A_1146, %dma_wait3A_1147] : memref<10240x128xf32, #tpu.memory_space<vmem_shared>> -> memref<10240x128xf32, #tpu.memory_space<vmem_shared>>
        tpu.wait_indirect_dma semaphore(%run_scoped3A : memref<!tpu.dma_semaphore, #tpu.memory_space<semaphore_mem>>) src(%arg13 : memref<128x128xf32, #tpu.memory_space<vmem>>) dst(%dma_wait3A_1148 : memref<10240x128xf32, #tpu.memory_space<vmem_shared>>)
        tpu.yield
      }) : () -> ()
    }
    %while3A_55 = arith.constant 1 : i32
    scf.for %while3A_85 = %while3A_53 to %while3A_49 step %while3A_55  : i32 {
      %mul3A_86 = arith.constant 2 : i32
      %mul3A_87 = arith.muli %while3A_85, %mul3A_86 : i32
      %add3A_88 = arith.constant 0 : i32
      %add3A_89 = arith.addi %mul3A_87, %add3A_88 : i32
      %add3A_90 = arith.constant 1 : i32
      %add3A_91 = arith.addi %add3A_89, %add3A_90 : i32
      %lt3A = arith.cmpi slt, %add3A_91, %select_n3A : i32
      %convert_element_type3A = arith.extui %lt3A : i1 to i32
      %cond3A = arith.constant 0 : i32
      %cond3A_92 = arith.cmpi ne, %convert_element_type3A, %cond3A : i32
      scf.if %cond3A_92 {
        %add3A_1143 = arith.constant 1 : i32
        %add3A_1144 = arith.addi %add3A_89, %add3A_1143 : i32
        %mul3A_1145 = arith.constant 128 : i32
        %mul3A_1146 = arith.muli %add3A_1144, %mul3A_1145 : i32
        %add3A_1147 = arith.addi %add3A_24, %mul3A_1146 : i32
        "tpu.region"() ({
          %run_scoped3A = tpu.sem_alloc : memref<!tpu.dma_semaphore, #tpu.memory_space<semaphore_mem>>
          %dma_start3A_1151 = tpu.memref_slice %arg3[%add3A_1147] : memref<327680xi32, #tpu.memory_space<hbm>> -> memref<128xi32, #tpu.memory_space<hbm>>
          %dma_start3A_1152 = tpu.memref_slice %arg3[%add3A_1147] : memref<327680xi32, #tpu.memory_space<hbm>> -> memref<128xi32, #tpu.memory_space<hbm>>
          tpu.enqueue_dma source(%dma_start3A_1152 : memref<128xi32, #tpu.memory_space<hbm>>) target(%arg10 : memref<128xi32, #tpu.memory_space<vmem>>) target_semaphore(%run_scoped3A : memref<!tpu.dma_semaphore, #tpu.memory_space<semaphore_mem>>)
          %dma_wait3A_1153 = tpu.memref_slice %arg3[%add3A_1147] : memref<327680xi32, #tpu.memory_space<hbm>> -> memref<128xi32, #tpu.memory_space<hbm>>
          %dma_wait3A_1154 = tpu.memref_slice %arg3[%add3A_1147] : memref<327680xi32, #tpu.memory_space<hbm>> -> memref<128xi32, #tpu.memory_space<hbm>>
          tpu.wait_dma2 semaphore(%run_scoped3A : memref<!tpu.dma_semaphore, #tpu.memory_space<semaphore_mem>>) src(%dma_wait3A_1154 : memref<128xi32, #tpu.memory_space<hbm>>) dst(%arg10 : memref<128xi32, #tpu.memory_space<vmem>>)
          tpu.yield
        }) : () -> ()
        %dma_start3A_1148 = arith.constant 0 : i32
        %dma_start3A_1149 = arith.constant 0 : i32
        %dma_start3A_1150 = tpu.memref_slice %arg2[%dma_start3A_1148, %dma_start3A_1149] : memref<10000x128xf32, #tpu.memory_space<hbm>> -> memref<10000x128xf32, #tpu.memory_space<hbm>>
        tpu.enqueue_indirect_dma source(%dma_start3A_1150 : memref<10000x128xf32, #tpu.memory_space<hbm>>) target(%arg13 : memref<128x128xf32, #tpu.memory_space<vmem>>) offsets(%arg10 : memref<128xi32, #tpu.memory_space<vmem>>) semaphore(%arg18 : memref<!tpu.dma_semaphore, #tpu.memory_space<semaphore_mem>>)
      } else {
      }
      %mul3A_93 = arith.constant 2048 : i32
      %mul3A_94 = arith.muli %add3A_89, %mul3A_93 : i32
      %add3A_95 = arith.addi %mul3A_6, %mul3A_94 : i32
      "tpu.region"() ({
        %run_scoped3A = tpu.sem_alloc : memref<!tpu.dma_semaphore, #tpu.memory_space<semaphore_mem>>
        %dma_start3A_1143 = tpu.memref_slice %arg5[%add3A_95] : memref<327680xi32, #tpu.memory_space<hbm>> -> memref<2048xi32, #tpu.memory_space<hbm>>
        %dma_start3A_1144 = tpu.memref_slice %arg5[%add3A_95] : memref<327680xi32, #tpu.memory_space<hbm>> -> memref<2048xi32, #tpu.memory_space<hbm>>
        tpu.enqueue_dma source(%dma_start3A_1144 : memref<2048xi32, #tpu.memory_space<hbm>>) target(%arg14 : memref<2048xi32, #tpu.memory_space<vmem>>) target_semaphore(%run_scoped3A : memref<!tpu.dma_semaphore, #tpu.memory_space<semaphore_mem>>)
        %dma_wait3A_1145 = tpu.memref_slice %arg5[%add3A_95] : memref<327680xi32, #tpu.memory_space<hbm>> -> memref<2048xi32, #tpu.memory_space<hbm>>
        %dma_wait3A_1146 = tpu.memref_slice %arg5[%add3A_95] : memref<327680xi32, #tpu.memory_space<hbm>> -> memref<2048xi32, #tpu.memory_space<hbm>>
        tpu.wait_dma2 semaphore(%run_scoped3A : memref<!tpu.dma_semaphore, #tpu.memory_space<semaphore_mem>>) src(%dma_wait3A_1146 : memref<2048xi32, #tpu.memory_space<hbm>>) dst(%arg14 : memref<2048xi32, #tpu.memory_space<vmem>>)
        tpu.yield
      }) : () -> ()
      "tpu.region"() ({
        %run_scoped3A = tpu.sem_alloc : memref<!tpu.dma_semaphore, #tpu.memory_space<semaphore_mem>>
        %dma_start3A_1143 = tpu.memref_slice %arg4[%arg1, %add3A_95] : memref<16x327680xf32, #tpu.memory_space<hbm>> -> memref<1x2048xf32, #tpu.memory_space<hbm>>
        %dma_start3A_1144 = tpu.memref_squeeze %dma_start3A_1143 : memref<1x2048xf32, #tpu.memory_space<hbm>> -> memref<2048xf32, #tpu.memory_space<hbm>>
        %dma_start3A_1145 = tpu.memref_slice %arg4[%arg1, %add3A_95] : memref<16x327680xf32, #tpu.memory_space<hbm>> -> memref<1x2048xf32, #tpu.memory_space<hbm>>
        %dma_start3A_1146 = tpu.memref_squeeze %dma_start3A_1145 : memref<1x2048xf32, #tpu.memory_space<hbm>> -> memref<2048xf32, #tpu.memory_space<hbm>>
        tpu.enqueue_dma source(%dma_start3A_1146 : memref<2048xf32, #tpu.memory_space<hbm>>) target(%arg15 : memref<2048xf32, #tpu.memory_space<vmem>>) target_semaphore(%run_scoped3A : memref<!tpu.dma_semaphore, #tpu.memory_space<semaphore_mem>>)
        %dma_wait3A_1147 = tpu.memref_slice %arg4[%arg1, %add3A_95] : memref<16x327680xf32, #tpu.memory_space<hbm>> -> memref<1x2048xf32, #tpu.memory_space<hbm>>
        %dma_wait3A_1148 = tpu.memref_squeeze %dma_wait3A_1147 : memref<1x2048xf32, #tpu.memory_space<hbm>> -> memref<2048xf32, #tpu.memory_space<hbm>>
        %dma_wait3A_1149 = tpu.memref_slice %arg4[%arg1, %add3A_95] : memref<16x327680xf32, #tpu.memory_space<hbm>> -> memref<1x2048xf32, #tpu.memory_space<hbm>>
        %dma_wait3A_1150 = tpu.memref_squeeze %dma_wait3A_1149 : memref<1x2048xf32, #tpu.memory_space<hbm>> -> memref<2048xf32, #tpu.memory_space<hbm>>
        tpu.wait_dma2 semaphore(%run_scoped3A : memref<!tpu.dma_semaphore, #tpu.memory_space<semaphore_mem>>) src(%dma_wait3A_1150 : memref<2048xf32, #tpu.memory_space<hbm>>) dst(%arg15 : memref<2048xf32, #tpu.memory_space<vmem>>)
        tpu.yield
      }) : () -> ()
      %get3A = arith.constant 0 : index
      %get3A_96 = tpu.vector_load %arg14[%get3A] {strides = array<i32>} : memref<2048xi32, #tpu.memory_space<vmem>>, vector<16xi32>,
      %get3A_97 = arith.constant 0 : index
      %get3A_98 = tpu.vector_load %arg15[%get3A_97] {strides = array<i32>} : memref<2048xf32, #tpu.memory_space<vmem>>, vector<16xf32>,
      tpu.vector_store_idx %arg16[%get3A_96], %get3A_98 {add = true} : memref<10240xf32, #tpu.memory_space<vmem>>[vector<16xi32>], vector<16xf32>,
      %get3A_99 = arith.constant 16 : index
      %get3A_100 = tpu.vector_load %arg14[%get3A_99] {strides = array<i32>} : memref<2048xi32, #tpu.memory_space<vmem>>, vector<16xi32>,
      %get3A_101 = arith.constant 16 : index
      %get3A_102 = tpu.vector_load %arg15[%get3A_101] {strides = array<i32>} : memref<2048xf32, #tpu.memory_space<vmem>>, vector<16xf32>,
      tpu.vector_store_idx %arg16[%get3A_100], %get3A_102 {add = true} : memref<10240xf32, #tpu.memory_space<vmem>>[vector<16xi32>], vector<16xf32>,
      %get3A_103 = arith.constant 32 : index
      %get3A_104 = tpu.vector_load %arg14[%get3A_103] {strides = array<i32>} : memref<2048xi32, #tpu.memory_space<vmem>>, vector<16xi32>,
      %get3A_105 = arith.constant 32 : index
      %get3A_106 = tpu.vector_load %arg15[%get3A_105] {strides = array<i32>} : memref<2048xf32, #tpu.memory_space<vmem>>, vector<16xf32>,
      tpu.vector_store_idx %arg16[%get3A_104], %get3A_106 {add = true} : memref<10240xf32, #tpu.memory_space<vmem>>[vector<16xi32>], vector<16xf32>,
      %get3A_107 = arith.constant 48 : index
      %get3A_108 = tpu.vector_load %arg14[%get3A_107] {strides = array<i32>} : memref<2048xi32, #tpu.memory_space<vmem>>, vector<16xi32>,
      %get3A_109 = arith.constant 48 : index
      %get3A_110 = tpu.vector_load %arg15[%get3A_109] {strides = array<i32>} : memref<2048xf32, #tpu.memory_space<vmem>>, vector<16xf32>,
      tpu.vector_store_idx %arg16[%get3A_108], %get3A_110 {add = true} : memref<10240xf32, #tpu.memory_space<vmem>>[vector<16xi32>], vector<16xf32>,
      %get3A_111 = arith.constant 64 : index
      %get3A_112 = tpu.vector_load %arg14[%get3A_111] {strides = array<i32>} : memref<2048xi32, #tpu.memory_space<vmem>>, vector<16xi32>,
      %get3A_113 = arith.constant 64 : index
      %get3A_114 = tpu.vector_load %arg15[%get3A_113] {strides = array<i32>} : memref<2048xf32, #tpu.memory_space<vmem>>, vector<16xf32>,
      tpu.vector_store_idx %arg16[%get3A_112], %get3A_114 {add = true} : memref<10240xf32, #tpu.memory_space<vmem>>[vector<16xi32>], vector<16xf32>,
      %get3A_115 = arith.constant 80 : index
      %get3A_116 = tpu.vector_load %arg14[%get3A_115] {strides = array<i32>} : memref<2048xi32, #tpu.memory_space<vmem>>, vector<16xi32>,
      %get3A_117 = arith.constant 80 : index
      %get3A_118 = tpu.vector_load %arg15[%get3A_117] {strides = array<i32>} : memref<2048xf32, #tpu.memory_space<vmem>>, vector<16xf32>,
      tpu.vector_store_idx %arg16[%get3A_116], %get3A_118 {add = true} : memref<10240xf32, #tpu.memory_space<vmem>>[vector<16xi32>], vector<16xf32>,
      %get3A_119 = arith.constant 96 : index
      %get3A_120 = tpu.vector_load %arg14[%get3A_119] {strides = array<i32>} : memref<2048xi32, #tpu.memory_space<vmem>>, vector<16xi32>,
      %get3A_121 = arith.constant 96 : index
      %get3A_122 = tpu.vector_load %arg15[%get3A_121] {strides = array<i32>} : memref<2048xf32, #tpu.memory_space<vmem>>, vector<16xf32>,
      tpu.vector_store_idx %arg16[%get3A_120], %get3A_122 {add = true} : memref<10240xf32, #tpu.memory_space<vmem>>[vector<16xi32>], vector<16xf32>,
      %get3A_123 = arith.constant 112 : index
      %get3A_124 = tpu.vector_load %arg14[%get3A_123] {strides = array<i32>} : memref<2048xi32, #tpu.memory_space<vmem>>, vector<16xi32>,
      %get3A_125 = arith.constant 112 : index
      %get3A_126 = tpu.vector_load %arg15[%get3A_125] {strides = array<i32>} : memref<2048xf32, #tpu.memory_space<vmem>>, vector<16xf32>,
      tpu.vector_store_idx %arg16[%get3A_124], %get3A_126 {add = true} : memref<10240xf32, #tpu.memory_space<vmem>>[vector<16xi32>], vector<16xf32>,
      %get3A_127 = arith.constant 128 : index
      %get3A_128 = tpu.vector_load %arg14[%get3A_127] {strides = array<i32>} : memref<2048xi32, #tpu.memory_space<vmem>>, vector<16xi32>,
      %get3A_129 = arith.constant 128 : index
      %get3A_130 = tpu.vector_load %arg15[%get3A_129] {strides = array<i32>} : memref<2048xf32, #tpu.memory_space<vmem>>, vector<16xf32>,
      tpu.vector_store_idx %arg16[%get3A_128], %get3A_130 {add = true} : memref<10240xf32, #tpu.memory_space<vmem>>[vector<16xi32>], vector<16xf32>,
      %get3A_131 = arith.constant 144 : index
      %get3A_132 = tpu.vector_load %arg14[%get3A_131] {strides = array<i32>} : memref<2048xi32, #tpu.memory_space<vmem>>, vector<16xi32>,
      %get3A_133 = arith.constant 144 : index
      %get3A_134 = tpu.vector_load %arg15[%get3A_133] {strides = array<i32>} : memref<2048xf32, #tpu.memory_space<vmem>>, vector<16xf32>,
      tpu.vector_store_idx %arg16[%get3A_132], %get3A_134 {add = true} : memref<10240xf32, #tpu.memory_space<vmem>>[vector<16xi32>], vector<16xf32>,
      %get3A_135 = arith.constant 160 : index
      %get3A_136 = tpu.vector_load %arg14[%get3A_135] {strides = array<i32>} : memref<2048xi32, #tpu.memory_space<vmem>>, vector<16xi32>,
      %get3A_137 = arith.constant 160 : index
      %get3A_138 = tpu.vector_load %arg15[%get3A_137] {strides = array<i32>} : memref<2048xf32, #tpu.memory_space<vmem>>, vector<16xf32>,
      tpu.vector_store_idx %arg16[%get3A_136], %get3A_138 {add = true} : memref<10240xf32, #tpu.memory_space<vmem>>[vector<16xi32>], vector<16xf32>,
      %get3A_139 = arith.constant 176 : index
      %get3A_140 = tpu.vector_load %arg14[%get3A_139] {strides = array<i32>} : memref<2048xi32, #tpu.memory_space<vmem>>, vector<16xi32>,
      %get3A_141 = arith.constant 176 : index
      %get3A_142 = tpu.vector_load %arg15[%get3A_141] {strides = array<i32>} : memref<2048xf32, #tpu.memory_space<vmem>>, vector<16xf32>,
      tpu.vector_store_idx %arg16[%get3A_140], %get3A_142 {add = true} : memref<10240xf32, #tpu.memory_space<vmem>>[vector<16xi32>], vector<16xf32>,
      %get3A_143 = arith.constant 192 : index
      %get3A_144 = tpu.vector_load %arg14[%get3A_143] {strides = array<i32>} : memref<2048xi32, #tpu.memory_space<vmem>>, vector<16xi32>,
      %get3A_145 = arith.constant 192 : index
      %get3A_146 = tpu.vector_load %arg15[%get3A_145] {strides = array<i32>} : memref<2048xf32, #tpu.memory_space<vmem>>, vector<16xf32>,
      tpu.vector_store_idx %arg16[%get3A_144], %get3A_146 {add = true} : memref<10240xf32, #tpu.memory_space<vmem>>[vector<16xi32>], vector<16xf32>,
      %get3A_147 = arith.constant 208 : index
      %get3A_148 = tpu.vector_load %arg14[%get3A_147] {strides = array<i32>} : memref<2048xi32, #tpu.memory_space<vmem>>, vector<16xi32>,
      %get3A_149 = arith.constant 208 : index
      %get3A_150 = tpu.vector_load %arg15[%get3A_149] {strides = array<i32>} : memref<2048xf32, #tpu.memory_space<vmem>>, vector<16xf32>,
      tpu.vector_store_idx %arg16[%get3A_148], %get3A_150 {add = true} : memref<10240xf32, #tpu.memory_space<vmem>>[vector<16xi32>], vector<16xf32>,
      %get3A_151 = arith.constant 224 : index
      %get3A_152 = tpu.vector_load %arg14[%get3A_151] {strides = array<i32>} : memref<2048xi32, #tpu.memory_space<vmem>>, vector<16xi32>,
      %get3A_153 = arith.constant 224 : index
      %get3A_154 = tpu.vector_load %arg15[%get3A_153] {strides = array<i32>} : memref<2048xf32, #tpu.memory_space<vmem>>, vector<16xf32>,
      tpu.vector_store_idx %arg16[%get3A_152], %get3A_154 {add = true} : memref<10240xf32, #tpu.memory_space<vmem>>[vector<16xi32>], vector<16xf32>,
      %get3A_155 = arith.constant 240 : index
      %get3A_156 = tpu.vector_load %arg14[%get3A_155] {strides = array<i32>} : memref<2048xi32, #tpu.memory_space<vmem>>, vector<16xi32>,
      %get3A_157 = arith.constant 240 : index
      %get3A_158 = tpu.vector_load %arg15[%get3A_157] {strides = array<i32>} : memref<2048xf32, #tpu.memory_space<vmem>>, vector<16xf32>,
      tpu.vector_store_idx %arg16[%get3A_156], %get3A_158 {add = true} : memref<10240xf32, #tpu.memory_space<vmem>>[vector<16xi32>], vector<16xf32>,
      %get3A_159 = arith.constant 256 : index
      %get3A_160 = tpu.vector_load %arg14[%get3A_159] {strides = array<i32>} : memref<2048xi32, #tpu.memory_space<vmem>>, vector<16xi32>,
      %get3A_161 = arith.constant 256 : index
      %get3A_162 = tpu.vector_load %arg15[%get3A_161] {strides = array<i32>} : memref<2048xf32, #tpu.memory_space<vmem>>, vector<16xf32>,
      tpu.vector_store_idx %arg16[%get3A_160], %get3A_162 {add = true} : memref<10240xf32, #tpu.memory_space<vmem>>[vector<16xi32>], vector<16xf32>,
      %get3A_163 = arith.constant 272 : index
      %get3A_164 = tpu.vector_load %arg14[%get3A_163] {strides = array<i32>} : memref<2048xi32, #tpu.memory_space<vmem>>, vector<16xi32>,
      %get3A_165 = arith.constant 272 : index
      %get3A_166 = tpu.vector_load %arg15[%get3A_165] {strides = array<i32>} : memref<2048xf32, #tpu.memory_space<vmem>>, vector<16xf32>,
      tpu.vector_store_idx %arg16[%get3A_164], %get3A_166 {add = true} : memref<10240xf32, #tpu.memory_space<vmem>>[vector<16xi32>], vector<16xf32>,
      %get3A_167 = arith.constant 288 : index
      %get3A_168 = tpu.vector_load %arg14[%get3A_167] {strides = array<i32>} : memref<2048xi32, #tpu.memory_space<vmem>>, vector<16xi32>,
      %get3A_169 = arith.constant 288 : index
      %get3A_170 = tpu.vector_load %arg15[%get3A_169] {strides = array<i32>} : memref<2048xf32, #tpu.memory_space<vmem>>, vector<16xf32>,
      tpu.vector_store_idx %arg16[%get3A_168], %get3A_170 {add = true} : memref<10240xf32, #tpu.memory_space<vmem>>[vector<16xi32>], vector<16xf32>,
      %get3A_171 = arith.constant 304 : index
      %get3A_172 = tpu.vector_load %arg14[%get3A_171] {strides = array<i32>} : memref<2048xi32, #tpu.memory_space<vmem>>, vector<16xi32>,
      %get3A_173 = arith.constant 304 : index
      %get3A_174 = tpu.vector_load %arg15[%get3A_173] {strides = array<i32>} : memref<2048xf32, #tpu.memory_space<vmem>>, vector<16xf32>,
      tpu.vector_store_idx %arg16[%get3A_172], %get3A_174 {add = true} : memref<10240xf32, #tpu.memory_space<vmem>>[vector<16xi32>], vector<16xf32>,
      %get3A_175 = arith.constant 320 : index
      %get3A_176 = tpu.vector_load %arg14[%get3A_175] {strides = array<i32>} : memref<2048xi32, #tpu.memory_space<vmem>>, vector<16xi32>,
      %get3A_177 = arith.constant 320 : index
      %get3A_178 = tpu.vector_load %arg15[%get3A_177] {strides = array<i32>} : memref<2048xf32, #tpu.memory_space<vmem>>, vector<16xf32>,
      tpu.vector_store_idx %arg16[%get3A_176], %get3A_178 {add = true} : memref<10240xf32, #tpu.memory_space<vmem>>[vector<16xi32>], vector<16xf32>,
      %get3A_179 = arith.constant 336 : index
      %get3A_180 = tpu.vector_load %arg14[%get3A_179] {strides = array<i32>} : memref<2048xi32, #tpu.memory_space<vmem>>, vector<16xi32>,
      %get3A_181 = arith.constant 336 : index
      %get3A_182 = tpu.vector_load %arg15[%get3A_181] {strides = array<i32>} : memref<2048xf32, #tpu.memory_space<vmem>>, vector<16xf32>,
      tpu.vector_store_idx %arg16[%get3A_180], %get3A_182 {add = true} : memref<10240xf32, #tpu.memory_space<vmem>>[vector<16xi32>], vector<16xf32>,
      %get3A_183 = arith.constant 352 : index
      %get3A_184 = tpu.vector_load %arg14[%get3A_183] {strides = array<i32>} : memref<2048xi32, #tpu.memory_space<vmem>>, vector<16xi32>,
      %get3A_185 = arith.constant 352 : index
      %get3A_186 = tpu.vector_load %arg15[%get3A_185] {strides = array<i32>} : memref<2048xf32, #tpu.memory_space<vmem>>, vector<16xf32>,
      tpu.vector_store_idx %arg16[%get3A_184], %get3A_186 {add = true} : memref<10240xf32, #tpu.memory_space<vmem>>[vector<16xi32>], vector<16xf32>,
      %get3A_187 = arith.constant 368 : index
      %get3A_188 = tpu.vector_load %arg14[%get3A_187] {strides = array<i32>} : memref<2048xi32, #tpu.memory_space<vmem>>, vector<16xi32>,
      %get3A_189 = arith.constant 368 : index
      %get3A_190 = tpu.vector_load %arg15[%get3A_189] {strides = array<i32>} : memref<2048xf32, #tpu.memory_space<vmem>>, vector<16xf32>,
      tpu.vector_store_idx %arg16[%get3A_188], %get3A_190 {add = true} : memref<10240xf32, #tpu.memory_space<vmem>>[vector<16xi32>], vector<16xf32>,
      %get3A_191 = arith.constant 384 : index
      %get3A_192 = tpu.vector_load %arg14[%get3A_191] {strides = array<i32>} : memref<2048xi32, #tpu.memory_space<vmem>>, vector<16xi32>,
      %get3A_193 = arith.constant 384 : index
      %get3A_194 = tpu.vector_load %arg15[%get3A_193] {strides = array<i32>} : memref<2048xf32, #tpu.memory_space<vmem>>, vector<16xf32>,
      tpu.vector_store_idx %arg16[%get3A_192], %get3A_194 {add = true} : memref<10240xf32, #tpu.memory_space<vmem>>[vector<16xi32>], vector<16xf32>,
      %get3A_195 = arith.constant 400 : index
      %get3A_196 = tpu.vector_load %arg14[%get3A_195] {strides = array<i32>} : memref<2048xi32, #tpu.memory_space<vmem>>, vector<16xi32>,
      %get3A_197 = arith.constant 400 : index
      %get3A_198 = tpu.vector_load %arg15[%get3A_197] {strides = array<i32>} : memref<2048xf32, #tpu.memory_space<vmem>>, vector<16xf32>,
      tpu.vector_store_idx %arg16[%get3A_196], %get3A_198 {add = true} : memref<10240xf32, #tpu.memory_space<vmem>>[vector<16xi32>], vector<16xf32>,
      %get3A_199 = arith.constant 416 : index
      %get3A_200 = tpu.vector_load %arg14[%get3A_199] {strides = array<i32>} : memref<2048xi32, #tpu.memory_space<vmem>>, vector<16xi32>,
      %get3A_201 = arith.constant 416 : index
      %get3A_202 = tpu.vector_load %arg15[%get3A_201] {strides = array<i32>} : memref<2048xf32, #tpu.memory_space<vmem>>, vector<16xf32>,
      tpu.vector_store_idx %arg16[%get3A_200], %get3A_202 {add = true} : memref<10240xf32, #tpu.memory_space<vmem>>[vector<16xi32>], vector<16xf32>,
      %get3A_203 = arith.constant 432 : index
      %get3A_204 = tpu.vector_load %arg14[%get3A_203] {strides = array<i32>} : memref<2048xi32, #tpu.memory_space<vmem>>, vector<16xi32>,
      %get3A_205 = arith.constant 432 : index
      %get3A_206 = tpu.vector_load %arg15[%get3A_205] {strides = array<i32>} : memref<2048xf32, #tpu.memory_space<vmem>>, vector<16xf32>,
      tpu.vector_store_idx %arg16[%get3A_204], %get3A_206 {add = true} : memref<10240xf32, #tpu.memory_space<vmem>>[vector<16xi32>], vector<16xf32>,
      %get3A_207 = arith.constant 448 : index
      %get3A_208 = tpu.vector_load %arg14[%get3A_207] {strides = array<i32>} : memref<2048xi32, #tpu.memory_space<vmem>>, vector<16xi32>,
      %get3A_209 = arith.constant 448 : index
      %get3A_210 = tpu.vector_load %arg15[%get3A_209] {strides = array<i32>} : memref<2048xf32, #tpu.memory_space<vmem>>, vector<16xf32>,
      tpu.vector_store_idx %arg16[%get3A_208], %get3A_210 {add = true} : memref<10240xf32, #tpu.memory_space<vmem>>[vector<16xi32>], vector<16xf32>,
      %get3A_211 = arith.constant 464 : index
      %get3A_212 = tpu.vector_load %arg14[%get3A_211] {strides = array<i32>} : memref<2048xi32, #tpu.memory_space<vmem>>, vector<16xi32>,
      %get3A_213 = arith.constant 464 : index
      %get3A_214 = tpu.vector_load %arg15[%get3A_213] {strides = array<i32>} : memref<2048xf32, #tpu.memory_space<vmem>>, vector<16xf32>,
      tpu.vector_store_idx %arg16[%get3A_212], %get3A_214 {add = true} : memref<10240xf32, #tpu.memory_space<vmem>>[vector<16xi32>], vector<16xf32>,
      %get3A_215 = arith.constant 480 : index
      %get3A_216 = tpu.vector_load %arg14[%get3A_215] {strides = array<i32>} : memref<2048xi32, #tpu.memory_space<vmem>>, vector<16xi32>,
      %get3A_217 = arith.constant 480 : index
      %get3A_218 = tpu.vector_load %arg15[%get3A_217] {strides = array<i32>} : memref<2048xf32, #tpu.memory_space<vmem>>, vector<16xf32>,
      tpu.vector_store_idx %arg16[%get3A_216], %get3A_218 {add = true} : memref<10240xf32, #tpu.memory_space<vmem>>[vector<16xi32>], vector<16xf32>,
      %get3A_219 = arith.constant 496 : index
      %get3A_220 = tpu.vector_load %arg14[%get3A_219] {strides = array<i32>} : memref<2048xi32, #tpu.memory_space<vmem>>, vector<16xi32>,
      %get3A_221 = arith.constant 496 : index
      %get3A_222 = tpu.vector_load %arg15[%get3A_221] {strides = array<i32>} : memref<2048xf32, #tpu.memory_space<vmem>>, vector<16xf32>,
      tpu.vector_store_idx %arg16[%get3A_220], %get3A_222 {add = true} : memref<10240xf32, #tpu.memory_space<vmem>>[vector<16xi32>], vector<16xf32>,
      %get3A_223 = arith.constant 512 : index
      %get3A_224 = tpu.vector_load %arg14[%get3A_223] {strides = array<i32>} : memref<2048xi32, #tpu.memory_space<vmem>>, vector<16xi32>,
      %get3A_225 = arith.constant 512 : index
      %get3A_226 = tpu.vector_load %arg15[%get3A_225] {strides = array<i32>} : memref<2048xf32, #tpu.memory_space<vmem>>, vector<16xf32>,
      tpu.vector_store_idx %arg16[%get3A_224], %get3A_226 {add = true} : memref<10240xf32, #tpu.memory_space<vmem>>[vector<16xi32>], vector<16xf32>,
      %get3A_227 = arith.constant 528 : index
      %get3A_228 = tpu.vector_load %arg14[%get3A_227] {strides = array<i32>} : memref<2048xi32, #tpu.memory_space<vmem>>, vector<16xi32>,
      %get3A_229 = arith.constant 528 : index
      %get3A_230 = tpu.vector_load %arg15[%get3A_229] {strides = array<i32>} : memref<2048xf32, #tpu.memory_space<vmem>>, vector<16xf32>,
      tpu.vector_store_idx %arg16[%get3A_228], %get3A_230 {add = true} : memref<10240xf32, #tpu.memory_space<vmem>>[vector<16xi32>], vector<16xf32>,
      %get3A_231 = arith.constant 544 : index
      %get3A_232 = tpu.vector_load %arg14[%get3A_231] {strides = array<i32>} : memref<2048xi32, #tpu.memory_space<vmem>>, vector<16xi32>,
      %get3A_233 = arith.constant 544 : index
      %get3A_234 = tpu.vector_load %arg15[%get3A_233] {strides = array<i32>} : memref<2048xf32, #tpu.memory_space<vmem>>, vector<16xf32>,
      tpu.vector_store_idx %arg16[%get3A_232], %get3A_234 {add = true} : memref<10240xf32, #tpu.memory_space<vmem>>[vector<16xi32>], vector<16xf32>,
      %get3A_235 = arith.constant 560 : index
      %get3A_236 = tpu.vector_load %arg14[%get3A_235] {strides = array<i32>} : memref<2048xi32, #tpu.memory_space<vmem>>, vector<16xi32>,
      %get3A_237 = arith.constant 560 : index
      %get3A_238 = tpu.vector_load %arg15[%get3A_237] {strides = array<i32>} : memref<2048xf32, #tpu.memory_space<vmem>>, vector<16xf32>,
      tpu.vector_store_idx %arg16[%get3A_236], %get3A_238 {add = true} : memref<10240xf32, #tpu.memory_space<vmem>>[vector<16xi32>], vector<16xf32>,
      %get3A_239 = arith.constant 576 : index
      %get3A_240 = tpu.vector_load %arg14[%get3A_239] {strides = array<i32>} : memref<2048xi32, #tpu.memory_space<vmem>>, vector<16xi32>,
      %get3A_241 = arith.constant 576 : index
      %get3A_242 = tpu.vector_load %arg15[%get3A_241] {strides = array<i32>} : memref<2048xf32, #tpu.memory_space<vmem>>, vector<16xf32>,
      tpu.vector_store_idx %arg16[%get3A_240], %get3A_242 {add = true} : memref<10240xf32, #tpu.memory_space<vmem>>[vector<16xi32>], vector<16xf32>,
      %get3A_243 = arith.constant 592 : index
      %get3A_244 = tpu.vector_load %arg14[%get3A_243] {strides = array<i32>} : memref<2048xi32, #tpu.memory_space<vmem>>, vector<16xi32>,
      %get3A_245 = arith.constant 592 : index
      %get3A_246 = tpu.vector_load %arg15[%get3A_245] {strides = array<i32>} : memref<2048xf32, #tpu.memory_space<vmem>>, vector<16xf32>,
      tpu.vector_store_idx %arg16[%get3A_244], %get3A_246 {add = true} : memref<10240xf32, #tpu.memory_space<vmem>>[vector<16xi32>], vector<16xf32>,
      %get3A_247 = arith.constant 608 : index
      %get3A_248 = tpu.vector_load %arg14[%get3A_247] {strides = array<i32>} : memref<2048xi32, #tpu.memory_space<vmem>>, vector<16xi32>,
      %get3A_249 = arith.constant 608 : index
      %get3A_250 = tpu.vector_load %arg15[%get3A_249] {strides = array<i32>} : memref<2048xf32, #tpu.memory_space<vmem>>, vector<16xf32>,
      tpu.vector_store_idx %arg16[%get3A_248], %get3A_250 {add = true} : memref<10240xf32, #tpu.memory_space<vmem>>[vector<16xi32>], vector<16xf32>,
      %get3A_251 = arith.constant 624 : index
      %get3A_252 = tpu.vector_load %arg14[%get3A_251] {strides = array<i32>} : memref<2048xi32, #tpu.memory_space<vmem>>, vector<16xi32>,
      %get3A_253 = arith.constant 624 : index
      %get3A_254 = tpu.vector_load %arg15[%get3A_253] {strides = array<i32>} : memref<2048xf32, #tpu.memory_space<vmem>>, vector<16xf32>,
      tpu.vector_store_idx %arg16[%get3A_252], %get3A_254 {add = true} : memref<10240xf32, #tpu.memory_space<vmem>>[vector<16xi32>], vector<16xf32>,
      %get3A_255 = arith.constant 640 : index
      %get3A_256 = tpu.vector_load %arg14[%get3A_255] {strides = array<i32>} : memref<2048xi32, #tpu.memory_space<vmem>>, vector<16xi32>,
      %get3A_257 = arith.constant 640 : index
      %get3A_258 = tpu.vector_load %arg15[%get3A_257] {strides = array<i32>} : memref<2048xf32, #tpu.memory_space<vmem>>, vector<16xf32>,
      tpu.vector_store_idx %arg16[%get3A_256], %get3A_258 {add = true} : memref<10240xf32, #tpu.memory_space<vmem>>[vector<16xi32>], vector<16xf32>,
      %get3A_259 = arith.constant 656 : index
      %get3A_260 = tpu.vector_load %arg14[%get3A_259] {strides = array<i32>} : memref<2048xi32, #tpu.memory_space<vmem>>, vector<16xi32>,
      %get3A_261 = arith.constant 656 : index
      %get3A_262 = tpu.vector_load %arg15[%get3A_261] {strides = array<i32>} : memref<2048xf32, #tpu.memory_space<vmem>>, vector<16xf32>,
      tpu.vector_store_idx %arg16[%get3A_260], %get3A_262 {add = true} : memref<10240xf32, #tpu.memory_space<vmem>>[vector<16xi32>], vector<16xf32>,
      %get3A_263 = arith.constant 672 : index
      %get3A_264 = tpu.vector_load %arg14[%get3A_263] {strides = array<i32>} : memref<2048xi32, #tpu.memory_space<vmem>>, vector<16xi32>,
      %get3A_265 = arith.constant 672 : index
      %get3A_266 = tpu.vector_load %arg15[%get3A_265] {strides = array<i32>} : memref<2048xf32, #tpu.memory_space<vmem>>, vector<16xf32>,
      tpu.vector_store_idx %arg16[%get3A_264], %get3A_266 {add = true} : memref<10240xf32, #tpu.memory_space<vmem>>[vector<16xi32>], vector<16xf32>,
      %get3A_267 = arith.constant 688 : index
      %get3A_268 = tpu.vector_load %arg14[%get3A_267] {strides = array<i32>} : memref<2048xi32, #tpu.memory_space<vmem>>, vector<16xi32>,
      %get3A_269 = arith.constant 688 : index
      %get3A_270 = tpu.vector_load %arg15[%get3A_269] {strides = array<i32>} : memref<2048xf32, #tpu.memory_space<vmem>>, vector<16xf32>,
      tpu.vector_store_idx %arg16[%get3A_268], %get3A_270 {add = true} : memref<10240xf32, #tpu.memory_space<vmem>>[vector<16xi32>], vector<16xf32>,
      %get3A_271 = arith.constant 704 : index
      %get3A_272 = tpu.vector_load %arg14[%get3A_271] {strides = array<i32>} : memref<2048xi32, #tpu.memory_space<vmem>>, vector<16xi32>,
      %get3A_273 = arith.constant 704 : index
      %get3A_274 = tpu.vector_load %arg15[%get3A_273] {strides = array<i32>} : memref<2048xf32, #tpu.memory_space<vmem>>, vector<16xf32>,
      tpu.vector_store_idx %arg16[%get3A_272], %get3A_274 {add = true} : memref<10240xf32, #tpu.memory_space<vmem>>[vector<16xi32>], vector<16xf32>,
      %get3A_275 = arith.constant 720 : index
      %get3A_276 = tpu.vector_load %arg14[%get3A_275] {strides = array<i32>} : memref<2048xi32, #tpu.memory_space<vmem>>, vector<16xi32>,
      %get3A_277 = arith.constant 720 : index
      %get3A_278 = tpu.vector_load %arg15[%get3A_277] {strides = array<i32>} : memref<2048xf32, #tpu.memory_space<vmem>>, vector<16xf32>,
      tpu.vector_store_idx %arg16[%get3A_276], %get3A_278 {add = true} : memref<10240xf32, #tpu.memory_space<vmem>>[vector<16xi32>], vector<16xf32>,
      %get3A_279 = arith.constant 736 : index
      %get3A_280 = tpu.vector_load %arg14[%get3A_279] {strides = array<i32>} : memref<2048xi32, #tpu.memory_space<vmem>>, vector<16xi32>,
      %get3A_281 = arith.constant 736 : index
      %get3A_282 = tpu.vector_load %arg15[%get3A_281] {strides = array<i32>} : memref<2048xf32, #tpu.memory_space<vmem>>, vector<16xf32>,
      tpu.vector_store_idx %arg16[%get3A_280], %get3A_282 {add = true} : memref<10240xf32, #tpu.memory_space<vmem>>[vector<16xi32>], vector<16xf32>,
      %get3A_283 = arith.constant 752 : index
      %get3A_284 = tpu.vector_load %arg14[%get3A_283] {strides = array<i32>} : memref<2048xi32, #tpu.memory_space<vmem>>, vector<16xi32>,
      %get3A_285 = arith.constant 752 : index
      %get3A_286 = tpu.vector_load %arg15[%get3A_285] {strides = array<i32>} : memref<2048xf32, #tpu.memory_space<vmem>>, vector<16xf32>,
      tpu.vector_store_idx %arg16[%get3A_284], %get3A_286 {add = true} : memref<10240xf32, #tpu.memory_space<vmem>>[vector<16xi32>], vector<16xf32>,
      %get3A_287 = arith.constant 768 : index
      %get3A_288 = tpu.vector_load %arg14[%get3A_287] {strides = array<i32>} : memref<2048xi32, #tpu.memory_space<vmem>>, vector<16xi32>,
      %get3A_289 = arith.constant 768 : index
      %get3A_290 = tpu.vector_load %arg15[%get3A_289] {strides = array<i32>} : memref<2048xf32, #tpu.memory_space<vmem>>, vector<16xf32>,
      tpu.vector_store_idx %arg16[%get3A_288], %get3A_290 {add = true} : memref<10240xf32, #tpu.memory_space<vmem>>[vector<16xi32>], vector<16xf32>,
      %get3A_291 = arith.constant 784 : index
      %get3A_292 = tpu.vector_load %arg14[%get3A_291] {strides = array<i32>} : memref<2048xi32, #tpu.memory_space<vmem>>, vector<16xi32>,
      %get3A_293 = arith.constant 784 : index
      %get3A_294 = tpu.vector_load %arg15[%get3A_293] {strides = array<i32>} : memref<2048xf32, #tpu.memory_space<vmem>>, vector<16xf32>,
      tpu.vector_store_idx %arg16[%get3A_292], %get3A_294 {add = true} : memref<10240xf32, #tpu.memory_space<vmem>>[vector<16xi32>], vector<16xf32>,
      %get3A_295 = arith.constant 800 : index
      %get3A_296 = tpu.vector_load %arg14[%get3A_295] {strides = array<i32>} : memref<2048xi32, #tpu.memory_space<vmem>>, vector<16xi32>,
      %get3A_297 = arith.constant 800 : index
      %get3A_298 = tpu.vector_load %arg15[%get3A_297] {strides = array<i32>} : memref<2048xf32, #tpu.memory_space<vmem>>, vector<16xf32>,
      tpu.vector_store_idx %arg16[%get3A_296], %get3A_298 {add = true} : memref<10240xf32, #tpu.memory_space<vmem>>[vector<16xi32>], vector<16xf32>,
      %get3A_299 = arith.constant 816 : index
      %get3A_300 = tpu.vector_load %arg14[%get3A_299] {strides = array<i32>} : memref<2048xi32, #tpu.memory_space<vmem>>, vector<16xi32>,
      %get3A_301 = arith.constant 816 : index
      %get3A_302 = tpu.vector_load %arg15[%get3A_301] {strides = array<i32>} : memref<2048xf32, #tpu.memory_space<vmem>>, vector<16xf32>,
      tpu.vector_store_idx %arg16[%get3A_300], %get3A_302 {add = true} : memref<10240xf32, #tpu.memory_space<vmem>>[vector<16xi32>], vector<16xf32>,
      %get3A_303 = arith.constant 832 : index
      %get3A_304 = tpu.vector_load %arg14[%get3A_303] {strides = array<i32>} : memref<2048xi32, #tpu.memory_space<vmem>>, vector<16xi32>,
      %get3A_305 = arith.constant 832 : index
      %get3A_306 = tpu.vector_load %arg15[%get3A_305] {strides = array<i32>} : memref<2048xf32, #tpu.memory_space<vmem>>, vector<16xf32>,
      tpu.vector_store_idx %arg16[%get3A_304], %get3A_306 {add = true} : memref<10240xf32, #tpu.memory_space<vmem>>[vector<16xi32>], vector<16xf32>,
      %get3A_307 = arith.constant 848 : index
      %get3A_308 = tpu.vector_load %arg14[%get3A_307] {strides = array<i32>} : memref<2048xi32, #tpu.memory_space<vmem>>, vector<16xi32>,
      %get3A_309 = arith.constant 848 : index
      %get3A_310 = tpu.vector_load %arg15[%get3A_309] {strides = array<i32>} : memref<2048xf32, #tpu.memory_space<vmem>>, vector<16xf32>,
      tpu.vector_store_idx %arg16[%get3A_308], %get3A_310 {add = true} : memref<10240xf32, #tpu.memory_space<vmem>>[vector<16xi32>], vector<16xf32>,
      %get3A_311 = arith.constant 864 : index
      %get3A_312 = tpu.vector_load %arg14[%get3A_311] {strides = array<i32>} : memref<2048xi32, #tpu.memory_space<vmem>>, vector<16xi32>,
      %get3A_313 = arith.constant 864 : index
      %get3A_314 = tpu.vector_load %arg15[%get3A_313] {strides = array<i32>} : memref<2048xf32, #tpu.memory_space<vmem>>, vector<16xf32>,
      tpu.vector_store_idx %arg16[%get3A_312], %get3A_314 {add = true} : memref<10240xf32, #tpu.memory_space<vmem>>[vector<16xi32>], vector<16xf32>,
      %get3A_315 = arith.constant 880 : index
      %get3A_316 = tpu.vector_load %arg14[%get3A_315] {strides = array<i32>} : memref<2048xi32, #tpu.memory_space<vmem>>, vector<16xi32>,
      %get3A_317 = arith.constant 880 : index
      %get3A_318 = tpu.vector_load %arg15[%get3A_317] {strides = array<i32>} : memref<2048xf32, #tpu.memory_space<vmem>>, vector<16xf32>,
      tpu.vector_store_idx %arg16[%get3A_316], %get3A_318 {add = true} : memref<10240xf32, #tpu.memory_space<vmem>>[vector<16xi32>], vector<16xf32>,
      %get3A_319 = arith.constant 896 : index
      %get3A_320 = tpu.vector_load %arg14[%get3A_319] {strides = array<i32>} : memref<2048xi32, #tpu.memory_space<vmem>>, vector<16xi32>,
      %get3A_321 = arith.constant 896 : index
      %get3A_322 = tpu.vector_load %arg15[%get3A_321] {strides = array<i32>} : memref<2048xf32, #tpu.memory_space<vmem>>, vector<16xf32>,
      tpu.vector_store_idx %arg16[%get3A_320], %get3A_322 {add = true} : memref<10240xf32, #tpu.memory_space<vmem>>[vector<16xi32>], vector<16xf32>,
      %get3A_323 = arith.constant 912 : index
      %get3A_324 = tpu.vector_load %arg14[%get3A_323] {strides = array<i32>} : memref<2048xi32, #tpu.memory_space<vmem>>, vector<16xi32>,
      %get3A_325 = arith.constant 912 : index
      %get3A_326 = tpu.vector_load %arg15[%get3A_325] {strides = array<i32>} : memref<2048xf32, #tpu.memory_space<vmem>>, vector<16xf32>,
      tpu.vector_store_idx %arg16[%get3A_324], %get3A_326 {add = true} : memref<10240xf32, #tpu.memory_space<vmem>>[vector<16xi32>], vector<16xf32>,
      %get3A_327 = arith.constant 928 : index
      %get3A_328 = tpu.vector_load %arg14[%get3A_327] {strides = array<i32>} : memref<2048xi32, #tpu.memory_space<vmem>>, vector<16xi32>,
      %get3A_329 = arith.constant 928 : index
      %get3A_330 = tpu.vector_load %arg15[%get3A_329] {strides = array<i32>} : memref<2048xf32, #tpu.memory_space<vmem>>, vector<16xf32>,
      tpu.vector_store_idx %arg16[%get3A_328], %get3A_330 {add = true} : memref<10240xf32, #tpu.memory_space<vmem>>[vector<16xi32>], vector<16xf32>,
      %get3A_331 = arith.constant 944 : index
      %get3A_332 = tpu.vector_load %arg14[%get3A_331] {strides = array<i32>} : memref<2048xi32, #tpu.memory_space<vmem>>, vector<16xi32>,
      %get3A_333 = arith.constant 944 : index
      %get3A_334 = tpu.vector_load %arg15[%get3A_333] {strides = array<i32>} : memref<2048xf32, #tpu.memory_space<vmem>>, vector<16xf32>,
      tpu.vector_store_idx %arg16[%get3A_332], %get3A_334 {add = true} : memref<10240xf32, #tpu.memory_space<vmem>>[vector<16xi32>], vector<16xf32>,
      %get3A_335 = arith.constant 960 : index
      %get3A_336 = tpu.vector_load %arg14[%get3A_335] {strides = array<i32>} : memref<2048xi32, #tpu.memory_space<vmem>>, vector<16xi32>,
      %get3A_337 = arith.constant 960 : index
      %get3A_338 = tpu.vector_load %arg15[%get3A_337] {strides = array<i32>} : memref<2048xf32, #tpu.memory_space<vmem>>, vector<16xf32>,
      tpu.vector_store_idx %arg16[%get3A_336], %get3A_338 {add = true} : memref<10240xf32, #tpu.memory_space<vmem>>[vector<16xi32>], vector<16xf32>,
      %get3A_339 = arith.constant 976 : index
      %get3A_340 = tpu.vector_load %arg14[%get3A_339] {strides = array<i32>} : memref<2048xi32, #tpu.memory_space<vmem>>, vector<16xi32>,
      %get3A_341 = arith.constant 976 : index
      %get3A_342 = tpu.vector_load %arg15[%get3A_341] {strides = array<i32>} : memref<2048xf32, #tpu.memory_space<vmem>>, vector<16xf32>,
      tpu.vector_store_idx %arg16[%get3A_340], %get3A_342 {add = true} : memref<10240xf32, #tpu.memory_space<vmem>>[vector<16xi32>], vector<16xf32>,
      %get3A_343 = arith.constant 992 : index
      %get3A_344 = tpu.vector_load %arg14[%get3A_343] {strides = array<i32>} : memref<2048xi32, #tpu.memory_space<vmem>>, vector<16xi32>,
      %get3A_345 = arith.constant 992 : index
      %get3A_346 = tpu.vector_load %arg15[%get3A_345] {strides = array<i32>} : memref<2048xf32, #tpu.memory_space<vmem>>, vector<16xf32>,
      tpu.vector_store_idx %arg16[%get3A_344], %get3A_346 {add = true} : memref<10240xf32, #tpu.memory_space<vmem>>[vector<16xi32>], vector<16xf32>,
      %get3A_347 = arith.constant 1008 : index
      %get3A_348 = tpu.vector_load %arg14[%get3A_347] {strides = array<i32>} : memref<2048xi32, #tpu.memory_space<vmem>>, vector<16xi32>,
      %get3A_349 = arith.constant 1008 : index
      %get3A_350 = tpu.vector_load %arg15[%get3A_349] {strides = array<i32>} : memref<2048xf32, #tpu.memory_space<vmem>>, vector<16xf32>,
      tpu.vector_store_idx %arg16[%get3A_348], %get3A_350 {add = true} : memref<10240xf32, #tpu.memory_space<vmem>>[vector<16xi32>], vector<16xf32>,
      %get3A_351 = arith.constant 1024 : index
      %get3A_352 = tpu.vector_load %arg14[%get3A_351] {strides = array<i32>} : memref<2048xi32, #tpu.memory_space<vmem>>, vector<16xi32>,
      %get3A_353 = arith.constant 1024 : index
      %get3A_354 = tpu.vector_load %arg15[%get3A_353] {strides = array<i32>} : memref<2048xf32, #tpu.memory_space<vmem>>, vector<16xf32>,
      tpu.vector_store_idx %arg16[%get3A_352], %get3A_354 {add = true} : memref<10240xf32, #tpu.memory_space<vmem>>[vector<16xi32>], vector<16xf32>,
      %get3A_355 = arith.constant 1040 : index
      %get3A_356 = tpu.vector_load %arg14[%get3A_355] {strides = array<i32>} : memref<2048xi32, #tpu.memory_space<vmem>>, vector<16xi32>,
      %get3A_357 = arith.constant 1040 : index
      %get3A_358 = tpu.vector_load %arg15[%get3A_357] {strides = array<i32>} : memref<2048xf32, #tpu.memory_space<vmem>>, vector<16xf32>,
      tpu.vector_store_idx %arg16[%get3A_356], %get3A_358 {add = true} : memref<10240xf32, #tpu.memory_space<vmem>>[vector<16xi32>], vector<16xf32>,
      %get3A_359 = arith.constant 1056 : index
      %get3A_360 = tpu.vector_load %arg14[%get3A_359] {strides = array<i32>} : memref<2048xi32, #tpu.memory_space<vmem>>, vector<16xi32>,
      %get3A_361 = arith.constant 1056 : index
      %get3A_362 = tpu.vector_load %arg15[%get3A_361] {strides = array<i32>} : memref<2048xf32, #tpu.memory_space<vmem>>, vector<16xf32>,
      tpu.vector_store_idx %arg16[%get3A_360], %get3A_362 {add = true} : memref<10240xf32, #tpu.memory_space<vmem>>[vector<16xi32>], vector<16xf32>,
      %get3A_363 = arith.constant 1072 : index
      %get3A_364 = tpu.vector_load %arg14[%get3A_363] {strides = array<i32>} : memref<2048xi32, #tpu.memory_space<vmem>>, vector<16xi32>,
      %get3A_365 = arith.constant 1072 : index
      %get3A_366 = tpu.vector_load %arg15[%get3A_365] {strides = array<i32>} : memref<2048xf32, #tpu.memory_space<vmem>>, vector<16xf32>,
      tpu.vector_store_idx %arg16[%get3A_364], %get3A_366 {add = true} : memref<10240xf32, #tpu.memory_space<vmem>>[vector<16xi32>], vector<16xf32>,
      %get3A_367 = arith.constant 1088 : index
      %get3A_368 = tpu.vector_load %arg14[%get3A_367] {strides = array<i32>} : memref<2048xi32, #tpu.memory_space<vmem>>, vector<16xi32>,
      %get3A_369 = arith.constant 1088 : index
      %get3A_370 = tpu.vector_load %arg15[%get3A_369] {strides = array<i32>} : memref<2048xf32, #tpu.memory_space<vmem>>, vector<16xf32>,
      tpu.vector_store_idx %arg16[%get3A_368], %get3A_370 {add = true} : memref<10240xf32, #tpu.memory_space<vmem>>[vector<16xi32>], vector<16xf32>,
      %get3A_371 = arith.constant 1104 : index
      %get3A_372 = tpu.vector_load %arg14[%get3A_371] {strides = array<i32>} : memref<2048xi32, #tpu.memory_space<vmem>>, vector<16xi32>,
      %get3A_373 = arith.constant 1104 : index
      %get3A_374 = tpu.vector_load %arg15[%get3A_373] {strides = array<i32>} : memref<2048xf32, #tpu.memory_space<vmem>>, vector<16xf32>,
      tpu.vector_store_idx %arg16[%get3A_372], %get3A_374 {add = true} : memref<10240xf32, #tpu.memory_space<vmem>>[vector<16xi32>], vector<16xf32>,
      %get3A_375 = arith.constant 1120 : index
      %get3A_376 = tpu.vector_load %arg14[%get3A_375] {strides = array<i32>} : memref<2048xi32, #tpu.memory_space<vmem>>, vector<16xi32>,
      %get3A_377 = arith.constant 1120 : index
      %get3A_378 = tpu.vector_load %arg15[%get3A_377] {strides = array<i32>} : memref<2048xf32, #tpu.memory_space<vmem>>, vector<16xf32>,
      tpu.vector_store_idx %arg16[%get3A_376], %get3A_378 {add = true} : memref<10240xf32, #tpu.memory_space<vmem>>[vector<16xi32>], vector<16xf32>,
      %get3A_379 = arith.constant 1136 : index
      %get3A_380 = tpu.vector_load %arg14[%get3A_379] {strides = array<i32>} : memref<2048xi32, #tpu.memory_space<vmem>>, vector<16xi32>,
      %get3A_381 = arith.constant 1136 : index
      %get3A_382 = tpu.vector_load %arg15[%get3A_381] {strides = array<i32>} : memref<2048xf32, #tpu.memory_space<vmem>>, vector<16xf32>,
      tpu.vector_store_idx %arg16[%get3A_380], %get3A_382 {add = true} : memref<10240xf32, #tpu.memory_space<vmem>>[vector<16xi32>], vector<16xf32>,
      %get3A_383 = arith.constant 1152 : index
      %get3A_384 = tpu.vector_load %arg14[%get3A_383] {strides = array<i32>} : memref<2048xi32, #tpu.memory_space<vmem>>, vector<16xi32>,
      %get3A_385 = arith.constant 1152 : index
      %get3A_386 = tpu.vector_load %arg15[%get3A_385] {strides = array<i32>} : memref<2048xf32, #tpu.memory_space<vmem>>, vector<16xf32>,
      tpu.vector_store_idx %arg16[%get3A_384], %get3A_386 {add = true} : memref<10240xf32, #tpu.memory_space<vmem>>[vector<16xi32>], vector<16xf32>,
      %get3A_387 = arith.constant 1168 : index
      %get3A_388 = tpu.vector_load %arg14[%get3A_387] {strides = array<i32>} : memref<2048xi32, #tpu.memory_space<vmem>>, vector<16xi32>,
      %get3A_389 = arith.constant 1168 : index
      %get3A_390 = tpu.vector_load %arg15[%get3A_389] {strides = array<i32>} : memref<2048xf32, #tpu.memory_space<vmem>>, vector<16xf32>,
      tpu.vector_store_idx %arg16[%get3A_388], %get3A_390 {add = true} : memref<10240xf32, #tpu.memory_space<vmem>>[vector<16xi32>], vector<16xf32>,
      %get3A_391 = arith.constant 1184 : index
      %get3A_392 = tpu.vector_load %arg14[%get3A_391] {strides = array<i32>} : memref<2048xi32, #tpu.memory_space<vmem>>, vector<16xi32>,
      %get3A_393 = arith.constant 1184 : index
      %get3A_394 = tpu.vector_load %arg15[%get3A_393] {strides = array<i32>} : memref<2048xf32, #tpu.memory_space<vmem>>, vector<16xf32>,
      tpu.vector_store_idx %arg16[%get3A_392], %get3A_394 {add = true} : memref<10240xf32, #tpu.memory_space<vmem>>[vector<16xi32>], vector<16xf32>,
      %get3A_395 = arith.constant 1200 : index
      %get3A_396 = tpu.vector_load %arg14[%get3A_395] {strides = array<i32>} : memref<2048xi32, #tpu.memory_space<vmem>>, vector<16xi32>,
      %get3A_397 = arith.constant 1200 : index
      %get3A_398 = tpu.vector_load %arg15[%get3A_397] {strides = array<i32>} : memref<2048xf32, #tpu.memory_space<vmem>>, vector<16xf32>,
      tpu.vector_store_idx %arg16[%get3A_396], %get3A_398 {add = true} : memref<10240xf32, #tpu.memory_space<vmem>>[vector<16xi32>], vector<16xf32>,
      %get3A_399 = arith.constant 1216 : index
      %get3A_400 = tpu.vector_load %arg14[%get3A_399] {strides = array<i32>} : memref<2048xi32, #tpu.memory_space<vmem>>, vector<16xi32>,
      %get3A_401 = arith.constant 1216 : index
      %get3A_402 = tpu.vector_load %arg15[%get3A_401] {strides = array<i32>} : memref<2048xf32, #tpu.memory_space<vmem>>, vector<16xf32>,
      tpu.vector_store_idx %arg16[%get3A_400], %get3A_402 {add = true} : memref<10240xf32, #tpu.memory_space<vmem>>[vector<16xi32>], vector<16xf32>,
      %get3A_403 = arith.constant 1232 : index
      %get3A_404 = tpu.vector_load %arg14[%get3A_403] {strides = array<i32>} : memref<2048xi32, #tpu.memory_space<vmem>>, vector<16xi32>,
      %get3A_405 = arith.constant 1232 : index
      %get3A_406 = tpu.vector_load %arg15[%get3A_405] {strides = array<i32>} : memref<2048xf32, #tpu.memory_space<vmem>>, vector<16xf32>,
      tpu.vector_store_idx %arg16[%get3A_404], %get3A_406 {add = true} : memref<10240xf32, #tpu.memory_space<vmem>>[vector<16xi32>], vector<16xf32>,
      %get3A_407 = arith.constant 1248 : index
      %get3A_408 = tpu.vector_load %arg14[%get3A_407] {strides = array<i32>} : memref<2048xi32, #tpu.memory_space<vmem>>, vector<16xi32>,
      %get3A_409 = arith.constant 1248 : index
      %get3A_410 = tpu.vector_load %arg15[%get3A_409] {strides = array<i32>} : memref<2048xf32, #tpu.memory_space<vmem>>, vector<16xf32>,
      tpu.vector_store_idx %arg16[%get3A_408], %get3A_410 {add = true} : memref<10240xf32, #tpu.memory_space<vmem>>[vector<16xi32>], vector<16xf32>,
      %get3A_411 = arith.constant 1264 : index
      %get3A_412 = tpu.vector_load %arg14[%get3A_411] {strides = array<i32>} : memref<2048xi32, #tpu.memory_space<vmem>>, vector<16xi32>,
      %get3A_413 = arith.constant 1264 : index
      %get3A_414 = tpu.vector_load %arg15[%get3A_413] {strides = array<i32>} : memref<2048xf32, #tpu.memory_space<vmem>>, vector<16xf32>,
      tpu.vector_store_idx %arg16[%get3A_412], %get3A_414 {add = true} : memref<10240xf32, #tpu.memory_space<vmem>>[vector<16xi32>], vector<16xf32>,
      %get3A_415 = arith.constant 1280 : index
      %get3A_416 = tpu.vector_load %arg14[%get3A_415] {strides = array<i32>} : memref<2048xi32, #tpu.memory_space<vmem>>, vector<16xi32>,
      %get3A_417 = arith.constant 1280 : index
      %get3A_418 = tpu.vector_load %arg15[%get3A_417] {strides = array<i32>} : memref<2048xf32, #tpu.memory_space<vmem>>, vector<16xf32>,
      tpu.vector_store_idx %arg16[%get3A_416], %get3A_418 {add = true} : memref<10240xf32, #tpu.memory_space<vmem>>[vector<16xi32>], vector<16xf32>,
      %get3A_419 = arith.constant 1296 : index
      %get3A_420 = tpu.vector_load %arg14[%get3A_419] {strides = array<i32>} : memref<2048xi32, #tpu.memory_space<vmem>>, vector<16xi32>,
      %get3A_421 = arith.constant 1296 : index
      %get3A_422 = tpu.vector_load %arg15[%get3A_421] {strides = array<i32>} : memref<2048xf32, #tpu.memory_space<vmem>>, vector<16xf32>,
      tpu.vector_store_idx %arg16[%get3A_420], %get3A_422 {add = true} : memref<10240xf32, #tpu.memory_space<vmem>>[vector<16xi32>], vector<16xf32>,
      %get3A_423 = arith.constant 1312 : index
      %get3A_424 = tpu.vector_load %arg14[%get3A_423] {strides = array<i32>} : memref<2048xi32, #tpu.memory_space<vmem>>, vector<16xi32>,
      %get3A_425 = arith.constant 1312 : index
      %get3A_426 = tpu.vector_load %arg15[%get3A_425] {strides = array<i32>} : memref<2048xf32, #tpu.memory_space<vmem>>, vector<16xf32>,
      tpu.vector_store_idx %arg16[%get3A_424], %get3A_426 {add = true} : memref<10240xf32, #tpu.memory_space<vmem>>[vector<16xi32>], vector<16xf32>,
      %get3A_427 = arith.constant 1328 : index
      %get3A_428 = tpu.vector_load %arg14[%get3A_427] {strides = array<i32>} : memref<2048xi32, #tpu.memory_space<vmem>>, vector<16xi32>,
      %get3A_429 = arith.constant 1328 : index
      %get3A_430 = tpu.vector_load %arg15[%get3A_429] {strides = array<i32>} : memref<2048xf32, #tpu.memory_space<vmem>>, vector<16xf32>,
      tpu.vector_store_idx %arg16[%get3A_428], %get3A_430 {add = true} : memref<10240xf32, #tpu.memory_space<vmem>>[vector<16xi32>], vector<16xf32>,
      %get3A_431 = arith.constant 1344 : index
      %get3A_432 = tpu.vector_load %arg14[%get3A_431] {strides = array<i32>} : memref<2048xi32, #tpu.memory_space<vmem>>, vector<16xi32>,
      %get3A_433 = arith.constant 1344 : index
      %get3A_434 = tpu.vector_load %arg15[%get3A_433] {strides = array<i32>} : memref<2048xf32, #tpu.memory_space<vmem>>, vector<16xf32>,
      tpu.vector_store_idx %arg16[%get3A_432], %get3A_434 {add = true} : memref<10240xf32, #tpu.memory_space<vmem>>[vector<16xi32>], vector<16xf32>,
      %get3A_435 = arith.constant 1360 : index
      %get3A_436 = tpu.vector_load %arg14[%get3A_435] {strides = array<i32>} : memref<2048xi32, #tpu.memory_space<vmem>>, vector<16xi32>,
      %get3A_437 = arith.constant 1360 : index
      %get3A_438 = tpu.vector_load %arg15[%get3A_437] {strides = array<i32>} : memref<2048xf32, #tpu.memory_space<vmem>>, vector<16xf32>,
      tpu.vector_store_idx %arg16[%get3A_436], %get3A_438 {add = true} : memref<10240xf32, #tpu.memory_space<vmem>>[vector<16xi32>], vector<16xf32>,
      %get3A_439 = arith.constant 1376 : index
      %get3A_440 = tpu.vector_load %arg14[%get3A_439] {strides = array<i32>} : memref<2048xi32, #tpu.memory_space<vmem>>, vector<16xi32>,
      %get3A_441 = arith.constant 1376 : index
      %get3A_442 = tpu.vector_load %arg15[%get3A_441] {strides = array<i32>} : memref<2048xf32, #tpu.memory_space<vmem>>, vector<16xf32>,
      tpu.vector_store_idx %arg16[%get3A_440], %get3A_442 {add = true} : memref<10240xf32, #tpu.memory_space<vmem>>[vector<16xi32>], vector<16xf32>,
      %get3A_443 = arith.constant 1392 : index
      %get3A_444 = tpu.vector_load %arg14[%get3A_443] {strides = array<i32>} : memref<2048xi32, #tpu.memory_space<vmem>>, vector<16xi32>,
      %get3A_445 = arith.constant 1392 : index
      %get3A_446 = tpu.vector_load %arg15[%get3A_445] {strides = array<i32>} : memref<2048xf32, #tpu.memory_space<vmem>>, vector<16xf32>,
      tpu.vector_store_idx %arg16[%get3A_444], %get3A_446 {add = true} : memref<10240xf32, #tpu.memory_space<vmem>>[vector<16xi32>], vector<16xf32>,
      %get3A_447 = arith.constant 1408 : index
      %get3A_448 = tpu.vector_load %arg14[%get3A_447] {strides = array<i32>} : memref<2048xi32, #tpu.memory_space<vmem>>, vector<16xi32>,
      %get3A_449 = arith.constant 1408 : index
      %get3A_450 = tpu.vector_load %arg15[%get3A_449] {strides = array<i32>} : memref<2048xf32, #tpu.memory_space<vmem>>, vector<16xf32>,
      tpu.vector_store_idx %arg16[%get3A_448], %get3A_450 {add = true} : memref<10240xf32, #tpu.memory_space<vmem>>[vector<16xi32>], vector<16xf32>,
      %get3A_451 = arith.constant 1424 : index
      %get3A_452 = tpu.vector_load %arg14[%get3A_451] {strides = array<i32>} : memref<2048xi32, #tpu.memory_space<vmem>>, vector<16xi32>,
      %get3A_453 = arith.constant 1424 : index
      %get3A_454 = tpu.vector_load %arg15[%get3A_453] {strides = array<i32>} : memref<2048xf32, #tpu.memory_space<vmem>>, vector<16xf32>,
      tpu.vector_store_idx %arg16[%get3A_452], %get3A_454 {add = true} : memref<10240xf32, #tpu.memory_space<vmem>>[vector<16xi32>], vector<16xf32>,
      %get3A_455 = arith.constant 1440 : index
      %get3A_456 = tpu.vector_load %arg14[%get3A_455] {strides = array<i32>} : memref<2048xi32, #tpu.memory_space<vmem>>, vector<16xi32>,
      %get3A_457 = arith.constant 1440 : index
      %get3A_458 = tpu.vector_load %arg15[%get3A_457] {strides = array<i32>} : memref<2048xf32, #tpu.memory_space<vmem>>, vector<16xf32>,
      tpu.vector_store_idx %arg16[%get3A_456], %get3A_458 {add = true} : memref<10240xf32, #tpu.memory_space<vmem>>[vector<16xi32>], vector<16xf32>,
      %get3A_459 = arith.constant 1456 : index
      %get3A_460 = tpu.vector_load %arg14[%get3A_459] {strides = array<i32>} : memref<2048xi32, #tpu.memory_space<vmem>>, vector<16xi32>,
      %get3A_461 = arith.constant 1456 : index
      %get3A_462 = tpu.vector_load %arg15[%get3A_461] {strides = array<i32>} : memref<2048xf32, #tpu.memory_space<vmem>>, vector<16xf32>,
      tpu.vector_store_idx %arg16[%get3A_460], %get3A_462 {add = true} : memref<10240xf32, #tpu.memory_space<vmem>>[vector<16xi32>], vector<16xf32>,
      %get3A_463 = arith.constant 1472 : index
      %get3A_464 = tpu.vector_load %arg14[%get3A_463] {strides = array<i32>} : memref<2048xi32, #tpu.memory_space<vmem>>, vector<16xi32>,
      %get3A_465 = arith.constant 1472 : index
      %get3A_466 = tpu.vector_load %arg15[%get3A_465] {strides = array<i32>} : memref<2048xf32, #tpu.memory_space<vmem>>, vector<16xf32>,
      tpu.vector_store_idx %arg16[%get3A_464], %get3A_466 {add = true} : memref<10240xf32, #tpu.memory_space<vmem>>[vector<16xi32>], vector<16xf32>,
      %get3A_467 = arith.constant 1488 : index
      %get3A_468 = tpu.vector_load %arg14[%get3A_467] {strides = array<i32>} : memref<2048xi32, #tpu.memory_space<vmem>>, vector<16xi32>,
      %get3A_469 = arith.constant 1488 : index
      %get3A_470 = tpu.vector_load %arg15[%get3A_469] {strides = array<i32>} : memref<2048xf32, #tpu.memory_space<vmem>>, vector<16xf32>,
      tpu.vector_store_idx %arg16[%get3A_468], %get3A_470 {add = true} : memref<10240xf32, #tpu.memory_space<vmem>>[vector<16xi32>], vector<16xf32>,
      %get3A_471 = arith.constant 1504 : index
      %get3A_472 = tpu.vector_load %arg14[%get3A_471] {strides = array<i32>} : memref<2048xi32, #tpu.memory_space<vmem>>, vector<16xi32>,
      %get3A_473 = arith.constant 1504 : index
      %get3A_474 = tpu.vector_load %arg15[%get3A_473] {strides = array<i32>} : memref<2048xf32, #tpu.memory_space<vmem>>, vector<16xf32>,
      tpu.vector_store_idx %arg16[%get3A_472], %get3A_474 {add = true} : memref<10240xf32, #tpu.memory_space<vmem>>[vector<16xi32>], vector<16xf32>,
      %get3A_475 = arith.constant 1520 : index
      %get3A_476 = tpu.vector_load %arg14[%get3A_475] {strides = array<i32>} : memref<2048xi32, #tpu.memory_space<vmem>>, vector<16xi32>,
      %get3A_477 = arith.constant 1520 : index
      %get3A_478 = tpu.vector_load %arg15[%get3A_477] {strides = array<i32>} : memref<2048xf32, #tpu.memory_space<vmem>>, vector<16xf32>,
      tpu.vector_store_idx %arg16[%get3A_476], %get3A_478 {add = true} : memref<10240xf32, #tpu.memory_space<vmem>>[vector<16xi32>], vector<16xf32>,
      %get3A_479 = arith.constant 1536 : index
      %get3A_480 = tpu.vector_load %arg14[%get3A_479] {strides = array<i32>} : memref<2048xi32, #tpu.memory_space<vmem>>, vector<16xi32>,
      %get3A_481 = arith.constant 1536 : index
      %get3A_482 = tpu.vector_load %arg15[%get3A_481] {strides = array<i32>} : memref<2048xf32, #tpu.memory_space<vmem>>, vector<16xf32>,
      tpu.vector_store_idx %arg16[%get3A_480], %get3A_482 {add = true} : memref<10240xf32, #tpu.memory_space<vmem>>[vector<16xi32>], vector<16xf32>,
      %get3A_483 = arith.constant 1552 : index
      %get3A_484 = tpu.vector_load %arg14[%get3A_483] {strides = array<i32>} : memref<2048xi32, #tpu.memory_space<vmem>>, vector<16xi32>,
      %get3A_485 = arith.constant 1552 : index
      %get3A_486 = tpu.vector_load %arg15[%get3A_485] {strides = array<i32>} : memref<2048xf32, #tpu.memory_space<vmem>>, vector<16xf32>,
      tpu.vector_store_idx %arg16[%get3A_484], %get3A_486 {add = true} : memref<10240xf32, #tpu.memory_space<vmem>>[vector<16xi32>], vector<16xf32>,
      %get3A_487 = arith.constant 1568 : index
      %get3A_488 = tpu.vector_load %arg14[%get3A_487] {strides = array<i32>} : memref<2048xi32, #tpu.memory_space<vmem>>, vector<16xi32>,
      %get3A_489 = arith.constant 1568 : index
      %get3A_490 = tpu.vector_load %arg15[%get3A_489] {strides = array<i32>} : memref<2048xf32, #tpu.memory_space<vmem>>, vector<16xf32>,
      tpu.vector_store_idx %arg16[%get3A_488], %get3A_490 {add = true} : memref<10240xf32, #tpu.memory_space<vmem>>[vector<16xi32>], vector<16xf32>,
      %get3A_491 = arith.constant 1584 : index
      %get3A_492 = tpu.vector_load %arg14[%get3A_491] {strides = array<i32>} : memref<2048xi32, #tpu.memory_space<vmem>>, vector<16xi32>,
      %get3A_493 = arith.constant 1584 : index
      %get3A_494 = tpu.vector_load %arg15[%get3A_493] {strides = array<i32>} : memref<2048xf32, #tpu.memory_space<vmem>>, vector<16xf32>,
      tpu.vector_store_idx %arg16[%get3A_492], %get3A_494 {add = true} : memref<10240xf32, #tpu.memory_space<vmem>>[vector<16xi32>], vector<16xf32>,
      %get3A_495 = arith.constant 1600 : index
      %get3A_496 = tpu.vector_load %arg14[%get3A_495] {strides = array<i32>} : memref<2048xi32, #tpu.memory_space<vmem>>, vector<16xi32>,
      %get3A_497 = arith.constant 1600 : index
      %get3A_498 = tpu.vector_load %arg15[%get3A_497] {strides = array<i32>} : memref<2048xf32, #tpu.memory_space<vmem>>, vector<16xf32>,
      tpu.vector_store_idx %arg16[%get3A_496], %get3A_498 {add = true} : memref<10240xf32, #tpu.memory_space<vmem>>[vector<16xi32>], vector<16xf32>,
      %get3A_499 = arith.constant 1616 : index
      %get3A_500 = tpu.vector_load %arg14[%get3A_499] {strides = array<i32>} : memref<2048xi32, #tpu.memory_space<vmem>>, vector<16xi32>,
      %get3A_501 = arith.constant 1616 : index
      %get3A_502 = tpu.vector_load %arg15[%get3A_501] {strides = array<i32>} : memref<2048xf32, #tpu.memory_space<vmem>>, vector<16xf32>,
      tpu.vector_store_idx %arg16[%get3A_500], %get3A_502 {add = true} : memref<10240xf32, #tpu.memory_space<vmem>>[vector<16xi32>], vector<16xf32>,
      %get3A_503 = arith.constant 1632 : index
      %get3A_504 = tpu.vector_load %arg14[%get3A_503] {strides = array<i32>} : memref<2048xi32, #tpu.memory_space<vmem>>, vector<16xi32>,
      %get3A_505 = arith.constant 1632 : index
      %get3A_506 = tpu.vector_load %arg15[%get3A_505] {strides = array<i32>} : memref<2048xf32, #tpu.memory_space<vmem>>, vector<16xf32>,
      tpu.vector_store_idx %arg16[%get3A_504], %get3A_506 {add = true} : memref<10240xf32, #tpu.memory_space<vmem>>[vector<16xi32>], vector<16xf32>,
      %get3A_507 = arith.constant 1648 : index
      %get3A_508 = tpu.vector_load %arg14[%get3A_507] {strides = array<i32>} : memref<2048xi32, #tpu.memory_space<vmem>>, vector<16xi32>,
      %get3A_509 = arith.constant 1648 : index
      %get3A_510 = tpu.vector_load %arg15[%get3A_509] {strides = array<i32>} : memref<2048xf32, #tpu.memory_space<vmem>>, vector<16xf32>,
      tpu.vector_store_idx %arg16[%get3A_508], %get3A_510 {add = true} : memref<10240xf32, #tpu.memory_space<vmem>>[vector<16xi32>], vector<16xf32>,
      %get3A_511 = arith.constant 1664 : index
      %get3A_512 = tpu.vector_load %arg14[%get3A_511] {strides = array<i32>} : memref<2048xi32, #tpu.memory_space<vmem>>, vector<16xi32>,
      %get3A_513 = arith.constant 1664 : index
      %get3A_514 = tpu.vector_load %arg15[%get3A_513] {strides = array<i32>} : memref<2048xf32, #tpu.memory_space<vmem>>, vector<16xf32>,
      tpu.vector_store_idx %arg16[%get3A_512], %get3A_514 {add = true} : memref<10240xf32, #tpu.memory_space<vmem>>[vector<16xi32>], vector<16xf32>,
      %get3A_515 = arith.constant 1680 : index
      %get3A_516 = tpu.vector_load %arg14[%get3A_515] {strides = array<i32>} : memref<2048xi32, #tpu.memory_space<vmem>>, vector<16xi32>,
      %get3A_517 = arith.constant 1680 : index
      %get3A_518 = tpu.vector_load %arg15[%get3A_517] {strides = array<i32>} : memref<2048xf32, #tpu.memory_space<vmem>>, vector<16xf32>,
      tpu.vector_store_idx %arg16[%get3A_516], %get3A_518 {add = true} : memref<10240xf32, #tpu.memory_space<vmem>>[vector<16xi32>], vector<16xf32>,
      %get3A_519 = arith.constant 1696 : index
      %get3A_520 = tpu.vector_load %arg14[%get3A_519] {strides = array<i32>} : memref<2048xi32, #tpu.memory_space<vmem>>, vector<16xi32>,
      %get3A_521 = arith.constant 1696 : index
      %get3A_522 = tpu.vector_load %arg15[%get3A_521] {strides = array<i32>} : memref<2048xf32, #tpu.memory_space<vmem>>, vector<16xf32>,
      tpu.vector_store_idx %arg16[%get3A_520], %get3A_522 {add = true} : memref<10240xf32, #tpu.memory_space<vmem>>[vector<16xi32>], vector<16xf32>,
      %get3A_523 = arith.constant 1712 : index
      %get3A_524 = tpu.vector_load %arg14[%get3A_523] {strides = array<i32>} : memref<2048xi32, #tpu.memory_space<vmem>>, vector<16xi32>,
      %get3A_525 = arith.constant 1712 : index
      %get3A_526 = tpu.vector_load %arg15[%get3A_525] {strides = array<i32>} : memref<2048xf32, #tpu.memory_space<vmem>>, vector<16xf32>,
      tpu.vector_store_idx %arg16[%get3A_524], %get3A_526 {add = true} : memref<10240xf32, #tpu.memory_space<vmem>>[vector<16xi32>], vector<16xf32>,
      %get3A_527 = arith.constant 1728 : index
      %get3A_528 = tpu.vector_load %arg14[%get3A_527] {strides = array<i32>} : memref<2048xi32, #tpu.memory_space<vmem>>, vector<16xi32>,
      %get3A_529 = arith.constant 1728 : index
      %get3A_530 = tpu.vector_load %arg15[%get3A_529] {strides = array<i32>} : memref<2048xf32, #tpu.memory_space<vmem>>, vector<16xf32>,
      tpu.vector_store_idx %arg16[%get3A_528], %get3A_530 {add = true} : memref<10240xf32, #tpu.memory_space<vmem>>[vector<16xi32>], vector<16xf32>,
      %get3A_531 = arith.constant 1744 : index
      %get3A_532 = tpu.vector_load %arg14[%get3A_531] {strides = array<i32>} : memref<2048xi32, #tpu.memory_space<vmem>>, vector<16xi32>,
      %get3A_533 = arith.constant 1744 : index
      %get3A_534 = tpu.vector_load %arg15[%get3A_533] {strides = array<i32>} : memref<2048xf32, #tpu.memory_space<vmem>>, vector<16xf32>,
      tpu.vector_store_idx %arg16[%get3A_532], %get3A_534 {add = true} : memref<10240xf32, #tpu.memory_space<vmem>>[vector<16xi32>], vector<16xf32>,
      %get3A_535 = arith.constant 1760 : index
      %get3A_536 = tpu.vector_load %arg14[%get3A_535] {strides = array<i32>} : memref<2048xi32, #tpu.memory_space<vmem>>, vector<16xi32>,
      %get3A_537 = arith.constant 1760 : index
      %get3A_538 = tpu.vector_load %arg15[%get3A_537] {strides = array<i32>} : memref<2048xf32, #tpu.memory_space<vmem>>, vector<16xf32>,
      tpu.vector_store_idx %arg16[%get3A_536], %get3A_538 {add = true} : memref<10240xf32, #tpu.memory_space<vmem>>[vector<16xi32>], vector<16xf32>,
      %get3A_539 = arith.constant 1776 : index
      %get3A_540 = tpu.vector_load %arg14[%get3A_539] {strides = array<i32>} : memref<2048xi32, #tpu.memory_space<vmem>>, vector<16xi32>,
      %get3A_541 = arith.constant 1776 : index
      %get3A_542 = tpu.vector_load %arg15[%get3A_541] {strides = array<i32>} : memref<2048xf32, #tpu.memory_space<vmem>>, vector<16xf32>,
      tpu.vector_store_idx %arg16[%get3A_540], %get3A_542 {add = true} : memref<10240xf32, #tpu.memory_space<vmem>>[vector<16xi32>], vector<16xf32>,
      %get3A_543 = arith.constant 1792 : index
      %get3A_544 = tpu.vector_load %arg14[%get3A_543] {strides = array<i32>} : memref<2048xi32, #tpu.memory_space<vmem>>, vector<16xi32>,
      %get3A_545 = arith.constant 1792 : index
      %get3A_546 = tpu.vector_load %arg15[%get3A_545] {strides = array<i32>} : memref<2048xf32, #tpu.memory_space<vmem>>, vector<16xf32>,
      tpu.vector_store_idx %arg16[%get3A_544], %get3A_546 {add = true} : memref<10240xf32, #tpu.memory_space<vmem>>[vector<16xi32>], vector<16xf32>,
      %get3A_547 = arith.constant 1808 : index
      %get3A_548 = tpu.vector_load %arg14[%get3A_547] {strides = array<i32>} : memref<2048xi32, #tpu.memory_space<vmem>>, vector<16xi32>,
      %get3A_549 = arith.constant 1808 : index
      %get3A_550 = tpu.vector_load %arg15[%get3A_549] {strides = array<i32>} : memref<2048xf32, #tpu.memory_space<vmem>>, vector<16xf32>,
      tpu.vector_store_idx %arg16[%get3A_548], %get3A_550 {add = true} : memref<10240xf32, #tpu.memory_space<vmem>>[vector<16xi32>], vector<16xf32>,
      %get3A_551 = arith.constant 1824 : index
      %get3A_552 = tpu.vector_load %arg14[%get3A_551] {strides = array<i32>} : memref<2048xi32, #tpu.memory_space<vmem>>, vector<16xi32>,
      %get3A_553 = arith.constant 1824 : index
      %get3A_554 = tpu.vector_load %arg15[%get3A_553] {strides = array<i32>} : memref<2048xf32, #tpu.memory_space<vmem>>, vector<16xf32>,
      tpu.vector_store_idx %arg16[%get3A_552], %get3A_554 {add = true} : memref<10240xf32, #tpu.memory_space<vmem>>[vector<16xi32>], vector<16xf32>,
      %get3A_555 = arith.constant 1840 : index
      %get3A_556 = tpu.vector_load %arg14[%get3A_555] {strides = array<i32>} : memref<2048xi32, #tpu.memory_space<vmem>>, vector<16xi32>,
      %get3A_557 = arith.constant 1840 : index
      %get3A_558 = tpu.vector_load %arg15[%get3A_557] {strides = array<i32>} : memref<2048xf32, #tpu.memory_space<vmem>>, vector<16xf32>,
      tpu.vector_store_idx %arg16[%get3A_556], %get3A_558 {add = true} : memref<10240xf32, #tpu.memory_space<vmem>>[vector<16xi32>], vector<16xf32>,
      %get3A_559 = arith.constant 1856 : index
      %get3A_560 = tpu.vector_load %arg14[%get3A_559] {strides = array<i32>} : memref<2048xi32, #tpu.memory_space<vmem>>, vector<16xi32>,
      %get3A_561 = arith.constant 1856 : index
      %get3A_562 = tpu.vector_load %arg15[%get3A_561] {strides = array<i32>} : memref<2048xf32, #tpu.memory_space<vmem>>, vector<16xf32>,
      tpu.vector_store_idx %arg16[%get3A_560], %get3A_562 {add = true} : memref<10240xf32, #tpu.memory_space<vmem>>[vector<16xi32>], vector<16xf32>,
      %get3A_563 = arith.constant 1872 : index
      %get3A_564 = tpu.vector_load %arg14[%get3A_563] {strides = array<i32>} : memref<2048xi32, #tpu.memory_space<vmem>>, vector<16xi32>,
      %get3A_565 = arith.constant 1872 : index
      %get3A_566 = tpu.vector_load %arg15[%get3A_565] {strides = array<i32>} : memref<2048xf32, #tpu.memory_space<vmem>>, vector<16xf32>,
      tpu.vector_store_idx %arg16[%get3A_564], %get3A_566 {add = true} : memref<10240xf32, #tpu.memory_space<vmem>>[vector<16xi32>], vector<16xf32>,
      %get3A_567 = arith.constant 1888 : index
      %get3A_568 = tpu.vector_load %arg14[%get3A_567] {strides = array<i32>} : memref<2048xi32, #tpu.memory_space<vmem>>, vector<16xi32>,
      %get3A_569 = arith.constant 1888 : index
      %get3A_570 = tpu.vector_load %arg15[%get3A_569] {strides = array<i32>} : memref<2048xf32, #tpu.memory_space<vmem>>, vector<16xf32>,
      tpu.vector_store_idx %arg16[%get3A_568], %get3A_570 {add = true} : memref<10240xf32, #tpu.memory_space<vmem>>[vector<16xi32>], vector<16xf32>,
      %get3A_571 = arith.constant 1904 : index
      %get3A_572 = tpu.vector_load %arg14[%get3A_571] {strides = array<i32>} : memref<2048xi32, #tpu.memory_space<vmem>>, vector<16xi32>,
      %get3A_573 = arith.constant 1904 : index
      %get3A_574 = tpu.vector_load %arg15[%get3A_573] {strides = array<i32>} : memref<2048xf32, #tpu.memory_space<vmem>>, vector<16xf32>,
      tpu.vector_store_idx %arg16[%get3A_572], %get3A_574 {add = true} : memref<10240xf32, #tpu.memory_space<vmem>>[vector<16xi32>], vector<16xf32>,
      %get3A_575 = arith.constant 1920 : index
      %get3A_576 = tpu.vector_load %arg14[%get3A_575] {strides = array<i32>} : memref<2048xi32, #tpu.memory_space<vmem>>, vector<16xi32>,
      %get3A_577 = arith.constant 1920 : index
      %get3A_578 = tpu.vector_load %arg15[%get3A_577] {strides = array<i32>} : memref<2048xf32, #tpu.memory_space<vmem>>, vector<16xf32>,
      tpu.vector_store_idx %arg16[%get3A_576], %get3A_578 {add = true} : memref<10240xf32, #tpu.memory_space<vmem>>[vector<16xi32>], vector<16xf32>,
      %get3A_579 = arith.constant 1936 : index
      %get3A_580 = tpu.vector_load %arg14[%get3A_579] {strides = array<i32>} : memref<2048xi32, #tpu.memory_space<vmem>>, vector<16xi32>,
      %get3A_581 = arith.constant 1936 : index
      %get3A_582 = tpu.vector_load %arg15[%get3A_581] {strides = array<i32>} : memref<2048xf32, #tpu.memory_space<vmem>>, vector<16xf32>,
      tpu.vector_store_idx %arg16[%get3A_580], %get3A_582 {add = true} : memref<10240xf32, #tpu.memory_space<vmem>>[vector<16xi32>], vector<16xf32>,
      %get3A_583 = arith.constant 1952 : index
      %get3A_584 = tpu.vector_load %arg14[%get3A_583] {strides = array<i32>} : memref<2048xi32, #tpu.memory_space<vmem>>, vector<16xi32>,
      %get3A_585 = arith.constant 1952 : index
      %get3A_586 = tpu.vector_load %arg15[%get3A_585] {strides = array<i32>} : memref<2048xf32, #tpu.memory_space<vmem>>, vector<16xf32>,
      tpu.vector_store_idx %arg16[%get3A_584], %get3A_586 {add = true} : memref<10240xf32, #tpu.memory_space<vmem>>[vector<16xi32>], vector<16xf32>,
      %get3A_587 = arith.constant 1968 : index
      %get3A_588 = tpu.vector_load %arg14[%get3A_587] {strides = array<i32>} : memref<2048xi32, #tpu.memory_space<vmem>>, vector<16xi32>,
      %get3A_589 = arith.constant 1968 : index
      %get3A_590 = tpu.vector_load %arg15[%get3A_589] {strides = array<i32>} : memref<2048xf32, #tpu.memory_space<vmem>>, vector<16xf32>,
      tpu.vector_store_idx %arg16[%get3A_588], %get3A_590 {add = true} : memref<10240xf32, #tpu.memory_space<vmem>>[vector<16xi32>], vector<16xf32>,
      %get3A_591 = arith.constant 1984 : index
      %get3A_592 = tpu.vector_load %arg14[%get3A_591] {strides = array<i32>} : memref<2048xi32, #tpu.memory_space<vmem>>, vector<16xi32>,
      %get3A_593 = arith.constant 1984 : index
      %get3A_594 = tpu.vector_load %arg15[%get3A_593] {strides = array<i32>} : memref<2048xf32, #tpu.memory_space<vmem>>, vector<16xf32>,
      tpu.vector_store_idx %arg16[%get3A_592], %get3A_594 {add = true} : memref<10240xf32, #tpu.memory_space<vmem>>[vector<16xi32>], vector<16xf32>,
      %get3A_595 = arith.constant 2000 : index
      %get3A_596 = tpu.vector_load %arg14[%get3A_595] {strides = array<i32>} : memref<2048xi32, #tpu.memory_space<vmem>>, vector<16xi32>,
      %get3A_597 = arith.constant 2000 : index
      %get3A_598 = tpu.vector_load %arg15[%get3A_597] {strides = array<i32>} : memref<2048xf32, #tpu.memory_space<vmem>>, vector<16xf32>,
      tpu.vector_store_idx %arg16[%get3A_596], %get3A_598 {add = true} : memref<10240xf32, #tpu.memory_space<vmem>>[vector<16xi32>], vector<16xf32>,
      %get3A_599 = arith.constant 2016 : index
      %get3A_600 = tpu.vector_load %arg14[%get3A_599] {strides = array<i32>} : memref<2048xi32, #tpu.memory_space<vmem>>, vector<16xi32>,
      %get3A_601 = arith.constant 2016 : index
      %get3A_602 = tpu.vector_load %arg15[%get3A_601] {strides = array<i32>} : memref<2048xf32, #tpu.memory_space<vmem>>, vector<16xf32>,
      tpu.vector_store_idx %arg16[%get3A_600], %get3A_602 {add = true} : memref<10240xf32, #tpu.memory_space<vmem>>[vector<16xi32>], vector<16xf32>,
      %get3A_603 = arith.constant 2032 : index
      %get3A_604 = tpu.vector_load %arg14[%get3A_603] {strides = array<i32>} : memref<2048xi32, #tpu.memory_space<vmem>>, vector<16xi32>,
      %get3A_605 = arith.constant 2032 : index
      %get3A_606 = tpu.vector_load %arg15[%get3A_605] {strides = array<i32>} : memref<2048xf32, #tpu.memory_space<vmem>>, vector<16xf32>,
      tpu.vector_store_idx %arg16[%get3A_604], %get3A_606 {add = true} : memref<10240xf32, #tpu.memory_space<vmem>>[vector<16xi32>], vector<16xf32>,
      %dma_wait3A = arith.constant 0 : i32
      %dma_wait3A_607 = arith.constant 0 : i32
      %dma_wait3A_608 = tpu.memref_slice %arg2[%dma_wait3A, %dma_wait3A_607] : memref<10000x128xf32, #tpu.memory_space<hbm>> -> memref<10000x128xf32, #tpu.memory_space<hbm>>
      tpu.wait_indirect_dma semaphore(%arg17 : memref<!tpu.dma_semaphore, #tpu.memory_space<semaphore_mem>>) src(%dma_wait3A_608 : memref<10000x128xf32, #tpu.memory_space<hbm>>) dst(%arg12 : memref<128x128xf32, #tpu.memory_space<vmem>>)
      %mul3A_609 = arith.constant 128 : i32
      %mul3A_610 = arith.muli %add3A_89, %mul3A_609 : i32
      %add3A_611 = arith.addi %add3A_24, %mul3A_610 : i32
      "tpu.region"() ({
        %run_scoped3A = tpu.sem_alloc : memref<!tpu.dma_semaphore, #tpu.memory_space<semaphore_mem>>
        %dma_start3A_1143 = tpu.memref_slice %arg5[%add3A_611] : memref<327680xi32, #tpu.memory_space<hbm>> -> memref<128xi32, #tpu.memory_space<hbm>>
        %dma_start3A_1144 = tpu.memref_slice %arg5[%add3A_611] : memref<327680xi32, #tpu.memory_space<hbm>> -> memref<128xi32, #tpu.memory_space<hbm>>
        tpu.enqueue_dma source(%dma_start3A_1144 : memref<128xi32, #tpu.memory_space<hbm>>) target(%arg11 : memref<128xi32, #tpu.memory_space<vmem>>) target_semaphore(%run_scoped3A : memref<!tpu.dma_semaphore, #tpu.memory_space<semaphore_mem>>)
        %dma_wait3A_1145 = tpu.memref_slice %arg5[%add3A_611] : memref<327680xi32, #tpu.memory_space<hbm>> -> memref<128xi32, #tpu.memory_space<hbm>>
        %dma_wait3A_1146 = tpu.memref_slice %arg5[%add3A_611] : memref<327680xi32, #tpu.memory_space<hbm>> -> memref<128xi32, #tpu.memory_space<hbm>>
        tpu.wait_dma2 semaphore(%run_scoped3A : memref<!tpu.dma_semaphore, #tpu.memory_space<semaphore_mem>>) src(%dma_wait3A_1146 : memref<128xi32, #tpu.memory_space<hbm>>) dst(%arg11 : memref<128xi32, #tpu.memory_space<vmem>>)
        tpu.yield
      }) : () -> ()
      "tpu.region"() ({
        %run_scoped3A = tpu.sem_alloc : memref<!tpu.dma_semaphore, #tpu.memory_space<semaphore_mem>>
        %dma_start3A_1143 = arith.constant 0 : i32
        %dma_start3A_1144 = arith.constant 0 : i32
        %dma_start3A_1145 = tpu.memref_slice %arg19[%dma_start3A_1143, %dma_start3A_1144] : memref<10240x128xf32, #tpu.memory_space<vmem_shared>> -> memref<10240x128xf32, #tpu.memory_space<vmem_shared>>
        tpu.enqueue_indirect_dma source(%arg12 : memref<128x128xf32, #tpu.memory_space<vmem>>) target(%dma_start3A_1145 : memref<10240x128xf32, #tpu.memory_space<vmem_shared>>) offsets(%arg11 : memref<128xi32, #tpu.memory_space<vmem>>) semaphore(%run_scoped3A : memref<!tpu.dma_semaphore, #tpu.memory_space<semaphore_mem>>) {add = true}
        %dma_wait3A_1146 = arith.constant 0 : i32
        %dma_wait3A_1147 = arith.constant 0 : i32
        %dma_wait3A_1148 = tpu.memref_slice %arg19[%dma_wait3A_1146, %dma_wait3A_1147] : memref<10240x128xf32, #tpu.memory_space<vmem_shared>> -> memref<10240x128xf32, #tpu.memory_space<vmem_shared>>
        tpu.wait_indirect_dma semaphore(%run_scoped3A : memref<!tpu.dma_semaphore, #tpu.memory_space<semaphore_mem>>) src(%arg12 : memref<128x128xf32, #tpu.memory_space<vmem>>) dst(%dma_wait3A_1148 : memref<10240x128xf32, #tpu.memory_space<vmem_shared>>)
        tpu.yield
      }) : () -> ()
      %mul3A_612 = arith.constant 2 : i32
      %mul3A_613 = arith.muli %while3A_85, %mul3A_612 : i32
      %add3A_614 = arith.constant 1 : i32
      %add3A_615 = arith.addi %mul3A_613, %add3A_614 : i32
      %add3A_616 = arith.constant 1 : i32
      %add3A_617 = arith.addi %add3A_615, %add3A_616 : i32
      %lt3A_618 = arith.cmpi slt, %add3A_617, %select_n3A : i32
      %convert_element_type3A_619 = arith.extui %lt3A_618 : i1 to i32
      %cond3A_620 = arith.constant 0 : i32
      %cond3A_621 = arith.cmpi ne, %convert_element_type3A_619, %cond3A_620 : i32
      scf.if %cond3A_621 {
        %add3A_1143 = arith.constant 1 : i32
        %add3A_1144 = arith.addi %add3A_615, %add3A_1143 : i32
        %mul3A_1145 = arith.constant 128 : i32
        %mul3A_1146 = arith.muli %add3A_1144, %mul3A_1145 : i32
        %add3A_1147 = arith.addi %add3A_24, %mul3A_1146 : i32
        "tpu.region"() ({
          %run_scoped3A = tpu.sem_alloc : memref<!tpu.dma_semaphore, #tpu.memory_space<semaphore_mem>>
          %dma_start3A_1151 = tpu.memref_slice %arg3[%add3A_1147] : memref<327680xi32, #tpu.memory_space<hbm>> -> memref<128xi32, #tpu.memory_space<hbm>>
          %dma_start3A_1152 = tpu.memref_slice %arg3[%add3A_1147] : memref<327680xi32, #tpu.memory_space<hbm>> -> memref<128xi32, #tpu.memory_space<hbm>>
          tpu.enqueue_dma source(%dma_start3A_1152 : memref<128xi32, #tpu.memory_space<hbm>>) target(%arg9 : memref<128xi32, #tpu.memory_space<vmem>>) target_semaphore(%run_scoped3A : memref<!tpu.dma_semaphore, #tpu.memory_space<semaphore_mem>>)
          %dma_wait3A_1153 = tpu.memref_slice %arg3[%add3A_1147] : memref<327680xi32, #tpu.memory_space<hbm>> -> memref<128xi32, #tpu.memory_space<hbm>>
          %dma_wait3A_1154 = tpu.memref_slice %arg3[%add3A_1147] : memref<327680xi32, #tpu.memory_space<hbm>> -> memref<128xi32, #tpu.memory_space<hbm>>
          tpu.wait_dma2 semaphore(%run_scoped3A : memref<!tpu.dma_semaphore, #tpu.memory_space<semaphore_mem>>) src(%dma_wait3A_1154 : memref<128xi32, #tpu.memory_space<hbm>>) dst(%arg9 : memref<128xi32, #tpu.memory_space<vmem>>)
          tpu.yield
        }) : () -> ()
        %dma_start3A_1148 = arith.constant 0 : i32
        %dma_start3A_1149 = arith.constant 0 : i32
        %dma_start3A_1150 = tpu.memref_slice %arg2[%dma_start3A_1148, %dma_start3A_1149] : memref<10000x128xf32, #tpu.memory_space<hbm>> -> memref<10000x128xf32, #tpu.memory_space<hbm>>
        tpu.enqueue_indirect_dma source(%dma_start3A_1150 : memref<10000x128xf32, #tpu.memory_space<hbm>>) target(%arg12 : memref<128x128xf32, #tpu.memory_space<vmem>>) offsets(%arg9 : memref<128xi32, #tpu.memory_space<vmem>>) semaphore(%arg17 : memref<!tpu.dma_semaphore, #tpu.memory_space<semaphore_mem>>)
      } else {
      }
      %mul3A_622 = arith.constant 2048 : i32
      %mul3A_623 = arith.muli %add3A_615, %mul3A_622 : i32
      %add3A_624 = arith.addi %mul3A_6, %mul3A_623 : i32
      "tpu.region"() ({
        %run_scoped3A = tpu.sem_alloc : memref<!tpu.dma_semaphore, #tpu.memory_space<semaphore_mem>>
        %dma_start3A_1143 = tpu.memref_slice %arg5[%add3A_624] : memref<327680xi32, #tpu.memory_space<hbm>> -> memref<2048xi32, #tpu.memory_space<hbm>>
        %dma_start3A_1144 = tpu.memref_slice %arg5[%add3A_624] : memref<327680xi32, #tpu.memory_space<hbm>> -> memref<2048xi32, #tpu.memory_space<hbm>>
        tpu.enqueue_dma source(%dma_start3A_1144 : memref<2048xi32, #tpu.memory_space<hbm>>) target(%arg14 : memref<2048xi32, #tpu.memory_space<vmem>>) target_semaphore(%run_scoped3A : memref<!tpu.dma_semaphore, #tpu.memory_space<semaphore_mem>>)
        %dma_wait3A_1145 = tpu.memref_slice %arg5[%add3A_624] : memref<327680xi32, #tpu.memory_space<hbm>> -> memref<2048xi32, #tpu.memory_space<hbm>>
        %dma_wait3A_1146 = tpu.memref_slice %arg5[%add3A_624] : memref<327680xi32, #tpu.memory_space<hbm>> -> memref<2048xi32, #tpu.memory_space<hbm>>
        tpu.wait_dma2 semaphore(%run_scoped3A : memref<!tpu.dma_semaphore, #tpu.memory_space<semaphore_mem>>) src(%dma_wait3A_1146 : memref<2048xi32, #tpu.memory_space<hbm>>) dst(%arg14 : memref<2048xi32, #tpu.memory_space<vmem>>)
        tpu.yield
      }) : () -> ()
      "tpu.region"() ({
        %run_scoped3A = tpu.sem_alloc : memref<!tpu.dma_semaphore, #tpu.memory_space<semaphore_mem>>
        %dma_start3A_1143 = tpu.memref_slice %arg4[%arg1, %add3A_624] : memref<16x327680xf32, #tpu.memory_space<hbm>> -> memref<1x2048xf32, #tpu.memory_space<hbm>>
        %dma_start3A_1144 = tpu.memref_squeeze %dma_start3A_1143 : memref<1x2048xf32, #tpu.memory_space<hbm>> -> memref<2048xf32, #tpu.memory_space<hbm>>
        %dma_start3A_1145 = tpu.memref_slice %arg4[%arg1, %add3A_624] : memref<16x327680xf32, #tpu.memory_space<hbm>> -> memref<1x2048xf32, #tpu.memory_space<hbm>>
        %dma_start3A_1146 = tpu.memref_squeeze %dma_start3A_1145 : memref<1x2048xf32, #tpu.memory_space<hbm>> -> memref<2048xf32, #tpu.memory_space<hbm>>
        tpu.enqueue_dma source(%dma_start3A_1146 : memref<2048xf32, #tpu.memory_space<hbm>>) target(%arg15 : memref<2048xf32, #tpu.memory_space<vmem>>) target_semaphore(%run_scoped3A : memref<!tpu.dma_semaphore, #tpu.memory_space<semaphore_mem>>)
        %dma_wait3A_1147 = tpu.memref_slice %arg4[%arg1, %add3A_624] : memref<16x327680xf32, #tpu.memory_space<hbm>> -> memref<1x2048xf32, #tpu.memory_space<hbm>>
        %dma_wait3A_1148 = tpu.memref_squeeze %dma_wait3A_1147 : memref<1x2048xf32, #tpu.memory_space<hbm>> -> memref<2048xf32, #tpu.memory_space<hbm>>
        %dma_wait3A_1149 = tpu.memref_slice %arg4[%arg1, %add3A_624] : memref<16x327680xf32, #tpu.memory_space<hbm>> -> memref<1x2048xf32, #tpu.memory_space<hbm>>
        %dma_wait3A_1150 = tpu.memref_squeeze %dma_wait3A_1149 : memref<1x2048xf32, #tpu.memory_space<hbm>> -> memref<2048xf32, #tpu.memory_space<hbm>>
        tpu.wait_dma2 semaphore(%run_scoped3A : memref<!tpu.dma_semaphore, #tpu.memory_space<semaphore_mem>>) src(%dma_wait3A_1150 : memref<2048xf32, #tpu.memory_space<hbm>>) dst(%arg15 : memref<2048xf32, #tpu.memory_space<vmem>>)
        tpu.yield
      }) : () -> ()
      %get3A_625 = arith.constant 0 : index
      %get3A_626 = tpu.vector_load %arg14[%get3A_625] {strides = array<i32>} : memref<2048xi32, #tpu.memory_space<vmem>>, vector<16xi32>,
      %get3A_627 = arith.constant 0 : index
      %get3A_628 = tpu.vector_load %arg15[%get3A_627] {strides = array<i32>} : memref<2048xf32, #tpu.memory_space<vmem>>, vector<16xf32>,
      tpu.vector_store_idx %arg16[%get3A_626], %get3A_628 {add = true} : memref<10240xf32, #tpu.memory_space<vmem>>[vector<16xi32>], vector<16xf32>,
      %get3A_629 = arith.constant 16 : index
      %get3A_630 = tpu.vector_load %arg14[%get3A_629] {strides = array<i32>} : memref<2048xi32, #tpu.memory_space<vmem>>, vector<16xi32>,
      %get3A_631 = arith.constant 16 : index
      %get3A_632 = tpu.vector_load %arg15[%get3A_631] {strides = array<i32>} : memref<2048xf32, #tpu.memory_space<vmem>>, vector<16xf32>,
      tpu.vector_store_idx %arg16[%get3A_630], %get3A_632 {add = true} : memref<10240xf32, #tpu.memory_space<vmem>>[vector<16xi32>], vector<16xf32>,
      %get3A_633 = arith.constant 32 : index
      %get3A_634 = tpu.vector_load %arg14[%get3A_633] {strides = array<i32>} : memref<2048xi32, #tpu.memory_space<vmem>>, vector<16xi32>,
      %get3A_635 = arith.constant 32 : index
      %get3A_636 = tpu.vector_load %arg15[%get3A_635] {strides = array<i32>} : memref<2048xf32, #tpu.memory_space<vmem>>, vector<16xf32>,
      tpu.vector_store_idx %arg16[%get3A_634], %get3A_636 {add = true} : memref<10240xf32, #tpu.memory_space<vmem>>[vector<16xi32>], vector<16xf32>,
      %get3A_637 = arith.constant 48 : index
      %get3A_638 = tpu.vector_load %arg14[%get3A_637] {strides = array<i32>} : memref<2048xi32, #tpu.memory_space<vmem>>, vector<16xi32>,
      %get3A_639 = arith.constant 48 : index
      %get3A_640 = tpu.vector_load %arg15[%get3A_639] {strides = array<i32>} : memref<2048xf32, #tpu.memory_space<vmem>>, vector<16xf32>,
      tpu.vector_store_idx %arg16[%get3A_638], %get3A_640 {add = true} : memref<10240xf32, #tpu.memory_space<vmem>>[vector<16xi32>], vector<16xf32>,
      %get3A_641 = arith.constant 64 : index
      %get3A_642 = tpu.vector_load %arg14[%get3A_641] {strides = array<i32>} : memref<2048xi32, #tpu.memory_space<vmem>>, vector<16xi32>,
      %get3A_643 = arith.constant 64 : index
      %get3A_644 = tpu.vector_load %arg15[%get3A_643] {strides = array<i32>} : memref<2048xf32, #tpu.memory_space<vmem>>, vector<16xf32>,
      tpu.vector_store_idx %arg16[%get3A_642], %get3A_644 {add = true} : memref<10240xf32, #tpu.memory_space<vmem>>[vector<16xi32>], vector<16xf32>,
      %get3A_645 = arith.constant 80 : index
      %get3A_646 = tpu.vector_load %arg14[%get3A_645] {strides = array<i32>} : memref<2048xi32, #tpu.memory_space<vmem>>, vector<16xi32>,
      %get3A_647 = arith.constant 80 : index
      %get3A_648 = tpu.vector_load %arg15[%get3A_647] {strides = array<i32>} : memref<2048xf32, #tpu.memory_space<vmem>>, vector<16xf32>,
      tpu.vector_store_idx %arg16[%get3A_646], %get3A_648 {add = true} : memref<10240xf32, #tpu.memory_space<vmem>>[vector<16xi32>], vector<16xf32>,
      %get3A_649 = arith.constant 96 : index
      %get3A_650 = tpu.vector_load %arg14[%get3A_649] {strides = array<i32>} : memref<2048xi32, #tpu.memory_space<vmem>>, vector<16xi32>,
      %get3A_651 = arith.constant 96 : index
      %get3A_652 = tpu.vector_load %arg15[%get3A_651] {strides = array<i32>} : memref<2048xf32, #tpu.memory_space<vmem>>, vector<16xf32>,
      tpu.vector_store_idx %arg16[%get3A_650], %get3A_652 {add = true} : memref<10240xf32, #tpu.memory_space<vmem>>[vector<16xi32>], vector<16xf32>,
      %get3A_653 = arith.constant 112 : index
      %get3A_654 = tpu.vector_load %arg14[%get3A_653] {strides = array<i32>} : memref<2048xi32, #tpu.memory_space<vmem>>, vector<16xi32>,
      %get3A_655 = arith.constant 112 : index
      %get3A_656 = tpu.vector_load %arg15[%get3A_655] {strides = array<i32>} : memref<2048xf32, #tpu.memory_space<vmem>>, vector<16xf32>,
      tpu.vector_store_idx %arg16[%get3A_654], %get3A_656 {add = true} : memref<10240xf32, #tpu.memory_space<vmem>>[vector<16xi32>], vector<16xf32>,
      %get3A_657 = arith.constant 128 : index
      %get3A_658 = tpu.vector_load %arg14[%get3A_657] {strides = array<i32>} : memref<2048xi32, #tpu.memory_space<vmem>>, vector<16xi32>,
      %get3A_659 = arith.constant 128 : index
      %get3A_660 = tpu.vector_load %arg15[%get3A_659] {strides = array<i32>} : memref<2048xf32, #tpu.memory_space<vmem>>, vector<16xf32>,
      tpu.vector_store_idx %arg16[%get3A_658], %get3A_660 {add = true} : memref<10240xf32, #tpu.memory_space<vmem>>[vector<16xi32>], vector<16xf32>,
      %get3A_661 = arith.constant 144 : index
      %get3A_662 = tpu.vector_load %arg14[%get3A_661] {strides = array<i32>} : memref<2048xi32, #tpu.memory_space<vmem>>, vector<16xi32>,
      %get3A_663 = arith.constant 144 : index
      %get3A_664 = tpu.vector_load %arg15[%get3A_663] {strides = array<i32>} : memref<2048xf32, #tpu.memory_space<vmem>>, vector<16xf32>,
      tpu.vector_store_idx %arg16[%get3A_662], %get3A_664 {add = true} : memref<10240xf32, #tpu.memory_space<vmem>>[vector<16xi32>], vector<16xf32>,
      %get3A_665 = arith.constant 160 : index
      %get3A_666 = tpu.vector_load %arg14[%get3A_665] {strides = array<i32>} : memref<2048xi32, #tpu.memory_space<vmem>>, vector<16xi32>,
      %get3A_667 = arith.constant 160 : index
      %get3A_668 = tpu.vector_load %arg15[%get3A_667] {strides = array<i32>} : memref<2048xf32, #tpu.memory_space<vmem>>, vector<16xf32>,
      tpu.vector_store_idx %arg16[%get3A_666], %get3A_668 {add = true} : memref<10240xf32, #tpu.memory_space<vmem>>[vector<16xi32>], vector<16xf32>,
      %get3A_669 = arith.constant 176 : index
      %get3A_670 = tpu.vector_load %arg14[%get3A_669] {strides = array<i32>} : memref<2048xi32, #tpu.memory_space<vmem>>, vector<16xi32>,
      %get3A_671 = arith.constant 176 : index
      %get3A_672 = tpu.vector_load %arg15[%get3A_671] {strides = array<i32>} : memref<2048xf32, #tpu.memory_space<vmem>>, vector<16xf32>,
      tpu.vector_store_idx %arg16[%get3A_670], %get3A_672 {add = true} : memref<10240xf32, #tpu.memory_space<vmem>>[vector<16xi32>], vector<16xf32>,
      %get3A_673 = arith.constant 192 : index
      %get3A_674 = tpu.vector_load %arg14[%get3A_673] {strides = array<i32>} : memref<2048xi32, #tpu.memory_space<vmem>>, vector<16xi32>,
      %get3A_675 = arith.constant 192 : index
      %get3A_676 = tpu.vector_load %arg15[%get3A_675] {strides = array<i32>} : memref<2048xf32, #tpu.memory_space<vmem>>, vector<16xf32>,
      tpu.vector_store_idx %arg16[%get3A_674], %get3A_676 {add = true} : memref<10240xf32, #tpu.memory_space<vmem>>[vector<16xi32>], vector<16xf32>,
      %get3A_677 = arith.constant 208 : index
      %get3A_678 = tpu.vector_load %arg14[%get3A_677] {strides = array<i32>} : memref<2048xi32, #tpu.memory_space<vmem>>, vector<16xi32>,
      %get3A_679 = arith.constant 208 : index
      %get3A_680 = tpu.vector_load %arg15[%get3A_679] {strides = array<i32>} : memref<2048xf32, #tpu.memory_space<vmem>>, vector<16xf32>,
      tpu.vector_store_idx %arg16[%get3A_678], %get3A_680 {add = true} : memref<10240xf32, #tpu.memory_space<vmem>>[vector<16xi32>], vector<16xf32>,
      %get3A_681 = arith.constant 224 : index
      %get3A_682 = tpu.vector_load %arg14[%get3A_681] {strides = array<i32>} : memref<2048xi32, #tpu.memory_space<vmem>>, vector<16xi32>,
      %get3A_683 = arith.constant 224 : index
      %get3A_684 = tpu.vector_load %arg15[%get3A_683] {strides = array<i32>} : memref<2048xf32, #tpu.memory_space<vmem>>, vector<16xf32>,
      tpu.vector_store_idx %arg16[%get3A_682], %get3A_684 {add = true} : memref<10240xf32, #tpu.memory_space<vmem>>[vector<16xi32>], vector<16xf32>,
      %get3A_685 = arith.constant 240 : index
      %get3A_686 = tpu.vector_load %arg14[%get3A_685] {strides = array<i32>} : memref<2048xi32, #tpu.memory_space<vmem>>, vector<16xi32>,
      %get3A_687 = arith.constant 240 : index
      %get3A_688 = tpu.vector_load %arg15[%get3A_687] {strides = array<i32>} : memref<2048xf32, #tpu.memory_space<vmem>>, vector<16xf32>,
      tpu.vector_store_idx %arg16[%get3A_686], %get3A_688 {add = true} : memref<10240xf32, #tpu.memory_space<vmem>>[vector<16xi32>], vector<16xf32>,
      %get3A_689 = arith.constant 256 : index
      %get3A_690 = tpu.vector_load %arg14[%get3A_689] {strides = array<i32>} : memref<2048xi32, #tpu.memory_space<vmem>>, vector<16xi32>,
      %get3A_691 = arith.constant 256 : index
      %get3A_692 = tpu.vector_load %arg15[%get3A_691] {strides = array<i32>} : memref<2048xf32, #tpu.memory_space<vmem>>, vector<16xf32>,
      tpu.vector_store_idx %arg16[%get3A_690], %get3A_692 {add = true} : memref<10240xf32, #tpu.memory_space<vmem>>[vector<16xi32>], vector<16xf32>,
      %get3A_693 = arith.constant 272 : index
      %get3A_694 = tpu.vector_load %arg14[%get3A_693] {strides = array<i32>} : memref<2048xi32, #tpu.memory_space<vmem>>, vector<16xi32>,
      %get3A_695 = arith.constant 272 : index
      %get3A_696 = tpu.vector_load %arg15[%get3A_695] {strides = array<i32>} : memref<2048xf32, #tpu.memory_space<vmem>>, vector<16xf32>,
      tpu.vector_store_idx %arg16[%get3A_694], %get3A_696 {add = true} : memref<10240xf32, #tpu.memory_space<vmem>>[vector<16xi32>], vector<16xf32>,
      %get3A_697 = arith.constant 288 : index
      %get3A_698 = tpu.vector_load %arg14[%get3A_697] {strides = array<i32>} : memref<2048xi32, #tpu.memory_space<vmem>>, vector<16xi32>,
      %get3A_699 = arith.constant 288 : index
      %get3A_700 = tpu.vector_load %arg15[%get3A_699] {strides = array<i32>} : memref<2048xf32, #tpu.memory_space<vmem>>, vector<16xf32>,
      tpu.vector_store_idx %arg16[%get3A_698], %get3A_700 {add = true} : memref<10240xf32, #tpu.memory_space<vmem>>[vector<16xi32>], vector<16xf32>,
      %get3A_701 = arith.constant 304 : index
      %get3A_702 = tpu.vector_load %arg14[%get3A_701] {strides = array<i32>} : memref<2048xi32, #tpu.memory_space<vmem>>, vector<16xi32>,
      %get3A_703 = arith.constant 304 : index
      %get3A_704 = tpu.vector_load %arg15[%get3A_703] {strides = array<i32>} : memref<2048xf32, #tpu.memory_space<vmem>>, vector<16xf32>,
      tpu.vector_store_idx %arg16[%get3A_702], %get3A_704 {add = true} : memref<10240xf32, #tpu.memory_space<vmem>>[vector<16xi32>], vector<16xf32>,
      %get3A_705 = arith.constant 320 : index
      %get3A_706 = tpu.vector_load %arg14[%get3A_705] {strides = array<i32>} : memref<2048xi32, #tpu.memory_space<vmem>>, vector<16xi32>,
      %get3A_707 = arith.constant 320 : index
      %get3A_708 = tpu.vector_load %arg15[%get3A_707] {strides = array<i32>} : memref<2048xf32, #tpu.memory_space<vmem>>, vector<16xf32>,
      tpu.vector_store_idx %arg16[%get3A_706], %get3A_708 {add = true} : memref<10240xf32, #tpu.memory_space<vmem>>[vector<16xi32>], vector<16xf32>,
      %get3A_709 = arith.constant 336 : index
      %get3A_710 = tpu.vector_load %arg14[%get3A_709] {strides = array<i32>} : memref<2048xi32, #tpu.memory_space<vmem>>, vector<16xi32>,
      %get3A_711 = arith.constant 336 : index
      %get3A_712 = tpu.vector_load %arg15[%get3A_711] {strides = array<i32>} : memref<2048xf32, #tpu.memory_space<vmem>>, vector<16xf32>,
      tpu.vector_store_idx %arg16[%get3A_710], %get3A_712 {add = true} : memref<10240xf32, #tpu.memory_space<vmem>>[vector<16xi32>], vector<16xf32>,
      %get3A_713 = arith.constant 352 : index
      %get3A_714 = tpu.vector_load %arg14[%get3A_713] {strides = array<i32>} : memref<2048xi32, #tpu.memory_space<vmem>>, vector<16xi32>,
      %get3A_715 = arith.constant 352 : index
      %get3A_716 = tpu.vector_load %arg15[%get3A_715] {strides = array<i32>} : memref<2048xf32, #tpu.memory_space<vmem>>, vector<16xf32>,
      tpu.vector_store_idx %arg16[%get3A_714], %get3A_716 {add = true} : memref<10240xf32, #tpu.memory_space<vmem>>[vector<16xi32>], vector<16xf32>,
      %get3A_717 = arith.constant 368 : index
      %get3A_718 = tpu.vector_load %arg14[%get3A_717] {strides = array<i32>} : memref<2048xi32, #tpu.memory_space<vmem>>, vector<16xi32>,
      %get3A_719 = arith.constant 368 : index
      %get3A_720 = tpu.vector_load %arg15[%get3A_719] {strides = array<i32>} : memref<2048xf32, #tpu.memory_space<vmem>>, vector<16xf32>,
      tpu.vector_store_idx %arg16[%get3A_718], %get3A_720 {add = true} : memref<10240xf32, #tpu.memory_space<vmem>>[vector<16xi32>], vector<16xf32>,
      %get3A_721 = arith.constant 384 : index
      %get3A_722 = tpu.vector_load %arg14[%get3A_721] {strides = array<i32>} : memref<2048xi32, #tpu.memory_space<vmem>>, vector<16xi32>,
      %get3A_723 = arith.constant 384 : index
      %get3A_724 = tpu.vector_load %arg15[%get3A_723] {strides = array<i32>} : memref<2048xf32, #tpu.memory_space<vmem>>, vector<16xf32>,
      tpu.vector_store_idx %arg16[%get3A_722], %get3A_724 {add = true} : memref<10240xf32, #tpu.memory_space<vmem>>[vector<16xi32>], vector<16xf32>,
      %get3A_725 = arith.constant 400 : index
      %get3A_726 = tpu.vector_load %arg14[%get3A_725] {strides = array<i32>} : memref<2048xi32, #tpu.memory_space<vmem>>, vector<16xi32>,
      %get3A_727 = arith.constant 400 : index
      %get3A_728 = tpu.vector_load %arg15[%get3A_727] {strides = array<i32>} : memref<2048xf32, #tpu.memory_space<vmem>>, vector<16xf32>,
      tpu.vector_store_idx %arg16[%get3A_726], %get3A_728 {add = true} : memref<10240xf32, #tpu.memory_space<vmem>>[vector<16xi32>], vector<16xf32>,
      %get3A_729 = arith.constant 416 : index
      %get3A_730 = tpu.vector_load %arg14[%get3A_729] {strides = array<i32>} : memref<2048xi32, #tpu.memory_space<vmem>>, vector<16xi32>,
      %get3A_731 = arith.constant 416 : index
      %get3A_732 = tpu.vector_load %arg15[%get3A_731] {strides = array<i32>} : memref<2048xf32, #tpu.memory_space<vmem>>, vector<16xf32>,
      tpu.vector_store_idx %arg16[%get3A_730], %get3A_732 {add = true} : memref<10240xf32, #tpu.memory_space<vmem>>[vector<16xi32>], vector<16xf32>,
      %get3A_733 = arith.constant 432 : index
      %get3A_734 = tpu.vector_load %arg14[%get3A_733] {strides = array<i32>} : memref<2048xi32, #tpu.memory_space<vmem>>, vector<16xi32>,
      %get3A_735 = arith.constant 432 : index
      %get3A_736 = tpu.vector_load %arg15[%get3A_735] {strides = array<i32>} : memref<2048xf32, #tpu.memory_space<vmem>>, vector<16xf32>,
      tpu.vector_store_idx %arg16[%get3A_734], %get3A_736 {add = true} : memref<10240xf32, #tpu.memory_space<vmem>>[vector<16xi32>], vector<16xf32>,
      %get3A_737 = arith.constant 448 : index
      %get3A_738 = tpu.vector_load %arg14[%get3A_737] {strides = array<i32>} : memref<2048xi32, #tpu.memory_space<vmem>>, vector<16xi32>,
      %get3A_739 = arith.constant 448 : index
      %get3A_740 = tpu.vector_load %arg15[%get3A_739] {strides = array<i32>} : memref<2048xf32, #tpu.memory_space<vmem>>, vector<16xf32>,
      tpu.vector_store_idx %arg16[%get3A_738], %get3A_740 {add = true} : memref<10240xf32, #tpu.memory_space<vmem>>[vector<16xi32>], vector<16xf32>,
      %get3A_741 = arith.constant 464 : index
      %get3A_742 = tpu.vector_load %arg14[%get3A_741] {strides = array<i32>} : memref<2048xi32, #tpu.memory_space<vmem>>, vector<16xi32>,
      %get3A_743 = arith.constant 464 : index
      %get3A_744 = tpu.vector_load %arg15[%get3A_743] {strides = array<i32>} : memref<2048xf32, #tpu.memory_space<vmem>>, vector<16xf32>,
      tpu.vector_store_idx %arg16[%get3A_742], %get3A_744 {add = true} : memref<10240xf32, #tpu.memory_space<vmem>>[vector<16xi32>], vector<16xf32>,
      %get3A_745 = arith.constant 480 : index
      %get3A_746 = tpu.vector_load %arg14[%get3A_745] {strides = array<i32>} : memref<2048xi32, #tpu.memory_space<vmem>>, vector<16xi32>,
      %get3A_747 = arith.constant 480 : index
      %get3A_748 = tpu.vector_load %arg15[%get3A_747] {strides = array<i32>} : memref<2048xf32, #tpu.memory_space<vmem>>, vector<16xf32>,
      tpu.vector_store_idx %arg16[%get3A_746], %get3A_748 {add = true} : memref<10240xf32, #tpu.memory_space<vmem>>[vector<16xi32>], vector<16xf32>,
      %get3A_749 = arith.constant 496 : index
      %get3A_750 = tpu.vector_load %arg14[%get3A_749] {strides = array<i32>} : memref<2048xi32, #tpu.memory_space<vmem>>, vector<16xi32>,
      %get3A_751 = arith.constant 496 : index
      %get3A_752 = tpu.vector_load %arg15[%get3A_751] {strides = array<i32>} : memref<2048xf32, #tpu.memory_space<vmem>>, vector<16xf32>,
      tpu.vector_store_idx %arg16[%get3A_750], %get3A_752 {add = true} : memref<10240xf32, #tpu.memory_space<vmem>>[vector<16xi32>], vector<16xf32>,
      %get3A_753 = arith.constant 512 : index
      %get3A_754 = tpu.vector_load %arg14[%get3A_753] {strides = array<i32>} : memref<2048xi32, #tpu.memory_space<vmem>>, vector<16xi32>,
      %get3A_755 = arith.constant 512 : index
      %get3A_756 = tpu.vector_load %arg15[%get3A_755] {strides = array<i32>} : memref<2048xf32, #tpu.memory_space<vmem>>, vector<16xf32>,
      tpu.vector_store_idx %arg16[%get3A_754], %get3A_756 {add = true} : memref<10240xf32, #tpu.memory_space<vmem>>[vector<16xi32>], vector<16xf32>,
      %get3A_757 = arith.constant 528 : index
      %get3A_758 = tpu.vector_load %arg14[%get3A_757] {strides = array<i32>} : memref<2048xi32, #tpu.memory_space<vmem>>, vector<16xi32>,
      %get3A_759 = arith.constant 528 : index
      %get3A_760 = tpu.vector_load %arg15[%get3A_759] {strides = array<i32>} : memref<2048xf32, #tpu.memory_space<vmem>>, vector<16xf32>,
      tpu.vector_store_idx %arg16[%get3A_758], %get3A_760 {add = true} : memref<10240xf32, #tpu.memory_space<vmem>>[vector<16xi32>], vector<16xf32>,
      %get3A_761 = arith.constant 544 : index
      %get3A_762 = tpu.vector_load %arg14[%get3A_761] {strides = array<i32>} : memref<2048xi32, #tpu.memory_space<vmem>>, vector<16xi32>,
      %get3A_763 = arith.constant 544 : index
      %get3A_764 = tpu.vector_load %arg15[%get3A_763] {strides = array<i32>} : memref<2048xf32, #tpu.memory_space<vmem>>, vector<16xf32>,
      tpu.vector_store_idx %arg16[%get3A_762], %get3A_764 {add = true} : memref<10240xf32, #tpu.memory_space<vmem>>[vector<16xi32>], vector<16xf32>,
      %get3A_765 = arith.constant 560 : index
      %get3A_766 = tpu.vector_load %arg14[%get3A_765] {strides = array<i32>} : memref<2048xi32, #tpu.memory_space<vmem>>, vector<16xi32>,
      %get3A_767 = arith.constant 560 : index
      %get3A_768 = tpu.vector_load %arg15[%get3A_767] {strides = array<i32>} : memref<2048xf32, #tpu.memory_space<vmem>>, vector<16xf32>,
      tpu.vector_store_idx %arg16[%get3A_766], %get3A_768 {add = true} : memref<10240xf32, #tpu.memory_space<vmem>>[vector<16xi32>], vector<16xf32>,
      %get3A_769 = arith.constant 576 : index
      %get3A_770 = tpu.vector_load %arg14[%get3A_769] {strides = array<i32>} : memref<2048xi32, #tpu.memory_space<vmem>>, vector<16xi32>,
      %get3A_771 = arith.constant 576 : index
      %get3A_772 = tpu.vector_load %arg15[%get3A_771] {strides = array<i32>} : memref<2048xf32, #tpu.memory_space<vmem>>, vector<16xf32>,
      tpu.vector_store_idx %arg16[%get3A_770], %get3A_772 {add = true} : memref<10240xf32, #tpu.memory_space<vmem>>[vector<16xi32>], vector<16xf32>,
      %get3A_773 = arith.constant 592 : index
      %get3A_774 = tpu.vector_load %arg14[%get3A_773] {strides = array<i32>} : memref<2048xi32, #tpu.memory_space<vmem>>, vector<16xi32>,
      %get3A_775 = arith.constant 592 : index
      %get3A_776 = tpu.vector_load %arg15[%get3A_775] {strides = array<i32>} : memref<2048xf32, #tpu.memory_space<vmem>>, vector<16xf32>,
      tpu.vector_store_idx %arg16[%get3A_774], %get3A_776 {add = true} : memref<10240xf32, #tpu.memory_space<vmem>>[vector<16xi32>], vector<16xf32>,
      %get3A_777 = arith.constant 608 : index
      %get3A_778 = tpu.vector_load %arg14[%get3A_777] {strides = array<i32>} : memref<2048xi32, #tpu.memory_space<vmem>>, vector<16xi32>,
      %get3A_779 = arith.constant 608 : index
      %get3A_780 = tpu.vector_load %arg15[%get3A_779] {strides = array<i32>} : memref<2048xf32, #tpu.memory_space<vmem>>, vector<16xf32>,
      tpu.vector_store_idx %arg16[%get3A_778], %get3A_780 {add = true} : memref<10240xf32, #tpu.memory_space<vmem>>[vector<16xi32>], vector<16xf32>,
      %get3A_781 = arith.constant 624 : index
      %get3A_782 = tpu.vector_load %arg14[%get3A_781] {strides = array<i32>} : memref<2048xi32, #tpu.memory_space<vmem>>, vector<16xi32>,
      %get3A_783 = arith.constant 624 : index
      %get3A_784 = tpu.vector_load %arg15[%get3A_783] {strides = array<i32>} : memref<2048xf32, #tpu.memory_space<vmem>>, vector<16xf32>,
      tpu.vector_store_idx %arg16[%get3A_782], %get3A_784 {add = true} : memref<10240xf32, #tpu.memory_space<vmem>>[vector<16xi32>], vector<16xf32>,
      %get3A_785 = arith.constant 640 : index
      %get3A_786 = tpu.vector_load %arg14[%get3A_785] {strides = array<i32>} : memref<2048xi32, #tpu.memory_space<vmem>>, vector<16xi32>,
      %get3A_787 = arith.constant 640 : index
      %get3A_788 = tpu.vector_load %arg15[%get3A_787] {strides = array<i32>} : memref<2048xf32, #tpu.memory_space<vmem>>, vector<16xf32>,
      tpu.vector_store_idx %arg16[%get3A_786], %get3A_788 {add = true} : memref<10240xf32, #tpu.memory_space<vmem>>[vector<16xi32>], vector<16xf32>,
      %get3A_789 = arith.constant 656 : index
      %get3A_790 = tpu.vector_load %arg14[%get3A_789] {strides = array<i32>} : memref<2048xi32, #tpu.memory_space<vmem>>, vector<16xi32>,
      %get3A_791 = arith.constant 656 : index
      %get3A_792 = tpu.vector_load %arg15[%get3A_791] {strides = array<i32>} : memref<2048xf32, #tpu.memory_space<vmem>>, vector<16xf32>,
      tpu.vector_store_idx %arg16[%get3A_790], %get3A_792 {add = true} : memref<10240xf32, #tpu.memory_space<vmem>>[vector<16xi32>], vector<16xf32>,
      %get3A_793 = arith.constant 672 : index
      %get3A_794 = tpu.vector_load %arg14[%get3A_793] {strides = array<i32>} : memref<2048xi32, #tpu.memory_space<vmem>>, vector<16xi32>,
      %get3A_795 = arith.constant 672 : index
      %get3A_796 = tpu.vector_load %arg15[%get3A_795] {strides = array<i32>} : memref<2048xf32, #tpu.memory_space<vmem>>, vector<16xf32>,
      tpu.vector_store_idx %arg16[%get3A_794], %get3A_796 {add = true} : memref<10240xf32, #tpu.memory_space<vmem>>[vector<16xi32>], vector<16xf32>,
      %get3A_797 = arith.constant 688 : index
      %get3A_798 = tpu.vector_load %arg14[%get3A_797] {strides = array<i32>} : memref<2048xi32, #tpu.memory_space<vmem>>, vector<16xi32>,
      %get3A_799 = arith.constant 688 : index
      %get3A_800 = tpu.vector_load %arg15[%get3A_799] {strides = array<i32>} : memref<2048xf32, #tpu.memory_space<vmem>>, vector<16xf32>,
      tpu.vector_store_idx %arg16[%get3A_798], %get3A_800 {add = true} : memref<10240xf32, #tpu.memory_space<vmem>>[vector<16xi32>], vector<16xf32>,
      %get3A_801 = arith.constant 704 : index
      %get3A_802 = tpu.vector_load %arg14[%get3A_801] {strides = array<i32>} : memref<2048xi32, #tpu.memory_space<vmem>>, vector<16xi32>,
      %get3A_803 = arith.constant 704 : index
      %get3A_804 = tpu.vector_load %arg15[%get3A_803] {strides = array<i32>} : memref<2048xf32, #tpu.memory_space<vmem>>, vector<16xf32>,
      tpu.vector_store_idx %arg16[%get3A_802], %get3A_804 {add = true} : memref<10240xf32, #tpu.memory_space<vmem>>[vector<16xi32>], vector<16xf32>,
      %get3A_805 = arith.constant 720 : index
      %get3A_806 = tpu.vector_load %arg14[%get3A_805] {strides = array<i32>} : memref<2048xi32, #tpu.memory_space<vmem>>, vector<16xi32>,
      %get3A_807 = arith.constant 720 : index
      %get3A_808 = tpu.vector_load %arg15[%get3A_807] {strides = array<i32>} : memref<2048xf32, #tpu.memory_space<vmem>>, vector<16xf32>,
      tpu.vector_store_idx %arg16[%get3A_806], %get3A_808 {add = true} : memref<10240xf32, #tpu.memory_space<vmem>>[vector<16xi32>], vector<16xf32>,
      %get3A_809 = arith.constant 736 : index
      %get3A_810 = tpu.vector_load %arg14[%get3A_809] {strides = array<i32>} : memref<2048xi32, #tpu.memory_space<vmem>>, vector<16xi32>,
      %get3A_811 = arith.constant 736 : index
      %get3A_812 = tpu.vector_load %arg15[%get3A_811] {strides = array<i32>} : memref<2048xf32, #tpu.memory_space<vmem>>, vector<16xf32>,
      tpu.vector_store_idx %arg16[%get3A_810], %get3A_812 {add = true} : memref<10240xf32, #tpu.memory_space<vmem>>[vector<16xi32>], vector<16xf32>,
      %get3A_813 = arith.constant 752 : index
      %get3A_814 = tpu.vector_load %arg14[%get3A_813] {strides = array<i32>} : memref<2048xi32, #tpu.memory_space<vmem>>, vector<16xi32>,
      %get3A_815 = arith.constant 752 : index
      %get3A_816 = tpu.vector_load %arg15[%get3A_815] {strides = array<i32>} : memref<2048xf32, #tpu.memory_space<vmem>>, vector<16xf32>,
      tpu.vector_store_idx %arg16[%get3A_814], %get3A_816 {add = true} : memref<10240xf32, #tpu.memory_space<vmem>>[vector<16xi32>], vector<16xf32>,
      %get3A_817 = arith.constant 768 : index
      %get3A_818 = tpu.vector_load %arg14[%get3A_817] {strides = array<i32>} : memref<2048xi32, #tpu.memory_space<vmem>>, vector<16xi32>,
      %get3A_819 = arith.constant 768 : index
      %get3A_820 = tpu.vector_load %arg15[%get3A_819] {strides = array<i32>} : memref<2048xf32, #tpu.memory_space<vmem>>, vector<16xf32>,
      tpu.vector_store_idx %arg16[%get3A_818], %get3A_820 {add = true} : memref<10240xf32, #tpu.memory_space<vmem>>[vector<16xi32>], vector<16xf32>,
      %get3A_821 = arith.constant 784 : index
      %get3A_822 = tpu.vector_load %arg14[%get3A_821] {strides = array<i32>} : memref<2048xi32, #tpu.memory_space<vmem>>, vector<16xi32>,
      %get3A_823 = arith.constant 784 : index
      %get3A_824 = tpu.vector_load %arg15[%get3A_823] {strides = array<i32>} : memref<2048xf32, #tpu.memory_space<vmem>>, vector<16xf32>,
      tpu.vector_store_idx %arg16[%get3A_822], %get3A_824 {add = true} : memref<10240xf32, #tpu.memory_space<vmem>>[vector<16xi32>], vector<16xf32>,
      %get3A_825 = arith.constant 800 : index
      %get3A_826 = tpu.vector_load %arg14[%get3A_825] {strides = array<i32>} : memref<2048xi32, #tpu.memory_space<vmem>>, vector<16xi32>,
      %get3A_827 = arith.constant 800 : index
      %get3A_828 = tpu.vector_load %arg15[%get3A_827] {strides = array<i32>} : memref<2048xf32, #tpu.memory_space<vmem>>, vector<16xf32>,
      tpu.vector_store_idx %arg16[%get3A_826], %get3A_828 {add = true} : memref<10240xf32, #tpu.memory_space<vmem>>[vector<16xi32>], vector<16xf32>,
      %get3A_829 = arith.constant 816 : index
      %get3A_830 = tpu.vector_load %arg14[%get3A_829] {strides = array<i32>} : memref<2048xi32, #tpu.memory_space<vmem>>, vector<16xi32>,
      %get3A_831 = arith.constant 816 : index
      %get3A_832 = tpu.vector_load %arg15[%get3A_831] {strides = array<i32>} : memref<2048xf32, #tpu.memory_space<vmem>>, vector<16xf32>,
      tpu.vector_store_idx %arg16[%get3A_830], %get3A_832 {add = true} : memref<10240xf32, #tpu.memory_space<vmem>>[vector<16xi32>], vector<16xf32>,
      %get3A_833 = arith.constant 832 : index
      %get3A_834 = tpu.vector_load %arg14[%get3A_833] {strides = array<i32>} : memref<2048xi32, #tpu.memory_space<vmem>>, vector<16xi32>,
      %get3A_835 = arith.constant 832 : index
      %get3A_836 = tpu.vector_load %arg15[%get3A_835] {strides = array<i32>} : memref<2048xf32, #tpu.memory_space<vmem>>, vector<16xf32>,
      tpu.vector_store_idx %arg16[%get3A_834], %get3A_836 {add = true} : memref<10240xf32, #tpu.memory_space<vmem>>[vector<16xi32>], vector<16xf32>,
      %get3A_837 = arith.constant 848 : index
      %get3A_838 = tpu.vector_load %arg14[%get3A_837] {strides = array<i32>} : memref<2048xi32, #tpu.memory_space<vmem>>, vector<16xi32>,
      %get3A_839 = arith.constant 848 : index
      %get3A_840 = tpu.vector_load %arg15[%get3A_839] {strides = array<i32>} : memref<2048xf32, #tpu.memory_space<vmem>>, vector<16xf32>,
      tpu.vector_store_idx %arg16[%get3A_838], %get3A_840 {add = true} : memref<10240xf32, #tpu.memory_space<vmem>>[vector<16xi32>], vector<16xf32>,
      %get3A_841 = arith.constant 864 : index
      %get3A_842 = tpu.vector_load %arg14[%get3A_841] {strides = array<i32>} : memref<2048xi32, #tpu.memory_space<vmem>>, vector<16xi32>,
      %get3A_843 = arith.constant 864 : index
      %get3A_844 = tpu.vector_load %arg15[%get3A_843] {strides = array<i32>} : memref<2048xf32, #tpu.memory_space<vmem>>, vector<16xf32>,
      tpu.vector_store_idx %arg16[%get3A_842], %get3A_844 {add = true} : memref<10240xf32, #tpu.memory_space<vmem>>[vector<16xi32>], vector<16xf32>,
      %get3A_845 = arith.constant 880 : index
      %get3A_846 = tpu.vector_load %arg14[%get3A_845] {strides = array<i32>} : memref<2048xi32, #tpu.memory_space<vmem>>, vector<16xi32>,
      %get3A_847 = arith.constant 880 : index
      %get3A_848 = tpu.vector_load %arg15[%get3A_847] {strides = array<i32>} : memref<2048xf32, #tpu.memory_space<vmem>>, vector<16xf32>,
      tpu.vector_store_idx %arg16[%get3A_846], %get3A_848 {add = true} : memref<10240xf32, #tpu.memory_space<vmem>>[vector<16xi32>], vector<16xf32>,
      %get3A_849 = arith.constant 896 : index
      %get3A_850 = tpu.vector_load %arg14[%get3A_849] {strides = array<i32>} : memref<2048xi32, #tpu.memory_space<vmem>>, vector<16xi32>,
      %get3A_851 = arith.constant 896 : index
      %get3A_852 = tpu.vector_load %arg15[%get3A_851] {strides = array<i32>} : memref<2048xf32, #tpu.memory_space<vmem>>, vector<16xf32>,
      tpu.vector_store_idx %arg16[%get3A_850], %get3A_852 {add = true} : memref<10240xf32, #tpu.memory_space<vmem>>[vector<16xi32>], vector<16xf32>,
      %get3A_853 = arith.constant 912 : index
      %get3A_854 = tpu.vector_load %arg14[%get3A_853] {strides = array<i32>} : memref<2048xi32, #tpu.memory_space<vmem>>, vector<16xi32>,
      %get3A_855 = arith.constant 912 : index
      %get3A_856 = tpu.vector_load %arg15[%get3A_855] {strides = array<i32>} : memref<2048xf32, #tpu.memory_space<vmem>>, vector<16xf32>,
      tpu.vector_store_idx %arg16[%get3A_854], %get3A_856 {add = true} : memref<10240xf32, #tpu.memory_space<vmem>>[vector<16xi32>], vector<16xf32>,
      %get3A_857 = arith.constant 928 : index
      %get3A_858 = tpu.vector_load %arg14[%get3A_857] {strides = array<i32>} : memref<2048xi32, #tpu.memory_space<vmem>>, vector<16xi32>,
      %get3A_859 = arith.constant 928 : index
      %get3A_860 = tpu.vector_load %arg15[%get3A_859] {strides = array<i32>} : memref<2048xf32, #tpu.memory_space<vmem>>, vector<16xf32>,
      tpu.vector_store_idx %arg16[%get3A_858], %get3A_860 {add = true} : memref<10240xf32, #tpu.memory_space<vmem>>[vector<16xi32>], vector<16xf32>,
      %get3A_861 = arith.constant 944 : index
      %get3A_862 = tpu.vector_load %arg14[%get3A_861] {strides = array<i32>} : memref<2048xi32, #tpu.memory_space<vmem>>, vector<16xi32>,
      %get3A_863 = arith.constant 944 : index
      %get3A_864 = tpu.vector_load %arg15[%get3A_863] {strides = array<i32>} : memref<2048xf32, #tpu.memory_space<vmem>>, vector<16xf32>,
      tpu.vector_store_idx %arg16[%get3A_862], %get3A_864 {add = true} : memref<10240xf32, #tpu.memory_space<vmem>>[vector<16xi32>], vector<16xf32>,
      %get3A_865 = arith.constant 960 : index
      %get3A_866 = tpu.vector_load %arg14[%get3A_865] {strides = array<i32>} : memref<2048xi32, #tpu.memory_space<vmem>>, vector<16xi32>,
      %get3A_867 = arith.constant 960 : index
      %get3A_868 = tpu.vector_load %arg15[%get3A_867] {strides = array<i32>} : memref<2048xf32, #tpu.memory_space<vmem>>, vector<16xf32>,
      tpu.vector_store_idx %arg16[%get3A_866], %get3A_868 {add = true} : memref<10240xf32, #tpu.memory_space<vmem>>[vector<16xi32>], vector<16xf32>,
      %get3A_869 = arith.constant 976 : index
      %get3A_870 = tpu.vector_load %arg14[%get3A_869] {strides = array<i32>} : memref<2048xi32, #tpu.memory_space<vmem>>, vector<16xi32>,
      %get3A_871 = arith.constant 976 : index
      %get3A_872 = tpu.vector_load %arg15[%get3A_871] {strides = array<i32>} : memref<2048xf32, #tpu.memory_space<vmem>>, vector<16xf32>,
      tpu.vector_store_idx %arg16[%get3A_870], %get3A_872 {add = true} : memref<10240xf32, #tpu.memory_space<vmem>>[vector<16xi32>], vector<16xf32>,
      %get3A_873 = arith.constant 992 : index
      %get3A_874 = tpu.vector_load %arg14[%get3A_873] {strides = array<i32>} : memref<2048xi32, #tpu.memory_space<vmem>>, vector<16xi32>,
      %get3A_875 = arith.constant 992 : index
      %get3A_876 = tpu.vector_load %arg15[%get3A_875] {strides = array<i32>} : memref<2048xf32, #tpu.memory_space<vmem>>, vector<16xf32>,
      tpu.vector_store_idx %arg16[%get3A_874], %get3A_876 {add = true} : memref<10240xf32, #tpu.memory_space<vmem>>[vector<16xi32>], vector<16xf32>,
      %get3A_877 = arith.constant 1008 : index
      %get3A_878 = tpu.vector_load %arg14[%get3A_877] {strides = array<i32>} : memref<2048xi32, #tpu.memory_space<vmem>>, vector<16xi32>,
      %get3A_879 = arith.constant 1008 : index
      %get3A_880 = tpu.vector_load %arg15[%get3A_879] {strides = array<i32>} : memref<2048xf32, #tpu.memory_space<vmem>>, vector<16xf32>,
      tpu.vector_store_idx %arg16[%get3A_878], %get3A_880 {add = true} : memref<10240xf32, #tpu.memory_space<vmem>>[vector<16xi32>], vector<16xf32>,
      %get3A_881 = arith.constant 1024 : index
      %get3A_882 = tpu.vector_load %arg14[%get3A_881] {strides = array<i32>} : memref<2048xi32, #tpu.memory_space<vmem>>, vector<16xi32>,
      %get3A_883 = arith.constant 1024 : index
      %get3A_884 = tpu.vector_load %arg15[%get3A_883] {strides = array<i32>} : memref<2048xf32, #tpu.memory_space<vmem>>, vector<16xf32>,
      tpu.vector_store_idx %arg16[%get3A_882], %get3A_884 {add = true} : memref<10240xf32, #tpu.memory_space<vmem>>[vector<16xi32>], vector<16xf32>,
      %get3A_885 = arith.constant 1040 : index
      %get3A_886 = tpu.vector_load %arg14[%get3A_885] {strides = array<i32>} : memref<2048xi32, #tpu.memory_space<vmem>>, vector<16xi32>,
      %get3A_887 = arith.constant 1040 : index
      %get3A_888 = tpu.vector_load %arg15[%get3A_887] {strides = array<i32>} : memref<2048xf32, #tpu.memory_space<vmem>>, vector<16xf32>,
      tpu.vector_store_idx %arg16[%get3A_886], %get3A_888 {add = true} : memref<10240xf32, #tpu.memory_space<vmem>>[vector<16xi32>], vector<16xf32>,
      %get3A_889 = arith.constant 1056 : index
      %get3A_890 = tpu.vector_load %arg14[%get3A_889] {strides = array<i32>} : memref<2048xi32, #tpu.memory_space<vmem>>, vector<16xi32>,
      %get3A_891 = arith.constant 1056 : index
      %get3A_892 = tpu.vector_load %arg15[%get3A_891] {strides = array<i32>} : memref<2048xf32, #tpu.memory_space<vmem>>, vector<16xf32>,
      tpu.vector_store_idx %arg16[%get3A_890], %get3A_892 {add = true} : memref<10240xf32, #tpu.memory_space<vmem>>[vector<16xi32>], vector<16xf32>,
      %get3A_893 = arith.constant 1072 : index
      %get3A_894 = tpu.vector_load %arg14[%get3A_893] {strides = array<i32>} : memref<2048xi32, #tpu.memory_space<vmem>>, vector<16xi32>,
      %get3A_895 = arith.constant 1072 : index
      %get3A_896 = tpu.vector_load %arg15[%get3A_895] {strides = array<i32>} : memref<2048xf32, #tpu.memory_space<vmem>>, vector<16xf32>,
      tpu.vector_store_idx %arg16[%get3A_894], %get3A_896 {add = true} : memref<10240xf32, #tpu.memory_space<vmem>>[vector<16xi32>], vector<16xf32>,
      %get3A_897 = arith.constant 1088 : index
      %get3A_898 = tpu.vector_load %arg14[%get3A_897] {strides = array<i32>} : memref<2048xi32, #tpu.memory_space<vmem>>, vector<16xi32>,
      %get3A_899 = arith.constant 1088 : index
      %get3A_900 = tpu.vector_load %arg15[%get3A_899] {strides = array<i32>} : memref<2048xf32, #tpu.memory_space<vmem>>, vector<16xf32>,
      tpu.vector_store_idx %arg16[%get3A_898], %get3A_900 {add = true} : memref<10240xf32, #tpu.memory_space<vmem>>[vector<16xi32>], vector<16xf32>,
      %get3A_901 = arith.constant 1104 : index
      %get3A_902 = tpu.vector_load %arg14[%get3A_901] {strides = array<i32>} : memref<2048xi32, #tpu.memory_space<vmem>>, vector<16xi32>,
      %get3A_903 = arith.constant 1104 : index
      %get3A_904 = tpu.vector_load %arg15[%get3A_903] {strides = array<i32>} : memref<2048xf32, #tpu.memory_space<vmem>>, vector<16xf32>,
      tpu.vector_store_idx %arg16[%get3A_902], %get3A_904 {add = true} : memref<10240xf32, #tpu.memory_space<vmem>>[vector<16xi32>], vector<16xf32>,
      %get3A_905 = arith.constant 1120 : index
      %get3A_906 = tpu.vector_load %arg14[%get3A_905] {strides = array<i32>} : memref<2048xi32, #tpu.memory_space<vmem>>, vector<16xi32>,
      %get3A_907 = arith.constant 1120 : index
      %get3A_908 = tpu.vector_load %arg15[%get3A_907] {strides = array<i32>} : memref<2048xf32, #tpu.memory_space<vmem>>, vector<16xf32>,
      tpu.vector_store_idx %arg16[%get3A_906], %get3A_908 {add = true} : memref<10240xf32, #tpu.memory_space<vmem>>[vector<16xi32>], vector<16xf32>,
      %get3A_909 = arith.constant 1136 : index
      %get3A_910 = tpu.vector_load %arg14[%get3A_909] {strides = array<i32>} : memref<2048xi32, #tpu.memory_space<vmem>>, vector<16xi32>,
      %get3A_911 = arith.constant 1136 : index
      %get3A_912 = tpu.vector_load %arg15[%get3A_911] {strides = array<i32>} : memref<2048xf32, #tpu.memory_space<vmem>>, vector<16xf32>,
      tpu.vector_store_idx %arg16[%get3A_910], %get3A_912 {add = true} : memref<10240xf32, #tpu.memory_space<vmem>>[vector<16xi32>], vector<16xf32>,
      %get3A_913 = arith.constant 1152 : index
      %get3A_914 = tpu.vector_load %arg14[%get3A_913] {strides = array<i32>} : memref<2048xi32, #tpu.memory_space<vmem>>, vector<16xi32>,
      %get3A_915 = arith.constant 1152 : index
      %get3A_916 = tpu.vector_load %arg15[%get3A_915] {strides = array<i32>} : memref<2048xf32, #tpu.memory_space<vmem>>, vector<16xf32>,
      tpu.vector_store_idx %arg16[%get3A_914], %get3A_916 {add = true} : memref<10240xf32, #tpu.memory_space<vmem>>[vector<16xi32>], vector<16xf32>,
      %get3A_917 = arith.constant 1168 : index
      %get3A_918 = tpu.vector_load %arg14[%get3A_917] {strides = array<i32>} : memref<2048xi32, #tpu.memory_space<vmem>>, vector<16xi32>,
      %get3A_919 = arith.constant 1168 : index
      %get3A_920 = tpu.vector_load %arg15[%get3A_919] {strides = array<i32>} : memref<2048xf32, #tpu.memory_space<vmem>>, vector<16xf32>,
      tpu.vector_store_idx %arg16[%get3A_918], %get3A_920 {add = true} : memref<10240xf32, #tpu.memory_space<vmem>>[vector<16xi32>], vector<16xf32>,
      %get3A_921 = arith.constant 1184 : index
      %get3A_922 = tpu.vector_load %arg14[%get3A_921] {strides = array<i32>} : memref<2048xi32, #tpu.memory_space<vmem>>, vector<16xi32>,
      %get3A_923 = arith.constant 1184 : index
      %get3A_924 = tpu.vector_load %arg15[%get3A_923] {strides = array<i32>} : memref<2048xf32, #tpu.memory_space<vmem>>, vector<16xf32>,
      tpu.vector_store_idx %arg16[%get3A_922], %get3A_924 {add = true} : memref<10240xf32, #tpu.memory_space<vmem>>[vector<16xi32>], vector<16xf32>,
      %get3A_925 = arith.constant 1200 : index
      %get3A_926 = tpu.vector_load %arg14[%get3A_925] {strides = array<i32>} : memref<2048xi32, #tpu.memory_space<vmem>>, vector<16xi32>,
      %get3A_927 = arith.constant 1200 : index
      %get3A_928 = tpu.vector_load %arg15[%get3A_927] {strides = array<i32>} : memref<2048xf32, #tpu.memory_space<vmem>>, vector<16xf32>,
      tpu.vector_store_idx %arg16[%get3A_926], %get3A_928 {add = true} : memref<10240xf32, #tpu.memory_space<vmem>>[vector<16xi32>], vector<16xf32>,
      %get3A_929 = arith.constant 1216 : index
      %get3A_930 = tpu.vector_load %arg14[%get3A_929] {strides = array<i32>} : memref<2048xi32, #tpu.memory_space<vmem>>, vector<16xi32>,
      %get3A_931 = arith.constant 1216 : index
      %get3A_932 = tpu.vector_load %arg15[%get3A_931] {strides = array<i32>} : memref<2048xf32, #tpu.memory_space<vmem>>, vector<16xf32>,
      tpu.vector_store_idx %arg16[%get3A_930], %get3A_932 {add = true} : memref<10240xf32, #tpu.memory_space<vmem>>[vector<16xi32>], vector<16xf32>,
      %get3A_933 = arith.constant 1232 : index
      %get3A_934 = tpu.vector_load %arg14[%get3A_933] {strides = array<i32>} : memref<2048xi32, #tpu.memory_space<vmem>>, vector<16xi32>,
      %get3A_935 = arith.constant 1232 : index
      %get3A_936 = tpu.vector_load %arg15[%get3A_935] {strides = array<i32>} : memref<2048xf32, #tpu.memory_space<vmem>>, vector<16xf32>,
      tpu.vector_store_idx %arg16[%get3A_934], %get3A_936 {add = true} : memref<10240xf32, #tpu.memory_space<vmem>>[vector<16xi32>], vector<16xf32>,
      %get3A_937 = arith.constant 1248 : index
      %get3A_938 = tpu.vector_load %arg14[%get3A_937] {strides = array<i32>} : memref<2048xi32, #tpu.memory_space<vmem>>, vector<16xi32>,
      %get3A_939 = arith.constant 1248 : index
      %get3A_940 = tpu.vector_load %arg15[%get3A_939] {strides = array<i32>} : memref<2048xf32, #tpu.memory_space<vmem>>, vector<16xf32>,
      tpu.vector_store_idx %arg16[%get3A_938], %get3A_940 {add = true} : memref<10240xf32, #tpu.memory_space<vmem>>[vector<16xi32>], vector<16xf32>,
      %get3A_941 = arith.constant 1264 : index
      %get3A_942 = tpu.vector_load %arg14[%get3A_941] {strides = array<i32>} : memref<2048xi32, #tpu.memory_space<vmem>>, vector<16xi32>,
      %get3A_943 = arith.constant 1264 : index
      %get3A_944 = tpu.vector_load %arg15[%get3A_943] {strides = array<i32>} : memref<2048xf32, #tpu.memory_space<vmem>>, vector<16xf32>,
      tpu.vector_store_idx %arg16[%get3A_942], %get3A_944 {add = true} : memref<10240xf32, #tpu.memory_space<vmem>>[vector<16xi32>], vector<16xf32>,
      %get3A_945 = arith.constant 1280 : index
      %get3A_946 = tpu.vector_load %arg14[%get3A_945] {strides = array<i32>} : memref<2048xi32, #tpu.memory_space<vmem>>, vector<16xi32>,
      %get3A_947 = arith.constant 1280 : index
      %get3A_948 = tpu.vector_load %arg15[%get3A_947] {strides = array<i32>} : memref<2048xf32, #tpu.memory_space<vmem>>, vector<16xf32>,
      tpu.vector_store_idx %arg16[%get3A_946], %get3A_948 {add = true} : memref<10240xf32, #tpu.memory_space<vmem>>[vector<16xi32>], vector<16xf32>,
      %get3A_949 = arith.constant 1296 : index
      %get3A_950 = tpu.vector_load %arg14[%get3A_949] {strides = array<i32>} : memref<2048xi32, #tpu.memory_space<vmem>>, vector<16xi32>,
      %get3A_951 = arith.constant 1296 : index
      %get3A_952 = tpu.vector_load %arg15[%get3A_951] {strides = array<i32>} : memref<2048xf32, #tpu.memory_space<vmem>>, vector<16xf32>,
      tpu.vector_store_idx %arg16[%get3A_950], %get3A_952 {add = true} : memref<10240xf32, #tpu.memory_space<vmem>>[vector<16xi32>], vector<16xf32>,
      %get3A_953 = arith.constant 1312 : index
      %get3A_954 = tpu.vector_load %arg14[%get3A_953] {strides = array<i32>} : memref<2048xi32, #tpu.memory_space<vmem>>, vector<16xi32>,
      %get3A_955 = arith.constant 1312 : index
      %get3A_956 = tpu.vector_load %arg15[%get3A_955] {strides = array<i32>} : memref<2048xf32, #tpu.memory_space<vmem>>, vector<16xf32>,
      tpu.vector_store_idx %arg16[%get3A_954], %get3A_956 {add = true} : memref<10240xf32, #tpu.memory_space<vmem>>[vector<16xi32>], vector<16xf32>,
      %get3A_957 = arith.constant 1328 : index
      %get3A_958 = tpu.vector_load %arg14[%get3A_957] {strides = array<i32>} : memref<2048xi32, #tpu.memory_space<vmem>>, vector<16xi32>,
      %get3A_959 = arith.constant 1328 : index
      %get3A_960 = tpu.vector_load %arg15[%get3A_959] {strides = array<i32>} : memref<2048xf32, #tpu.memory_space<vmem>>, vector<16xf32>,
      tpu.vector_store_idx %arg16[%get3A_958], %get3A_960 {add = true} : memref<10240xf32, #tpu.memory_space<vmem>>[vector<16xi32>], vector<16xf32>,
      %get3A_961 = arith.constant 1344 : index
      %get3A_962 = tpu.vector_load %arg14[%get3A_961] {strides = array<i32>} : memref<2048xi32, #tpu.memory_space<vmem>>, vector<16xi32>,
      %get3A_963 = arith.constant 1344 : index
      %get3A_964 = tpu.vector_load %arg15[%get3A_963] {strides = array<i32>} : memref<2048xf32, #tpu.memory_space<vmem>>, vector<16xf32>,
      tpu.vector_store_idx %arg16[%get3A_962], %get3A_964 {add = true} : memref<10240xf32, #tpu.memory_space<vmem>>[vector<16xi32>], vector<16xf32>,
      %get3A_965 = arith.constant 1360 : index
      %get3A_966 = tpu.vector_load %arg14[%get3A_965] {strides = array<i32>} : memref<2048xi32, #tpu.memory_space<vmem>>, vector<16xi32>,
      %get3A_967 = arith.constant 1360 : index
      %get3A_968 = tpu.vector_load %arg15[%get3A_967] {strides = array<i32>} : memref<2048xf32, #tpu.memory_space<vmem>>, vector<16xf32>,
      tpu.vector_store_idx %arg16[%get3A_966], %get3A_968 {add = true} : memref<10240xf32, #tpu.memory_space<vmem>>[vector<16xi32>], vector<16xf32>,
      %get3A_969 = arith.constant 1376 : index
      %get3A_970 = tpu.vector_load %arg14[%get3A_969] {strides = array<i32>} : memref<2048xi32, #tpu.memory_space<vmem>>, vector<16xi32>,
      %get3A_971 = arith.constant 1376 : index
      %get3A_972 = tpu.vector_load %arg15[%get3A_971] {strides = array<i32>} : memref<2048xf32, #tpu.memory_space<vmem>>, vector<16xf32>,
      tpu.vector_store_idx %arg16[%get3A_970], %get3A_972 {add = true} : memref<10240xf32, #tpu.memory_space<vmem>>[vector<16xi32>], vector<16xf32>,
      %get3A_973 = arith.constant 1392 : index
      %get3A_974 = tpu.vector_load %arg14[%get3A_973] {strides = array<i32>} : memref<2048xi32, #tpu.memory_space<vmem>>, vector<16xi32>,
      %get3A_975 = arith.constant 1392 : index
      %get3A_976 = tpu.vector_load %arg15[%get3A_975] {strides = array<i32>} : memref<2048xf32, #tpu.memory_space<vmem>>, vector<16xf32>,
      tpu.vector_store_idx %arg16[%get3A_974], %get3A_976 {add = true} : memref<10240xf32, #tpu.memory_space<vmem>>[vector<16xi32>], vector<16xf32>,
      %get3A_977 = arith.constant 1408 : index
      %get3A_978 = tpu.vector_load %arg14[%get3A_977] {strides = array<i32>} : memref<2048xi32, #tpu.memory_space<vmem>>, vector<16xi32>,
      %get3A_979 = arith.constant 1408 : index
      %get3A_980 = tpu.vector_load %arg15[%get3A_979] {strides = array<i32>} : memref<2048xf32, #tpu.memory_space<vmem>>, vector<16xf32>,
      tpu.vector_store_idx %arg16[%get3A_978], %get3A_980 {add = true} : memref<10240xf32, #tpu.memory_space<vmem>>[vector<16xi32>], vector<16xf32>,
      %get3A_981 = arith.constant 1424 : index
      %get3A_982 = tpu.vector_load %arg14[%get3A_981] {strides = array<i32>} : memref<2048xi32, #tpu.memory_space<vmem>>, vector<16xi32>,
      %get3A_983 = arith.constant 1424 : index
      %get3A_984 = tpu.vector_load %arg15[%get3A_983] {strides = array<i32>} : memref<2048xf32, #tpu.memory_space<vmem>>, vector<16xf32>,
      tpu.vector_store_idx %arg16[%get3A_982], %get3A_984 {add = true} : memref<10240xf32, #tpu.memory_space<vmem>>[vector<16xi32>], vector<16xf32>,
      %get3A_985 = arith.constant 1440 : index
      %get3A_986 = tpu.vector_load %arg14[%get3A_985] {strides = array<i32>} : memref<2048xi32, #tpu.memory_space<vmem>>, vector<16xi32>,
      %get3A_987 = arith.constant 1440 : index
      %get3A_988 = tpu.vector_load %arg15[%get3A_987] {strides = array<i32>} : memref<2048xf32, #tpu.memory_space<vmem>>, vector<16xf32>,
      tpu.vector_store_idx %arg16[%get3A_986], %get3A_988 {add = true} : memref<10240xf32, #tpu.memory_space<vmem>>[vector<16xi32>], vector<16xf32>,
      %get3A_989 = arith.constant 1456 : index
      %get3A_990 = tpu.vector_load %arg14[%get3A_989] {strides = array<i32>} : memref<2048xi32, #tpu.memory_space<vmem>>, vector<16xi32>,
      %get3A_991 = arith.constant 1456 : index
      %get3A_992 = tpu.vector_load %arg15[%get3A_991] {strides = array<i32>} : memref<2048xf32, #tpu.memory_space<vmem>>, vector<16xf32>,
      tpu.vector_store_idx %arg16[%get3A_990], %get3A_992 {add = true} : memref<10240xf32, #tpu.memory_space<vmem>>[vector<16xi32>], vector<16xf32>,
      %get3A_993 = arith.constant 1472 : index
      %get3A_994 = tpu.vector_load %arg14[%get3A_993] {strides = array<i32>} : memref<2048xi32, #tpu.memory_space<vmem>>, vector<16xi32>,
      %get3A_995 = arith.constant 1472 : index
      %get3A_996 = tpu.vector_load %arg15[%get3A_995] {strides = array<i32>} : memref<2048xf32, #tpu.memory_space<vmem>>, vector<16xf32>,
      tpu.vector_store_idx %arg16[%get3A_994], %get3A_996 {add = true} : memref<10240xf32, #tpu.memory_space<vmem>>[vector<16xi32>], vector<16xf32>,
      %get3A_997 = arith.constant 1488 : index
      %get3A_998 = tpu.vector_load %arg14[%get3A_997] {strides = array<i32>} : memref<2048xi32, #tpu.memory_space<vmem>>, vector<16xi32>,
      %get3A_999 = arith.constant 1488 : index
      %get3A_1000 = tpu.vector_load %arg15[%get3A_999] {strides = array<i32>} : memref<2048xf32, #tpu.memory_space<vmem>>, vector<16xf32>,
      tpu.vector_store_idx %arg16[%get3A_998], %get3A_1000 {add = true} : memref<10240xf32, #tpu.memory_space<vmem>>[vector<16xi32>], vector<16xf32>,
      %get3A_1001 = arith.constant 1504 : index
      %get3A_1002 = tpu.vector_load %arg14[%get3A_1001] {strides = array<i32>} : memref<2048xi32, #tpu.memory_space<vmem>>, vector<16xi32>,
      %get3A_1003 = arith.constant 1504 : index
      %get3A_1004 = tpu.vector_load %arg15[%get3A_1003] {strides = array<i32>} : memref<2048xf32, #tpu.memory_space<vmem>>, vector<16xf32>,
      tpu.vector_store_idx %arg16[%get3A_1002], %get3A_1004 {add = true} : memref<10240xf32, #tpu.memory_space<vmem>>[vector<16xi32>], vector<16xf32>,
      %get3A_1005 = arith.constant 1520 : index
      %get3A_1006 = tpu.vector_load %arg14[%get3A_1005] {strides = array<i32>} : memref<2048xi32, #tpu.memory_space<vmem>>, vector<16xi32>,
      %get3A_1007 = arith.constant 1520 : index
      %get3A_1008 = tpu.vector_load %arg15[%get3A_1007] {strides = array<i32>} : memref<2048xf32, #tpu.memory_space<vmem>>, vector<16xf32>,
      tpu.vector_store_idx %arg16[%get3A_1006], %get3A_1008 {add = true} : memref<10240xf32, #tpu.memory_space<vmem>>[vector<16xi32>], vector<16xf32>,
      %get3A_1009 = arith.constant 1536 : index
      %get3A_1010 = tpu.vector_load %arg14[%get3A_1009] {strides = array<i32>} : memref<2048xi32, #tpu.memory_space<vmem>>, vector<16xi32>,
      %get3A_1011 = arith.constant 1536 : index
      %get3A_1012 = tpu.vector_load %arg15[%get3A_1011] {strides = array<i32>} : memref<2048xf32, #tpu.memory_space<vmem>>, vector<16xf32>,
      tpu.vector_store_idx %arg16[%get3A_1010], %get3A_1012 {add = true} : memref<10240xf32, #tpu.memory_space<vmem>>[vector<16xi32>], vector<16xf32>,
      %get3A_1013 = arith.constant 1552 : index
      %get3A_1014 = tpu.vector_load %arg14[%get3A_1013] {strides = array<i32>} : memref<2048xi32, #tpu.memory_space<vmem>>, vector<16xi32>,
      %get3A_1015 = arith.constant 1552 : index
      %get3A_1016 = tpu.vector_load %arg15[%get3A_1015] {strides = array<i32>} : memref<2048xf32, #tpu.memory_space<vmem>>, vector<16xf32>,
      tpu.vector_store_idx %arg16[%get3A_1014], %get3A_1016 {add = true} : memref<10240xf32, #tpu.memory_space<vmem>>[vector<16xi32>], vector<16xf32>,
      %get3A_1017 = arith.constant 1568 : index
      %get3A_1018 = tpu.vector_load %arg14[%get3A_1017] {strides = array<i32>} : memref<2048xi32, #tpu.memory_space<vmem>>, vector<16xi32>,
      %get3A_1019 = arith.constant 1568 : index
      %get3A_1020 = tpu.vector_load %arg15[%get3A_1019] {strides = array<i32>} : memref<2048xf32, #tpu.memory_space<vmem>>, vector<16xf32>,
      tpu.vector_store_idx %arg16[%get3A_1018], %get3A_1020 {add = true} : memref<10240xf32, #tpu.memory_space<vmem>>[vector<16xi32>], vector<16xf32>,
      %get3A_1021 = arith.constant 1584 : index
      %get3A_1022 = tpu.vector_load %arg14[%get3A_1021] {strides = array<i32>} : memref<2048xi32, #tpu.memory_space<vmem>>, vector<16xi32>,
      %get3A_1023 = arith.constant 1584 : index
      %get3A_1024 = tpu.vector_load %arg15[%get3A_1023] {strides = array<i32>} : memref<2048xf32, #tpu.memory_space<vmem>>, vector<16xf32>,
      tpu.vector_store_idx %arg16[%get3A_1022], %get3A_1024 {add = true} : memref<10240xf32, #tpu.memory_space<vmem>>[vector<16xi32>], vector<16xf32>,
      %get3A_1025 = arith.constant 1600 : index
      %get3A_1026 = tpu.vector_load %arg14[%get3A_1025] {strides = array<i32>} : memref<2048xi32, #tpu.memory_space<vmem>>, vector<16xi32>,
      %get3A_1027 = arith.constant 1600 : index
      %get3A_1028 = tpu.vector_load %arg15[%get3A_1027] {strides = array<i32>} : memref<2048xf32, #tpu.memory_space<vmem>>, vector<16xf32>,
      tpu.vector_store_idx %arg16[%get3A_1026], %get3A_1028 {add = true} : memref<10240xf32, #tpu.memory_space<vmem>>[vector<16xi32>], vector<16xf32>,
      %get3A_1029 = arith.constant 1616 : index
      %get3A_1030 = tpu.vector_load %arg14[%get3A_1029] {strides = array<i32>} : memref<2048xi32, #tpu.memory_space<vmem>>, vector<16xi32>,
      %get3A_1031 = arith.constant 1616 : index
      %get3A_1032 = tpu.vector_load %arg15[%get3A_1031] {strides = array<i32>} : memref<2048xf32, #tpu.memory_space<vmem>>, vector<16xf32>,
      tpu.vector_store_idx %arg16[%get3A_1030], %get3A_1032 {add = true} : memref<10240xf32, #tpu.memory_space<vmem>>[vector<16xi32>], vector<16xf32>,
      %get3A_1033 = arith.constant 1632 : index
      %get3A_1034 = tpu.vector_load %arg14[%get3A_1033] {strides = array<i32>} : memref<2048xi32, #tpu.memory_space<vmem>>, vector<16xi32>,
      %get3A_1035 = arith.constant 1632 : index
      %get3A_1036 = tpu.vector_load %arg15[%get3A_1035] {strides = array<i32>} : memref<2048xf32, #tpu.memory_space<vmem>>, vector<16xf32>,
      tpu.vector_store_idx %arg16[%get3A_1034], %get3A_1036 {add = true} : memref<10240xf32, #tpu.memory_space<vmem>>[vector<16xi32>], vector<16xf32>,
      %get3A_1037 = arith.constant 1648 : index
      %get3A_1038 = tpu.vector_load %arg14[%get3A_1037] {strides = array<i32>} : memref<2048xi32, #tpu.memory_space<vmem>>, vector<16xi32>,
      %get3A_1039 = arith.constant 1648 : index
      %get3A_1040 = tpu.vector_load %arg15[%get3A_1039] {strides = array<i32>} : memref<2048xf32, #tpu.memory_space<vmem>>, vector<16xf32>,
      tpu.vector_store_idx %arg16[%get3A_1038], %get3A_1040 {add = true} : memref<10240xf32, #tpu.memory_space<vmem>>[vector<16xi32>], vector<16xf32>,
      %get3A_1041 = arith.constant 1664 : index
      %get3A_1042 = tpu.vector_load %arg14[%get3A_1041] {strides = array<i32>} : memref<2048xi32, #tpu.memory_space<vmem>>, vector<16xi32>,
      %get3A_1043 = arith.constant 1664 : index
      %get3A_1044 = tpu.vector_load %arg15[%get3A_1043] {strides = array<i32>} : memref<2048xf32, #tpu.memory_space<vmem>>, vector<16xf32>,
      tpu.vector_store_idx %arg16[%get3A_1042], %get3A_1044 {add = true} : memref<10240xf32, #tpu.memory_space<vmem>>[vector<16xi32>], vector<16xf32>,
      %get3A_1045 = arith.constant 1680 : index
      %get3A_1046 = tpu.vector_load %arg14[%get3A_1045] {strides = array<i32>} : memref<2048xi32, #tpu.memory_space<vmem>>, vector<16xi32>,
      %get3A_1047 = arith.constant 1680 : index
      %get3A_1048 = tpu.vector_load %arg15[%get3A_1047] {strides = array<i32>} : memref<2048xf32, #tpu.memory_space<vmem>>, vector<16xf32>,
      tpu.vector_store_idx %arg16[%get3A_1046], %get3A_1048 {add = true} : memref<10240xf32, #tpu.memory_space<vmem>>[vector<16xi32>], vector<16xf32>,
      %get3A_1049 = arith.constant 1696 : index
      %get3A_1050 = tpu.vector_load %arg14[%get3A_1049] {strides = array<i32>} : memref<2048xi32, #tpu.memory_space<vmem>>, vector<16xi32>,
      %get3A_1051 = arith.constant 1696 : index
      %get3A_1052 = tpu.vector_load %arg15[%get3A_1051] {strides = array<i32>} : memref<2048xf32, #tpu.memory_space<vmem>>, vector<16xf32>,
      tpu.vector_store_idx %arg16[%get3A_1050], %get3A_1052 {add = true} : memref<10240xf32, #tpu.memory_space<vmem>>[vector<16xi32>], vector<16xf32>,
      %get3A_1053 = arith.constant 1712 : index
      %get3A_1054 = tpu.vector_load %arg14[%get3A_1053] {strides = array<i32>} : memref<2048xi32, #tpu.memory_space<vmem>>, vector<16xi32>,
      %get3A_1055 = arith.constant 1712 : index
      %get3A_1056 = tpu.vector_load %arg15[%get3A_1055] {strides = array<i32>} : memref<2048xf32, #tpu.memory_space<vmem>>, vector<16xf32>,
      tpu.vector_store_idx %arg16[%get3A_1054], %get3A_1056 {add = true} : memref<10240xf32, #tpu.memory_space<vmem>>[vector<16xi32>], vector<16xf32>,
      %get3A_1057 = arith.constant 1728 : index
      %get3A_1058 = tpu.vector_load %arg14[%get3A_1057] {strides = array<i32>} : memref<2048xi32, #tpu.memory_space<vmem>>, vector<16xi32>,
      %get3A_1059 = arith.constant 1728 : index
      %get3A_1060 = tpu.vector_load %arg15[%get3A_1059] {strides = array<i32>} : memref<2048xf32, #tpu.memory_space<vmem>>, vector<16xf32>,
      tpu.vector_store_idx %arg16[%get3A_1058], %get3A_1060 {add = true} : memref<10240xf32, #tpu.memory_space<vmem>>[vector<16xi32>], vector<16xf32>,
      %get3A_1061 = arith.constant 1744 : index
      %get3A_1062 = tpu.vector_load %arg14[%get3A_1061] {strides = array<i32>} : memref<2048xi32, #tpu.memory_space<vmem>>, vector<16xi32>,
      %get3A_1063 = arith.constant 1744 : index
      %get3A_1064 = tpu.vector_load %arg15[%get3A_1063] {strides = array<i32>} : memref<2048xf32, #tpu.memory_space<vmem>>, vector<16xf32>,
      tpu.vector_store_idx %arg16[%get3A_1062], %get3A_1064 {add = true} : memref<10240xf32, #tpu.memory_space<vmem>>[vector<16xi32>], vector<16xf32>,
      %get3A_1065 = arith.constant 1760 : index
      %get3A_1066 = tpu.vector_load %arg14[%get3A_1065] {strides = array<i32>} : memref<2048xi32, #tpu.memory_space<vmem>>, vector<16xi32>,
      %get3A_1067 = arith.constant 1760 : index
      %get3A_1068 = tpu.vector_load %arg15[%get3A_1067] {strides = array<i32>} : memref<2048xf32, #tpu.memory_space<vmem>>, vector<16xf32>,
      tpu.vector_store_idx %arg16[%get3A_1066], %get3A_1068 {add = true} : memref<10240xf32, #tpu.memory_space<vmem>>[vector<16xi32>], vector<16xf32>,
      %get3A_1069 = arith.constant 1776 : index
      %get3A_1070 = tpu.vector_load %arg14[%get3A_1069] {strides = array<i32>} : memref<2048xi32, #tpu.memory_space<vmem>>, vector<16xi32>,
      %get3A_1071 = arith.constant 1776 : index
      %get3A_1072 = tpu.vector_load %arg15[%get3A_1071] {strides = array<i32>} : memref<2048xf32, #tpu.memory_space<vmem>>, vector<16xf32>,
      tpu.vector_store_idx %arg16[%get3A_1070], %get3A_1072 {add = true} : memref<10240xf32, #tpu.memory_space<vmem>>[vector<16xi32>], vector<16xf32>,
      %get3A_1073 = arith.constant 1792 : index
      %get3A_1074 = tpu.vector_load %arg14[%get3A_1073] {strides = array<i32>} : memref<2048xi32, #tpu.memory_space<vmem>>, vector<16xi32>,
      %get3A_1075 = arith.constant 1792 : index
      %get3A_1076 = tpu.vector_load %arg15[%get3A_1075] {strides = array<i32>} : memref<2048xf32, #tpu.memory_space<vmem>>, vector<16xf32>,
      tpu.vector_store_idx %arg16[%get3A_1074], %get3A_1076 {add = true} : memref<10240xf32, #tpu.memory_space<vmem>>[vector<16xi32>], vector<16xf32>,
      %get3A_1077 = arith.constant 1808 : index
      %get3A_1078 = tpu.vector_load %arg14[%get3A_1077] {strides = array<i32>} : memref<2048xi32, #tpu.memory_space<vmem>>, vector<16xi32>,
      %get3A_1079 = arith.constant 1808 : index
      %get3A_1080 = tpu.vector_load %arg15[%get3A_1079] {strides = array<i32>} : memref<2048xf32, #tpu.memory_space<vmem>>, vector<16xf32>,
      tpu.vector_store_idx %arg16[%get3A_1078], %get3A_1080 {add = true} : memref<10240xf32, #tpu.memory_space<vmem>>[vector<16xi32>], vector<16xf32>,
      %get3A_1081 = arith.constant 1824 : index
      %get3A_1082 = tpu.vector_load %arg14[%get3A_1081] {strides = array<i32>} : memref<2048xi32, #tpu.memory_space<vmem>>, vector<16xi32>,
      %get3A_1083 = arith.constant 1824 : index
      %get3A_1084 = tpu.vector_load %arg15[%get3A_1083] {strides = array<i32>} : memref<2048xf32, #tpu.memory_space<vmem>>, vector<16xf32>,
      tpu.vector_store_idx %arg16[%get3A_1082], %get3A_1084 {add = true} : memref<10240xf32, #tpu.memory_space<vmem>>[vector<16xi32>], vector<16xf32>,
      %get3A_1085 = arith.constant 1840 : index
      %get3A_1086 = tpu.vector_load %arg14[%get3A_1085] {strides = array<i32>} : memref<2048xi32, #tpu.memory_space<vmem>>, vector<16xi32>,
      %get3A_1087 = arith.constant 1840 : index
      %get3A_1088 = tpu.vector_load %arg15[%get3A_1087] {strides = array<i32>} : memref<2048xf32, #tpu.memory_space<vmem>>, vector<16xf32>,
      tpu.vector_store_idx %arg16[%get3A_1086], %get3A_1088 {add = true} : memref<10240xf32, #tpu.memory_space<vmem>>[vector<16xi32>], vector<16xf32>,
      %get3A_1089 = arith.constant 1856 : index
      %get3A_1090 = tpu.vector_load %arg14[%get3A_1089] {strides = array<i32>} : memref<2048xi32, #tpu.memory_space<vmem>>, vector<16xi32>,
      %get3A_1091 = arith.constant 1856 : index
      %get3A_1092 = tpu.vector_load %arg15[%get3A_1091] {strides = array<i32>} : memref<2048xf32, #tpu.memory_space<vmem>>, vector<16xf32>,
      tpu.vector_store_idx %arg16[%get3A_1090], %get3A_1092 {add = true} : memref<10240xf32, #tpu.memory_space<vmem>>[vector<16xi32>], vector<16xf32>,
      %get3A_1093 = arith.constant 1872 : index
      %get3A_1094 = tpu.vector_load %arg14[%get3A_1093] {strides = array<i32>} : memref<2048xi32, #tpu.memory_space<vmem>>, vector<16xi32>,
      %get3A_1095 = arith.constant 1872 : index
      %get3A_1096 = tpu.vector_load %arg15[%get3A_1095] {strides = array<i32>} : memref<2048xf32, #tpu.memory_space<vmem>>, vector<16xf32>,
      tpu.vector_store_idx %arg16[%get3A_1094], %get3A_1096 {add = true} : memref<10240xf32, #tpu.memory_space<vmem>>[vector<16xi32>], vector<16xf32>,
      %get3A_1097 = arith.constant 1888 : index
      %get3A_1098 = tpu.vector_load %arg14[%get3A_1097] {strides = array<i32>} : memref<2048xi32, #tpu.memory_space<vmem>>, vector<16xi32>,
      %get3A_1099 = arith.constant 1888 : index
      %get3A_1100 = tpu.vector_load %arg15[%get3A_1099] {strides = array<i32>} : memref<2048xf32, #tpu.memory_space<vmem>>, vector<16xf32>,
      tpu.vector_store_idx %arg16[%get3A_1098], %get3A_1100 {add = true} : memref<10240xf32, #tpu.memory_space<vmem>>[vector<16xi32>], vector<16xf32>,
      %get3A_1101 = arith.constant 1904 : index
      %get3A_1102 = tpu.vector_load %arg14[%get3A_1101] {strides = array<i32>} : memref<2048xi32, #tpu.memory_space<vmem>>, vector<16xi32>,
      %get3A_1103 = arith.constant 1904 : index
      %get3A_1104 = tpu.vector_load %arg15[%get3A_1103] {strides = array<i32>} : memref<2048xf32, #tpu.memory_space<vmem>>, vector<16xf32>,
      tpu.vector_store_idx %arg16[%get3A_1102], %get3A_1104 {add = true} : memref<10240xf32, #tpu.memory_space<vmem>>[vector<16xi32>], vector<16xf32>,
      %get3A_1105 = arith.constant 1920 : index
      %get3A_1106 = tpu.vector_load %arg14[%get3A_1105] {strides = array<i32>} : memref<2048xi32, #tpu.memory_space<vmem>>, vector<16xi32>,
      %get3A_1107 = arith.constant 1920 : index
      %get3A_1108 = tpu.vector_load %arg15[%get3A_1107] {strides = array<i32>} : memref<2048xf32, #tpu.memory_space<vmem>>, vector<16xf32>,
      tpu.vector_store_idx %arg16[%get3A_1106], %get3A_1108 {add = true} : memref<10240xf32, #tpu.memory_space<vmem>>[vector<16xi32>], vector<16xf32>,
      %get3A_1109 = arith.constant 1936 : index
      %get3A_1110 = tpu.vector_load %arg14[%get3A_1109] {strides = array<i32>} : memref<2048xi32, #tpu.memory_space<vmem>>, vector<16xi32>,
      %get3A_1111 = arith.constant 1936 : index
      %get3A_1112 = tpu.vector_load %arg15[%get3A_1111] {strides = array<i32>} : memref<2048xf32, #tpu.memory_space<vmem>>, vector<16xf32>,
      tpu.vector_store_idx %arg16[%get3A_1110], %get3A_1112 {add = true} : memref<10240xf32, #tpu.memory_space<vmem>>[vector<16xi32>], vector<16xf32>,
      %get3A_1113 = arith.constant 1952 : index
      %get3A_1114 = tpu.vector_load %arg14[%get3A_1113] {strides = array<i32>} : memref<2048xi32, #tpu.memory_space<vmem>>, vector<16xi32>,
      %get3A_1115 = arith.constant 1952 : index
      %get3A_1116 = tpu.vector_load %arg15[%get3A_1115] {strides = array<i32>} : memref<2048xf32, #tpu.memory_space<vmem>>, vector<16xf32>,
      tpu.vector_store_idx %arg16[%get3A_1114], %get3A_1116 {add = true} : memref<10240xf32, #tpu.memory_space<vmem>>[vector<16xi32>], vector<16xf32>,
      %get3A_1117 = arith.constant 1968 : index
      %get3A_1118 = tpu.vector_load %arg14[%get3A_1117] {strides = array<i32>} : memref<2048xi32, #tpu.memory_space<vmem>>, vector<16xi32>,
      %get3A_1119 = arith.constant 1968 : index
      %get3A_1120 = tpu.vector_load %arg15[%get3A_1119] {strides = array<i32>} : memref<2048xf32, #tpu.memory_space<vmem>>, vector<16xf32>,
      tpu.vector_store_idx %arg16[%get3A_1118], %get3A_1120 {add = true} : memref<10240xf32, #tpu.memory_space<vmem>>[vector<16xi32>], vector<16xf32>,
      %get3A_1121 = arith.constant 1984 : index
      %get3A_1122 = tpu.vector_load %arg14[%get3A_1121] {strides = array<i32>} : memref<2048xi32, #tpu.memory_space<vmem>>, vector<16xi32>,
      %get3A_1123 = arith.constant 1984 : index
      %get3A_1124 = tpu.vector_load %arg15[%get3A_1123] {strides = array<i32>} : memref<2048xf32, #tpu.memory_space<vmem>>, vector<16xf32>,
      tpu.vector_store_idx %arg16[%get3A_1122], %get3A_1124 {add = true} : memref<10240xf32, #tpu.memory_space<vmem>>[vector<16xi32>], vector<16xf32>,
      %get3A_1125 = arith.constant 2000 : index
      %get3A_1126 = tpu.vector_load %arg14[%get3A_1125] {strides = array<i32>} : memref<2048xi32, #tpu.memory_space<vmem>>, vector<16xi32>,
      %get3A_1127 = arith.constant 2000 : index
      %get3A_1128 = tpu.vector_load %arg15[%get3A_1127] {strides = array<i32>} : memref<2048xf32, #tpu.memory_space<vmem>>, vector<16xf32>,
      tpu.vector_store_idx %arg16[%get3A_1126], %get3A_1128 {add = true} : memref<10240xf32, #tpu.memory_space<vmem>>[vector<16xi32>], vector<16xf32>,
      %get3A_1129 = arith.constant 2016 : index
      %get3A_1130 = tpu.vector_load %arg14[%get3A_1129] {strides = array<i32>} : memref<2048xi32, #tpu.memory_space<vmem>>, vector<16xi32>,
      %get3A_1131 = arith.constant 2016 : index
      %get3A_1132 = tpu.vector_load %arg15[%get3A_1131] {strides = array<i32>} : memref<2048xf32, #tpu.memory_space<vmem>>, vector<16xf32>,
      tpu.vector_store_idx %arg16[%get3A_1130], %get3A_1132 {add = true} : memref<10240xf32, #tpu.memory_space<vmem>>[vector<16xi32>], vector<16xf32>,
      %get3A_1133 = arith.constant 2032 : index
      %get3A_1134 = tpu.vector_load %arg14[%get3A_1133] {strides = array<i32>} : memref<2048xi32, #tpu.memory_space<vmem>>, vector<16xi32>,
      %get3A_1135 = arith.constant 2032 : index
      %get3A_1136 = tpu.vector_load %arg15[%get3A_1135] {strides = array<i32>} : memref<2048xf32, #tpu.memory_space<vmem>>, vector<16xf32>,
      tpu.vector_store_idx %arg16[%get3A_1134], %get3A_1136 {add = true} : memref<10240xf32, #tpu.memory_space<vmem>>[vector<16xi32>], vector<16xf32>,
      %dma_wait3A_1137 = arith.constant 0 : i32
      %dma_wait3A_1138 = arith.constant 0 : i32
      %dma_wait3A_1139 = tpu.memref_slice %arg2[%dma_wait3A_1137, %dma_wait3A_1138] : memref<10000x128xf32, #tpu.memory_space<hbm>> -> memref<10000x128xf32, #tpu.memory_space<hbm>>
      tpu.wait_indirect_dma semaphore(%arg18 : memref<!tpu.dma_semaphore, #tpu.memory_space<semaphore_mem>>) src(%dma_wait3A_1139 : memref<10000x128xf32, #tpu.memory_space<hbm>>) dst(%arg13 : memref<128x128xf32, #tpu.memory_space<vmem>>)
      %mul3A_1140 = arith.constant 128 : i32
      %mul3A_1141 = arith.muli %add3A_615, %mul3A_1140 : i32
      %add3A_1142 = arith.addi %add3A_24, %mul3A_1141 : i32
      "tpu.region"() ({
        %run_scoped3A = tpu.sem_alloc : memref<!tpu.dma_semaphore, #tpu.memory_space<semaphore_mem>>
        %dma_start3A_1143 = tpu.memref_slice %arg5[%add3A_1142] : memref<327680xi32, #tpu.memory_space<hbm>> -> memref<128xi32, #tpu.memory_space<hbm>>
        %dma_start3A_1144 = tpu.memref_slice %arg5[%add3A_1142] : memref<327680xi32, #tpu.memory_space<hbm>> -> memref<128xi32, #tpu.memory_space<hbm>>
        tpu.enqueue_dma source(%dma_start3A_1144 : memref<128xi32, #tpu.memory_space<hbm>>) target(%arg11 : memref<128xi32, #tpu.memory_space<vmem>>) target_semaphore(%run_scoped3A : memref<!tpu.dma_semaphore, #tpu.memory_space<semaphore_mem>>)
        %dma_wait3A_1145 = tpu.memref_slice %arg5[%add3A_1142] : memref<327680xi32, #tpu.memory_space<hbm>> -> memref<128xi32, #tpu.memory_space<hbm>>
        %dma_wait3A_1146 = tpu.memref_slice %arg5[%add3A_1142] : memref<327680xi32, #tpu.memory_space<hbm>> -> memref<128xi32, #tpu.memory_space<hbm>>
        tpu.wait_dma2 semaphore(%run_scoped3A : memref<!tpu.dma_semaphore, #tpu.memory_space<semaphore_mem>>) src(%dma_wait3A_1146 : memref<128xi32, #tpu.memory_space<hbm>>) dst(%arg11 : memref<128xi32, #tpu.memory_space<vmem>>)
        tpu.yield
      }) : () -> ()
      "tpu.region"() ({
        %run_scoped3A = tpu.sem_alloc : memref<!tpu.dma_semaphore, #tpu.memory_space<semaphore_mem>>
        %dma_start3A_1143 = arith.constant 0 : i32
        %dma_start3A_1144 = arith.constant 0 : i32
        %dma_start3A_1145 = tpu.memref_slice %arg19[%dma_start3A_1143, %dma_start3A_1144] : memref<10240x128xf32, #tpu.memory_space<vmem_shared>> -> memref<10240x128xf32, #tpu.memory_space<vmem_shared>>
        tpu.enqueue_indirect_dma source(%arg13 : memref<128x128xf32, #tpu.memory_space<vmem>>) target(%dma_start3A_1145 : memref<10240x128xf32, #tpu.memory_space<vmem_shared>>) offsets(%arg11 : memref<128xi32, #tpu.memory_space<vmem>>) semaphore(%run_scoped3A : memref<!tpu.dma_semaphore, #tpu.memory_space<semaphore_mem>>) {add = true}
        %dma_wait3A_1146 = arith.constant 0 : i32
        %dma_wait3A_1147 = arith.constant 0 : i32
        %dma_wait3A_1148 = tpu.memref_slice %arg19[%dma_wait3A_1146, %dma_wait3A_1147] : memref<10240x128xf32, #tpu.memory_space<vmem_shared>> -> memref<10240x128xf32, #tpu.memory_space<vmem_shared>>
        tpu.wait_indirect_dma semaphore(%run_scoped3A : memref<!tpu.dma_semaphore, #tpu.memory_space<semaphore_mem>>) src(%arg13 : memref<128x128xf32, #tpu.memory_space<vmem>>) dst(%dma_wait3A_1148 : memref<10240x128xf32, #tpu.memory_space<vmem_shared>>)
        tpu.yield
      }) : () -> ()
    }
    %barrier3A_56 = arith.constant 0 : index
    tpu.barrier barrier_id(%barrier3A_56)
    %mul3A_57 = arith.constant 10240 : i32
    %mul3A_58 = arith.muli %arg0, %mul3A_57 : i32
    %add3A_59 = arith.addi %mul3A_58, %mul3A_0 : i32
    %add3A_60 = arith.constant 0 : i32
    %add3A_61 = arith.addi %mul3A_0, %add3A_60 : i32
    "tpu.region"() ({
      %run_scoped3A = tpu.sem_alloc : memref<!tpu.dma_semaphore, #tpu.memory_space<semaphore_mem>>
      %dma_start3A_85 = arith.constant 0 : i32
      %dma_start3A_86 = tpu.memref_slice %arg19[%add3A_61, %dma_start3A_85] : memref<10240x128xf32, #tpu.memory_space<vmem_shared>> -> memref<128x128xf32, #tpu.memory_space<vmem_shared>>
      %dma_start3A_87 = arith.constant 0 : i32
      %dma_start3A_88 = tpu.memref_slice %arg19[%add3A_61, %dma_start3A_87] : memref<10240x128xf32, #tpu.memory_space<vmem_shared>> -> memref<128x128xf32, #tpu.memory_space<vmem_shared>>
      tpu.enqueue_dma source(%dma_start3A_88 : memref<128x128xf32, #tpu.memory_space<vmem_shared>>) target(%arg12 : memref<128x128xf32, #tpu.memory_space<vmem>>) target_semaphore(%run_scoped3A : memref<!tpu.dma_semaphore, #tpu.memory_space<semaphore_mem>>)
      %dma_wait3A = arith.constant 0 : i32
      %dma_wait3A_89 = tpu.memref_slice %arg19[%add3A_61, %dma_wait3A] : memref<10240x128xf32, #tpu.memory_space<vmem_shared>> -> memref<128x128xf32, #tpu.memory_space<vmem_shared>>
      %dma_wait3A_90 = arith.constant 0 : i32
      %dma_wait3A_91 = tpu.memref_slice %arg19[%add3A_61, %dma_wait3A_90] : memref<10240x128xf32, #tpu.memory_space<vmem_shared>> -> memref<128x128xf32, #tpu.memory_space<vmem_shared>>
      tpu.wait_dma2 semaphore(%run_scoped3A : memref<!tpu.dma_semaphore, #tpu.memory_space<semaphore_mem>>) src(%dma_wait3A_91 : memref<128x128xf32, #tpu.memory_space<vmem_shared>>) dst(%arg12 : memref<128x128xf32, #tpu.memory_space<vmem>>)
      tpu.yield
    }) : () -> ()
    %add3A_62 = arith.constant 0 : i32
    %add3A_63 = arith.addi %add3A_59, %add3A_62 : i32
    "tpu.region"() ({
      %run_scoped3A = tpu.sem_alloc : memref<!tpu.dma_semaphore, #tpu.memory_space<semaphore_mem>>
      %dma_start3A_85 = arith.constant 0 : i32
      %dma_start3A_86 = tpu.memref_slice %arg7[%add3A_63, %dma_start3A_85] : memref<20480x128xf32, #tpu.memory_space<hbm>> -> memref<128x128xf32, #tpu.memory_space<hbm>>
      %dma_start3A_87 = arith.constant 0 : i32
      %dma_start3A_88 = tpu.memref_slice %arg7[%add3A_63, %dma_start3A_87] : memref<20480x128xf32, #tpu.memory_space<hbm>> -> memref<128x128xf32, #tpu.memory_space<hbm>>
      tpu.enqueue_dma source(%arg12 : memref<128x128xf32, #tpu.memory_space<vmem>>) target(%dma_start3A_88 : memref<128x128xf32, #tpu.memory_space<hbm>>) target_semaphore(%run_scoped3A : memref<!tpu.dma_semaphore, #tpu.memory_space<semaphore_mem>>)
      %dma_wait3A = arith.constant 0 : i32
      %dma_wait3A_89 = tpu.memref_slice %arg7[%add3A_63, %dma_wait3A] : memref<20480x128xf32, #tpu.memory_space<hbm>> -> memref<128x128xf32, #tpu.memory_space<hbm>>
      %dma_wait3A_90 = arith.constant 0 : i32
      %dma_wait3A_91 = tpu.memref_slice %arg7[%add3A_63, %dma_wait3A_90] : memref<20480x128xf32, #tpu.memory_space<hbm>> -> memref<128x128xf32, #tpu.memory_space<hbm>>
      tpu.wait_dma2 semaphore(%run_scoped3A : memref<!tpu.dma_semaphore, #tpu.memory_space<semaphore_mem>>) src(%arg12 : memref<128x128xf32, #tpu.memory_space<vmem>>) dst(%dma_wait3A_91 : memref<128x128xf32, #tpu.memory_space<hbm>>)
      tpu.yield
    }) : () -> ()
    %add3A_64 = arith.constant 128 : i32
    %add3A_65 = arith.addi %mul3A_0, %add3A_64 : i32
    "tpu.region"() ({
      %run_scoped3A = tpu.sem_alloc : memref<!tpu.dma_semaphore, #tpu.memory_space<semaphore_mem>>
      %dma_start3A_85 = arith.constant 0 : i32
      %dma_start3A_86 = tpu.memref_slice %arg19[%add3A_65, %dma_start3A_85] : memref<10240x128xf32, #tpu.memory_space<vmem_shared>> -> memref<128x128xf32, #tpu.memory_space<vmem_shared>>
      %dma_start3A_87 = arith.constant 0 : i32
      %dma_start3A_88 = tpu.memref_slice %arg19[%add3A_65, %dma_start3A_87] : memref<10240x128xf32, #tpu.memory_space<vmem_shared>> -> memref<128x128xf32, #tpu.memory_space<vmem_shared>>
      tpu.enqueue_dma source(%dma_start3A_88 : memref<128x128xf32, #tpu.memory_space<vmem_shared>>) target(%arg12 : memref<128x128xf32, #tpu.memory_space<vmem>>) target_semaphore(%run_scoped3A : memref<!tpu.dma_semaphore, #tpu.memory_space<semaphore_mem>>)
      %dma_wait3A = arith.constant 0 : i32
      %dma_wait3A_89 = tpu.memref_slice %arg19[%add3A_65, %dma_wait3A] : memref<10240x128xf32, #tpu.memory_space<vmem_shared>> -> memref<128x128xf32, #tpu.memory_space<vmem_shared>>
      %dma_wait3A_90 = arith.constant 0 : i32
      %dma_wait3A_91 = tpu.memref_slice %arg19[%add3A_65, %dma_wait3A_90] : memref<10240x128xf32, #tpu.memory_space<vmem_shared>> -> memref<128x128xf32, #tpu.memory_space<vmem_shared>>
      tpu.wait_dma2 semaphore(%run_scoped3A : memref<!tpu.dma_semaphore, #tpu.memory_space<semaphore_mem>>) src(%dma_wait3A_91 : memref<128x128xf32, #tpu.memory_space<vmem_shared>>) dst(%arg12 : memref<128x128xf32, #tpu.memory_space<vmem>>)
      tpu.yield
    }) : () -> ()
    %add3A_66 = arith.constant 128 : i32
    %add3A_67 = arith.addi %add3A_59, %add3A_66 : i32
    "tpu.region"() ({
      %run_scoped3A = tpu.sem_alloc : memref<!tpu.dma_semaphore, #tpu.memory_space<semaphore_mem>>
      %dma_start3A_85 = arith.constant 0 : i32
      %dma_start3A_86 = tpu.memref_slice %arg7[%add3A_67, %dma_start3A_85] : memref<20480x128xf32, #tpu.memory_space<hbm>> -> memref<128x128xf32, #tpu.memory_space<hbm>>
      %dma_start3A_87 = arith.constant 0 : i32
      %dma_start3A_88 = tpu.memref_slice %arg7[%add3A_67, %dma_start3A_87] : memref<20480x128xf32, #tpu.memory_space<hbm>> -> memref<128x128xf32, #tpu.memory_space<hbm>>
      tpu.enqueue_dma source(%arg12 : memref<128x128xf32, #tpu.memory_space<vmem>>) target(%dma_start3A_88 : memref<128x128xf32, #tpu.memory_space<hbm>>) target_semaphore(%run_scoped3A : memref<!tpu.dma_semaphore, #tpu.memory_space<semaphore_mem>>)
      %dma_wait3A = arith.constant 0 : i32
      %dma_wait3A_89 = tpu.memref_slice %arg7[%add3A_67, %dma_wait3A] : memref<20480x128xf32, #tpu.memory_space<hbm>> -> memref<128x128xf32, #tpu.memory_space<hbm>>
      %dma_wait3A_90 = arith.constant 0 : i32
      %dma_wait3A_91 = tpu.memref_slice %arg7[%add3A_67, %dma_wait3A_90] : memref<20480x128xf32, #tpu.memory_space<hbm>> -> memref<128x128xf32, #tpu.memory_space<hbm>>
      tpu.wait_dma2 semaphore(%run_scoped3A : memref<!tpu.dma_semaphore, #tpu.memory_space<semaphore_mem>>) src(%arg12 : memref<128x128xf32, #tpu.memory_space<vmem>>) dst(%dma_wait3A_91 : memref<128x128xf32, #tpu.memory_space<hbm>>)
      tpu.yield
    }) : () -> ()
    %add3A_68 = arith.constant 256 : i32
    %add3A_69 = arith.addi %mul3A_0, %add3A_68 : i32
    "tpu.region"() ({
      %run_scoped3A = tpu.sem_alloc : memref<!tpu.dma_semaphore, #tpu.memory_space<semaphore_mem>>
      %dma_start3A_85 = arith.constant 0 : i32
      %dma_start3A_86 = tpu.memref_slice %arg19[%add3A_69, %dma_start3A_85] : memref<10240x128xf32, #tpu.memory_space<vmem_shared>> -> memref<128x128xf32, #tpu.memory_space<vmem_shared>>
      %dma_start3A_87 = arith.constant 0 : i32
      %dma_start3A_88 = tpu.memref_slice %arg19[%add3A_69, %dma_start3A_87] : memref<10240x128xf32, #tpu.memory_space<vmem_shared>> -> memref<128x128xf32, #tpu.memory_space<vmem_shared>>
      tpu.enqueue_dma source(%dma_start3A_88 : memref<128x128xf32, #tpu.memory_space<vmem_shared>>) target(%arg12 : memref<128x128xf32, #tpu.memory_space<vmem>>) target_semaphore(%run_scoped3A : memref<!tpu.dma_semaphore, #tpu.memory_space<semaphore_mem>>)
      %dma_wait3A = arith.constant 0 : i32
      %dma_wait3A_89 = tpu.memref_slice %arg19[%add3A_69, %dma_wait3A] : memref<10240x128xf32, #tpu.memory_space<vmem_shared>> -> memref<128x128xf32, #tpu.memory_space<vmem_shared>>
      %dma_wait3A_90 = arith.constant 0 : i32
      %dma_wait3A_91 = tpu.memref_slice %arg19[%add3A_69, %dma_wait3A_90] : memref<10240x128xf32, #tpu.memory_space<vmem_shared>> -> memref<128x128xf32, #tpu.memory_space<vmem_shared>>
      tpu.wait_dma2 semaphore(%run_scoped3A : memref<!tpu.dma_semaphore, #tpu.memory_space<semaphore_mem>>) src(%dma_wait3A_91 : memref<128x128xf32, #tpu.memory_space<vmem_shared>>) dst(%arg12 : memref<128x128xf32, #tpu.memory_space<vmem>>)
      tpu.yield
    }) : () -> ()
    %add3A_70 = arith.constant 256 : i32
    %add3A_71 = arith.addi %add3A_59, %add3A_70 : i32
    "tpu.region"() ({
      %run_scoped3A = tpu.sem_alloc : memref<!tpu.dma_semaphore, #tpu.memory_space<semaphore_mem>>
      %dma_start3A_85 = arith.constant 0 : i32
      %dma_start3A_86 = tpu.memref_slice %arg7[%add3A_71, %dma_start3A_85] : memref<20480x128xf32, #tpu.memory_space<hbm>> -> memref<128x128xf32, #tpu.memory_space<hbm>>
      %dma_start3A_87 = arith.constant 0 : i32
      %dma_start3A_88 = tpu.memref_slice %arg7[%add3A_71, %dma_start3A_87] : memref<20480x128xf32, #tpu.memory_space<hbm>> -> memref<128x128xf32, #tpu.memory_space<hbm>>
      tpu.enqueue_dma source(%arg12 : memref<128x128xf32, #tpu.memory_space<vmem>>) target(%dma_start3A_88 : memref<128x128xf32, #tpu.memory_space<hbm>>) target_semaphore(%run_scoped3A : memref<!tpu.dma_semaphore, #tpu.memory_space<semaphore_mem>>)
      %dma_wait3A = arith.constant 0 : i32
      %dma_wait3A_89 = tpu.memref_slice %arg7[%add3A_71, %dma_wait3A] : memref<20480x128xf32, #tpu.memory_space<hbm>> -> memref<128x128xf32, #tpu.memory_space<hbm>>
      %dma_wait3A_90 = arith.constant 0 : i32
      %dma_wait3A_91 = tpu.memref_slice %arg7[%add3A_71, %dma_wait3A_90] : memref<20480x128xf32, #tpu.memory_space<hbm>> -> memref<128x128xf32, #tpu.memory_space<hbm>>
      tpu.wait_dma2 semaphore(%run_scoped3A : memref<!tpu.dma_semaphore, #tpu.memory_space<semaphore_mem>>) src(%arg12 : memref<128x128xf32, #tpu.memory_space<vmem>>) dst(%dma_wait3A_91 : memref<128x128xf32, #tpu.memory_space<hbm>>)
      tpu.yield
    }) : () -> ()
    %add3A_72 = arith.constant 384 : i32
    %add3A_73 = arith.addi %mul3A_0, %add3A_72 : i32
    "tpu.region"() ({
      %run_scoped3A = tpu.sem_alloc : memref<!tpu.dma_semaphore, #tpu.memory_space<semaphore_mem>>
      %dma_start3A_85 = arith.constant 0 : i32
      %dma_start3A_86 = tpu.memref_slice %arg19[%add3A_73, %dma_start3A_85] : memref<10240x128xf32, #tpu.memory_space<vmem_shared>> -> memref<128x128xf32, #tpu.memory_space<vmem_shared>>
      %dma_start3A_87 = arith.constant 0 : i32
      %dma_start3A_88 = tpu.memref_slice %arg19[%add3A_73, %dma_start3A_87] : memref<10240x128xf32, #tpu.memory_space<vmem_shared>> -> memref<128x128xf32, #tpu.memory_space<vmem_shared>>
      tpu.enqueue_dma source(%dma_start3A_88 : memref<128x128xf32, #tpu.memory_space<vmem_shared>>) target(%arg12 : memref<128x128xf32, #tpu.memory_space<vmem>>) target_semaphore(%run_scoped3A : memref<!tpu.dma_semaphore, #tpu.memory_space<semaphore_mem>>)
      %dma_wait3A = arith.constant 0 : i32
      %dma_wait3A_89 = tpu.memref_slice %arg19[%add3A_73, %dma_wait3A] : memref<10240x128xf32, #tpu.memory_space<vmem_shared>> -> memref<128x128xf32, #tpu.memory_space<vmem_shared>>
      %dma_wait3A_90 = arith.constant 0 : i32
      %dma_wait3A_91 = tpu.memref_slice %arg19[%add3A_73, %dma_wait3A_90] : memref<10240x128xf32, #tpu.memory_space<vmem_shared>> -> memref<128x128xf32, #tpu.memory_space<vmem_shared>>
      tpu.wait_dma2 semaphore(%run_scoped3A : memref<!tpu.dma_semaphore, #tpu.memory_space<semaphore_mem>>) src(%dma_wait3A_91 : memref<128x128xf32, #tpu.memory_space<vmem_shared>>) dst(%arg12 : memref<128x128xf32, #tpu.memory_space<vmem>>)
      tpu.yield
    }) : () -> ()
    %add3A_74 = arith.constant 384 : i32
    %add3A_75 = arith.addi %add3A_59, %add3A_74 : i32
    "tpu.region"() ({
      %run_scoped3A = tpu.sem_alloc : memref<!tpu.dma_semaphore, #tpu.memory_space<semaphore_mem>>
      %dma_start3A_85 = arith.constant 0 : i32
      %dma_start3A_86 = tpu.memref_slice %arg7[%add3A_75, %dma_start3A_85] : memref<20480x128xf32, #tpu.memory_space<hbm>> -> memref<128x128xf32, #tpu.memory_space<hbm>>
      %dma_start3A_87 = arith.constant 0 : i32
      %dma_start3A_88 = tpu.memref_slice %arg7[%add3A_75, %dma_start3A_87] : memref<20480x128xf32, #tpu.memory_space<hbm>> -> memref<128x128xf32, #tpu.memory_space<hbm>>
      tpu.enqueue_dma source(%arg12 : memref<128x128xf32, #tpu.memory_space<vmem>>) target(%dma_start3A_88 : memref<128x128xf32, #tpu.memory_space<hbm>>) target_semaphore(%run_scoped3A : memref<!tpu.dma_semaphore, #tpu.memory_space<semaphore_mem>>)
      %dma_wait3A = arith.constant 0 : i32
      %dma_wait3A_89 = tpu.memref_slice %arg7[%add3A_75, %dma_wait3A] : memref<20480x128xf32, #tpu.memory_space<hbm>> -> memref<128x128xf32, #tpu.memory_space<hbm>>
      %dma_wait3A_90 = arith.constant 0 : i32
      %dma_wait3A_91 = tpu.memref_slice %arg7[%add3A_75, %dma_wait3A_90] : memref<20480x128xf32, #tpu.memory_space<hbm>> -> memref<128x128xf32, #tpu.memory_space<hbm>>
      tpu.wait_dma2 semaphore(%run_scoped3A : memref<!tpu.dma_semaphore, #tpu.memory_space<semaphore_mem>>) src(%arg12 : memref<128x128xf32, #tpu.memory_space<vmem>>) dst(%dma_wait3A_91 : memref<128x128xf32, #tpu.memory_space<hbm>>)
      tpu.yield
    }) : () -> ()
    %add3A_76 = arith.constant 512 : i32
    %add3A_77 = arith.addi %mul3A_0, %add3A_76 : i32
    "tpu.region"() ({
      %run_scoped3A = tpu.sem_alloc : memref<!tpu.dma_semaphore, #tpu.memory_space<semaphore_mem>>
      %dma_start3A_85 = arith.constant 0 : i32
      %dma_start3A_86 = tpu.memref_slice %arg19[%add3A_77, %dma_start3A_85] : memref<10240x128xf32, #tpu.memory_space<vmem_shared>> -> memref<128x128xf32, #tpu.memory_space<vmem_shared>>
      %dma_start3A_87 = arith.constant 0 : i32
      %dma_start3A_88 = tpu.memref_slice %arg19[%add3A_77, %dma_start3A_87] : memref<10240x128xf32, #tpu.memory_space<vmem_shared>> -> memref<128x128xf32, #tpu.memory_space<vmem_shared>>
      tpu.enqueue_dma source(%dma_start3A_88 : memref<128x128xf32, #tpu.memory_space<vmem_shared>>) target(%arg12 : memref<128x128xf32, #tpu.memory_space<vmem>>) target_semaphore(%run_scoped3A : memref<!tpu.dma_semaphore, #tpu.memory_space<semaphore_mem>>)
      %dma_wait3A = arith.constant 0 : i32
      %dma_wait3A_89 = tpu.memref_slice %arg19[%add3A_77, %dma_wait3A] : memref<10240x128xf32, #tpu.memory_space<vmem_shared>> -> memref<128x128xf32, #tpu.memory_space<vmem_shared>>
      %dma_wait3A_90 = arith.constant 0 : i32
      %dma_wait3A_91 = tpu.memref_slice %arg19[%add3A_77, %dma_wait3A_90] : memref<10240x128xf32, #tpu.memory_space<vmem_shared>> -> memref<128x128xf32, #tpu.memory_space<vmem_shared>>
      tpu.wait_dma2 semaphore(%run_scoped3A : memref<!tpu.dma_semaphore, #tpu.memory_space<semaphore_mem>>) src(%dma_wait3A_91 : memref<128x128xf32, #tpu.memory_space<vmem_shared>>) dst(%arg12 : memref<128x128xf32, #tpu.memory_space<vmem>>)
      tpu.yield
    }) : () -> ()
    %add3A_78 = arith.constant 512 : i32
    %add3A_79 = arith.addi %add3A_59, %add3A_78 : i32
    "tpu.region"() ({
      %run_scoped3A = tpu.sem_alloc : memref<!tpu.dma_semaphore, #tpu.memory_space<semaphore_mem>>
      %dma_start3A_85 = arith.constant 0 : i32
      %dma_start3A_86 = tpu.memref_slice %arg7[%add3A_79, %dma_start3A_85] : memref<20480x128xf32, #tpu.memory_space<hbm>> -> memref<128x128xf32, #tpu.memory_space<hbm>>
      %dma_start3A_87 = arith.constant 0 : i32
      %dma_start3A_88 = tpu.memref_slice %arg7[%add3A_79, %dma_start3A_87] : memref<20480x128xf32, #tpu.memory_space<hbm>> -> memref<128x128xf32, #tpu.memory_space<hbm>>
      tpu.enqueue_dma source(%arg12 : memref<128x128xf32, #tpu.memory_space<vmem>>) target(%dma_start3A_88 : memref<128x128xf32, #tpu.memory_space<hbm>>) target_semaphore(%run_scoped3A : memref<!tpu.dma_semaphore, #tpu.memory_space<semaphore_mem>>)
      %dma_wait3A = arith.constant 0 : i32
      %dma_wait3A_89 = tpu.memref_slice %arg7[%add3A_79, %dma_wait3A] : memref<20480x128xf32, #tpu.memory_space<hbm>> -> memref<128x128xf32, #tpu.memory_space<hbm>>
      %dma_wait3A_90 = arith.constant 0 : i32
      %dma_wait3A_91 = tpu.memref_slice %arg7[%add3A_79, %dma_wait3A_90] : memref<20480x128xf32, #tpu.memory_space<hbm>> -> memref<128x128xf32, #tpu.memory_space<hbm>>
      tpu.wait_dma2 semaphore(%run_scoped3A : memref<!tpu.dma_semaphore, #tpu.memory_space<semaphore_mem>>) src(%arg12 : memref<128x128xf32, #tpu.memory_space<vmem>>) dst(%dma_wait3A_91 : memref<128x128xf32, #tpu.memory_space<hbm>>)
      tpu.yield
    }) : () -> ()
    %mul3A_80 = arith.constant 16 : i32
    %mul3A_81 = arith.muli %arg0, %mul3A_80 : i32
    %add3A_82 = arith.addi %mul3A_81, %arg1 : i32
    %mul3A_83 = arith.constant 10240 : i32
    %mul3A_84 = arith.muli %add3A_82, %mul3A_83 : i32
    "tpu.region"() ({
      %run_scoped3A = tpu.sem_alloc : memref<!tpu.dma_semaphore, #tpu.memory_space<semaphore_mem>>
      %dma_start3A_85 = tpu.memref_slice %arg8[%mul3A_84] : memref<327680xf32, #tpu.memory_space<hbm>> -> memref<10240xf32, #tpu.memory_space<hbm>>
      %dma_start3A_86 = tpu.memref_slice %arg8[%mul3A_84] : memref<327680xf32, #tpu.memory_space<hbm>> -> memref<10240xf32, #tpu.memory_space<hbm>>
      tpu.enqueue_dma source(%arg16 : memref<10240xf32, #tpu.memory_space<vmem>>) target(%dma_start3A_86 : memref<10240xf32, #tpu.memory_space<hbm>>) target_semaphore(%run_scoped3A : memref<!tpu.dma_semaphore, #tpu.memory_space<semaphore_mem>>)
      %dma_wait3A = tpu.memref_slice %arg8[%mul3A_84] : memref<327680xf32, #tpu.memory_space<hbm>> -> memref<10240xf32, #tpu.memory_space<hbm>>
      %dma_wait3A_87 = tpu.memref_slice %arg8[%mul3A_84] : memref<327680xf32, #tpu.memory_space<hbm>> -> memref<10240xf32, #tpu.memory_space<hbm>>
      tpu.wait_dma2 semaphore(%run_scoped3A : memref<!tpu.dma_semaphore, #tpu.memory_space<semaphore_mem>>) src(%arg16 : memref<10240xf32, #tpu.memory_space<vmem>>) dst(%dma_wait3A_87 : memref<10240xf32, #tpu.memory_space<hbm>>)
      tpu.yield
    }) : () -> ()
    return
  }
}

module attributes {stable_mosaic.version = 14 : i64} {
  func.func @_lin_body(%arg0: i32, %arg1: memref<2000x128xf32, #tpu.memory_space<vmem>>, %arg2: memref<128x128xf32, #tpu.memory_space<vmem>>, %arg3: memref<128xf32, #tpu.memory_space<vmem>>, %arg4: memref<2000x128xf32, #tpu.memory_space<vmem>>) attributes {dimension_semantics = [#tpu.dimension_semantics<arbitrary>], iteration_bounds = array<i64: 5>, scalar_prefetch = 0 : i64, scratch_operands = 0 : i64, tpu.core_type = #tpu.core_type<tc>, window_params = [{transform_indices = @transform_0, window_bounds = array<i64: 2000, 128>}, {pipeline_mode = #tpu.pipeline_mode<synchronous>, transform_indices = @transform_1, window_bounds = array<i64: 128, 128>}, {pipeline_mode = #tpu.pipeline_mode<synchronous>, transform_indices = @transform_2, window_bounds = array<i64: 128>}, {transform_indices = @transform_3, window_bounds = array<i64: 2000, 128>}]} {
    %get3A = arith.constant 0 : index
    %get3A_0 = arith.constant 0 : index
    %get3A_1 = vector.load %arg1[%get3A, %get3A_0] : memref<2000x128xf32, #tpu.memory_space<vmem>>, vector<2000x128xf32>
    %get3A_2 = arith.constant 0 : index
    %get3A_3 = arith.constant 0 : index
    %get3A_4 = vector.load %arg2[%get3A_2, %get3A_3] : memref<128x128xf32, #tpu.memory_space<vmem>>, vector<128x128xf32>
    %dot_general3A = arith.constant dense<0.000000e+00> : vector<2000x128xf32>
    %dot_general3A_5 = tpu.matmul %get3A_1, %get3A_4, %dot_general3A {dimension_numbers = #tpu.dot_dimension_numbers<[1], [0], [0], [1], [0, 0, 1, 1], [], []>, transpose_lhs_hint = false} : vector<2000x128xf32>, vector<128x128xf32>, vector<2000x128xf32> -> vector<2000x128xf32>
    %get3A_6 = arith.constant 0 : index
    %get3A_7 = vector.load %arg3[%get3A_6] : memref<128xf32, #tpu.memory_space<vmem>>, vector<128xf32>
    %broadcast_in_dim3A = vector.shape_cast %get3A_7 : vector<128xf32> to vector<1x128xf32>
    %add3A = vector.broadcast %broadcast_in_dim3A : vector<1x128xf32> to vector<2000x128xf32>
    %add3A_8 = arith.addf %dot_general3A_5, %add3A : vector<2000x128xf32>
    %swap3A = arith.constant 0 : index
    %swap3A_9 = arith.constant 0 : index
    %swap3A_10 = vector.load %arg4[%swap3A, %swap3A_9] : memref<2000x128xf32, #tpu.memory_space<vmem>>, vector<2000x128xf32>
    tpu.vector_store %arg4[%swap3A, %swap3A_9], %add3A_8 {strides = array<i32>} : memref<2000x128xf32, #tpu.memory_space<vmem>>, vector<2000x128xf32>,
    return
  }
  func.func @transform_0(%arg0: i32) -> (i32, i32) {
    %c0_i32 = arith.constant 0 : i32
    %c0_i32_0 = arith.constant 0 : i32
    return %arg0, %c0_i32 : i32, i32
  }
  func.func @transform_1(%arg0: i32) -> (i32, i32) {
    %c0_i32 = arith.constant 0 : i32
    %c0_i32_0 = arith.constant 0 : i32
    %c0_i32_1 = arith.constant 0 : i32
    return %c0_i32, %c0_i32_0 : i32, i32
  }
  func.func @transform_2(%arg0: i32) -> i32 {
    %c0_i32 = arith.constant 0 : i32
    %c0_i32_0 = arith.constant 0 : i32
    return %c0_i32 : i32
  }
  func.func @transform_3(%arg0: i32) -> (i32, i32) {
    %c0_i32 = arith.constant 0 : i32
    %c0_i32_0 = arith.constant 0 : i32
    return %arg0, %c0_i32 : i32, i32
  }
}

module attributes {stable_mosaic.version = 14 : i64} {
  func.func @_comb_body(%arg0: i32, %arg1: memref<2x2000x128xf32, #tpu.memory_space<vmem>>, %arg2: memref<2x2000x16xf32, #tpu.memory_space<vmem>>, %arg3: memref<2000x128xf32, #tpu.memory_space<vmem>>, %arg4: memref<16x128xf32, #tpu.memory_space<vmem>>, %arg5: memref<2000x128xf32, #tpu.memory_space<vmem>>) attributes {dimension_semantics = [#tpu.dimension_semantics<arbitrary>], iteration_bounds = array<i64: 5>, scalar_prefetch = 0 : i64, scratch_operands = 0 : i64, tpu.core_type = #tpu.core_type<tc>, window_params = [{transform_indices = @transform_0, window_bounds = array<i64: 2, 2000, 128>}, {transform_indices = @transform_1, window_bounds = array<i64: 2, 2000, 16>}, {transform_indices = @transform_2, window_bounds = array<i64: 2000, 128>}, {pipeline_mode = #tpu.pipeline_mode<synchronous>, transform_indices = @transform_3, window_bounds = array<i64: 16, 128>}, {transform_indices = @transform_4, window_bounds = array<i64: 2000, 128>}]} {
    %get3A = arith.constant 0 : index
    %get3A_0 = arith.constant 0 : index
    %get3A_1 = arith.constant 0 : index
    %get3A_2 = vector.load %arg2[%get3A, %get3A_0, %get3A_1] : memref<2x2000x16xf32, #tpu.memory_space<vmem>>, vector<1x2000x16xf32>
    %get3A_3 = vector.shape_cast %get3A_2 : vector<1x2000x16xf32> to vector<2000x16xf32>
    %get3A_4 = arith.constant 1 : index
    %get3A_5 = arith.constant 0 : index
    %get3A_6 = arith.constant 0 : index
    %get3A_7 = vector.load %arg2[%get3A_4, %get3A_5, %get3A_6] : memref<2x2000x16xf32, #tpu.memory_space<vmem>>, vector<1x2000x16xf32>
    %get3A_8 = vector.shape_cast %get3A_7 : vector<1x2000x16xf32> to vector<2000x16xf32>
    %add3A = arith.addf %get3A_3, %get3A_8 : vector<2000x16xf32>
    %get3A_9 = arith.constant 0 : index
    %get3A_10 = arith.constant 0 : index
    %get3A_11 = arith.constant 0 : index
    %get3A_12 = vector.load %arg1[%get3A_9, %get3A_10, %get3A_11] : memref<2x2000x128xf32, #tpu.memory_space<vmem>>, vector<1x2000x128xf32>
    %get3A_13 = vector.shape_cast %get3A_12 : vector<1x2000x128xf32> to vector<2000x128xf32>
    %get3A_14 = arith.constant 1 : index
    %get3A_15 = arith.constant 0 : index
    %get3A_16 = arith.constant 0 : index
    %get3A_17 = vector.load %arg1[%get3A_14, %get3A_15, %get3A_16] : memref<2x2000x128xf32, #tpu.memory_space<vmem>>, vector<1x2000x128xf32>
    %get3A_18 = vector.shape_cast %get3A_17 : vector<1x2000x128xf32> to vector<2000x128xf32>
    %add3A_19 = arith.addf %get3A_13, %get3A_18 : vector<2000x128xf32>
    %get3A_20 = arith.constant 0 : index
    %get3A_21 = arith.constant 0 : index
    %get3A_22 = vector.load %arg3[%get3A_20, %get3A_21] : memref<2000x128xf32, #tpu.memory_space<vmem>>, vector<2000x128xf32>
    %add3A_23 = arith.addf %add3A_19, %get3A_22 : vector<2000x128xf32>
    %get3A_24 = arith.constant 0 : index
    %get3A_25 = arith.constant 0 : index
    %get3A_26 = vector.load %arg4[%get3A_24, %get3A_25] : memref<16x128xf32, #tpu.memory_space<vmem>>, vector<16x128xf32>
    %dot_general3A = arith.constant dense<0.000000e+00> : vector<2000x128xf32>
    %dot_general3A_27 = tpu.matmul %add3A, %get3A_26, %dot_general3A {dimension_numbers = #tpu.dot_dimension_numbers<[1], [0], [0], [1], [0, 0, 1, 1], [], []>, transpose_lhs_hint = false} : vector<2000x16xf32>, vector<16x128xf32>, vector<2000x128xf32> -> vector<2000x128xf32>
    %add3A_28 = arith.addf %add3A_23, %dot_general3A_27 : vector<2000x128xf32>
    %get3A_29 = arith.constant 0 : index
    %get3A_30 = arith.constant 0 : index
    %get3A_31 = vector.load %arg4[%get3A_29, %get3A_30] : memref<16x128xf32, #tpu.memory_space<vmem>>, vector<16x128xf32>
    %reduce_sum3A = arith.constant dense<0.000000e+00> : vector<128xf32>
    %reduce_sum3A_32 = vector.multi_reduction <add>, %get3A_31, %reduce_sum3A [0] : vector<16x128xf32> to vector<128xf32>
    %broadcast_in_dim3A = vector.shape_cast %reduce_sum3A_32 : vector<128xf32> to vector<1x128xf32>
    %add3A_33 = vector.broadcast %broadcast_in_dim3A : vector<1x128xf32> to vector<2000x128xf32>
    %add3A_34 = arith.addf %add3A_28, %add3A_33 : vector<2000x128xf32>
    %swap3A = arith.constant 0 : index
    %swap3A_35 = arith.constant 0 : index
    %swap3A_36 = vector.load %arg5[%swap3A, %swap3A_35] : memref<2000x128xf32, #tpu.memory_space<vmem>>, vector<2000x128xf32>
    tpu.vector_store %arg5[%swap3A, %swap3A_35], %add3A_34 {strides = array<i32>} : memref<2000x128xf32, #tpu.memory_space<vmem>>, vector<2000x128xf32>,
    return
  }
  func.func @transform_0(%arg0: i32) -> (i32, i32, i32) {
    %c0_i32 = arith.constant 0 : i32
    %c0_i32_0 = arith.constant 0 : i32
    %c0_i32_1 = arith.constant 0 : i32
    return %c0_i32, %arg0, %c0_i32_0 : i32, i32, i32
  }
  func.func @transform_1(%arg0: i32) -> (i32, i32, i32) {
    %c0_i32 = arith.constant 0 : i32
    %c0_i32_0 = arith.constant 0 : i32
    %c0_i32_1 = arith.constant 0 : i32
    return %c0_i32, %arg0, %c0_i32_0 : i32, i32, i32
  }
  func.func @transform_2(%arg0: i32) -> (i32, i32) {
    %c0_i32 = arith.constant 0 : i32
    %c0_i32_0 = arith.constant 0 : i32
    return %arg0, %c0_i32 : i32, i32
  }
  func.func @transform_3(%arg0: i32) -> (i32, i32) {
    %c0_i32 = arith.constant 0 : i32
    %c0_i32_0 = arith.constant 0 : i32
    %c0_i32_1 = arith.constant 0 : i32
    return %c0_i32, %c0_i32_0 : i32, i32
  }
  func.func @transform_4(%arg0: i32) -> (i32, i32) {
    %c0_i32 = arith.constant 0 : i32
    %c0_i32_0 = arith.constant 0 : i32
    return %arg0, %c0_i32 : i32, i32
  }
}

</mosaic_0001>

<sc_bundles>
// kernel: kernel.5.cloned.1.call-start
scs
__scs_entry_jumppad:
0x0: {  	(pc) =	sbr.rel $0x88, $3  }
0x1: {  	(tag) =	ssettag $0x0;
	lr =	simm.s32 $0x1  }
0x2: {  	[smem:$0x3F9A] =	sst lr;
	_ =	strace $0xD0000000  }
0x3: {  	_ = 	snop  }
0x4: {  	_ = 	snop  }
0x5: {  	_ = 	snop  }
0x6: {  	_ = 	snop  }
0x7: {  	_ = 	snop  }
__scs_overlays_trampoline_lowered:
0x8: {  	[smem:$0x3FA9] =	sst s0  }
0x9: {  	[smem:$0x3FAA] =	sst s1  }
0xa: {  	[smem:$0x3FAB] =	sst s2  }
0xb: {  	[smem:$0x3FAC] =	sst s3  }
0xc: {  	[smem:$0x3FAD] =	sst s4  }
0xd: {  	[smem:$0x3FAE] =	sst s5  }
0xe: {  	[smem:$0x3FAF] =	sst s6  }
0xf: {  	[smem:$0x3FB0] =	sst s7  }
0x10: {  	[smem:$0x3FB1] =	sst s8  }
0x11: {  	[smem:$0x3FB2] =	sst s9;
	s0 =	simm.s32 @!p0 $0x0  }
0x12: {  	s1 =	sld [smem:$0x3F98];
	s0 =	simm.s32 @p0 $0x1  }
0x13: {  	[smem:$0x3FB3] =	sst s0;
	s0 =	simm.s32 @!p1 $0x0  }
0x14: {  	s2 =	sld [smem:$0x3F97];
	s0 =	simm.s32 @p1 $0x1  }
0x15: {  	[smem:$0x3FB4] =	sst s0;
	s0 =	simm.s32 @!p2 $0x0  }
0x16: {  	s3 =	sld [smem:$0x3FDB];
	s0 =	simm.s32 @p2 $0x1  }
0x17: {  	s4 =	simm.s32 $0x1BF5;
	[smem:$0x3FB6] =	sst s0  }
0x18: {  	s0 =	sld [smem:$0x3F99];
	_ =	swait.ge [sflag:s4], $0x0  }
0x19: {  	s7 =	sld [smem:$0x3F9A]  }
0x1a: {  	s8 =	sadd.s32 $0xFFFFE003, lr  }
0x1b: {  	s9 =	sadd.s32 $0xFFFFFEF7, lr;
	s5 =	simm.s32 $0xFFFFFFFF;
	p2 =	slt.u32 s8, $0xFFFFF086  }
0x1c: {  	p1 =	slt.u32 s9, $0xF7A;
	s5 =	simm.s32 @!p2 $0x0  }
0x1d: {  	s5 =	simm.s32 @p1 $0x1;
	p0 =	seq.s32 s7, s2  }
0x1e: {  	s7 =	smul.u32 @!p0 $0xF7A, s2;
	p2 =	seq.s32 @!p0 s5, $0x0  }
0x1f: {  	s9 =	smul.u32 $0xF7A, s1;
	s8 =	simm.s32 @!p0 $0x1BF5;
	p2 =	por !p2, p0  }
0x20: {  	[sflag:s8] =	ssyncset.s32 @!p0 $0xFFFFF086;
	s6 =	sadd.s32 @!p0 s3, s7;
	s7 =	simm.s32 @!p0 $0x108  }
0x21: {  	s3 =	sadd.s32 s3, s9;
	s6 =	sadd.s32 @!p0 $0x88, s6;
	s7 =	simm.s32 @p2 $0x1082  }
0x22: {  	[simem:s7], [sflag:s8] =	dma.local @!p0 [hbm:s6], $0xF7A  }
0x23: {  	s9 =	sor.u32 $0xD0000000, s2;
	s6 =	simm.s32 $0x108;
	_ =	swait.ge @!p0 [sflag:s8], $0x0  }
0x24: {  	s3 =	sadd.s32 $0x88, s3;
	s6 =	simm.s32 @!p1 $0x1082;
	[sflag:s4] =	ssyncset.s32 $0xFFFFF086  }
0x25: {  	[simem:s6], [sflag:s4] =	dma.local [hbm:s3], $0xF7A  }
0x26: {  	[smem:$0x3F9A] =	sst s1;
	(tag) =	ssettag s2;
	_ =	strace s9  }
0x27: {  	s1 =	sld [smem:$0x3FAA]  }
0x28: {  	s2 =	sld [smem:$0x3FAB]  }
0x29: {  	s4 =	sld [smem:$0x3FAD]  }
0x2a: {  	p0 =	seq.s32 s5, $0x0;
	s5 =	sld [smem:$0x3FAE]  }
0x2b: {  	s6 =	sld [smem:$0x3FAF]  }
0x2c: {  	s7 =	sld [smem:$0x3FB0]  }
0x2d: {  	s3 =	simm.s32 $0x108;
	s8 =	sld [smem:$0x3FB1]  }
0x2e: {  	s3 =	simm.s32 @!p0 $0x1082;
	s9 =	sld [smem:$0x3FB2]  }
0x2f: {  	lr =	sadd.s32 s0, s3;
	s0 =	sld [smem:$0x3FA9]  }
0x30: {  	s3 =	sld [smem:$0x3FAC]  }
0x31: {  	[smem:$0x3FB5] =	sst s10  }
0x32: {  	s10 =	sld [smem:$0x3FB3];
	_ =	sdelay $0x3  }
0x33: {  	p0 =	seq.s32 s10, $0x1;
	s10 =	sld [smem:$0x3FB5];
	_ =	sdelay $0x3  }
0x34: {  	[smem:$0x3FB5] =	sst s10  }
0x35: {  	s10 =	sld [smem:$0x3FB4];
	_ =	sdelay $0x3  }
0x36: {  	p1 =	seq.s32 s10, $0x1;
	s10 =	sld [smem:$0x3FB5];
	_ =	sdelay $0x3  }
0x37: {  	[smem:$0x3FB5] =	sst s10  }
0x38: {  	s10 =	sld [smem:$0x3FB6]  }
0x39: {  	_ = 	snop;
	(pc) =	sbr.ind lr, $3  }
0x3a: {  	_ = 	snop  }
0x3b: {  	_ = 	snop  }
0x3c: {  	p2 =	seq.s32 s10, $0x1;
	s10 =	sld [smem:$0x3FB5]  }
0x3d: {  	_ =	shalt  }
0x3e: {  	_ =	shalt  }
0x3f: {  	_ =	shalt  }
0x40: {  	_ =	shalt  }
0x41: {  	_ =	shalt  }
0x42: {  	_ =	shalt  }
0x43: {  	_ =	shalt  }
0x44: {  	_ =	shalt  }
0x45: {  	_ =	shalt  }
0x46: {  	_ =	shalt  }
0x47: {  	_ =	shalt  }
0x48: {  	_ =	shalt  }
0x49: {  	_ =	shalt  }
0x4a: {  	_ =	shalt  }
0x4b: {  	_ =	shalt  }
0x4c: {  	_ =	shalt  }
0x4d: {  	_ =	shalt  }
0x4e: {  	_ =	shalt  }
0x4f: {  	_ =	shalt  }
0x50: {  	_ =	shalt  }
0x51: {  	_ =	shalt  }
0x52: {  	_ =	shalt  }
0x53: {  	_ =	shalt  }
0x54: {  	_ =	shalt  }
0x55: {  	_ =	shalt  }
0x56: {  	_ =	shalt  }
0x57: {  	_ =	shalt  }
0x58: {  	_ =	shalt  }
0x59: {  	_ =	shalt  }
0x5a: {  	_ =	shalt  }
0x5b: {  	_ =	shalt  }
0x5c: {  	_ =	shalt  }
0x5d: {  	_ =	shalt  }
0x5e: {  	_ =	shalt  }
0x5f: {  	_ =	shalt  }
0x60: {  	_ =	shalt  }
0x61: {  	_ =	shalt  }
0x62: {  	_ =	shalt  }
0x63: {  	_ =	shalt  }
0x64: {  	_ =	shalt  }
0x65: {  	_ =	shalt  }
0x66: {  	_ =	shalt  }
0x67: {  	_ =	shalt  }
0x68: {  	_ =	shalt  }
0x69: {  	_ =	shalt  }
0x6a: {  	_ =	shalt  }
0x6b: {  	_ =	shalt  }
0x6c: {  	_ =	shalt  }
0x6d: {  	_ =	shalt  }
0x6e: {  	_ =	shalt  }
0x6f: {  	_ =	shalt  }
0x70: {  	_ =	shalt  }
0x71: {  	_ =	shalt  }
0x72: {  	_ =	shalt  }
0x73: {  	_ =	shalt  }
0x74: {  	_ =	shalt  }
0x75: {  	_ =	shalt  }
0x76: {  	_ =	shalt  }
0x77: {  	_ =	shalt  }
0x78: {  	_ =	shalt  }
0x79: {  	_ =	shalt  }
0x7a: {  	_ =	shalt  }
0x7b: {  	_ =	shalt  }
0x7c: {  	_ =	shalt  }
0x7d: {  	_ =	shalt  }
0x7e: {  	_ =	shalt  }
0x7f: {  	_ =	shalt  }
0x80: {  	_ =	shalt  }
0x81: {  	_ =	shalt  }
0x82: {  	_ =	shalt  }
0x83: {  	_ =	shalt  }
0x84: {  	_ =	shalt  }
0x85: {  	_ =	shalt  }
0x86: {  	_ =	shalt  }
0x87: {  	_ =	shalt  }
.Lfunc_end0:
.L_simem_size_0:
called_computation_lowered:
.L_overlay_start_0:
0x88: {  	s2 =	sld [smem:$0x3FD9]  }
0x89: {  	s3 =	sld [smem:$0x3FFE];
	_ =	sdelay $0x1  }
0x8a: {  	s1 =	srdreg.scid  }
0x8b: {  	s0 =	sand.u32 $0x1, s1  }
0x8c: {  	s17 =	sshll.u32 s0, $0xA;
	s2 =	sadd.s32 s3, s2  }
0x8d: {  	s2 =	sadd.s32 s2, s17  }
0x8e: {  	[smem:$0x3FC1] =	sst s2  }
0x8f: {  	_ = 	snop  }
0x90: {  	s2 =	sld [smem:$0x3FD0];
	(tm) =	ssettm $0x1  }
0x91: {  	s18 =	sld [smem:$0x3FFB];
	_ =	sdelay $0x3  }
0x92: {  	_ =	strace s18  }
0x93: {  	s3 =	sld [smem:$0x3FFC];
	_ =	sdelay $0x3  }
0x94: {  	_ =	strace s3  }
0x95: {  	s3 =	sld [smem:$0x3FFD];
	_ =	sdelay $0x3  }
0x96: {  	_ =	strace s3  }
0x97: {  	_ =	strace $0x8FFFFFFF  }
0x98: {  	s19 =	sld [smem:$0x3FDB];
	_ =	sdelay $0x1  }
0x99: {  	s4 =	simm.s32 $_scs_section_size  }
0x9a: {  	s5 =	simm.s32 $_size__tile_overlayer_lowered;
	s6 =	simm.s32 $_tile_overlayer_lowered  }
0x9b: {  	s22 =	simm.s32 $0x1BFF;
	s21 =	sshll.u32 s6, $0x1;
	s3 =	sadd.s32 s4, s19  }
0x9c: {  	s7 =	simm.s32 $0x0;
	s20 =	sshll.u32 s5, $0x1;
	s5 =	sadd.s32 s21, s3  }
0x9d: {  	[timem:s7], [sflag:s22] =	dma.local [hbm:s5], s20  }
0x9e: {  	_ =	swait.ge [sflag:s22], s20  }
0x9f: {  	s4 =	ssub.s32 $0x0, s20;
	[sflag:s22] =	ssyncset.done $0x0  }
0xa0: {  	[sflag:s22] =	ssyncadd.s32 s4;
	_ =	sdelay $0x1  }
0xa1: {  	s23 =	simm.s32 $0x1B8B  }
0xa2: {  	_ =	swait.ge [sflag:s23], $0x1  }
0xa3: {  	[sflag:s23] =	ssyncset.done $0x0  }
0xa4: {  	s25 =	simm.s32 $0x1B8E;
	s24 =	sld [smem:$0x3FFE];
	[sflag:s23] =	ssyncadd.s32 $0xFFFFFFFF  }
0xa5: {  	s26 =	simm.s32 $execute0_lowered;
	[smem:$0x3FD2] =	sst s25  }
0xa6: {  	s5 =	sshll.u32 s26, $0x1;
	_ =	strace $0x80000046;
	[dreg:$0x1] =	wrdreg $0xFFFFFFFF  }
0xa7: {  	s28 =	simm.s32 $_size_execute0_lowered;
	s3 =	sadd.s32 s3, s5;
	[dreg:$0x0] =	wrdreg $0x0  }
0xa8: {  	s5 =	sshll.u32 s28, $0x1;
	[dreg:$0x2] =	wrdreg s3  }
0xa9: {  	[dreg:$0x3] =	wrdreg s5  }
0xaa: {  	[dreg:$0x4] =	wrdreg $0xC0  }
0xab: {  	_ =	task [dreg:s7], $0x5FFFF  }
0xac: {  	[dreg:$0x1] =	wrdreg $0xFFFFFFFF  }
0xad: {  	[dreg:$0x0] =	wrdreg $0x60  }
0xae: {  	[dreg:$0x2] =	wrdreg s2  }
0xaf: {  	[dreg:$0x3] =	wrdreg s24  }
0xb0: {  	[dreg:$0x4] =	wrdreg $0xB9800  }
0xb1: {  	[dreg:$0x5] =	wrdreg $0x9  }
0xb2: {  	_ =	task.clear_ibuf [dreg:s7], $0x6FFFF;
	_ =	strace $0x90000046  }
0xb3: {  	s29 =	simm.s32 $0x9;
	_ =	strace $0x80000048  }
0xb4: {  	_ =	swait.ge [sflag:s29], $0x1  }
0xb5: {  	[sflag:s29] =	ssyncadd.s32 $0xFFFFFFFF  }
0xb6: {  	_ =	strace $0x90000048  }
0xb7: {  	_ =	sfence  }
0xb8: {  	s30 =	sld [smem:$0x0];
	_ =	sdelay $0x2  }
0xb9: {  	s31 =	sshll.u32 s1, $0xD;
	s1 =	sshrl.u32 s1, $0x2  }
0xba: {  	s3 =	sand.u32 $0x4000, s31;
	s1 =	sadd.s32 s1, s30  }
0xbb: {  	s0 =	sor.u32 s3, s0;
	s1 =	sshll.u32 s1, $0x11  }
0xbc: {  	s0 =	sor.u32 s1, s0  }
0xbd: {  	s0 =	sadd.s32 $0x8F2B, s0  }
0xbe: {  	[sflag:s0] =	ssyncadd.remote.s32 $0x1  }
0xbf: {  	_ =	sfence.sel $0xFFFF  }
0xc0: {  	[dreg:$0x0] =	wrdreg $0xFFFFFFFF;
	(pc) =	sbr.abs _section_cstart, $3  }
0xc1: {  	[dreg:$0x1] =	wrdreg $0xFFFFFFFF  }
0xc2: {  	_ =	task.clear_ibuf [dreg:s7], $0x2FFFF;
	_ =	strace $0x9FFFFFFF  }
0xc3: {  	(tm) =	ssettm $0x7FFFFFFF  }
tec
execute0_lowered:
.L_overlay_start_1:
0x0: {  	(tag) =	ssettag $0x1  }
0x1: {  	s1 =	rddreg [dreg:$0x0]  }
0x2: {  	s0 =	rddreg [dreg:$0x1]  }
0x3: {  	s9 =	stileid.u32;
	s3 =	rddreg [dreg:$0x2]  }
0x4: {  	s2 =	srdreg.scid;
	s28 =	simm.s32 $0x400;
	s29 =	simm.s32 $0x8980  }
0x5: {  	s30 =	simm.s32 $0x9180;
	s31 =	simm.s32 $0x1;
	s17 =	smul.u32 $0x280, s9  }
0x6: {  	s4 =	sshrl.u32 s9, $0x3;
	s2 =	sand.u32 $0x1, s2;
	s21 =	smul.u32 $0x50000, s9  }
0x7: {  	s5 =	sshll.u32 s9, $0x7;
	s12 =	sadd.s32 $0xA1E00, s0;
	s6 =	smul.u32 $0x280000, s4  }
0x8: {  	s14 =	sadd.s32 $0xABE00, s0;
	s20 =	sadd.s32 $0xB5E00, s0;
	s10 =	smul.u32 $0x32000, s2  }
0x9: {  	s7 =	sand.u32 $0x380, s5;
	s4 =	simm.s32 $0x0;
	s8 =	smul.u32 $0x2800, s2  }
0xa: {  	s19 =	sshll.u32 s2, $0x4;
	p0 =	seq.s32 s2, $0x0;
	s22 =	ssub.s32 $0x2, s2  }
0xb: {  	s2 =	smul.u32 $0x6400, s2;
	[smem:$0x7FF] =	sst s4;
	s11 =	sshrl.u32 s22, $0x1  }
0xc: {  	s6 =	sor.u32 s7, s6;
	_ =	strace $0x80000047;
	s18 =	sadd.s32 s17, s8  }
0xd: {  	[dreg:$0xa] =	wrdreg s20;
	s7 =	sor.u32 s9, s19;
	s6 =	sshrl.u32 s6, $0x3  }
0xe: {  	s8 =	sshrl.u32 s21, $0x2;
	s7 =	smul.u32 $0x500, s7;
	s6 =	sadd.s32 s10, s6  }
0xf: {  	s16 =	ssub.s32 s22, s11;
	s13 =	sadd.s32 s6, s0;
	s6 =	sshll.u32 s18, $0x4  }
0x10: {  	s15 =	sadd.s32 s6, s0;
	s6 =	simm.s32 $0x64;
	s0 =	sadd.s32 s7, s0  }
0x11: {  	s7 =	sadd.s32 s8, s3;
	s6 =	simm.s32 @!p0 $0x3C;
	s25 =	sadd.s32 $0xC0600, s15  }
0x12: {  	s8 =	sadd.s32 $0x4000, s7;
	s19 =	sadd.s32 $0xC0E00, s15;
	[dreg:$0xc] =	wrdreg s25  }
0x13: {  	s9 =	sadd.s32 $0x8000, s7;
	s21 =	sadd.s32 $0xC1600, s15;
	[dreg:$0xd] =	wrdreg s19  }
0x14: {  	s11 =	sadd.s32 $0x10000, s7;
	s22 =	sadd.s32 $0xC1E00, s15;
	[dreg:$0xe] =	wrdreg s21  }
0x15: {  	s15 =	sadd.s32 $0xC2600, s15;
	s0 =	sadd.s32 $0xB6600, s0;
	[dreg:$0xf] =	wrdreg s22  }
0x16: {  	s5 =	smul.u32 s6, s5;
	s24 =	sshll.u32 s6, $0x4;
	[dreg:$0x10] =	wrdreg s15  }
0x17: {  	[dreg:$0x11] =	wrdreg s0;
	s15 =	sadd.s32 s2, s14;
	s2 =	simm.s32 $0x100  }
0x18: {  	[dreg:$0x5] =	wrdreg s24;
	s5 =	sadd.s32 s10, s5;
	s10 =	sadd.s32 $0xC000, s7  }
0x19: {  	s17 =	sshrl.u32 s5, $0x3;
	s23 =	sor.u32 $0x80, s5;
	s24 =	sor.u32 $0x100, s5  }
0x1a: {  	s5 =	simm.s32 $0x0;
	s18 =	sadd.s32 s12, s17;
	s17 =	sadd.s32 s17, s14  }
0x1b: {  	s20 =	sshrl.u32 s23, $0x3;
	s23 =	smax.u32 s16, $0x1;
	[dreg:$0xb] =	wrdreg s18  }
0x1c: {  	s0 =	sshrl.u32 s24, $0x3;
	s16 =	sadd.s32 $0x1E00, s13;
	[dreg:$0x4] =	wrdreg s17  }
0x1d: {  	s24 =	simm.s32 $0x3;
	s26 =	sadd.s32 s20, s12;
	[dreg:$0x12] =	wrdreg s23  }
0x1e: {  	s25 =	sadd.s32 s20, s14;
	s0 =	sadd.s32 s0, s12;
	[dreg:$0x6] =	wrdreg s26  }
0x1f: {  	s14 =	sadd.s32 $0x2600, s13;
	s23 =	simm.s32 $0x180;
	[dreg:$0x7] =	wrdreg s25  }
0x20: {  	[dreg:$0x8] =	wrdreg s0;
	s26 =	simm.s32 $0x4180;
	s25 =	simm.s32 $0x80  }
0x21: {  	v0 =	vimm.f32 $0.0e+00;
	s0 =	simm.s32 $0x2;
	[dreg:$0x9] =	wrdreg s26;
	s26 =	simm.s32 $0x8180  }
.LBB2_1:
0x22: {  	s12 =	rddreg [dreg:$0xa]  }
0x23: {  	[tilespmem:s23], [sflag:$0x3] =	stream.linear.gather [hbm4b:s12+s4], $0x4000, $0x38;
	[tilespmem:$0x1F980] =	vst v63  }
0x24: {  	_ =	swait.ge [sflag:s24], $0x4000  }
0x25: {  	[sflag:s24] =	ssyncset.done $0x0  }
0x26: {  	[sflag:s24] =	ssyncadd.s32 $0xFFFFC000  }
0x27: {  	[spmem:s7] =	stream.linear.scatter [tilespmem:s23], [sflag:$0x3], $0x4000, $0x38;
	[tilespmem:$0x1F980] =	vst v63  }
0x28: {  	_ =	swait.ge [sflag:s24], $0x4000  }
0x29: {  	[sflag:s24] =	ssyncset.done $0x0  }
0x2a: {  	[sflag:s24] =	ssyncadd.s32 $0xFFFFC000  }
0x2b: {  	[spmem:s8] =	stream.linear.scatter [tilespmem:s23], [sflag:$0x3], $0x4000, $0x38;
	[tilespmem:$0x1F980] =	vst v63  }
0x2c: {  	_ =	swait.ge [sflag:s24], $0x4000  }
0x2d: {  	[sflag:s24] =	ssyncset.done $0x0  }
0x2e: {  	[sflag:s24] =	ssyncadd.s32 $0xFFFFC000  }
0x2f: {  	[spmem:s9] =	stream.linear.scatter [tilespmem:s23], [sflag:$0x3], $0x4000, $0x38;
	[tilespmem:$0x1F980] =	vst v63  }
0x30: {  	_ =	swait.ge [sflag:s24], $0x4000  }
0x31: {  	[sflag:s24] =	ssyncset.done $0x0  }
0x32: {  	[sflag:s24] =	ssyncadd.s32 $0xFFFFC000  }
0x33: {  	[spmem:s10] =	stream.linear.scatter [tilespmem:s23], [sflag:$0x3], $0x4000, $0x38;
	[tilespmem:$0x1F980] =	vst v63  }
0x34: {  	_ =	swait.ge [sflag:s24], $0x4000  }
0x35: {  	[sflag:s24] =	ssyncset.done $0x0  }
0x36: {  	[sflag:s24] =	ssyncadd.s32 $0xFFFFC000  }
0x37: {  	[spmem:s11] =	stream.linear.scatter [tilespmem:s23], [sflag:$0x3], $0x4000, $0x38;
	[tilespmem:$0x1F980] =	vst v63  }
0x38: {  	_ =	swait.ge [sflag:s24], $0x4000  }
0x39: {  	[sflag:s24] =	ssyncset.done $0x0  }
0x3a: {  	s13 =	simm.s32 $0x0;
	s12 =	simm.s32 $0x40;
	[sflag:s24] =	ssyncadd.s32 $0xFFFFC000  }
.LBB2_2:
0x3b: {  	p0 =	sne.s32 s12, $0x9FC0;
	[tilespmem:s13+$0x9180] =	vst v0;
	s13 =	smov.u32 s12;
	s12 =	sadd.s32 $0x40, s12  }
.Ltmp0:
0x3c: {  	(pc) =	sbr.rel @p0 .LBB2_2-.Ltmp0, $2  }
0x3d: {  	_ =	sdelay $0x2  }
0x3e: {  	s13 =	sshra.s32 s13, $0x2  }
0x3f: {  	[tilespmem:s13+$0x9180] =	vst v0  }
0x40: {  	[bflag:$0x0] =	sbarrier.arrive $0xFFFF  }
0x41: {  	s12 =	simm.s32 $0x0;
	s22 =	rddreg [dreg:$0xb]  }
0x42: {  	[tilespmem:s12], [sflag:$0x3] =	stream.linear.gather [hbm4b:s22+s12], $0x80, $0x38;
	[tilespmem:$0x1F980] =	vst v63  }
0x43: {  	_ =	swait.ge [sflag:s24], $0x80  }
0x44: {  	s13 =	simm.s32 $0x1;
	s20 =	smov.u32 s15;
	[sflag:s24] =	ssyncset.done $0x0  }
0x45: {  	s21 =	smov.u32 s16;
	s22 =	smov.u32 s14;
	[sflag:s24] =	ssyncadd.s32 $0xFFFFFF80  }
0x46: {  	[tilespmem:s23], [sflag:$0x1] =	stream.indirect.gather [hbm4b:s1+s25], $0x80, s12, s25, $0xb8;
	[tilespmem:$0x1F980] =	vst v63  }
.LBB2_4:
0x47: {  	s17 =	rddreg [dreg:$0x6];
	p0 =	sge.u32 s13, s6  }
0x48: {  	s17 =	sadd.s32 @!p0 s12, s17;
	s18 =	simm.s32 @!p0 $0x0;
	s19 =	simm.s32 @!p0 $0x80  }
0x49: {  	[tilespmem:s19], [sflag:$0x3] =	stream.linear.gather @!p0 [hbm4b:s17+s18], $0x80, $0x38;
	[tilespmem:$0x1F980] =	vst v63  }
0x4a: {  	s17 =	simm.s32 @!p0 $0x3  }
0x4b: {  	_ =	swait.ge @!p0 [sflag:s17], $0x80  }
0x4c: {  	[sflag:s17] =	ssyncset.done @!p0 $0x0  }
0x4d: {  	[sflag:s17] =	ssyncadd.s32 @!p0 $0xFFFFFF80;
	s17 =	simm.s32 @!p0 $0x4180  }
0x4e: {  	[tilespmem:s17], [sflag:$0x2] =	stream.indirect.gather @!p0 [hbm4b:s1+s19], $0x80, s19, s19, $0xb8;
	[tilespmem:$0x1F980] =	vst v63  }
0x4f: {  	_ = 	snop  }
0x50: {  	[tilespmem:s26], [sflag:$0x3] =	stream.linear.gather [hbm4b:s20+s4], $0x800, $0x38;
	[tilespmem:$0x1F980] =	vst v63  }
0x51: {  	_ =	swait.ge [sflag:s24], $0x800  }
0x52: {  	[sflag:s24] =	ssyncset.done $0x0  }
0x53: {  	[sflag:s24] =	ssyncadd.s32 $0xFFFFF800  }
0x54: {  	[tilespmem:s29], [sflag:$0x3] =	stream.strided.gather [hbm4b:s21+s25], $0x800, s28, s25, $0x38;
	[tilespmem:$0x1F980] =	vst v63  }
0x55: {  	_ =	swait.ge [sflag:s24], $0x800  }
0x56: {  	[sflag:s24] =	ssyncset.done $0x0  }
0x57: {  	[sflag:s24] =	ssyncadd.s32 $0xFFFFF800  }
0x58: {  	v1 =	vld [tilespmem:$0x8180];
	_ =	sdelay $0x2  }
0x59: {  	v2 =	vld [tilespmem:$0x8980];
	_ =	sdelay $0x4  }
0x5a: {  	[tilespmem:v1+s30+$0x0] =	vst.idx.add.f32.msk $0xffff, v2  }
0x5b: {  	v1 =	vld [tilespmem:$0x8190];
	_ =	sdelay $0x2  }
0x5c: {  	v2 =	vld [tilespmem:$0x8990];
	_ =	sdelay $0x4  }
0x5d: {  	[tilespmem:v1+s30+$0x0] =	vst.idx.add.f32.msk $0xffff, v2  }
0x5e: {  	v1 =	vld [tilespmem:$0x81A0];
	_ =	sdelay $0x2  }
0x5f: {  	v2 =	vld [tilespmem:$0x89A0];
	_ =	sdelay $0x4  }
0x60: {  	[tilespmem:v1+s30+$0x0] =	vst.idx.add.f32.msk $0xffff, v2  }
0x61: {  	v1 =	vld [tilespmem:$0x81B0];
	_ =	sdelay $0x2  }
0x62: {  	v2 =	vld [tilespmem:$0x89B0];
	_ =	sdelay $0x4  }
0x63: {  	[tilespmem:v1+s30+$0x0] =	vst.idx.add.f32.msk $0xffff, v2  }
0x64: {  	v1 =	vld [tilespmem:$0x81C0];
	_ =	sdelay $0x2  }
0x65: {  	v2 =	vld [tilespmem:$0x89C0];
	_ =	sdelay $0x4  }
0x66: {  	[tilespmem:v1+s30+$0x0] =	vst.idx.add.f32.msk $0xffff, v2  }
0x67: {  	v1 =	vld [tilespmem:$0x81D0];
	_ =	sdelay $0x2  }
0x68: {  	v2 =	vld [tilespmem:$0x89D0];
	_ =	sdelay $0x4  }
0x69: {  	[tilespmem:v1+s30+$0x0] =	vst.idx.add.f32.msk $0xffff, v2  }
0x6a: {  	v1 =	vld [tilespmem:$0x81E0];
	_ =	sdelay $0x2  }
0x6b: {  	v2 =	vld [tilespmem:$0x89E0];
	_ =	sdelay $0x4  }
0x6c: {  	[tilespmem:v1+s30+$0x0] =	vst.idx.add.f32.msk $0xffff, v2  }
0x6d: {  	v1 =	vld [tilespmem:$0x81F0];
	_ =	sdelay $0x2  }
0x6e: {  	v2 =	vld [tilespmem:$0x89F0];
	_ =	sdelay $0x4  }
0x6f: {  	[tilespmem:v1+s30+$0x0] =	vst.idx.add.f32.msk $0xffff, v2  }
0x70: {  	v1 =	vld [tilespmem:$0x8200];
	_ =	sdelay $0x2  }
0x71: {  	v2 =	vld [tilespmem:$0x8A00];
	_ =	sdelay $0x4  }
0x72: {  	[tilespmem:v1+s30+$0x0] =	vst.idx.add.f32.msk $0xffff, v2  }
0x73: {  	v1 =	vld [tilespmem:$0x8210];
	_ =	sdelay $0x2  }
0x74: {  	v2 =	vld [tilespmem:$0x8A10];
	_ =	sdelay $0x4  }
0x75: {  	[tilespmem:v1+s30+$0x0] =	vst.idx.add.f32.msk $0xffff, v2  }
0x76: {  	v1 =	vld [tilespmem:$0x8220];
	_ =	sdelay $0x2  }
0x77: {  	v2 =	vld [tilespmem:$0x8A20];
	_ =	sdelay $0x4  }
0x78: {  	[tilespmem:v1+s30+$0x0] =	vst.idx.add.f32.msk $0xffff, v2  }
0x79: {  	v1 =	vld [tilespmem:$0x8230];
	_ =	sdelay $0x2  }
0x7a: {  	v2 =	vld [tilespmem:$0x8A30];
	_ =	sdelay $0x4  }
0x7b: {  	[tilespmem:v1+s30+$0x0] =	vst.idx.add.f32.msk $0xffff, v2  }
0x7c: {  	v1 =	vld [tilespmem:$0x8240];
	_ =	sdelay $0x2  }
0x7d: {  	v2 =	vld [tilespmem:$0x8A40];
	_ =	sdelay $0x4  }
0x7e: {  	[tilespmem:v1+s30+$0x0] =	vst.idx.add.f32.msk $0xffff, v2  }
0x7f: {  	v1 =	vld [tilespmem:$0x8250];
	_ =	sdelay $0x2  }
0x80: {  	v2 =	vld [tilespmem:$0x8A50];
	_ =	sdelay $0x4  }
0x81: {  	[tilespmem:v1+s30+$0x0] =	vst.idx.add.f32.msk $0xffff, v2  }
0x82: {  	v1 =	vld [tilespmem:$0x8260];
	_ =	sdelay $0x2  }
0x83: {  	v2 =	vld [tilespmem:$0x8A60];
	_ =	sdelay $0x4  }
0x84: {  	[tilespmem:v1+s30+$0x0] =	vst.idx.add.f32.msk $0xffff, v2  }
0x85: {  	v1 =	vld [tilespmem:$0x8270];
	_ =	sdelay $0x2  }
0x86: {  	v2 =	vld [tilespmem:$0x8A70];
	_ =	sdelay $0x4  }
0x87: {  	[tilespmem:v1+s30+$0x0] =	vst.idx.add.f32.msk $0xffff, v2  }
0x88: {  	v1 =	vld [tilespmem:$0x8280];
	_ =	sdelay $0x2  }
0x89: {  	v2 =	vld [tilespmem:$0x8A80];
	_ =	sdelay $0x4  }
0x8a: {  	[tilespmem:v1+s30+$0x0] =	vst.idx.add.f32.msk $0xffff, v2  }
0x8b: {  	v1 =	vld [tilespmem:$0x8290];
	_ =	sdelay $0x2  }
0x8c: {  	v2 =	vld [tilespmem:$0x8A90];
	_ =	sdelay $0x4  }
0x8d: {  	[tilespmem:v1+s30+$0x0] =	vst.idx.add.f32.msk $0xffff, v2  }
0x8e: {  	v1 =	vld [tilespmem:$0x82A0];
	_ =	sdelay $0x2  }
0x8f: {  	v2 =	vld [tilespmem:$0x8AA0];
	_ =	sdelay $0x4  }
0x90: {  	[tilespmem:v1+s30+$0x0] =	vst.idx.add.f32.msk $0xffff, v2  }
0x91: {  	v1 =	vld [tilespmem:$0x82B0];
	_ =	sdelay $0x2  }
0x92: {  	v2 =	vld [tilespmem:$0x8AB0];
	_ =	sdelay $0x4  }
0x93: {  	[tilespmem:v1+s30+$0x0] =	vst.idx.add.f32.msk $0xffff, v2  }
0x94: {  	v1 =	vld [tilespmem:$0x82C0];
	_ =	sdelay $0x2  }
0x95: {  	v2 =	vld [tilespmem:$0x8AC0];
	_ =	sdelay $0x4  }
0x96: {  	[tilespmem:v1+s30+$0x0] =	vst.idx.add.f32.msk $0xffff, v2  }
0x97: {  	v1 =	vld [tilespmem:$0x82D0];
	_ =	sdelay $0x2  }
0x98: {  	v2 =	vld [tilespmem:$0x8AD0];
	_ =	sdelay $0x4  }
0x99: {  	[tilespmem:v1+s30+$0x0] =	vst.idx.add.f32.msk $0xffff, v2  }
0x9a: {  	v1 =	vld [tilespmem:$0x82E0];
	_ =	sdelay $0x2  }
0x9b: {  	v2 =	vld [tilespmem:$0x8AE0];
	_ =	sdelay $0x4  }
0x9c: {  	[tilespmem:v1+s30+$0x0] =	vst.idx.add.f32.msk $0xffff, v2  }
0x9d: {  	v1 =	vld [tilespmem:$0x82F0];
	_ =	sdelay $0x2  }
0x9e: {  	v2 =	vld [tilespmem:$0x8AF0];
	_ =	sdelay $0x4  }
0x9f: {  	[tilespmem:v1+s30+$0x0] =	vst.idx.add.f32.msk $0xffff, v2  }
0xa0: {  	v1 =	vld [tilespmem:$0x8300];
	_ =	sdelay $0x2  }
0xa1: {  	v2 =	vld [tilespmem:$0x8B00];
	_ =	sdelay $0x4  }
0xa2: {  	[tilespmem:v1+s30+$0x0] =	vst.idx.add.f32.msk $0xffff, v2  }
0xa3: {  	v1 =	vld [tilespmem:$0x8310];
	_ =	sdelay $0x2  }
0xa4: {  	v2 =	vld [tilespmem:$0x8B10];
	_ =	sdelay $0x4  }
0xa5: {  	[tilespmem:v1+s30+$0x0] =	vst.idx.add.f32.msk $0xffff, v2  }
0xa6: {  	v1 =	vld [tilespmem:$0x8320];
	_ =	sdelay $0x2  }
0xa7: {  	v2 =	vld [tilespmem:$0x8B20];
	_ =	sdelay $0x4  }
0xa8: {  	[tilespmem:v1+s30+$0x0] =	vst.idx.add.f32.msk $0xffff, v2  }
0xa9: {  	v1 =	vld [tilespmem:$0x8330];
	_ =	sdelay $0x2  }
0xaa: {  	v2 =	vld [tilespmem:$0x8B30];
	_ =	sdelay $0x4  }
0xab: {  	[tilespmem:v1+s30+$0x0] =	vst.idx.add.f32.msk $0xffff, v2  }
0xac: {  	v1 =	vld [tilespmem:$0x8340];
	_ =	sdelay $0x2  }
0xad: {  	v2 =	vld [tilespmem:$0x8B40];
	_ =	sdelay $0x4  }
0xae: {  	[tilespmem:v1+s30+$0x0] =	vst.idx.add.f32.msk $0xffff, v2  }
0xaf: {  	v1 =	vld [tilespmem:$0x8350];
	_ =	sdelay $0x2  }
0xb0: {  	v2 =	vld [tilespmem:$0x8B50];
	_ =	sdelay $0x4  }
0xb1: {  	[tilespmem:v1+s30+$0x0] =	vst.idx.add.f32.msk $0xffff, v2  }
0xb2: {  	v1 =	vld [tilespmem:$0x8360];
	_ =	sdelay $0x2  }
0xb3: {  	v2 =	vld [tilespmem:$0x8B60];
	_ =	sdelay $0x4  }
0xb4: {  	[tilespmem:v1+s30+$0x0] =	vst.idx.add.f32.msk $0xffff, v2  }
0xb5: {  	v1 =	vld [tilespmem:$0x8370];
	_ =	sdelay $0x2  }
0xb6: {  	v2 =	vld [tilespmem:$0x8B70];
	_ =	sdelay $0x4  }
0xb7: {  	[tilespmem:v1+s30+$0x0] =	vst.idx.add.f32.msk $0xffff, v2  }
0xb8: {  	v1 =	vld [tilespmem:$0x8380];
	_ =	sdelay $0x2  }
0xb9: {  	v2 =	vld [tilespmem:$0x8B80];
	_ =	sdelay $0x4  }
0xba: {  	[tilespmem:v1+s30+$0x0] =	vst.idx.add.f32.msk $0xffff, v2  }
0xbb: {  	v1 =	vld [tilespmem:$0x8390];
	_ =	sdelay $0x2  }
0xbc: {  	v2 =	vld [tilespmem:$0x8B90];
	_ =	sdelay $0x4  }
0xbd: {  	[tilespmem:v1+s30+$0x0] =	vst.idx.add.f32.msk $0xffff, v2  }
0xbe: {  	v1 =	vld [tilespmem:$0x83A0];
	_ =	sdelay $0x2  }
0xbf: {  	v2 =	vld [tilespmem:$0x8BA0];
	_ =	sdelay $0x4  }
0xc0: {  	[tilespmem:v1+s30+$0x0] =	vst.idx.add.f32.msk $0xffff, v2  }
0xc1: {  	v1 =	vld [tilespmem:$0x83B0];
	_ =	sdelay $0x2  }
0xc2: {  	v2 =	vld [tilespmem:$0x8BB0];
	_ =	sdelay $0x4  }
0xc3: {  	[tilespmem:v1+s30+$0x0] =	vst.idx.add.f32.msk $0xffff, v2  }
0xc4: {  	v1 =	vld [tilespmem:$0x83C0];
	_ =	sdelay $0x2  }
0xc5: {  	v2 =	vld [tilespmem:$0x8BC0];
	_ =	sdelay $0x4  }
0xc6: {  	[tilespmem:v1+s30+$0x0] =	vst.idx.add.f32.msk $0xffff, v2  }
0xc7: {  	v1 =	vld [tilespmem:$0x83D0];
	_ =	sdelay $0x2  }
0xc8: {  	v2 =	vld [tilespmem:$0x8BD0];
	_ =	sdelay $0x4  }
0xc9: {  	[tilespmem:v1+s30+$0x0] =	vst.idx.add.f32.msk $0xffff, v2  }
0xca: {  	v1 =	vld [tilespmem:$0x83E0];
	_ =	sdelay $0x2  }
0xcb: {  	v2 =	vld [tilespmem:$0x8BE0];
	_ =	sdelay $0x4  }
0xcc: {  	[tilespmem:v1+s30+$0x0] =	vst.idx.add.f32.msk $0xffff, v2  }
0xcd: {  	v1 =	vld [tilespmem:$0x83F0];
	_ =	sdelay $0x2  }
0xce: {  	v2 =	vld [tilespmem:$0x8BF0];
	_ =	sdelay $0x4  }
0xcf: {  	[tilespmem:v1+s30+$0x0] =	vst.idx.add.f32.msk $0xffff, v2  }
0xd0: {  	v1 =	vld [tilespmem:$0x8400];
	_ =	sdelay $0x2  }
0xd1: {  	v2 =	vld [tilespmem:$0x8C00];
	_ =	sdelay $0x4  }
0xd2: {  	[tilespmem:v1+s30+$0x0] =	vst.idx.add.f32.msk $0xffff, v2  }
0xd3: {  	v1 =	vld [tilespmem:$0x8410];
	_ =	sdelay $0x2  }
0xd4: {  	v2 =	vld [tilespmem:$0x8C10];
	_ =	sdelay $0x4  }
0xd5: {  	[tilespmem:v1+s30+$0x0] =	vst.idx.add.f32.msk $0xffff, v2  }
0xd6: {  	v1 =	vld [tilespmem:$0x8420];
	_ =	sdelay $0x2  }
0xd7: {  	v2 =	vld [tilespmem:$0x8C20];
	_ =	sdelay $0x4  }
0xd8: {  	[tilespmem:v1+s30+$0x0] =	vst.idx.add.f32.msk $0xffff, v2  }
0xd9: {  	v1 =	vld [tilespmem:$0x8430];
	_ =	sdelay $0x2  }
0xda: {  	v2 =	vld [tilespmem:$0x8C30];
	_ =	sdelay $0x4  }
0xdb: {  	[tilespmem:v1+s30+$0x0] =	vst.idx.add.f32.msk $0xffff, v2  }
0xdc: {  	v1 =	vld [tilespmem:$0x8440];
	_ =	sdelay $0x2  }
0xdd: {  	v2 =	vld [tilespmem:$0x8C40];
	_ =	sdelay $0x4  }
0xde: {  	[tilespmem:v1+s30+$0x0] =	vst.idx.add.f32.msk $0xffff, v2  }
0xdf: {  	v1 =	vld [tilespmem:$0x8450];
	_ =	sdelay $0x2  }
0xe0: {  	v2 =	vld [tilespmem:$0x8C50];
	_ =	sdelay $0x4  }
0xe1: {  	[tilespmem:v1+s30+$0x0] =	vst.idx.add.f32.msk $0xffff, v2  }
0xe2: {  	v1 =	vld [tilespmem:$0x8460];
	_ =	sdelay $0x2  }
0xe3: {  	v2 =	vld [tilespmem:$0x8C60];
	_ =	sdelay $0x4  }
0xe4: {  	[tilespmem:v1+s30+$0x0] =	vst.idx.add.f32.msk $0xffff, v2  }
0xe5: {  	v1 =	vld [tilespmem:$0x8470];
	_ =	sdelay $0x2  }
0xe6: {  	v2 =	vld [tilespmem:$0x8C70];
	_ =	sdelay $0x4  }
0xe7: {  	[tilespmem:v1+s30+$0x0] =	vst.idx.add.f32.msk $0xffff, v2  }
0xe8: {  	v1 =	vld [tilespmem:$0x8480];
	_ =	sdelay $0x2  }
0xe9: {  	v2 =	vld [tilespmem:$0x8C80];
	_ =	sdelay $0x4  }
0xea: {  	[tilespmem:v1+s30+$0x0] =	vst.idx.add.f32.msk $0xffff, v2  }
0xeb: {  	v1 =	vld [tilespmem:$0x8490];
	_ =	sdelay $0x2  }
0xec: {  	v2 =	vld [tilespmem:$0x8C90];
	_ =	sdelay $0x4  }
0xed: {  	[tilespmem:v1+s30+$0x0] =	vst.idx.add.f32.msk $0xffff, v2  }
0xee: {  	v1 =	vld [tilespmem:$0x84A0];
	_ =	sdelay $0x2  }
0xef: {  	v2 =	vld [tilespmem:$0x8CA0];
	_ =	sdelay $0x4  }
0xf0: {  	[tilespmem:v1+s30+$0x0] =	vst.idx.add.f32.msk $0xffff, v2  }
0xf1: {  	v1 =	vld [tilespmem:$0x84B0];
	_ =	sdelay $0x2  }
0xf2: {  	v2 =	vld [tilespmem:$0x8CB0];
	_ =	sdelay $0x4  }
0xf3: {  	[tilespmem:v1+s30+$0x0] =	vst.idx.add.f32.msk $0xffff, v2  }
0xf4: {  	v1 =	vld [tilespmem:$0x84C0];
	_ =	sdelay $0x2  }
0xf5: {  	v2 =	vld [tilespmem:$0x8CC0];
	_ =	sdelay $0x4  }
0xf6: {  	[tilespmem:v1+s30+$0x0] =	vst.idx.add.f32.msk $0xffff, v2  }
0xf7: {  	v1 =	vld [tilespmem:$0x84D0];
	_ =	sdelay $0x2  }
0xf8: {  	v2 =	vld [tilespmem:$0x8CD0];
	_ =	sdelay $0x4  }
0xf9: {  	[tilespmem:v1+s30+$0x0] =	vst.idx.add.f32.msk $0xffff, v2  }
0xfa: {  	v1 =	vld [tilespmem:$0x84E0];
	_ =	sdelay $0x2  }
0xfb: {  	v2 =	vld [tilespmem:$0x8CE0];
	_ =	sdelay $0x4  }
0xfc: {  	[tilespmem:v1+s30+$0x0] =	vst.idx.add.f32.msk $0xffff, v2  }
0xfd: {  	v1 =	vld [tilespmem:$0x84F0];
	_ =	sdelay $0x2  }
0xfe: {  	v2 =	vld [tilespmem:$0x8CF0];
	_ =	sdelay $0x4  }
0xff: {  	[tilespmem:v1+s30+$0x0] =	vst.idx.add.f32.msk $0xffff, v2  }
0x100: {  	v1 =	vld [tilespmem:$0x8500];
	_ =	sdelay $0x2  }
0x101: {  	v2 =	vld [tilespmem:$0x8D00];
	_ =	sdelay $0x4  }
0x102: {  	[tilespmem:v1+s30+$0x0] =	vst.idx.add.f32.msk $0xffff, v2  }
0x103: {  	v1 =	vld [tilespmem:$0x8510];
	_ =	sdelay $0x2  }
0x104: {  	v2 =	vld [tilespmem:$0x8D10];
	_ =	sdelay $0x4  }
0x105: {  	[tilespmem:v1+s30+$0x0] =	vst.idx.add.f32.msk $0xffff, v2  }
0x106: {  	v1 =	vld [tilespmem:$0x8520];
	_ =	sdelay $0x2  }
0x107: {  	v2 =	vld [tilespmem:$0x8D20];
	_ =	sdelay $0x4  }
0x108: {  	[tilespmem:v1+s30+$0x0] =	vst.idx.add.f32.msk $0xffff, v2  }
0x109: {  	v1 =	vld [tilespmem:$0x8530];
	_ =	sdelay $0x2  }
0x10a: {  	v2 =	vld [tilespmem:$0x8D30];
	_ =	sdelay $0x4  }
0x10b: {  	[tilespmem:v1+s30+$0x0] =	vst.idx.add.f32.msk $0xffff, v2  }
0x10c: {  	v1 =	vld [tilespmem:$0x8540];
	_ =	sdelay $0x2  }
0x10d: {  	v2 =	vld [tilespmem:$0x8D40];
	_ =	sdelay $0x4  }
0x10e: {  	[tilespmem:v1+s30+$0x0] =	vst.idx.add.f32.msk $0xffff, v2  }
0x10f: {  	v1 =	vld [tilespmem:$0x8550];
	_ =	sdelay $0x2  }
0x110: {  	v2 =	vld [tilespmem:$0x8D50];
	_ =	sdelay $0x4  }
0x111: {  	[tilespmem:v1+s30+$0x0] =	vst.idx.add.f32.msk $0xffff, v2  }
0x112: {  	v1 =	vld [tilespmem:$0x8560];
	_ =	sdelay $0x2  }
0x113: {  	v2 =	vld [tilespmem:$0x8D60];
	_ =	sdelay $0x4  }
0x114: {  	[tilespmem:v1+s30+$0x0] =	vst.idx.add.f32.msk $0xffff, v2  }
0x115: {  	v1 =	vld [tilespmem:$0x8570];
	_ =	sdelay $0x2  }
0x116: {  	v2 =	vld [tilespmem:$0x8D70];
	_ =	sdelay $0x4  }
0x117: {  	[tilespmem:v1+s30+$0x0] =	vst.idx.add.f32.msk $0xffff, v2  }
0x118: {  	v1 =	vld [tilespmem:$0x8580];
	_ =	sdelay $0x2  }
0x119: {  	v2 =	vld [tilespmem:$0x8D80];
	_ =	sdelay $0x4  }
0x11a: {  	[tilespmem:v1+s30+$0x0] =	vst.idx.add.f32.msk $0xffff, v2  }
0x11b: {  	v1 =	vld [tilespmem:$0x8590];
	_ =	sdelay $0x2  }
0x11c: {  	v2 =	vld [tilespmem:$0x8D90];
	_ =	sdelay $0x4  }
0x11d: {  	[tilespmem:v1+s30+$0x0] =	vst.idx.add.f32.msk $0xffff, v2  }
0x11e: {  	v1 =	vld [tilespmem:$0x85A0];
	_ =	sdelay $0x2  }
0x11f: {  	v2 =	vld [tilespmem:$0x8DA0];
	_ =	sdelay $0x4  }
0x120: {  	[tilespmem:v1+s30+$0x0] =	vst.idx.add.f32.msk $0xffff, v2  }
0x121: {  	v1 =	vld [tilespmem:$0x85B0];
	_ =	sdelay $0x2  }
0x122: {  	v2 =	vld [tilespmem:$0x8DB0];
	_ =	sdelay $0x4  }
0x123: {  	[tilespmem:v1+s30+$0x0] =	vst.idx.add.f32.msk $0xffff, v2  }
0x124: {  	v1 =	vld [tilespmem:$0x85C0];
	_ =	sdelay $0x2  }
0x125: {  	v2 =	vld [tilespmem:$0x8DC0];
	_ =	sdelay $0x4  }
0x126: {  	[tilespmem:v1+s30+$0x0] =	vst.idx.add.f32.msk $0xffff, v2  }
0x127: {  	v1 =	vld [tilespmem:$0x85D0];
	_ =	sdelay $0x2  }
0x128: {  	v2 =	vld [tilespmem:$0x8DD0];
	_ =	sdelay $0x4  }
0x129: {  	[tilespmem:v1+s30+$0x0] =	vst.idx.add.f32.msk $0xffff, v2  }
0x12a: {  	v1 =	vld [tilespmem:$0x85E0];
	_ =	sdelay $0x2  }
0x12b: {  	v2 =	vld [tilespmem:$0x8DE0];
	_ =	sdelay $0x4  }
0x12c: {  	[tilespmem:v1+s30+$0x0] =	vst.idx.add.f32.msk $0xffff, v2  }
0x12d: {  	v1 =	vld [tilespmem:$0x85F0];
	_ =	sdelay $0x2  }
0x12e: {  	v2 =	vld [tilespmem:$0x8DF0];
	_ =	sdelay $0x4  }
0x12f: {  	[tilespmem:v1+s30+$0x0] =	vst.idx.add.f32.msk $0xffff, v2  }
0x130: {  	v1 =	vld [tilespmem:$0x8600];
	_ =	sdelay $0x2  }
0x131: {  	v2 =	vld [tilespmem:$0x8E00];
	_ =	sdelay $0x4  }
0x132: {  	[tilespmem:v1+s30+$0x0] =	vst.idx.add.f32.msk $0xffff, v2  }
0x133: {  	v1 =	vld [tilespmem:$0x8610];
	_ =	sdelay $0x2  }
0x134: {  	v2 =	vld [tilespmem:$0x8E10];
	_ =	sdelay $0x4  }
0x135: {  	[tilespmem:v1+s30+$0x0] =	vst.idx.add.f32.msk $0xffff, v2  }
0x136: {  	v1 =	vld [tilespmem:$0x8620];
	_ =	sdelay $0x2  }
0x137: {  	v2 =	vld [tilespmem:$0x8E20];
	_ =	sdelay $0x4  }
0x138: {  	[tilespmem:v1+s30+$0x0] =	vst.idx.add.f32.msk $0xffff, v2  }
0x139: {  	v1 =	vld [tilespmem:$0x8630];
	_ =	sdelay $0x2  }
0x13a: {  	v2 =	vld [tilespmem:$0x8E30];
	_ =	sdelay $0x4  }
0x13b: {  	[tilespmem:v1+s30+$0x0] =	vst.idx.add.f32.msk $0xffff, v2  }
0x13c: {  	v1 =	vld [tilespmem:$0x8640];
	_ =	sdelay $0x2  }
0x13d: {  	v2 =	vld [tilespmem:$0x8E40];
	_ =	sdelay $0x4  }
0x13e: {  	[tilespmem:v1+s30+$0x0] =	vst.idx.add.f32.msk $0xffff, v2  }
0x13f: {  	v1 =	vld [tilespmem:$0x8650];
	_ =	sdelay $0x2  }
0x140: {  	v2 =	vld [tilespmem:$0x8E50];
	_ =	sdelay $0x4  }
0x141: {  	[tilespmem:v1+s30+$0x0] =	vst.idx.add.f32.msk $0xffff, v2  }
0x142: {  	v1 =	vld [tilespmem:$0x8660];
	_ =	sdelay $0x2  }
0x143: {  	v2 =	vld [tilespmem:$0x8E60];
	_ =	sdelay $0x4  }
0x144: {  	[tilespmem:v1+s30+$0x0] =	vst.idx.add.f32.msk $0xffff, v2  }
0x145: {  	v1 =	vld [tilespmem:$0x8670];
	_ =	sdelay $0x2  }
0x146: {  	v2 =	vld [tilespmem:$0x8E70];
	_ =	sdelay $0x4  }
0x147: {  	[tilespmem:v1+s30+$0x0] =	vst.idx.add.f32.msk $0xffff, v2  }
0x148: {  	v1 =	vld [tilespmem:$0x8680];
	_ =	sdelay $0x2  }
0x149: {  	v2 =	vld [tilespmem:$0x8E80];
	_ =	sdelay $0x4  }
0x14a: {  	[tilespmem:v1+s30+$0x0] =	vst.idx.add.f32.msk $0xffff, v2  }
0x14b: {  	v1 =	vld [tilespmem:$0x8690];
	_ =	sdelay $0x2  }
0x14c: {  	v2 =	vld [tilespmem:$0x8E90];
	_ =	sdelay $0x4  }
0x14d: {  	[tilespmem:v1+s30+$0x0] =	vst.idx.add.f32.msk $0xffff, v2  }
0x14e: {  	v1 =	vld [tilespmem:$0x86A0];
	_ =	sdelay $0x2  }
0x14f: {  	v2 =	vld [tilespmem:$0x8EA0];
	_ =	sdelay $0x4  }
0x150: {  	[tilespmem:v1+s30+$0x0] =	vst.idx.add.f32.msk $0xffff, v2  }
0x151: {  	v1 =	vld [tilespmem:$0x86B0];
	_ =	sdelay $0x2  }
0x152: {  	v2 =	vld [tilespmem:$0x8EB0];
	_ =	sdelay $0x4  }
0x153: {  	[tilespmem:v1+s30+$0x0] =	vst.idx.add.f32.msk $0xffff, v2  }
0x154: {  	v1 =	vld [tilespmem:$0x86C0];
	_ =	sdelay $0x2  }
0x155: {  	v2 =	vld [tilespmem:$0x8EC0];
	_ =	sdelay $0x4  }
0x156: {  	[tilespmem:v1+s30+$0x0] =	vst.idx.add.f32.msk $0xffff, v2  }
0x157: {  	v1 =	vld [tilespmem:$0x86D0];
	_ =	sdelay $0x2  }
0x158: {  	v2 =	vld [tilespmem:$0x8ED0];
	_ =	sdelay $0x4  }
0x159: {  	[tilespmem:v1+s30+$0x0] =	vst.idx.add.f32.msk $0xffff, v2  }
0x15a: {  	v1 =	vld [tilespmem:$0x86E0];
	_ =	sdelay $0x2  }
0x15b: {  	v2 =	vld [tilespmem:$0x8EE0];
	_ =	sdelay $0x4  }
0x15c: {  	[tilespmem:v1+s30+$0x0] =	vst.idx.add.f32.msk $0xffff, v2  }
0x15d: {  	v1 =	vld [tilespmem:$0x86F0];
	_ =	sdelay $0x2  }
0x15e: {  	v2 =	vld [tilespmem:$0x8EF0];
	_ =	sdelay $0x4  }
0x15f: {  	[tilespmem:v1+s30+$0x0] =	vst.idx.add.f32.msk $0xffff, v2  }
0x160: {  	v1 =	vld [tilespmem:$0x8700];
	_ =	sdelay $0x2  }
0x161: {  	v2 =	vld [tilespmem:$0x8F00];
	_ =	sdelay $0x4  }
0x162: {  	[tilespmem:v1+s30+$0x0] =	vst.idx.add.f32.msk $0xffff, v2  }
0x163: {  	v1 =	vld [tilespmem:$0x8710];
	_ =	sdelay $0x2  }
0x164: {  	v2 =	vld [tilespmem:$0x8F10];
	_ =	sdelay $0x4  }
0x165: {  	[tilespmem:v1+s30+$0x0] =	vst.idx.add.f32.msk $0xffff, v2  }
0x166: {  	v1 =	vld [tilespmem:$0x8720];
	_ =	sdelay $0x2  }
0x167: {  	v2 =	vld [tilespmem:$0x8F20];
	_ =	sdelay $0x4  }
0x168: {  	[tilespmem:v1+s30+$0x0] =	vst.idx.add.f32.msk $0xffff, v2  }
0x169: {  	v1 =	vld [tilespmem:$0x8730];
	_ =	sdelay $0x2  }
0x16a: {  	v2 =	vld [tilespmem:$0x8F30];
	_ =	sdelay $0x4  }
0x16b: {  	[tilespmem:v1+s30+$0x0] =	vst.idx.add.f32.msk $0xffff, v2  }
0x16c: {  	v1 =	vld [tilespmem:$0x8740];
	_ =	sdelay $0x2  }
0x16d: {  	v2 =	vld [tilespmem:$0x8F40];
	_ =	sdelay $0x4  }
0x16e: {  	[tilespmem:v1+s30+$0x0] =	vst.idx.add.f32.msk $0xffff, v2  }
0x16f: {  	v1 =	vld [tilespmem:$0x8750];
	_ =	sdelay $0x2  }
0x170: {  	v2 =	vld [tilespmem:$0x8F50];
	_ =	sdelay $0x4  }
0x171: {  	[tilespmem:v1+s30+$0x0] =	vst.idx.add.f32.msk $0xffff, v2  }
0x172: {  	v1 =	vld [tilespmem:$0x8760];
	_ =	sdelay $0x2  }
0x173: {  	v2 =	vld [tilespmem:$0x8F60];
	_ =	sdelay $0x4  }
0x174: {  	[tilespmem:v1+s30+$0x0] =	vst.idx.add.f32.msk $0xffff, v2  }
0x175: {  	v1 =	vld [tilespmem:$0x8770];
	_ =	sdelay $0x2  }
0x176: {  	v2 =	vld [tilespmem:$0x8F70];
	_ =	sdelay $0x4  }
0x177: {  	[tilespmem:v1+s30+$0x0] =	vst.idx.add.f32.msk $0xffff, v2  }
0x178: {  	v1 =	vld [tilespmem:$0x8780];
	_ =	sdelay $0x2  }
0x179: {  	v2 =	vld [tilespmem:$0x8F80];
	_ =	sdelay $0x4  }
0x17a: {  	[tilespmem:v1+s30+$0x0] =	vst.idx.add.f32.msk $0xffff, v2  }
0x17b: {  	v1 =	vld [tilespmem:$0x8790];
	_ =	sdelay $0x2  }
0x17c: {  	v2 =	vld [tilespmem:$0x8F90];
	_ =	sdelay $0x4  }
0x17d: {  	[tilespmem:v1+s30+$0x0] =	vst.idx.add.f32.msk $0xffff, v2  }
0x17e: {  	v1 =	vld [tilespmem:$0x87A0];
	_ =	sdelay $0x2  }
0x17f: {  	v2 =	vld [tilespmem:$0x8FA0];
	_ =	sdelay $0x4  }
0x180: {  	[tilespmem:v1+s30+$0x0] =	vst.idx.add.f32.msk $0xffff, v2  }
0x181: {  	v1 =	vld [tilespmem:$0x87B0];
	_ =	sdelay $0x2  }
0x182: {  	v2 =	vld [tilespmem:$0x8FB0];
	_ =	sdelay $0x4  }
0x183: {  	[tilespmem:v1+s30+$0x0] =	vst.idx.add.f32.msk $0xffff, v2  }
0x184: {  	v1 =	vld [tilespmem:$0x87C0];
	_ =	sdelay $0x2  }
0x185: {  	v2 =	vld [tilespmem:$0x8FC0];
	_ =	sdelay $0x4  }
0x186: {  	[tilespmem:v1+s30+$0x0] =	vst.idx.add.f32.msk $0xffff, v2  }
0x187: {  	v1 =	vld [tilespmem:$0x87D0];
	_ =	sdelay $0x2  }
0x188: {  	v2 =	vld [tilespmem:$0x8FD0];
	_ =	sdelay $0x4  }
0x189: {  	[tilespmem:v1+s30+$0x0] =	vst.idx.add.f32.msk $0xffff, v2  }
0x18a: {  	v1 =	vld [tilespmem:$0x87E0];
	_ =	sdelay $0x2  }
0x18b: {  	v2 =	vld [tilespmem:$0x8FE0];
	_ =	sdelay $0x4  }
0x18c: {  	[tilespmem:v1+s30+$0x0] =	vst.idx.add.f32.msk $0xffff, v2  }
0x18d: {  	v1 =	vld [tilespmem:$0x87F0];
	_ =	sdelay $0x2  }
0x18e: {  	v2 =	vld [tilespmem:$0x8FF0];
	_ =	sdelay $0x4  }
0x18f: {  	[tilespmem:v1+s30+$0x0] =	vst.idx.add.f32.msk $0xffff, v2  }
0x190: {  	v1 =	vld [tilespmem:$0x8800];
	_ =	sdelay $0x2  }
0x191: {  	v2 =	vld [tilespmem:$0x9000];
	_ =	sdelay $0x4  }
0x192: {  	[tilespmem:v1+s30+$0x0] =	vst.idx.add.f32.msk $0xffff, v2  }
0x193: {  	v1 =	vld [tilespmem:$0x8810];
	_ =	sdelay $0x2  }
0x194: {  	v2 =	vld [tilespmem:$0x9010];
	_ =	sdelay $0x4  }
0x195: {  	[tilespmem:v1+s30+$0x0] =	vst.idx.add.f32.msk $0xffff, v2  }
0x196: {  	v1 =	vld [tilespmem:$0x8820];
	_ =	sdelay $0x2  }
0x197: {  	v2 =	vld [tilespmem:$0x9020];
	_ =	sdelay $0x4  }
0x198: {  	[tilespmem:v1+s30+$0x0] =	vst.idx.add.f32.msk $0xffff, v2  }
0x199: {  	v1 =	vld [tilespmem:$0x8830];
	_ =	sdelay $0x2  }
0x19a: {  	v2 =	vld [tilespmem:$0x9030];
	_ =	sdelay $0x4  }
0x19b: {  	[tilespmem:v1+s30+$0x0] =	vst.idx.add.f32.msk $0xffff, v2  }
0x19c: {  	v1 =	vld [tilespmem:$0x8840];
	_ =	sdelay $0x2  }
0x19d: {  	v2 =	vld [tilespmem:$0x9040];
	_ =	sdelay $0x4  }
0x19e: {  	[tilespmem:v1+s30+$0x0] =	vst.idx.add.f32.msk $0xffff, v2  }
0x19f: {  	v1 =	vld [tilespmem:$0x8850];
	_ =	sdelay $0x2  }
0x1a0: {  	v2 =	vld [tilespmem:$0x9050];
	_ =	sdelay $0x4  }
0x1a1: {  	[tilespmem:v1+s30+$0x0] =	vst.idx.add.f32.msk $0xffff, v2  }
0x1a2: {  	v1 =	vld [tilespmem:$0x8860];
	_ =	sdelay $0x2  }
0x1a3: {  	v2 =	vld [tilespmem:$0x9060];
	_ =	sdelay $0x4  }
0x1a4: {  	[tilespmem:v1+s30+$0x0] =	vst.idx.add.f32.msk $0xffff, v2  }
0x1a5: {  	v1 =	vld [tilespmem:$0x8870];
	_ =	sdelay $0x2  }
0x1a6: {  	v2 =	vld [tilespmem:$0x9070];
	_ =	sdelay $0x4  }
0x1a7: {  	[tilespmem:v1+s30+$0x0] =	vst.idx.add.f32.msk $0xffff, v2  }
0x1a8: {  	v1 =	vld [tilespmem:$0x8880];
	_ =	sdelay $0x2  }
0x1a9: {  	v2 =	vld [tilespmem:$0x9080];
	_ =	sdelay $0x4  }
0x1aa: {  	[tilespmem:v1+s30+$0x0] =	vst.idx.add.f32.msk $0xffff, v2  }
0x1ab: {  	v1 =	vld [tilespmem:$0x8890];
	_ =	sdelay $0x2  }
0x1ac: {  	v2 =	vld [tilespmem:$0x9090];
	_ =	sdelay $0x4  }
0x1ad: {  	[tilespmem:v1+s30+$0x0] =	vst.idx.add.f32.msk $0xffff, v2  }
0x1ae: {  	v1 =	vld [tilespmem:$0x88A0];
	_ =	sdelay $0x2  }
0x1af: {  	v2 =	vld [tilespmem:$0x90A0];
	_ =	sdelay $0x4  }
0x1b0: {  	[tilespmem:v1+s30+$0x0] =	vst.idx.add.f32.msk $0xffff, v2  }
0x1b1: {  	v1 =	vld [tilespmem:$0x88B0];
	_ =	sdelay $0x2  }
0x1b2: {  	v2 =	vld [tilespmem:$0x90B0];
	_ =	sdelay $0x4  }
0x1b3: {  	[tilespmem:v1+s30+$0x0] =	vst.idx.add.f32.msk $0xffff, v2  }
0x1b4: {  	v1 =	vld [tilespmem:$0x88C0];
	_ =	sdelay $0x2  }
0x1b5: {  	v2 =	vld [tilespmem:$0x90C0];
	_ =	sdelay $0x4  }
0x1b6: {  	[tilespmem:v1+s30+$0x0] =	vst.idx.add.f32.msk $0xffff, v2  }
0x1b7: {  	v1 =	vld [tilespmem:$0x88D0];
	_ =	sdelay $0x2  }
0x1b8: {  	v2 =	vld [tilespmem:$0x90D0];
	_ =	sdelay $0x4  }
0x1b9: {  	[tilespmem:v1+s30+$0x0] =	vst.idx.add.f32.msk $0xffff, v2  }
0x1ba: {  	v1 =	vld [tilespmem:$0x88E0];
	_ =	sdelay $0x2  }
0x1bb: {  	v2 =	vld [tilespmem:$0x90E0];
	_ =	sdelay $0x4  }
0x1bc: {  	[tilespmem:v1+s30+$0x0] =	vst.idx.add.f32.msk $0xffff, v2  }
0x1bd: {  	v1 =	vld [tilespmem:$0x88F0];
	_ =	sdelay $0x2  }
0x1be: {  	v2 =	vld [tilespmem:$0x90F0];
	_ =	sdelay $0x4  }
0x1bf: {  	[tilespmem:v1+s30+$0x0] =	vst.idx.add.f32.msk $0xffff, v2  }
0x1c0: {  	v1 =	vld [tilespmem:$0x8900];
	_ =	sdelay $0x2  }
0x1c1: {  	v2 =	vld [tilespmem:$0x9100];
	_ =	sdelay $0x4  }
0x1c2: {  	[tilespmem:v1+s30+$0x0] =	vst.idx.add.f32.msk $0xffff, v2  }
0x1c3: {  	v1 =	vld [tilespmem:$0x8910];
	_ =	sdelay $0x2  }
0x1c4: {  	v2 =	vld [tilespmem:$0x9110];
	_ =	sdelay $0x4  }
0x1c5: {  	[tilespmem:v1+s30+$0x0] =	vst.idx.add.f32.msk $0xffff, v2  }
0x1c6: {  	v1 =	vld [tilespmem:$0x8920];
	_ =	sdelay $0x2  }
0x1c7: {  	v2 =	vld [tilespmem:$0x9120];
	_ =	sdelay $0x4  }
0x1c8: {  	[tilespmem:v1+s30+$0x0] =	vst.idx.add.f32.msk $0xffff, v2  }
0x1c9: {  	v1 =	vld [tilespmem:$0x8930];
	_ =	sdelay $0x2  }
0x1ca: {  	v2 =	vld [tilespmem:$0x9130];
	_ =	sdelay $0x4  }
0x1cb: {  	[tilespmem:v1+s30+$0x0] =	vst.idx.add.f32.msk $0xffff, v2  }
0x1cc: {  	v1 =	vld [tilespmem:$0x8940];
	_ =	sdelay $0x2  }
0x1cd: {  	v2 =	vld [tilespmem:$0x9140];
	_ =	sdelay $0x4  }
0x1ce: {  	[tilespmem:v1+s30+$0x0] =	vst.idx.add.f32.msk $0xffff, v2  }
0x1cf: {  	v1 =	vld [tilespmem:$0x8950];
	_ =	sdelay $0x2  }
0x1d0: {  	v2 =	vld [tilespmem:$0x9150];
	_ =	sdelay $0x4  }
0x1d1: {  	[tilespmem:v1+s30+$0x0] =	vst.idx.add.f32.msk $0xffff, v2  }
0x1d2: {  	v1 =	vld [tilespmem:$0x8960];
	_ =	sdelay $0x2  }
0x1d3: {  	v2 =	vld [tilespmem:$0x9160];
	_ =	sdelay $0x4  }
0x1d4: {  	[tilespmem:v1+s30+$0x0] =	vst.idx.add.f32.msk $0xffff, v2  }
0x1d5: {  	v1 =	vld [tilespmem:$0x8970];
	_ =	sdelay $0x2  }
0x1d6: {  	v2 =	vld [tilespmem:$0x9170];
	_ =	sdelay $0x4  }
0x1d7: {  	[tilespmem:v1+s30+$0x0] =	vst.idx.add.f32.msk $0xffff, v2  }
0x1d8: {  	_ =	swait.ge [sflag:s31], $0x4000  }
0x1d9: {  	s18 =	rddreg [dreg:$0x4];
	[sflag:s31] =	ssyncset.done $0x0  }
0x1da: {  	[sflag:s31] =	ssyncadd.s32 $0xFFFFC000;
	s17 =	sadd.s32 s12, s18  }
0x1db: {  	[tilespmem:s2], [sflag:$0x3] =	stream.linear.gather [hbm4b:s17+s4], $0x80, $0x38;
	[tilespmem:$0x1F980] =	vst v63  }
0x1dc: {  	_ =	swait.ge [sflag:s24], $0x80  }
0x1dd: {  	[sflag:s24] =	ssyncset.done $0x0  }
0x1de: {  	[sflag:s24] =	ssyncadd.s32 $0xFFFFFF80  }
0x1df: {  	[spmem:s3] =	stream.indirect.scatter.add.f32 [tilespmem:s23], [sflag:$0x3], $0x80, s2, s25, $0xb8;
	[tilespmem:$0x1F980] =	vst v63  }
0x1e0: {  	s19 =	sadd.s32 $0x1, s13;
	_ =	swait.ge [sflag:s24], $0x4000  }
0x1e1: {  	p0 =	sge.u32 s19, s6;
	s17 =	rddreg [dreg:$0x8];
	[sflag:s24] =	ssyncset.done $0x0  }
0x1e2: {  	s18 =	simm.s32 @!p0 $0x0;
	[sflag:s24] =	ssyncadd.s32 $0xFFFFC000;
	s17 =	sadd.s32 @!p0 s12, s17  }
0x1e3: {  	[tilespmem:s18], [sflag:$0x3] =	stream.linear.gather @!p0 [hbm4b:s17+s18], $0x80, $0x38;
	[tilespmem:$0x1F980] =	vst v63  }
0x1e4: {  	s17 =	simm.s32 @!p0 $0x3  }
0x1e5: {  	_ =	swait.ge @!p0 [sflag:s17], $0x80  }
0x1e6: {  	[sflag:s17] =	ssyncset.done @!p0 $0x0  }
0x1e7: {  	s19 =	simm.s32 @!p0 $0x180;
	[sflag:s17] =	ssyncadd.s32 @!p0 $0xFFFFFF80;
	s17 =	simm.s32 @!p0 $0x80  }
0x1e8: {  	[tilespmem:s19], [sflag:$0x1] =	stream.indirect.gather @!p0 [hbm4b:s1+s17], $0x80, s18, s17, $0xb8;
	[tilespmem:$0x1F980] =	vst v63  }
0x1e9: {  	s18 =	sadd.s32 $0x100, s20  }
0x1ea: {  	[tilespmem:s26], [sflag:$0x3] =	stream.linear.gather [hbm4b:s18+s4], $0x800, $0x38;
	[tilespmem:$0x1F980] =	vst v63  }
0x1eb: {  	_ =	swait.ge [sflag:s24], $0x800  }
0x1ec: {  	[sflag:s24] =	ssyncset.done $0x0  }
0x1ed: {  	[sflag:s24] =	ssyncadd.s32 $0xFFFFF800  }
0x1ee: {  	[tilespmem:s29], [sflag:$0x3] =	stream.strided.gather [hbm4b:s22+s25], $0x800, s28, s25, $0x38;
	[tilespmem:$0x1F980] =	vst v63  }
0x1ef: {  	_ =	swait.ge [sflag:s24], $0x800  }
0x1f0: {  	[sflag:s24] =	ssyncset.done $0x0  }
0x1f1: {  	[sflag:s24] =	ssyncadd.s32 $0xFFFFF800  }
0x1f2: {  	v1 =	vld [tilespmem:$0x8180];
	_ =	sdelay $0x2  }
0x1f3: {  	v2 =	vld [tilespmem:$0x8980];
	_ =	sdelay $0x4  }
0x1f4: {  	[tilespmem:v1+s30+$0x0] =	vst.idx.add.f32.msk $0xffff, v2  }
0x1f5: {  	v1 =	vld [tilespmem:$0x8190];
	_ =	sdelay $0x2  }
0x1f6: {  	v2 =	vld [tilespmem:$0x8990];
	_ =	sdelay $0x4  }
0x1f7: {  	[tilespmem:v1+s30+$0x0] =	vst.idx.add.f32.msk $0xffff, v2  }
0x1f8: {  	v1 =	vld [tilespmem:$0x81A0];
	_ =	sdelay $0x2  }
0x1f9: {  	v2 =	vld [tilespmem:$0x89A0];
	_ =	sdelay $0x4  }
0x1fa: {  	[tilespmem:v1+s30+$0x0] =	vst.idx.add.f32.msk $0xffff, v2  }
0x1fb: {  	v1 =	vld [tilespmem:$0x81B0];
	_ =	sdelay $0x2  }
0x1fc: {  	v2 =	vld [tilespmem:$0x89B0];
	_ =	sdelay $0x4  }
0x1fd: {  	[tilespmem:v1+s30+$0x0] =	vst.idx.add.f32.msk $0xffff, v2  }
0x1fe: {  	v1 =	vld [tilespmem:$0x81C0];
	_ =	sdelay $0x2  }
0x1ff: {  	v2 =	vld [tilespmem:$0x89C0];
	_ =	sdelay $0x4  }
0x200: {  	[tilespmem:v1+s30+$0x0] =	vst.idx.add.f32.msk $0xffff, v2  }
0x201: {  	v1 =	vld [tilespmem:$0x81D0];
	_ =	sdelay $0x2  }
0x202: {  	v2 =	vld [tilespmem:$0x89D0];
	_ =	sdelay $0x4  }
0x203: {  	[tilespmem:v1+s30+$0x0] =	vst.idx.add.f32.msk $0xffff, v2  }
0x204: {  	v1 =	vld [tilespmem:$0x81E0];
	_ =	sdelay $0x2  }
0x205: {  	v2 =	vld [tilespmem:$0x89E0];
	_ =	sdelay $0x4  }
0x206: {  	[tilespmem:v1+s30+$0x0] =	vst.idx.add.f32.msk $0xffff, v2  }
0x207: {  	v1 =	vld [tilespmem:$0x81F0];
	_ =	sdelay $0x2  }
0x208: {  	v2 =	vld [tilespmem:$0x89F0];
	_ =	sdelay $0x4  }
0x209: {  	[tilespmem:v1+s30+$0x0] =	vst.idx.add.f32.msk $0xffff, v2  }
0x20a: {  	v1 =	vld [tilespmem:$0x8200];
	_ =	sdelay $0x2  }
0x20b: {  	v2 =	vld [tilespmem:$0x8A00];
	_ =	sdelay $0x4  }
0x20c: {  	[tilespmem:v1+s30+$0x0] =	vst.idx.add.f32.msk $0xffff, v2  }
0x20d: {  	v1 =	vld [tilespmem:$0x8210];
	_ =	sdelay $0x2  }
0x20e: {  	v2 =	vld [tilespmem:$0x8A10];
	_ =	sdelay $0x4  }
0x20f: {  	[tilespmem:v1+s30+$0x0] =	vst.idx.add.f32.msk $0xffff, v2  }
0x210: {  	v1 =	vld [tilespmem:$0x8220];
	_ =	sdelay $0x2  }
0x211: {  	v2 =	vld [tilespmem:$0x8A20];
	_ =	sdelay $0x4  }
0x212: {  	[tilespmem:v1+s30+$0x0] =	vst.idx.add.f32.msk $0xffff, v2  }
0x213: {  	v1 =	vld [tilespmem:$0x8230];
	_ =	sdelay $0x2  }
0x214: {  	v2 =	vld [tilespmem:$0x8A30];
	_ =	sdelay $0x4  }
0x215: {  	[tilespmem:v1+s30+$0x0] =	vst.idx.add.f32.msk $0xffff, v2  }
0x216: {  	v1 =	vld [tilespmem:$0x8240];
	_ =	sdelay $0x2  }
0x217: {  	v2 =	vld [tilespmem:$0x8A40];
	_ =	sdelay $0x4  }
0x218: {  	[tilespmem:v1+s30+$0x0] =	vst.idx.add.f32.msk $0xffff, v2  }
0x219: {  	v1 =	vld [tilespmem:$0x8250];
	_ =	sdelay $0x2  }
0x21a: {  	v2 =	vld [tilespmem:$0x8A50];
	_ =	sdelay $0x4  }
0x21b: {  	[tilespmem:v1+s30+$0x0] =	vst.idx.add.f32.msk $0xffff, v2  }
0x21c: {  	v1 =	vld [tilespmem:$0x8260];
	_ =	sdelay $0x2  }
0x21d: {  	v2 =	vld [tilespmem:$0x8A60];
	_ =	sdelay $0x4  }
0x21e: {  	[tilespmem:v1+s30+$0x0] =	vst.idx.add.f32.msk $0xffff, v2  }
0x21f: {  	v1 =	vld [tilespmem:$0x8270];
	_ =	sdelay $0x2  }
0x220: {  	v2 =	vld [tilespmem:$0x8A70];
	_ =	sdelay $0x4  }
0x221: {  	[tilespmem:v1+s30+$0x0] =	vst.idx.add.f32.msk $0xffff, v2  }
0x222: {  	v1 =	vld [tilespmem:$0x8280];
	_ =	sdelay $0x2  }
0x223: {  	v2 =	vld [tilespmem:$0x8A80];
	_ =	sdelay $0x4  }
0x224: {  	[tilespmem:v1+s30+$0x0] =	vst.idx.add.f32.msk $0xffff, v2  }
0x225: {  	v1 =	vld [tilespmem:$0x8290];
	_ =	sdelay $0x2  }
0x226: {  	v2 =	vld [tilespmem:$0x8A90];
	_ =	sdelay $0x4  }
0x227: {  	[tilespmem:v1+s30+$0x0] =	vst.idx.add.f32.msk $0xffff, v2  }
0x228: {  	v1 =	vld [tilespmem:$0x82A0];
	_ =	sdelay $0x2  }
0x229: {  	v2 =	vld [tilespmem:$0x8AA0];
	_ =	sdelay $0x4  }
0x22a: {  	[tilespmem:v1+s30+$0x0] =	vst.idx.add.f32.msk $0xffff, v2  }
0x22b: {  	v1 =	vld [tilespmem:$0x82B0];
	_ =	sdelay $0x2  }
0x22c: {  	v2 =	vld [tilespmem:$0x8AB0];
	_ =	sdelay $0x4  }
0x22d: {  	[tilespmem:v1+s30+$0x0] =	vst.idx.add.f32.msk $0xffff, v2  }
0x22e: {  	v1 =	vld [tilespmem:$0x82C0];
	_ =	sdelay $0x2  }
0x22f: {  	v2 =	vld [tilespmem:$0x8AC0];
	_ =	sdelay $0x4  }
0x230: {  	[tilespmem:v1+s30+$0x0] =	vst.idx.add.f32.msk $0xffff, v2  }
0x231: {  	v1 =	vld [tilespmem:$0x82D0];
	_ =	sdelay $0x2  }
0x232: {  	v2 =	vld [tilespmem:$0x8AD0];
	_ =	sdelay $0x4  }
0x233: {  	[tilespmem:v1+s30+$0x0] =	vst.idx.add.f32.msk $0xffff, v2  }
0x234: {  	v1 =	vld [tilespmem:$0x82E0];
	_ =	sdelay $0x2  }
0x235: {  	v2 =	vld [tilespmem:$0x8AE0];
	_ =	sdelay $0x4  }
0x236: {  	[tilespmem:v1+s30+$0x0] =	vst.idx.add.f32.msk $0xffff, v2  }
0x237: {  	v1 =	vld [tilespmem:$0x82F0];
	_ =	sdelay $0x2  }
0x238: {  	v2 =	vld [tilespmem:$0x8AF0];
	_ =	sdelay $0x4  }
0x239: {  	[tilespmem:v1+s30+$0x0] =	vst.idx.add.f32.msk $0xffff, v2  }
0x23a: {  	v1 =	vld [tilespmem:$0x8300];
	_ =	sdelay $0x2  }
0x23b: {  	v2 =	vld [tilespmem:$0x8B00];
	_ =	sdelay $0x4  }
0x23c: {  	[tilespmem:v1+s30+$0x0] =	vst.idx.add.f32.msk $0xffff, v2  }
0x23d: {  	v1 =	vld [tilespmem:$0x8310];
	_ =	sdelay $0x2  }
0x23e: {  	v2 =	vld [tilespmem:$0x8B10];
	_ =	sdelay $0x4  }
0x23f: {  	[tilespmem:v1+s30+$0x0] =	vst.idx.add.f32.msk $0xffff, v2  }
0x240: {  	v1 =	vld [tilespmem:$0x8320];
	_ =	sdelay $0x2  }
0x241: {  	v2 =	vld [tilespmem:$0x8B20];
	_ =	sdelay $0x4  }
0x242: {  	[tilespmem:v1+s30+$0x0] =	vst.idx.add.f32.msk $0xffff, v2  }
0x243: {  	v1 =	vld [tilespmem:$0x8330];
	_ =	sdelay $0x2  }
0x244: {  	v2 =	vld [tilespmem:$0x8B30];
	_ =	sdelay $0x4  }
0x245: {  	[tilespmem:v1+s30+$0x0] =	vst.idx.add.f32.msk $0xffff, v2  }
0x246: {  	v1 =	vld [tilespmem:$0x8340];
	_ =	sdelay $0x2  }
0x247: {  	v2 =	vld [tilespmem:$0x8B40];
	_ =	sdelay $0x4  }
0x248: {  	[tilespmem:v1+s30+$0x0] =	vst.idx.add.f32.msk $0xffff, v2  }
0x249: {  	v1 =	vld [tilespmem:$0x8350];
	_ =	sdelay $0x2  }
0x24a: {  	v2 =	vld [tilespmem:$0x8B50];
	_ =	sdelay $0x4  }
0x24b: {  	[tilespmem:v1+s30+$0x0] =	vst.idx.add.f32.msk $0xffff, v2  }
0x24c: {  	v1 =	vld [tilespmem:$0x8360];
	_ =	sdelay $0x2  }
0x24d: {  	v2 =	vld [tilespmem:$0x8B60];
	_ =	sdelay $0x4  }
0x24e: {  	[tilespmem:v1+s30+$0x0] =	vst.idx.add.f32.msk $0xffff, v2  }
0x24f: {  	v1 =	vld [tilespmem:$0x8370];
	_ =	sdelay $0x2  }
0x250: {  	v2 =	vld [tilespmem:$0x8B70];
	_ =	sdelay $0x4  }
0x251: {  	[tilespmem:v1+s30+$0x0] =	vst.idx.add.f32.msk $0xffff, v2  }
0x252: {  	v1 =	vld [tilespmem:$0x8380];
	_ =	sdelay $0x2  }
0x253: {  	v2 =	vld [tilespmem:$0x8B80];
	_ =	sdelay $0x4  }
0x254: {  	[tilespmem:v1+s30+$0x0] =	vst.idx.add.f32.msk $0xffff, v2  }
0x255: {  	v1 =	vld [tilespmem:$0x8390];
	_ =	sdelay $0x2  }
0x256: {  	v2 =	vld [tilespmem:$0x8B90];
	_ =	sdelay $0x4  }
0x257: {  	[tilespmem:v1+s30+$0x0] =	vst.idx.add.f32.msk $0xffff, v2  }
0x258: {  	v1 =	vld [tilespmem:$0x83A0];
	_ =	sdelay $0x2  }
0x259: {  	v2 =	vld [tilespmem:$0x8BA0];
	_ =	sdelay $0x4  }
0x25a: {  	[tilespmem:v1+s30+$0x0] =	vst.idx.add.f32.msk $0xffff, v2  }
0x25b: {  	v1 =	vld [tilespmem:$0x83B0];
	_ =	sdelay $0x2  }
0x25c: {  	v2 =	vld [tilespmem:$0x8BB0];
	_ =	sdelay $0x4  }
0x25d: {  	[tilespmem:v1+s30+$0x0] =	vst.idx.add.f32.msk $0xffff, v2  }
0x25e: {  	v1 =	vld [tilespmem:$0x83C0];
	_ =	sdelay $0x2  }
0x25f: {  	v2 =	vld [tilespmem:$0x8BC0];
	_ =	sdelay $0x4  }
0x260: {  	[tilespmem:v1+s30+$0x0] =	vst.idx.add.f32.msk $0xffff, v2  }
0x261: {  	v1 =	vld [tilespmem:$0x83D0];
	_ =	sdelay $0x2  }
0x262: {  	v2 =	vld [tilespmem:$0x8BD0];
	_ =	sdelay $0x4  }
0x263: {  	[tilespmem:v1+s30+$0x0] =	vst.idx.add.f32.msk $0xffff, v2  }
0x264: {  	v1 =	vld [tilespmem:$0x83E0];
	_ =	sdelay $0x2  }
0x265: {  	v2 =	vld [tilespmem:$0x8BE0];
	_ =	sdelay $0x4  }
0x266: {  	[tilespmem:v1+s30+$0x0] =	vst.idx.add.f32.msk $0xffff, v2  }
0x267: {  	v1 =	vld [tilespmem:$0x83F0];
	_ =	sdelay $0x2  }
0x268: {  	v2 =	vld [tilespmem:$0x8BF0];
	_ =	sdelay $0x4  }
0x269: {  	[tilespmem:v1+s30+$0x0] =	vst.idx.add.f32.msk $0xffff, v2  }
0x26a: {  	v1 =	vld [tilespmem:$0x8400];
	_ =	sdelay $0x2  }
0x26b: {  	v2 =	vld [tilespmem:$0x8C00];
	_ =	sdelay $0x4  }
0x26c: {  	[tilespmem:v1+s30+$0x0] =	vst.idx.add.f32.msk $0xffff, v2  }
0x26d: {  	v1 =	vld [tilespmem:$0x8410];
	_ =	sdelay $0x2  }
0x26e: {  	v2 =	vld [tilespmem:$0x8C10];
	_ =	sdelay $0x4  }
0x26f: {  	[tilespmem:v1+s30+$0x0] =	vst.idx.add.f32.msk $0xffff, v2  }
0x270: {  	v1 =	vld [tilespmem:$0x8420];
	_ =	sdelay $0x2  }
0x271: {  	v2 =	vld [tilespmem:$0x8C20];
	_ =	sdelay $0x4  }
0x272: {  	[tilespmem:v1+s30+$0x0] =	vst.idx.add.f32.msk $0xffff, v2  }
0x273: {  	v1 =	vld [tilespmem:$0x8430];
	_ =	sdelay $0x2  }
0x274: {  	v2 =	vld [tilespmem:$0x8C30];
	_ =	sdelay $0x4  }
0x275: {  	[tilespmem:v1+s30+$0x0] =	vst.idx.add.f32.msk $0xffff, v2  }
0x276: {  	v1 =	vld [tilespmem:$0x8440];
	_ =	sdelay $0x2  }
0x277: {  	v2 =	vld [tilespmem:$0x8C40];
	_ =	sdelay $0x4  }
0x278: {  	[tilespmem:v1+s30+$0x0] =	vst.idx.add.f32.msk $0xffff, v2  }
0x279: {  	v1 =	vld [tilespmem:$0x8450];
	_ =	sdelay $0x2  }
0x27a: {  	v2 =	vld [tilespmem:$0x8C50];
	_ =	sdelay $0x4  }
0x27b: {  	[tilespmem:v1+s30+$0x0] =	vst.idx.add.f32.msk $0xffff, v2  }
0x27c: {  	v1 =	vld [tilespmem:$0x8460];
	_ =	sdelay $0x2  }
0x27d: {  	v2 =	vld [tilespmem:$0x8C60];
	_ =	sdelay $0x4  }
0x27e: {  	[tilespmem:v1+s30+$0x0] =	vst.idx.add.f32.msk $0xffff, v2  }
0x27f: {  	v1 =	vld [tilespmem:$0x8470];
	_ =	sdelay $0x2  }
0x280: {  	v2 =	vld [tilespmem:$0x8C70];
	_ =	sdelay $0x4  }
0x281: {  	[tilespmem:v1+s30+$0x0] =	vst.idx.add.f32.msk $0xffff, v2  }
0x282: {  	v1 =	vld [tilespmem:$0x8480];
	_ =	sdelay $0x2  }
0x283: {  	v2 =	vld [tilespmem:$0x8C80];
	_ =	sdelay $0x4  }
0x284: {  	[tilespmem:v1+s30+$0x0] =	vst.idx.add.f32.msk $0xffff, v2  }
0x285: {  	v1 =	vld [tilespmem:$0x8490];
	_ =	sdelay $0x2  }
0x286: {  	v2 =	vld [tilespmem:$0x8C90];
	_ =	sdelay $0x4  }
0x287: {  	[tilespmem:v1+s30+$0x0] =	vst.idx.add.f32.msk $0xffff, v2  }
0x288: {  	v1 =	vld [tilespmem:$0x84A0];
	_ =	sdelay $0x2  }
0x289: {  	v2 =	vld [tilespmem:$0x8CA0];
	_ =	sdelay $0x4  }
0x28a: {  	[tilespmem:v1+s30+$0x0] =	vst.idx.add.f32.msk $0xffff, v2  }
0x28b: {  	v1 =	vld [tilespmem:$0x84B0];
	_ =	sdelay $0x2  }
0x28c: {  	v2 =	vld [tilespmem:$0x8CB0];
	_ =	sdelay $0x4  }
0x28d: {  	[tilespmem:v1+s30+$0x0] =	vst.idx.add.f32.msk $0xffff, v2  }
0x28e: {  	v1 =	vld [tilespmem:$0x84C0];
	_ =	sdelay $0x2  }
0x28f: {  	v2 =	vld [tilespmem:$0x8CC0];
	_ =	sdelay $0x4  }
0x290: {  	[tilespmem:v1+s30+$0x0] =	vst.idx.add.f32.msk $0xffff, v2  }
0x291: {  	v1 =	vld [tilespmem:$0x84D0];
	_ =	sdelay $0x2  }
0x292: {  	v2 =	vld [tilespmem:$0x8CD0];
	_ =	sdelay $0x4  }
0x293: {  	[tilespmem:v1+s30+$0x0] =	vst.idx.add.f32.msk $0xffff, v2  }
0x294: {  	v1 =	vld [tilespmem:$0x84E0];
	_ =	sdelay $0x2  }
0x295: {  	v2 =	vld [tilespmem:$0x8CE0];
	_ =	sdelay $0x4  }
0x296: {  	[tilespmem:v1+s30+$0x0] =	vst.idx.add.f32.msk $0xffff, v2  }
0x297: {  	v1 =	vld [tilespmem:$0x84F0];
	_ =	sdelay $0x2  }
0x298: {  	v2 =	vld [tilespmem:$0x8CF0];
	_ =	sdelay $0x4  }
0x299: {  	[tilespmem:v1+s30+$0x0] =	vst.idx.add.f32.msk $0xffff, v2  }
0x29a: {  	v1 =	vld [tilespmem:$0x8500];
	_ =	sdelay $0x2  }
0x29b: {  	v2 =	vld [tilespmem:$0x8D00];
	_ =	sdelay $0x4  }
0x29c: {  	[tilespmem:v1+s30+$0x0] =	vst.idx.add.f32.msk $0xffff, v2  }
0x29d: {  	v1 =	vld [tilespmem:$0x8510];
	_ =	sdelay $0x2  }
0x29e: {  	v2 =	vld [tilespmem:$0x8D10];
	_ =	sdelay $0x4  }
0x29f: {  	[tilespmem:v1+s30+$0x0] =	vst.idx.add.f32.msk $0xffff, v2  }
0x2a0: {  	v1 =	vld [tilespmem:$0x8520];
	_ =	sdelay $0x2  }
0x2a1: {  	v2 =	vld [tilespmem:$0x8D20];
	_ =	sdelay $0x4  }
0x2a2: {  	[tilespmem:v1+s30+$0x0] =	vst.idx.add.f32.msk $0xffff, v2  }
0x2a3: {  	v1 =	vld [tilespmem:$0x8530];
	_ =	sdelay $0x2  }
0x2a4: {  	v2 =	vld [tilespmem:$0x8D30];
	_ =	sdelay $0x4  }
0x2a5: {  	[tilespmem:v1+s30+$0x0] =	vst.idx.add.f32.msk $0xffff, v2  }
0x2a6: {  	v1 =	vld [tilespmem:$0x8540];
	_ =	sdelay $0x2  }
0x2a7: {  	v2 =	vld [tilespmem:$0x8D40];
	_ =	sdelay $0x4  }
0x2a8: {  	[tilespmem:v1+s30+$0x0] =	vst.idx.add.f32.msk $0xffff, v2  }
0x2a9: {  	v1 =	vld [tilespmem:$0x8550];
	_ =	sdelay $0x2  }
0x2aa: {  	v2 =	vld [tilespmem:$0x8D50];
	_ =	sdelay $0x4  }
0x2ab: {  	[tilespmem:v1+s30+$0x0] =	vst.idx.add.f32.msk $0xffff, v2  }
0x2ac: {  	v1 =	vld [tilespmem:$0x8560];
	_ =	sdelay $0x2  }
0x2ad: {  	v2 =	vld [tilespmem:$0x8D60];
	_ =	sdelay $0x4  }
0x2ae: {  	[tilespmem:v1+s30+$0x0] =	vst.idx.add.f32.msk $0xffff, v2  }
0x2af: {  	v1 =	vld [tilespmem:$0x8570];
	_ =	sdelay $0x2  }
0x2b0: {  	v2 =	vld [tilespmem:$0x8D70];
	_ =	sdelay $0x4  }
0x2b1: {  	[tilespmem:v1+s30+$0x0] =	vst.idx.add.f32.msk $0xffff, v2  }
0x2b2: {  	v1 =	vld [tilespmem:$0x8580];
	_ =	sdelay $0x2  }
0x2b3: {  	v2 =	vld [tilespmem:$0x8D80];
	_ =	sdelay $0x4  }
0x2b4: {  	[tilespmem:v1+s30+$0x0] =	vst.idx.add.f32.msk $0xffff, v2  }
0x2b5: {  	v1 =	vld [tilespmem:$0x8590];
	_ =	sdelay $0x2  }
0x2b6: {  	v2 =	vld [tilespmem:$0x8D90];
	_ =	sdelay $0x4  }
0x2b7: {  	[tilespmem:v1+s30+$0x0] =	vst.idx.add.f32.msk $0xffff, v2  }
0x2b8: {  	v1 =	vld [tilespmem:$0x85A0];
	_ =	sdelay $0x2  }
0x2b9: {  	v2 =	vld [tilespmem:$0x8DA0];
	_ =	sdelay $0x4  }
0x2ba: {  	[tilespmem:v1+s30+$0x0] =	vst.idx.add.f32.msk $0xffff, v2  }
0x2bb: {  	v1 =	vld [tilespmem:$0x85B0];
	_ =	sdelay $0x2  }
0x2bc: {  	v2 =	vld [tilespmem:$0x8DB0];
	_ =	sdelay $0x4  }
0x2bd: {  	[tilespmem:v1+s30+$0x0] =	vst.idx.add.f32.msk $0xffff, v2  }
0x2be: {  	v1 =	vld [tilespmem:$0x85C0];
	_ =	sdelay $0x2  }
0x2bf: {  	v2 =	vld [tilespmem:$0x8DC0];
	_ =	sdelay $0x4  }
0x2c0: {  	[tilespmem:v1+s30+$0x0] =	vst.idx.add.f32.msk $0xffff, v2  }
0x2c1: {  	v1 =	vld [tilespmem:$0x85D0];
	_ =	sdelay $0x2  }
0x2c2: {  	v2 =	vld [tilespmem:$0x8DD0];
	_ =	sdelay $0x4  }
0x2c3: {  	[tilespmem:v1+s30+$0x0] =	vst.idx.add.f32.msk $0xffff, v2  }
0x2c4: {  	v1 =	vld [tilespmem:$0x85E0];
	_ =	sdelay $0x2  }
0x2c5: {  	v2 =	vld [tilespmem:$0x8DE0];
	_ =	sdelay $0x4  }
0x2c6: {  	[tilespmem:v1+s30+$0x0] =	vst.idx.add.f32.msk $0xffff, v2  }
0x2c7: {  	v1 =	vld [tilespmem:$0x85F0];
	_ =	sdelay $0x2  }
0x2c8: {  	v2 =	vld [tilespmem:$0x8DF0];
	_ =	sdelay $0x4  }
0x2c9: {  	[tilespmem:v1+s30+$0x0] =	vst.idx.add.f32.msk $0xffff, v2  }
0x2ca: {  	v1 =	vld [tilespmem:$0x8600];
	_ =	sdelay $0x2  }
0x2cb: {  	v2 =	vld [tilespmem:$0x8E00];
	_ =	sdelay $0x4  }
0x2cc: {  	[tilespmem:v1+s30+$0x0] =	vst.idx.add.f32.msk $0xffff, v2  }
0x2cd: {  	v1 =	vld [tilespmem:$0x8610];
	_ =	sdelay $0x2  }
0x2ce: {  	v2 =	vld [tilespmem:$0x8E10];
	_ =	sdelay $0x4  }
0x2cf: {  	[tilespmem:v1+s30+$0x0] =	vst.idx.add.f32.msk $0xffff, v2  }
0x2d0: {  	v1 =	vld [tilespmem:$0x8620];
	_ =	sdelay $0x2  }
0x2d1: {  	v2 =	vld [tilespmem:$0x8E20];
	_ =	sdelay $0x4  }
0x2d2: {  	[tilespmem:v1+s30+$0x0] =	vst.idx.add.f32.msk $0xffff, v2  }
0x2d3: {  	v1 =	vld [tilespmem:$0x8630];
	_ =	sdelay $0x2  }
0x2d4: {  	v2 =	vld [tilespmem:$0x8E30];
	_ =	sdelay $0x4  }
0x2d5: {  	[tilespmem:v1+s30+$0x0] =	vst.idx.add.f32.msk $0xffff, v2  }
0x2d6: {  	v1 =	vld [tilespmem:$0x8640];
	_ =	sdelay $0x2  }
0x2d7: {  	v2 =	vld [tilespmem:$0x8E40];
	_ =	sdelay $0x4  }
0x2d8: {  	[tilespmem:v1+s30+$0x0] =	vst.idx.add.f32.msk $0xffff, v2  }
0x2d9: {  	v1 =	vld [tilespmem:$0x8650];
	_ =	sdelay $0x2  }
0x2da: {  	v2 =	vld [tilespmem:$0x8E50];
	_ =	sdelay $0x4  }
0x2db: {  	[tilespmem:v1+s30+$0x0] =	vst.idx.add.f32.msk $0xffff, v2  }
0x2dc: {  	v1 =	vld [tilespmem:$0x8660];
	_ =	sdelay $0x2  }
0x2dd: {  	v2 =	vld [tilespmem:$0x8E60];
	_ =	sdelay $0x4  }
0x2de: {  	[tilespmem:v1+s30+$0x0] =	vst.idx.add.f32.msk $0xffff, v2  }
0x2df: {  	v1 =	vld [tilespmem:$0x8670];
	_ =	sdelay $0x2  }
0x2e0: {  	v2 =	vld [tilespmem:$0x8E70];
	_ =	sdelay $0x4  }
0x2e1: {  	[tilespmem:v1+s30+$0x0] =	vst.idx.add.f32.msk $0xffff, v2  }
0x2e2: {  	v1 =	vld [tilespmem:$0x8680];
	_ =	sdelay $0x2  }
0x2e3: {  	v2 =	vld [tilespmem:$0x8E80];
	_ =	sdelay $0x4  }
0x2e4: {  	[tilespmem:v1+s30+$0x0] =	vst.idx.add.f32.msk $0xffff, v2  }
0x2e5: {  	v1 =	vld [tilespmem:$0x8690];
	_ =	sdelay $0x2  }
0x2e6: {  	v2 =	vld [tilespmem:$0x8E90];
	_ =	sdelay $0x4  }
0x2e7: {  	[tilespmem:v1+s30+$0x0] =	vst.idx.add.f32.msk $0xffff, v2  }
0x2e8: {  	v1 =	vld [tilespmem:$0x86A0];
	_ =	sdelay $0x2  }
0x2e9: {  	v2 =	vld [tilespmem:$0x8EA0];
	_ =	sdelay $0x4  }
0x2ea: {  	[tilespmem:v1+s30+$0x0] =	vst.idx.add.f32.msk $0xffff, v2  }
0x2eb: {  	v1 =	vld [tilespmem:$0x86B0];
	_ =	sdelay $0x2  }
0x2ec: {  	v2 =	vld [tilespmem:$0x8EB0];
	_ =	sdelay $0x4  }
0x2ed: {  	[tilespmem:v1+s30+$0x0] =	vst.idx.add.f32.msk $0xffff, v2  }
0x2ee: {  	v1 =	vld [tilespmem:$0x86C0];
	_ =	sdelay $0x2  }
0x2ef: {  	v2 =	vld [tilespmem:$0x8EC0];
	_ =	sdelay $0x4  }
0x2f0: {  	[tilespmem:v1+s30+$0x0] =	vst.idx.add.f32.msk $0xffff, v2  }
0x2f1: {  	v1 =	vld [tilespmem:$0x86D0];
	_ =	sdelay $0x2  }
0x2f2: {  	v2 =	vld [tilespmem:$0x8ED0];
	_ =	sdelay $0x4  }
0x2f3: {  	[tilespmem:v1+s30+$0x0] =	vst.idx.add.f32.msk $0xffff, v2  }
0x2f4: {  	v1 =	vld [tilespmem:$0x86E0];
	_ =	sdelay $0x2  }
0x2f5: {  	v2 =	vld [tilespmem:$0x8EE0];
	_ =	sdelay $0x4  }
0x2f6: {  	[tilespmem:v1+s30+$0x0] =	vst.idx.add.f32.msk $0xffff, v2  }
0x2f7: {  	v1 =	vld [tilespmem:$0x86F0];
	_ =	sdelay $0x2  }
0x2f8: {  	v2 =	vld [tilespmem:$0x8EF0];
	_ =	sdelay $0x4  }
0x2f9: {  	[tilespmem:v1+s30+$0x0] =	vst.idx.add.f32.msk $0xffff, v2  }
0x2fa: {  	v1 =	vld [tilespmem:$0x8700];
	_ =	sdelay $0x2  }
0x2fb: {  	v2 =	vld [tilespmem:$0x8F00];
	_ =	sdelay $0x4  }
0x2fc: {  	[tilespmem:v1+s30+$0x0] =	vst.idx.add.f32.msk $0xffff, v2  }
0x2fd: {  	v1 =	vld [tilespmem:$0x8710];
	_ =	sdelay $0x2  }
0x2fe: {  	v2 =	vld [tilespmem:$0x8F10];
	_ =	sdelay $0x4  }
0x2ff: {  	[tilespmem:v1+s30+$0x0] =	vst.idx.add.f32.msk $0xffff, v2  }
0x300: {  	v1 =	vld [tilespmem:$0x8720];
	_ =	sdelay $0x2  }
0x301: {  	v2 =	vld [tilespmem:$0x8F20];
	_ =	sdelay $0x4  }
0x302: {  	[tilespmem:v1+s30+$0x0] =	vst.idx.add.f32.msk $0xffff, v2  }
0x303: {  	v1 =	vld [tilespmem:$0x8730];
	_ =	sdelay $0x2  }
0x304: {  	v2 =	vld [tilespmem:$0x8F30];
	_ =	sdelay $0x4  }
0x305: {  	[tilespmem:v1+s30+$0x0] =	vst.idx.add.f32.msk $0xffff, v2  }
0x306: {  	v1 =	vld [tilespmem:$0x8740];
	_ =	sdelay $0x2  }
0x307: {  	v2 =	vld [tilespmem:$0x8F40];
	_ =	sdelay $0x4  }
0x308: {  	[tilespmem:v1+s30+$0x0] =	vst.idx.add.f32.msk $0xffff, v2  }
0x309: {  	v1 =	vld [tilespmem:$0x8750];
	_ =	sdelay $0x2  }
0x30a: {  	v2 =	vld [tilespmem:$0x8F50];
	_ =	sdelay $0x4  }
0x30b: {  	[tilespmem:v1+s30+$0x0] =	vst.idx.add.f32.msk $0xffff, v2  }
0x30c: {  	v1 =	vld [tilespmem:$0x8760];
	_ =	sdelay $0x2  }
0x30d: {  	v2 =	vld [tilespmem:$0x8F60];
	_ =	sdelay $0x4  }
0x30e: {  	[tilespmem:v1+s30+$0x0] =	vst.idx.add.f32.msk $0xffff, v2  }
0x30f: {  	v1 =	vld [tilespmem:$0x8770];
	_ =	sdelay $0x2  }
0x310: {  	v2 =	vld [tilespmem:$0x8F70];
	_ =	sdelay $0x4  }
0x311: {  	[tilespmem:v1+s30+$0x0] =	vst.idx.add.f32.msk $0xffff, v2  }
0x312: {  	v1 =	vld [tilespmem:$0x8780];
	_ =	sdelay $0x2  }
0x313: {  	v2 =	vld [tilespmem:$0x8F80];
	_ =	sdelay $0x4  }
0x314: {  	[tilespmem:v1+s30+$0x0] =	vst.idx.add.f32.msk $0xffff, v2  }
0x315: {  	v1 =	vld [tilespmem:$0x8790];
	_ =	sdelay $0x2  }
0x316: {  	v2 =	vld [tilespmem:$0x8F90];
	_ =	sdelay $0x4  }
0x317: {  	[tilespmem:v1+s30+$0x0] =	vst.idx.add.f32.msk $0xffff, v2  }
0x318: {  	v1 =	vld [tilespmem:$0x87A0];
	_ =	sdelay $0x2  }
0x319: {  	v2 =	vld [tilespmem:$0x8FA0];
	_ =	sdelay $0x4  }
0x31a: {  	[tilespmem:v1+s30+$0x0] =	vst.idx.add.f32.msk $0xffff, v2  }
0x31b: {  	v1 =	vld [tilespmem:$0x87B0];
	_ =	sdelay $0x2  }
0x31c: {  	v2 =	vld [tilespmem:$0x8FB0];
	_ =	sdelay $0x4  }
0x31d: {  	[tilespmem:v1+s30+$0x0] =	vst.idx.add.f32.msk $0xffff, v2  }
0x31e: {  	v1 =	vld [tilespmem:$0x87C0];
	_ =	sdelay $0x2  }
0x31f: {  	v2 =	vld [tilespmem:$0x8FC0];
	_ =	sdelay $0x4  }
0x320: {  	[tilespmem:v1+s30+$0x0] =	vst.idx.add.f32.msk $0xffff, v2  }
0x321: {  	v1 =	vld [tilespmem:$0x87D0];
	_ =	sdelay $0x2  }
0x322: {  	v2 =	vld [tilespmem:$0x8FD0];
	_ =	sdelay $0x4  }
0x323: {  	[tilespmem:v1+s30+$0x0] =	vst.idx.add.f32.msk $0xffff, v2  }
0x324: {  	v1 =	vld [tilespmem:$0x87E0];
	_ =	sdelay $0x2  }
0x325: {  	v2 =	vld [tilespmem:$0x8FE0];
	_ =	sdelay $0x4  }
0x326: {  	[tilespmem:v1+s30+$0x0] =	vst.idx.add.f32.msk $0xffff, v2  }
0x327: {  	v1 =	vld [tilespmem:$0x87F0];
	_ =	sdelay $0x2  }
0x328: {  	v2 =	vld [tilespmem:$0x8FF0];
	_ =	sdelay $0x4  }
0x329: {  	[tilespmem:v1+s30+$0x0] =	vst.idx.add.f32.msk $0xffff, v2  }
0x32a: {  	v1 =	vld [tilespmem:$0x8800];
	_ =	sdelay $0x2  }
0x32b: {  	v2 =	vld [tilespmem:$0x9000];
	_ =	sdelay $0x4  }
0x32c: {  	[tilespmem:v1+s30+$0x0] =	vst.idx.add.f32.msk $0xffff, v2  }
0x32d: {  	v1 =	vld [tilespmem:$0x8810];
	_ =	sdelay $0x2  }
0x32e: {  	v2 =	vld [tilespmem:$0x9010];
	_ =	sdelay $0x4  }
0x32f: {  	[tilespmem:v1+s30+$0x0] =	vst.idx.add.f32.msk $0xffff, v2  }
0x330: {  	v1 =	vld [tilespmem:$0x8820];
	_ =	sdelay $0x2  }
0x331: {  	v2 =	vld [tilespmem:$0x9020];
	_ =	sdelay $0x4  }
0x332: {  	[tilespmem:v1+s30+$0x0] =	vst.idx.add.f32.msk $0xffff, v2  }
0x333: {  	v1 =	vld [tilespmem:$0x8830];
	_ =	sdelay $0x2  }
0x334: {  	v2 =	vld [tilespmem:$0x9030];
	_ =	sdelay $0x4  }
0x335: {  	[tilespmem:v1+s30+$0x0] =	vst.idx.add.f32.msk $0xffff, v2  }
0x336: {  	v1 =	vld [tilespmem:$0x8840];
	_ =	sdelay $0x2  }
0x337: {  	v2 =	vld [tilespmem:$0x9040];
	_ =	sdelay $0x4  }
0x338: {  	[tilespmem:v1+s30+$0x0] =	vst.idx.add.f32.msk $0xffff, v2  }
0x339: {  	v1 =	vld [tilespmem:$0x8850];
	_ =	sdelay $0x2  }
0x33a: {  	v2 =	vld [tilespmem:$0x9050];
	_ =	sdelay $0x4  }
0x33b: {  	[tilespmem:v1+s30+$0x0] =	vst.idx.add.f32.msk $0xffff, v2  }
0x33c: {  	v1 =	vld [tilespmem:$0x8860];
	_ =	sdelay $0x2  }
0x33d: {  	v2 =	vld [tilespmem:$0x9060];
	_ =	sdelay $0x4  }
0x33e: {  	[tilespmem:v1+s30+$0x0] =	vst.idx.add.f32.msk $0xffff, v2  }
0x33f: {  	v1 =	vld [tilespmem:$0x8870];
	_ =	sdelay $0x2  }
0x340: {  	v2 =	vld [tilespmem:$0x9070];
	_ =	sdelay $0x4  }
0x341: {  	[tilespmem:v1+s30+$0x0] =	vst.idx.add.f32.msk $0xffff, v2  }
0x342: {  	v1 =	vld [tilespmem:$0x8880];
	_ =	sdelay $0x2  }
0x343: {  	v2 =	vld [tilespmem:$0x9080];
	_ =	sdelay $0x4  }
0x344: {  	[tilespmem:v1+s30+$0x0] =	vst.idx.add.f32.msk $0xffff, v2  }
0x345: {  	v1 =	vld [tilespmem:$0x8890];
	_ =	sdelay $0x2  }
0x346: {  	v2 =	vld [tilespmem:$0x9090];
	_ =	sdelay $0x4  }
0x347: {  	[tilespmem:v1+s30+$0x0] =	vst.idx.add.f32.msk $0xffff, v2  }
0x348: {  	v1 =	vld [tilespmem:$0x88A0];
	_ =	sdelay $0x2  }
0x349: {  	v2 =	vld [tilespmem:$0x90A0];
	_ =	sdelay $0x4  }
0x34a: {  	[tilespmem:v1+s30+$0x0] =	vst.idx.add.f32.msk $0xffff, v2  }
0x34b: {  	v1 =	vld [tilespmem:$0x88B0];
	_ =	sdelay $0x2  }
0x34c: {  	v2 =	vld [tilespmem:$0x90B0];
	_ =	sdelay $0x4  }
0x34d: {  	[tilespmem:v1+s30+$0x0] =	vst.idx.add.f32.msk $0xffff, v2  }
0x34e: {  	v1 =	vld [tilespmem:$0x88C0];
	_ =	sdelay $0x2  }
0x34f: {  	v2 =	vld [tilespmem:$0x90C0];
	_ =	sdelay $0x4  }
0x350: {  	[tilespmem:v1+s30+$0x0] =	vst.idx.add.f32.msk $0xffff, v2  }
0x351: {  	v1 =	vld [tilespmem:$0x88D0];
	_ =	sdelay $0x2  }
0x352: {  	v2 =	vld [tilespmem:$0x90D0];
	_ =	sdelay $0x4  }
0x353: {  	[tilespmem:v1+s30+$0x0] =	vst.idx.add.f32.msk $0xffff, v2  }
0x354: {  	v1 =	vld [tilespmem:$0x88E0];
	_ =	sdelay $0x2  }
0x355: {  	v2 =	vld [tilespmem:$0x90E0];
	_ =	sdelay $0x4  }
0x356: {  	[tilespmem:v1+s30+$0x0] =	vst.idx.add.f32.msk $0xffff, v2  }
0x357: {  	v1 =	vld [tilespmem:$0x88F0];
	_ =	sdelay $0x2  }
0x358: {  	v2 =	vld [tilespmem:$0x90F0];
	_ =	sdelay $0x4  }
0x359: {  	[tilespmem:v1+s30+$0x0] =	vst.idx.add.f32.msk $0xffff, v2  }
0x35a: {  	v1 =	vld [tilespmem:$0x8900];
	_ =	sdelay $0x2  }
0x35b: {  	v2 =	vld [tilespmem:$0x9100];
	_ =	sdelay $0x4  }
0x35c: {  	[tilespmem:v1+s30+$0x0] =	vst.idx.add.f32.msk $0xffff, v2  }
0x35d: {  	v1 =	vld [tilespmem:$0x8910];
	_ =	sdelay $0x2  }
0x35e: {  	v2 =	vld [tilespmem:$0x9110];
	_ =	sdelay $0x4  }
0x35f: {  	[tilespmem:v1+s30+$0x0] =	vst.idx.add.f32.msk $0xffff, v2  }
0x360: {  	v1 =	vld [tilespmem:$0x8920];
	_ =	sdelay $0x2  }
0x361: {  	v2 =	vld [tilespmem:$0x9120];
	_ =	sdelay $0x4  }
0x362: {  	[tilespmem:v1+s30+$0x0] =	vst.idx.add.f32.msk $0xffff, v2  }
0x363: {  	v1 =	vld [tilespmem:$0x8930];
	_ =	sdelay $0x2  }
0x364: {  	v2 =	vld [tilespmem:$0x9130];
	_ =	sdelay $0x4  }
0x365: {  	[tilespmem:v1+s30+$0x0] =	vst.idx.add.f32.msk $0xffff, v2  }
0x366: {  	v1 =	vld [tilespmem:$0x8940];
	_ =	sdelay $0x2  }
0x367: {  	v2 =	vld [tilespmem:$0x9140];
	_ =	sdelay $0x4  }
0x368: {  	[tilespmem:v1+s30+$0x0] =	vst.idx.add.f32.msk $0xffff, v2  }
0x369: {  	v1 =	vld [tilespmem:$0x8950];
	_ =	sdelay $0x2  }
0x36a: {  	v2 =	vld [tilespmem:$0x9150];
	_ =	sdelay $0x4  }
0x36b: {  	[tilespmem:v1+s30+$0x0] =	vst.idx.add.f32.msk $0xffff, v2  }
0x36c: {  	v1 =	vld [tilespmem:$0x8960];
	_ =	sdelay $0x2  }
0x36d: {  	v2 =	vld [tilespmem:$0x9160];
	_ =	sdelay $0x4  }
0x36e: {  	[tilespmem:v1+s30+$0x0] =	vst.idx.add.f32.msk $0xffff, v2  }
0x36f: {  	v1 =	vld [tilespmem:$0x8970];
	_ =	sdelay $0x2  }
0x370: {  	v2 =	vld [tilespmem:$0x9170];
	_ =	sdelay $0x4  }
0x371: {  	[tilespmem:v1+s30+$0x0] =	vst.idx.add.f32.msk $0xffff, v2  }
0x372: {  	_ =	swait.ge [sflag:s0], $0x4000  }
0x373: {  	s19 =	rddreg [dreg:$0x7];
	[sflag:s0] =	ssyncset.done $0x0  }
0x374: {  	[sflag:s0] =	ssyncadd.s32 $0xFFFFC000;
	s17 =	sadd.s32 s12, s19  }
0x375: {  	[tilespmem:s2], [sflag:$0x3] =	stream.linear.gather [hbm4b:s17+s4], $0x80, $0x38;
	[tilespmem:$0x1F980] =	vst v63  }
0x376: {  	_ =	swait.ge [sflag:s24], $0x80  }
0x377: {  	[sflag:s24] =	ssyncset.done $0x0  }
0x378: {  	s18 =	rddreg [dreg:$0x9];
	[sflag:s24] =	ssyncadd.s32 $0xFFFFFF80  }
0x379: {  	[spmem:s3] =	stream.indirect.scatter.add.f32 [tilespmem:s18], [sflag:$0x3], $0x80, s2, s25, $0xb8;
	[tilespmem:$0x1F980] =	vst v63  }
0x37a: {  	_ =	swait.ge [sflag:s24], $0x4000  }
0x37b: {  	s12 =	sadd.s32 $0x20, s12;
	s19 =	rddreg [dreg:$0x5]  }
0x37c: {  	p0 =	sne.s32 s19, s12  }
.Ltmp1:
0x37d: {  	_ = 	snop;
	(pc) =	sbr.rel @p0 .LBB2_4-.Ltmp1, $3  }
0x37e: {  	_ =	sdelay $0x1  }
0x37f: {  	s13 =	sadd.s32 $0x2, s13;
	s21 =	sadd.s32 $0x1000, s21;
	[sflag:s24] =	ssyncset.done $0x0  }
0x380: {  	s20 =	sadd.s32 $0x200, s20;
	s22 =	sadd.s32 $0x1000, s22;
	[sflag:s24] =	ssyncadd.s32 $0xFFFFC000  }
0x381: {  	[bflag:$0x0] =	sbarrier.arrive $0xFFFF  }
0x382: {  	[tilespmem:s23], [sflag:$0x3] =	stream.linear.gather [spmem:s7], $0x4000, $0x38;
	[tilespmem:$0x1F980] =	vst v63  }
0x383: {  	_ =	swait.ge [sflag:s24], $0x4000  }
0x384: {  	[sflag:s24] =	ssyncset.done $0x0  }
0x385: {  	s12 =	rddreg [dreg:$0xc];
	[sflag:s24] =	ssyncadd.s32 $0xFFFFC000  }
0x386: {  	[hbm4b:s12+s4] =	stream.linear.scatter [tilespmem:s23], [sflag:$0x3], $0x4000, $0x38;
	[tilespmem:$0x1F980] =	vst v63  }
0x387: {  	_ =	swait.ge [sflag:s24], $0x4000  }
0x388: {  	[sflag:s24] =	ssyncset.done $0x0  }
0x389: {  	[sflag:s24] =	ssyncadd.s32 $0xFFFFC000  }
0x38a: {  	[tilespmem:s23], [sflag:$0x3] =	stream.linear.gather [spmem:s8], $0x4000, $0x38;
	[tilespmem:$0x1F980] =	vst v63  }
0x38b: {  	_ =	swait.ge [sflag:s24], $0x4000  }
0x38c: {  	[sflag:s24] =	ssyncset.done $0x0  }
0x38d: {  	s17 =	rddreg [dreg:$0xd];
	[sflag:s24] =	ssyncadd.s32 $0xFFFFC000  }
0x38e: {  	[hbm4b:s17+s4] =	stream.linear.scatter [tilespmem:s23], [sflag:$0x3], $0x4000, $0x38;
	[tilespmem:$0x1F980] =	vst v63  }
0x38f: {  	_ =	swait.ge [sflag:s24], $0x4000  }
0x390: {  	[sflag:s24] =	ssyncset.done $0x0  }
0x391: {  	[sflag:s24] =	ssyncadd.s32 $0xFFFFC000  }
0x392: {  	[tilespmem:s23], [sflag:$0x3] =	stream.linear.gather [spmem:s9], $0x4000, $0x38;
	[tilespmem:$0x1F980] =	vst v63  }
0x393: {  	_ =	swait.ge [sflag:s24], $0x4000  }
0x394: {  	[sflag:s24] =	ssyncset.done $0x0  }
0x395: {  	s18 =	rddreg [dreg:$0xe];
	[sflag:s24] =	ssyncadd.s32 $0xFFFFC000  }
0x396: {  	[hbm4b:s18+s4] =	stream.linear.scatter [tilespmem:s23], [sflag:$0x3], $0x4000, $0x38;
	[tilespmem:$0x1F980] =	vst v63  }
0x397: {  	_ =	swait.ge [sflag:s24], $0x4000  }
0x398: {  	[sflag:s24] =	ssyncset.done $0x0  }
0x399: {  	[sflag:s24] =	ssyncadd.s32 $0xFFFFC000  }
0x39a: {  	[tilespmem:s23], [sflag:$0x3] =	stream.linear.gather [spmem:s10], $0x4000, $0x38;
	[tilespmem:$0x1F980] =	vst v63  }
0x39b: {  	_ =	swait.ge [sflag:s24], $0x4000  }
0x39c: {  	[sflag:s24] =	ssyncset.done $0x0  }
0x39d: {  	s19 =	rddreg [dreg:$0xf];
	[sflag:s24] =	ssyncadd.s32 $0xFFFFC000  }
0x39e: {  	[hbm4b:s19+s4] =	stream.linear.scatter [tilespmem:s23], [sflag:$0x3], $0x4000, $0x38;
	[tilespmem:$0x1F980] =	vst v63  }
0x39f: {  	_ =	swait.ge [sflag:s24], $0x4000  }
0x3a0: {  	[sflag:s24] =	ssyncset.done $0x0  }
0x3a1: {  	[sflag:s24] =	ssyncadd.s32 $0xFFFFC000  }
0x3a2: {  	[tilespmem:s23], [sflag:$0x3] =	stream.linear.gather [spmem:s11], $0x4000, $0x38;
	[tilespmem:$0x1F980] =	vst v63  }
0x3a3: {  	_ =	swait.ge [sflag:s24], $0x4000  }
0x3a4: {  	[sflag:s24] =	ssyncset.done $0x0  }
0x3a5: {  	s20 =	rddreg [dreg:$0x10];
	[sflag:s24] =	ssyncadd.s32 $0xFFFFC000  }
0x3a6: {  	[hbm4b:s20+s4] =	stream.linear.scatter [tilespmem:s23], [sflag:$0x3], $0x4000, $0x38;
	[tilespmem:$0x1F980] =	vst v63  }
0x3a7: {  	_ =	swait.ge [sflag:s24], $0x4000  }
0x3a8: {  	[sflag:s24] =	ssyncset.done $0x0  }
0x3a9: {  	s21 =	rddreg [dreg:$0x11];
	[sflag:s24] =	ssyncadd.s32 $0xFFFFC000  }
0x3aa: {  	[hbm4b:s21+s4] =	stream.linear.scatter [tilespmem:s30], [sflag:$0x3], $0x2800, $0x38;
	[tilespmem:$0x1F980] =	vst v63  }
0x3ab: {  	_ =	swait.ge [sflag:s24], $0x2800  }
0x3ac: {  	s5 =	sadd.s32 $0x1, s5;
	s22 =	rddreg [dreg:$0x12]  }
0x3ad: {  	p0 =	sne.s32 s5, s22  }
.Ltmp2:
0x3ae: {  	_ = 	snop;
	(pc) =	sbr.rel @p0 .LBB2_1-.Ltmp2, $3  }
0x3af: {  	_ =	sdelay $0x1  }
0x3b0: {  	[sflag:s24] =	ssyncset.done $0x0  }
0x3b1: {  	[sflag:s24] =	ssyncadd.s32 $0xFFFFD800  }
0x3b2: {  	_ =	sfence.sel $0x180000  }
0x3b3: {  	[bflag:$0x0] =	sbarrier.arrive $0xFFFF  }
0x3b4: {  	_ =	strace $0x90000047  }
0x3b5: {  	s0 =	stileid.u32;
	[bflag:$0x2] =	sbarrier.arrive $0xFFFF  }
0x3b6: {  	p0 =	sne.s32 s0, $0x0;
	s0 =	rddreg [dreg:$0x3]  }
0x3b7: {  	s0 =	sadd.s32 @!p0 $0x100000, s0  }
0x3b8: {  	[sflag:s0] =	ssyncadd.tile.s32 @!p0 $0x1;
	_ =	shalt  }
.Lfunc_end2:
_tile_overlayer_lowered:
.L_overlay_start_2:
0x3b9: {  	(tag) =	ssettag $0x2  }
0x3ba: {  	s0 =	rddreg [dreg:$0x0];
	s2 =	stileid.u32  }
0x3bb: {  	s1 =	rddreg [dreg:$0x1];
	p0 =	sne.s32 s2, $0x0  }
0x3bc: {  	s3 =	rddreg [dreg:$0x2];
	[bflag:$0x3] =	sbarrier.arrive $0xFFFF;
	s2 =	simm.s32 @!p0 $0x1C03  }
0x3bd: {  	[timem:s3], [sflag:s2] =	dma.local @!p0 [hbm:s0], s1  }
0x3be: {  	s0 =	simm.s32 @!p0 $0x3  }
0x3bf: {  	_ =	swait.ge @!p0 [sflag:s0], s1  }
0x3c0: {  	s1 =	ssub.s32 @!p0 $0x0, s1;
	[sflag:s0] =	ssyncset.done @!p0 $0x0  }
0x3c1: {  	[sflag:s0] =	ssyncadd.s32 @!p0 s1  }
0x3c2: {  	[bflag:$0x3] =	sbarrier.arrive $0xFFFF  }
0x3c3: {  	_ =	shalt  }

</sc_bundles>
